<compile_context>
chip_gen: v7x
topology: tpu7x:2x2x1
jax: 0.10.2.dev20260603
libtpu: 0.0.44.dev20260713+nightly
codegen_flags: <defaults>
</compile_context>

<pallas_src>
import functools

import jax
import jax.numpy as jnp
from jax import lax
from jax.experimental import pallas as pl
from jax.experimental.pallas import tpu as pltpu
from jax.experimental.pallas import tpu_sc as plsc

N = 10000
E = 320000
HID = 128
NC = 2
NS = 16
LANES = 16
NW = NC * NS
EW = E // NW
ET = E // NS
CH = 80
EPH = ET // 2
NCHUNK = EPH // CH
GRP = 2
NGRPH = 62
NITER = NGRPH // 2
PIECE = 2000
RPP = PIECE // CH
NPIECE = EPH // PIECE
REG = 5000
AGG_ROWS = 5120
STRIPE = AGG_ROWS // NS
DUMMY_MASK = 63
TBL_ROWS = 20480

_mesh = plsc.VectorSubcoreMesh(core_axis_name="c", subcore_axis_name="s")



@functools.partial(
    pl.kernel,
    out_type=jax.ShapeDtypeStruct((NW, 2 * AGG_ROWS), jnp.float32),
    mesh=_mesh,
    compiler_params=pltpu.CompilerParams(needs_layout_passes=False),
    scratch_types=[
        pltpu.VMEM((EW,), jnp.int32),
        pltpu.VMEM((2 * AGG_ROWS,), jnp.float32),
    ],
)
def _deg_kernel(packed_hbm, out_hbm, pk_v, deg_v):
    cid = lax.axis_index("c")
    sid = lax.axis_index("s")
    wid = sid * NC + cid
    pltpu.sync_copy(packed_hbm.at[pl.ds(wid * EW, EW)], pk_v)

    zeros = jnp.zeros((LANES,), jnp.float32)

    def zero_body(i, carry):
        deg_v[pl.ds(i * LANES, LANES)] = zeros
        return carry

    lax.fori_loop(0, 2 * AGG_ROWS // LANES, zero_body, 0)

    ones = jnp.ones((LANES,), jnp.float32)

    def acc_body(i, carry):
        idx = lax.shift_right_logical(pk_v[pl.ds(i * LANES, LANES)], 16)
        plsc.addupdate_scatter(deg_v, [idx], ones)
        return carry

    lax.fori_loop(0, EW // LANES, acc_body, 0)
    pltpu.sync_copy(deg_v, out_hbm.at[wid])



@functools.partial(
    pl.kernel,
    out_type=jax.ShapeDtypeStruct((NC, AGG_ROWS, HID), jnp.float32),
    mesh=_mesh,
    compiler_params=pltpu.CompilerParams(needs_layout_passes=False),
    scratch_types=[
        pltpu.VMEM((NCHUNK, CH), jnp.int32),
        pltpu.VMEM((NCHUNK, CH), jnp.int32),
        pltpu.VMEM((PIECE,), jnp.int32),
        pltpu.VMEM((2 * GRP, CH, HID), jnp.float32),
        pltpu.VMEM_SHARED((AGG_ROWS, HID), jnp.float32),
        pltpu.SemaphoreType.DMA,
        pltpu.SemaphoreType.DMA,
    ],
)
def _edge_kernel(table_hbm, packed_hbm, out_hbm,
                 src_v, dst_v, flat_v, bufs, agg_s, gsem, ssem):
    cid = lax.axis_index("c")
    sid = lax.axis_index("s")
    base = cid * REG

    zv = jnp.zeros((LANES,), jnp.float32)

    def zb_body(i, carry):
        bufs[0, i // (HID // LANES),
             pl.ds((i % (HID // LANES)) * LANES, LANES)] = zv
        return carry

    lax.fori_loop(0, CH * HID // LANES, zb_body, 0)
    for k in range(STRIPE // CH):
        pltpu.sync_copy(bufs.at[0], agg_s.at[pl.ds(sid * STRIPE + k * CH, CH)])
    plsc.subcore_barrier()

    def g_start(c, sb):
        for b in range(GRP):
            pltpu.make_async_copy(
                table_hbm.at[src_v.at[c * GRP + b]], bufs.at[sb + b], gsem
            ).start()

    def g_wait(c, sb):
        for b in range(GRP):
            pltpu.make_async_copy(
                table_hbm.at[src_v.at[c * GRP + b]], bufs.at[sb + b], gsem
            ).wait()

    def s_start(c, sb):
        for b in range(GRP):
            pltpu.make_async_copy(
                bufs.at[sb + b], agg_s.at[dst_v.at[c * GRP + b]], ssem
            ).start(add=True)

    def s_wait(c, sb):
        for b in range(GRP):
            pltpu.make_async_copy(
                bufs.at[sb + b], agg_s.at[dst_v.at[c * GRP + b]], ssem
            ).wait()

    for ph in range(2):
        def piece_body(p, carry, _ph=ph):
            pltpu.sync_copy(
                packed_hbm.at[pl.ds(sid * ET + _ph * EPH + p * PIECE, PIECE)],
                flat_v)

            def rp_body(j, carry2):
                for v in range(CH // LANES):
                    pk = flat_v[pl.ds(j * CH + v * LANES, LANES)]
                    d = lax.shift_right_logical(pk, 16)
                    local = d - base
                    valid = (local >= 0) & (local < REG)
                    src_v[p * RPP + j, pl.ds(v * LANES, LANES)] = pk & 0xFFFF
                    dst_v[p * RPP + j, pl.ds(v * LANES, LANES)] = jnp.where(
                        valid, local, REG + (d & DUMMY_MASK))
                return carry2

            lax.fori_loop(0, RPP, rp_body, 0)
            return carry

        lax.fori_loop(0, NPIECE, piece_body, 0)

        g_start(0, 0)

        def iter_body(k, carry):
            e = 2 * k
            g_wait(e, 0)
            g_start(e + 1, GRP)
            s_start(e, 0)
            s_wait(e, 0)
            g_wait(e + 1, GRP)

            @pl.when(k < NITER - 1)
            def _():
                g_start(e + 2, 0)

            s_start(e + 1, GRP)
            s_wait(e + 1, GRP)
            return carry

        lax.fori_loop(0, NITER, iter_body, 0)

        pltpu.make_async_copy(
            table_hbm.at[src_v.at[NCHUNK - 1]], bufs.at[0], gsem).start()
        pltpu.make_async_copy(
            table_hbm.at[src_v.at[NCHUNK - 1]], bufs.at[0], gsem).wait()
        pltpu.make_async_copy(
            bufs.at[0], agg_s.at[dst_v.at[NCHUNK - 1]], ssem).start(add=True)
        pltpu.make_async_copy(
            bufs.at[0], agg_s.at[dst_v.at[NCHUNK - 1]], ssem).wait()

    plsc.subcore_barrier()

    for k in range(STRIPE // CH):
        pltpu.sync_copy(agg_s.at[pl.ds(sid * STRIPE + k * CH, CH)], bufs.at[0])
        pltpu.sync_copy(bufs.at[0],
                        out_hbm.at[cid, pl.ds(sid * STRIPE + k * CH, CH)])



_BLK = 1000
_NBLK = N // _BLK


def _tc_pack_body(ei_ref, pk_ref):
    pk_ref[...] = jnp.bitwise_or(lax.shift_left(ei_ref[1], 16), ei_ref[0])


def _tc_pack(edge_index):
    return pl.pallas_call(
        _tc_pack_body,
        grid=(1,),
        in_specs=[pl.BlockSpec((2, E), lambda j: (0, 0))],
        out_specs=pl.BlockSpec((E,), lambda j: (0,)),
        out_shape=jax.ShapeDtypeStruct((E,), jnp.int32),
    )(edge_index)


def _tc_r_body(deg_ref, r_ref):
    ones = jnp.ones((NW, 1), jnp.float32)
    deg = lax.dot_general(
        deg_ref[...], ones, (((0,), (0,)), ((), ())),
        preferred_element_type=jnp.float32,
        precision=lax.Precision.HIGHEST,
    )
    r_ref[...] = lax.rsqrt(jnp.maximum(deg, 1.0))


def _tc_first_body(r_ref, x_ref, w_ref, t_ref):
    t_ref[...] = jnp.dot(x_ref[...], w_ref[...],
                         preferred_element_type=jnp.float32) * r_ref[...]


def _tc_mid_body(a_ref, r_ref, b_ref, w_ref, t_ref):
    r = r_ref[...]
    h = jnp.maximum(a_ref[0] * r + b_ref[...], 0.0)
    t_ref[...] = jnp.dot(h, w_ref[...], preferred_element_type=jnp.float32) * r


def _tc_last_body(a_ref, r_ref, b_ref, wc_ref, bc_ref, out_ref):
    r = r_ref[...]
    h = jnp.maximum(a_ref[0] * r + b_ref[...], 0.0)
    nrm = jnp.sqrt(jnp.sum(h * h, axis=1, keepdims=True))
    h = h / jnp.maximum(nrm, 1e-12)
    out_ref[...] = jnp.dot(h, wc_ref[...],
                           preferred_element_type=jnp.float32) + bc_ref[...]


def _row_spec(width):
    return pl.BlockSpec((_BLK, width), lambda i: (i, 0))


def _agg_spec():
    return pl.BlockSpec((1, _BLK, HID), lambda i: (i // 5, i % 5, 0))


def _full_spec(shape):
    nd = len(shape)
    return pl.BlockSpec(shape, lambda i: (0,) * nd)


def _tc_r(deg_p):
    return pl.pallas_call(
        _tc_r_body,
        grid=(1,),
        in_specs=[pl.BlockSpec((NW, 2 * AGG_ROWS), lambda i: (0, 0))],
        out_specs=pl.BlockSpec((2 * AGG_ROWS, 1), lambda i: (0, 0)),
        out_shape=jax.ShapeDtypeStruct((2 * AGG_ROWS, 1), jnp.float32),
    )(deg_p)


def _tc_first(r, x, W1):
    return pl.pallas_call(
        _tc_first_body,
        grid=(_NBLK,),
        in_specs=[_row_spec(1), _row_spec(HID), _full_spec((HID, HID))],
        out_specs=_row_spec(HID),
        out_shape=jax.ShapeDtypeStruct((TBL_ROWS, HID), jnp.float32),
    )(r, x, W1)


def _tc_mid(agg, r, b, W):
    return pl.pallas_call(
        _tc_mid_body,
        grid=(_NBLK,),
        in_specs=[
            _agg_spec(), _row_spec(1),
            _full_spec((HID,)), _full_spec((HID, HID)),
        ],
        out_specs=_row_spec(HID),
        out_shape=jax.ShapeDtypeStruct((TBL_ROWS, HID), jnp.float32),
    )(agg, r, b, W)


def _tc_last(agg, r, b, Wc, bc):
    dout = Wc.shape[1]
    return pl.pallas_call(
        _tc_last_body,
        grid=(_NBLK,),
        in_specs=[
            _agg_spec(), _row_spec(1),
            _full_spec((HID,)), _full_spec((HID, dout)), _full_spec((dout,)),
        ],
        out_specs=_row_spec(dout),
        out_shape=jax.ShapeDtypeStruct((N, dout), jnp.float32),
    )(agg, r, b, Wc, bc)


def kernel(x, edge_index, W1, b1, W2, b2, Wc, bc):
    packed = _tc_pack(edge_index.astype(jnp.int32))
    deg_p = _deg_kernel(packed)
    r = _tc_r(deg_p)
    t1 = _tc_first(r, x, W1)
    agg1 = _edge_kernel(t1, packed)
    t2 = _tc_mid(agg1, r, b1, W2)
    agg2 = _edge_kernel(t2, packed)
    return _tc_last(agg2, r, b2, Wc, bc)

# --- scband reference (transcript-rebuilt; emitter-appended) ---
"""Pipeline reference for scband-net-36386962932143 (READ-ONLY COPY).

The authoritative reference and input builder live on the scoring server;
editing this copy changes nothing except your own understanding.
"""

import jax, jax.numpy as jnp
import numpy as np

N = 10000
E = 320000
DIM_IN = 128
HIDDEN = 128
DIM_OUT = 64


def _xavier(key, shape):
    fan_in, fan_out = shape[0], shape[1]
    limit = float(np.sqrt(6.0 / (fan_in + fan_out)))
    return jax.random.uniform(key, shape, jnp.float32, -limit, limit)


def setup_inputs(seed: int = 0) -> dict:
    key = jax.random.key(seed)
    ks = jax.random.split(key, 8)
    x = jax.random.normal(ks[0], (N, DIM_IN), dtype=jnp.float32)
    edge_index = jax.random.randint(ks[1], (2, E), 0, N)
    W1 = _xavier(ks[2], (DIM_IN, HIDDEN))
    b1 = jnp.zeros((HIDDEN,), jnp.float32)
    W2 = _xavier(ks[3], (HIDDEN, HIDDEN))
    b2 = jnp.zeros((HIDDEN,), jnp.float32)
    Wc = _xavier(ks[4], (HIDDEN, DIM_OUT))
    bc = jnp.zeros((DIM_OUT,), jnp.float32)
    return {"x": x, "edge_index": edge_index, "W1": W1, "b1": b1, "W2": W2, "b2": b2, "Wc": Wc, "bc": bc}


def reference(x, edge_index, W1, b1, W2, b2, Wc, bc):
    n = x.shape[0]
    src = edge_index[0]
    dst = edge_index[1]
    # mp_matrix: symmetric GCN normalization 1/sqrt(deg_src * deg_dst)
    deg = jnp.zeros((n,), x.dtype).at[dst].add(1.0)
    deg = jnp.maximum(deg, 1.0)
    w = jax.lax.rsqrt(deg[src] * deg[dst])

    def gcn_layer(h, W, b):
        hW = h @ W
        msg = jnp.take(hW, src, axis=0) * w[:, None]
        agg = jnp.zeros((n, hW.shape[1]), hW.dtype).at[dst].add(msg)
        return jax.nn.relu(agg + b)

    h = gcn_layer(x, W1, b1)
    h = gcn_layer(h, W2, b2)
    # F.normalize(p=2, dim=1) with eps=1e-12
    nrm = jnp.maximum(jnp.linalg.norm(h, axis=1, keepdims=True), 1e-12)
    h = h / nrm
    return h @ Wc + bc

if __name__ == "__main__":
    import jax
    _d = setup_inputs()
    print(jax.jit(kernel)(*tuple(_d.values())))

</pallas_src>

<mosaic_0001>
#map = affine_map<(d0, d1) -> (0)>
#map1 = affine_map<(d0, d1) -> (0, 0)>
module attributes {stable_mosaic.version = 14 : i64} {
  func.func @_deg_kernel(%arg0: i32, %arg1: i32, %arg2: memref<320000xi32, #tpu.memory_space<hbm>>, %arg3: memref<32x10240xf32, #tpu.memory_space<hbm>>, %arg4: memref<10000xi32, #tpu.memory_space<vmem>>, %arg5: memref<10240xf32, #tpu.memory_space<vmem>>) attributes {dimension_semantics = [#tpu.dimension_semantics<core_parallel>, #tpu.dimension_semantics<subcore_parallel>], iteration_bounds = array<i64: 2, 16>, scalar_prefetch = 0 : i64, scratch_operands = 2 : i64, tpu.core_type = #tpu.core_type<sc_vector_subcore>, window_params = [{transform_indices = #map}, {transform_indices = #map1}]} {
    %mul3A = arith.constant 2 : i32
    %mul3A_0 = arith.muli %arg1, %mul3A : i32
    %add3A = arith.addi %mul3A_0, %arg0 : i32
    %mul3A_1 = arith.constant 10000 : i32
    %mul3A_2 = arith.muli %add3A, %mul3A_1 : i32
    "tpu.region"() ({
      %run_scoped3A = tpu.sem_alloc : memref<!tpu.dma_semaphore, #tpu.memory_space<semaphore_mem>>
      %dma_start3A = tpu.memref_slice %arg2[%mul3A_2] : memref<320000xi32, #tpu.memory_space<hbm>> -> memref<10000xi32, #tpu.memory_space<hbm>>
      %dma_start3A_17 = tpu.memref_slice %arg2[%mul3A_2] : memref<320000xi32, #tpu.memory_space<hbm>> -> memref<10000xi32, #tpu.memory_space<hbm>>
      tpu.enqueue_dma source(%dma_start3A_17 : memref<10000xi32, #tpu.memory_space<hbm>>) target(%arg4 : memref<10000xi32, #tpu.memory_space<vmem>>) target_semaphore(%run_scoped3A : memref<!tpu.dma_semaphore, #tpu.memory_space<semaphore_mem>>)
      %dma_wait3A = tpu.memref_slice %arg2[%mul3A_2] : memref<320000xi32, #tpu.memory_space<hbm>> -> memref<10000xi32, #tpu.memory_space<hbm>>
      %dma_wait3A_18 = tpu.memref_slice %arg2[%mul3A_2] : memref<320000xi32, #tpu.memory_space<hbm>> -> memref<10000xi32, #tpu.memory_space<hbm>>
      tpu.wait_dma2 semaphore(%run_scoped3A : memref<!tpu.dma_semaphore, #tpu.memory_space<semaphore_mem>>) src(%dma_wait3A_18 : memref<10000xi32, #tpu.memory_space<hbm>>) dst(%arg4 : memref<10000xi32, #tpu.memory_space<vmem>>)
      tpu.yield
    }) : () -> ()
    %broadcast_in_dim3A = arith.constant 0.000000e+00 : f32
    %broadcast_in_dim3A_3 = vector.broadcast %broadcast_in_dim3A : f32 to vector<16xf32>
    %scan3A = arith.constant 0 : i32
    %scan3A_4 = arith.constant 0 : i32
    %scan3A_5 = arith.constant 640 : i32
    %scan3A_6 = arith.addi %scan3A_4, %scan3A_5 : i32
    %scan3A_7 = arith.constant 1 : i32
    scf.for %scan3A_17 = %scan3A_4 to %scan3A_6 step %scan3A_7  : i32 {
      %mul3A_18 = arith.constant 16 : i32
      %mul3A_19 = arith.muli %scan3A_17, %mul3A_18 : i32
      %swap3A = arith.index_cast %mul3A_19 : i32 to index
      %swap3A_20 = tpu.vector_load %arg5[%swap3A] {strides = array<i32>} : memref<10240xf32, #tpu.memory_space<vmem>>, vector<16xf32>,
      tpu.vector_store %arg5[%swap3A], %broadcast_in_dim3A_3 {strides = array<i32>} : memref<10240xf32, #tpu.memory_space<vmem>>, vector<16xf32>,
    }
    %scan3A_8 = arith.constant 640 : i32
    %broadcast_in_dim3A_9 = arith.constant 1.000000e+00 : f32
    %broadcast_in_dim3A_10 = vector.broadcast %broadcast_in_dim3A_9 : f32 to vector<16xf32>
    %scan3A_11 = arith.constant 0 : i32
    %scan3A_12 = arith.constant 0 : i32
    %scan3A_13 = arith.constant 625 : i32
    %scan3A_14 = arith.addi %scan3A_12, %scan3A_13 : i32
    %scan3A_15 = arith.constant 1 : i32
    scf.for %scan3A_17 = %scan3A_12 to %scan3A_14 step %scan3A_15  : i32 {
      %mul3A_18 = arith.constant 16 : i32
      %mul3A_19 = arith.muli %scan3A_17, %mul3A_18 : i32
      %get3A = arith.index_cast %mul3A_19 : i32 to index
      %get3A_20 = tpu.vector_load %arg4[%get3A] {strides = array<i32>} : memref<10000xi32, #tpu.memory_space<vmem>>, vector<16xi32>,
      %shift_right_logical3A = arith.constant 16 : i32
      %shift_right_logical3A_21 = vector.broadcast %shift_right_logical3A : i32 to vector<16xi32>
      %shift_right_logical3A_22 = arith.shrui %get3A_20, %shift_right_logical3A_21 : vector<16xi32>
      tpu.vector_store_idx %arg5[%shift_right_logical3A_22], %broadcast_in_dim3A_10 {add = true} : memref<10240xf32, #tpu.memory_space<vmem>>[vector<16xi32>], vector<16xf32>,
    }
    %scan3A_16 = arith.constant 625 : i32
    "tpu.region"() ({
      %run_scoped3A = tpu.sem_alloc : memref<!tpu.dma_semaphore, #tpu.memory_space<semaphore_mem>>
      %dma_start3A = arith.constant 0 : i32
      %dma_start3A_17 = tpu.memref_slice %arg3[%add3A, %dma_start3A] : memref<32x10240xf32, #tpu.memory_space<hbm>> -> memref<1x10240xf32, #tpu.memory_space<hbm>>
      %dma_start3A_18 = tpu.memref_squeeze %dma_start3A_17 : memref<1x10240xf32, #tpu.memory_space<hbm>> -> memref<10240xf32, #tpu.memory_space<hbm>>
      %dma_start3A_19 = arith.constant 0 : i32
      %dma_start3A_20 = tpu.memref_slice %arg3[%add3A, %dma_start3A_19] : memref<32x10240xf32, #tpu.memory_space<hbm>> -> memref<1x10240xf32, #tpu.memory_space<hbm>>
      %dma_start3A_21 = tpu.memref_squeeze %dma_start3A_20 : memref<1x10240xf32, #tpu.memory_space<hbm>> -> memref<10240xf32, #tpu.memory_space<hbm>>
      tpu.enqueue_dma source(%arg5 : memref<10240xf32, #tpu.memory_space<vmem>>) target(%dma_start3A_21 : memref<10240xf32, #tpu.memory_space<hbm>>) target_semaphore(%run_scoped3A : memref<!tpu.dma_semaphore, #tpu.memory_space<semaphore_mem>>)
      %dma_wait3A = arith.constant 0 : i32
      %dma_wait3A_22 = tpu.memref_slice %arg3[%add3A, %dma_wait3A] : memref<32x10240xf32, #tpu.memory_space<hbm>> -> memref<1x10240xf32, #tpu.memory_space<hbm>>
      %dma_wait3A_23 = tpu.memref_squeeze %dma_wait3A_22 : memref<1x10240xf32, #tpu.memory_space<hbm>> -> memref<10240xf32, #tpu.memory_space<hbm>>
      %dma_wait3A_24 = arith.constant 0 : i32
      %dma_wait3A_25 = tpu.memref_slice %arg3[%add3A, %dma_wait3A_24] : memref<32x10240xf32, #tpu.memory_space<hbm>> -> memref<1x10240xf32, #tpu.memory_space<hbm>>
      %dma_wait3A_26 = tpu.memref_squeeze %dma_wait3A_25 : memref<1x10240xf32, #tpu.memory_space<hbm>> -> memref<10240xf32, #tpu.memory_space<hbm>>
      tpu.wait_dma2 semaphore(%run_scoped3A : memref<!tpu.dma_semaphore, #tpu.memory_space<semaphore_mem>>) src(%arg5 : memref<10240xf32, #tpu.memory_space<vmem>>) dst(%dma_wait3A_26 : memref<10240xf32, #tpu.memory_space<hbm>>)
      tpu.yield
    }) : () -> ()
    return
  }
}

#map = affine_map<(d0, d1) -> (0, 0)>
#map1 = affine_map<(d0, d1) -> (0)>
#map2 = affine_map<(d0, d1) -> (0, 0, 0)>
module attributes {stable_mosaic.version = 14 : i64} {
  func.func @_edge_kernel(%arg0: i32, %arg1: i32, %arg2: memref<20480x128xf32, #tpu.memory_space<hbm>>, %arg3: memref<320000xi32, #tpu.memory_space<hbm>>, %arg4: memref<2x5120x128xf32, #tpu.memory_space<hbm>>, %arg5: memref<125x80xi32, #tpu.memory_space<vmem>>, %arg6: memref<125x80xi32, #tpu.memory_space<vmem>>, %arg7: memref<2000xi32, #tpu.memory_space<vmem>>, %arg8: memref<4x80x128xf32, #tpu.memory_space<vmem>>, %arg9: memref<5120x128xf32, #tpu.memory_space<vmem_shared>>, %arg10: memref<!tpu.dma_semaphore, #tpu.memory_space<semaphore_mem>>, %arg11: memref<!tpu.dma_semaphore, #tpu.memory_space<semaphore_mem>>) attributes {dimension_semantics = [#tpu.dimension_semantics<core_parallel>, #tpu.dimension_semantics<subcore_parallel>], iteration_bounds = array<i64: 2, 16>, scalar_prefetch = 0 : i64, scratch_operands = 7 : i64, tpu.core_type = #tpu.core_type<sc_vector_subcore>, window_params = [{transform_indices = #map}, {transform_indices = #map1}, {transform_indices = #map2}]} {
    %mul3A = arith.constant 5000 : i32
    %mul3A_0 = arith.muli %arg0, %mul3A : i32
    %broadcast_in_dim3A = arith.constant 0.000000e+00 : f32
    %broadcast_in_dim3A_1 = vector.broadcast %broadcast_in_dim3A : f32 to vector<16xf32>
    %scan3A = arith.constant 0 : i32
    %scan3A_2 = arith.constant 0 : i32
    %scan3A_3 = arith.constant 640 : i32
    %scan3A_4 = arith.addi %scan3A_2, %scan3A_3 : i32
    %scan3A_5 = arith.constant 1 : i32
    scf.for %scan3A_232 = %scan3A_2 to %scan3A_4 step %scan3A_5  : i32 {
      %jit3A = arith.constant 8 : i32
      %div3A = arith.divsi %scan3A_232, %jit3A : i32
      %sign3A = arith.constant 0 : i32
      %sign3A_233 = arith.cmpi sgt, %scan3A_232, %sign3A : i32
      %sign3A_234 = arith.extui %sign3A_233 : i1 to i32
      %sign3A_235 = arith.constant 0 : i32
      %sign3A_236 = arith.cmpi slt, %scan3A_232, %sign3A_235 : i32
      %sign3A_237 = arith.extui %sign3A_236 : i1 to i32
      %sign3A_238 = arith.subi %sign3A_234, %sign3A_237 : i32
      %sign3A_239 = arith.constant 0 : i32
      %sign3A_240 = arith.cmpi sgt, %jit3A, %sign3A_239 : i32
      %sign3A_241 = arith.extui %sign3A_240 : i1 to i32
      %sign3A_242 = arith.constant 0 : i32
      %sign3A_243 = arith.cmpi slt, %jit3A, %sign3A_242 : i32
      %sign3A_244 = arith.extui %sign3A_243 : i1 to i32
      %sign3A_245 = arith.subi %sign3A_241, %sign3A_244 : i32
      %ne3A = arith.cmpi ne, %sign3A_238, %sign3A_245 : i32
      %rem3A = arith.remsi %scan3A_232, %jit3A : i32
      %ne3A_246 = arith.constant 0 : i32
      %ne3A_247 = arith.cmpi ne, %rem3A, %ne3A_246 : i32
      %and3A = arith.andi %ne3A, %ne3A_247 : i1
      %sub3A = arith.constant 1 : i32
      %sub3A_248 = arith.subi %div3A, %sub3A : i32
      %select_n3A = arith.select %and3A, %sub3A_248, %div3A : i32
      %jit3A_249 = arith.constant 8 : i32
      %eq3A = arith.constant 0 : i32
      %eq3A_250 = arith.cmpi eq, %jit3A_249, %eq3A : i32
      %jit3A_251 = arith.constant 1 : i32
      %select_n3A_252 = arith.select %eq3A_250, %jit3A_251, %jit3A_249 : i32
      %rem3A_253 = arith.remsi %scan3A_232, %select_n3A_252 : i32
      %ne3A_254 = arith.constant 0 : i32
      %ne3A_255 = arith.cmpi ne, %rem3A_253, %ne3A_254 : i32
      %lt3A = arith.constant 0 : i32
      %lt3A_256 = arith.cmpi slt, %rem3A_253, %lt3A : i32
      %lt3A_257 = arith.constant 0 : i32
      %lt3A_258 = arith.cmpi slt, %select_n3A_252, %lt3A_257 : i32
      %ne3A_259 = arith.xori %lt3A_256, %lt3A_258 : i1
      %and3A_260 = arith.andi %ne3A_259, %ne3A_255 : i1
      %add3A_261 = arith.addi %rem3A_253, %select_n3A_252 : i32
      %select_n3A_262 = arith.select %and3A_260, %add3A_261, %rem3A_253 : i32
      %mul3A_263 = arith.constant 16 : i32
      %mul3A_264 = arith.muli %select_n3A_262, %mul3A_263 : i32
      %swap3A = arith.constant 0 : i32
      %swap3A_265 = arith.index_cast %swap3A : i32 to index
      %swap3A_266 = arith.index_cast %select_n3A : i32 to index
      %swap3A_267 = arith.index_cast %mul3A_264 : i32 to index
      %swap3A_268 = tpu.vector_load %arg8[%swap3A_265, %swap3A_266, %swap3A_267] {strides = array<i32>} : memref<4x80x128xf32, #tpu.memory_space<vmem>>, vector<16xf32>,
      tpu.vector_store %arg8[%swap3A_265, %swap3A_266, %swap3A_267], %broadcast_in_dim3A_1 {strides = array<i32>} : memref<4x80x128xf32, #tpu.memory_space<vmem>>, vector<16xf32>,
    }
    %scan3A_6 = arith.constant 640 : i32
    %mul3A_7 = arith.constant 320 : i32
    %mul3A_8 = arith.muli %arg1, %mul3A_7 : i32
    %add3A = arith.constant 0 : i32
    %add3A_9 = arith.addi %mul3A_8, %add3A : i32
    %run_scoped3A = arith.constant 0 : i32
    "tpu.region"() ({
      %run_scoped3A_232 = tpu.sem_alloc : memref<!tpu.dma_semaphore, #tpu.memory_space<semaphore_mem>>
      %dma_start3A_233 = arith.constant 0 : i32
      %dma_start3A_234 = arith.constant 0 : i32
      %dma_start3A_235 = tpu.memref_slice %arg8[%run_scoped3A, %dma_start3A_233, %dma_start3A_234] : memref<4x80x128xf32, #tpu.memory_space<vmem>> -> memref<1x80x128xf32, #tpu.memory_space<vmem>>
      %dma_start3A_236 = tpu.memref_squeeze %dma_start3A_235 : memref<1x80x128xf32, #tpu.memory_space<vmem>> -> memref<80x128xf32, #tpu.memory_space<vmem>>
      %dma_start3A_237 = arith.constant 0 : i32
      %dma_start3A_238 = tpu.memref_slice %arg9[%add3A_9, %dma_start3A_237] : memref<5120x128xf32, #tpu.memory_space<vmem_shared>> -> memref<80x128xf32, #tpu.memory_space<vmem_shared>>
      %dma_start3A_239 = arith.constant 0 : i32
      %dma_start3A_240 = tpu.memref_slice %arg9[%add3A_9, %dma_start3A_239] : memref<5120x128xf32, #tpu.memory_space<vmem_shared>> -> memref<80x128xf32, #tpu.memory_space<vmem_shared>>
      %dma_start3A_241 = arith.constant 0 : i32
      %dma_start3A_242 = arith.constant 0 : i32
      %dma_start3A_243 = tpu.memref_slice %arg8[%run_scoped3A, %dma_start3A_241, %dma_start3A_242] : memref<4x80x128xf32, #tpu.memory_space<vmem>> -> memref<1x80x128xf32, #tpu.memory_space<vmem>>
      %dma_start3A_244 = tpu.memref_squeeze %dma_start3A_243 : memref<1x80x128xf32, #tpu.memory_space<vmem>> -> memref<80x128xf32, #tpu.memory_space<vmem>>
      tpu.enqueue_dma source(%dma_start3A_244 : memref<80x128xf32, #tpu.memory_space<vmem>>) target(%dma_start3A_240 : memref<80x128xf32, #tpu.memory_space<vmem_shared>>) target_semaphore(%run_scoped3A_232 : memref<!tpu.dma_semaphore, #tpu.memory_space<semaphore_mem>>)
      %dma_wait3A_245 = arith.constant 0 : i32
      %dma_wait3A_246 = arith.constant 0 : i32
      %dma_wait3A_247 = tpu.memref_slice %arg8[%run_scoped3A, %dma_wait3A_245, %dma_wait3A_246] : memref<4x80x128xf32, #tpu.memory_space<vmem>> -> memref<1x80x128xf32, #tpu.memory_space<vmem>>
      %dma_wait3A_248 = tpu.memref_squeeze %dma_wait3A_247 : memref<1x80x128xf32, #tpu.memory_space<vmem>> -> memref<80x128xf32, #tpu.memory_space<vmem>>
      %dma_wait3A_249 = arith.constant 0 : i32
      %dma_wait3A_250 = tpu.memref_slice %arg9[%add3A_9, %dma_wait3A_249] : memref<5120x128xf32, #tpu.memory_space<vmem_shared>> -> memref<80x128xf32, #tpu.memory_space<vmem_shared>>
      %dma_wait3A_251 = arith.constant 0 : i32
      %dma_wait3A_252 = tpu.memref_slice %arg9[%add3A_9, %dma_wait3A_251] : memref<5120x128xf32, #tpu.memory_space<vmem_shared>> -> memref<80x128xf32, #tpu.memory_space<vmem_shared>>
      %dma_wait3A_253 = arith.constant 0 : i32
      %dma_wait3A_254 = arith.constant 0 : i32
      %dma_wait3A_255 = tpu.memref_slice %arg8[%run_scoped3A, %dma_wait3A_253, %dma_wait3A_254] : memref<4x80x128xf32, #tpu.memory_space<vmem>> -> memref<1x80x128xf32, #tpu.memory_space<vmem>>
      %dma_wait3A_256 = tpu.memref_squeeze %dma_wait3A_255 : memref<1x80x128xf32, #tpu.memory_space<vmem>> -> memref<80x128xf32, #tpu.memory_space<vmem>>
      tpu.wait_dma2 semaphore(%run_scoped3A_232 : memref<!tpu.dma_semaphore, #tpu.memory_space<semaphore_mem>>) src(%dma_wait3A_256 : memref<80x128xf32, #tpu.memory_space<vmem>>) dst(%dma_wait3A_252 : memref<80x128xf32, #tpu.memory_space<vmem_shared>>)
      tpu.yield
    }) : () -> ()
    %mul3A_10 = arith.constant 320 : i32
    %mul3A_11 = arith.muli %arg1, %mul3A_10 : i32
    %add3A_12 = arith.constant 80 : i32
    %add3A_13 = arith.addi %mul3A_11, %add3A_12 : i32
    %run_scoped3A_14 = arith.constant 0 : i32
    "tpu.region"() ({
      %run_scoped3A_232 = tpu.sem_alloc : memref<!tpu.dma_semaphore, #tpu.memory_space<semaphore_mem>>
      %dma_start3A_233 = arith.constant 0 : i32
      %dma_start3A_234 = arith.constant 0 : i32
      %dma_start3A_235 = tpu.memref_slice %arg8[%run_scoped3A_14, %dma_start3A_233, %dma_start3A_234] : memref<4x80x128xf32, #tpu.memory_space<vmem>> -> memref<1x80x128xf32, #tpu.memory_space<vmem>>
      %dma_start3A_236 = tpu.memref_squeeze %dma_start3A_235 : memref<1x80x128xf32, #tpu.memory_space<vmem>> -> memref<80x128xf32, #tpu.memory_space<vmem>>
      %dma_start3A_237 = arith.constant 0 : i32
      %dma_start3A_238 = tpu.memref_slice %arg9[%add3A_13, %dma_start3A_237] : memref<5120x128xf32, #tpu.memory_space<vmem_shared>> -> memref<80x128xf32, #tpu.memory_space<vmem_shared>>
      %dma_start3A_239 = arith.constant 0 : i32
      %dma_start3A_240 = tpu.memref_slice %arg9[%add3A_13, %dma_start3A_239] : memref<5120x128xf32, #tpu.memory_space<vmem_shared>> -> memref<80x128xf32, #tpu.memory_space<vmem_shared>>
      %dma_start3A_241 = arith.constant 0 : i32
      %dma_start3A_242 = arith.constant 0 : i32
      %dma_start3A_243 = tpu.memref_slice %arg8[%run_scoped3A_14, %dma_start3A_241, %dma_start3A_242] : memref<4x80x128xf32, #tpu.memory_space<vmem>> -> memref<1x80x128xf32, #tpu.memory_space<vmem>>
      %dma_start3A_244 = tpu.memref_squeeze %dma_start3A_243 : memref<1x80x128xf32, #tpu.memory_space<vmem>> -> memref<80x128xf32, #tpu.memory_space<vmem>>
      tpu.enqueue_dma source(%dma_start3A_244 : memref<80x128xf32, #tpu.memory_space<vmem>>) target(%dma_start3A_240 : memref<80x128xf32, #tpu.memory_space<vmem_shared>>) target_semaphore(%run_scoped3A_232 : memref<!tpu.dma_semaphore, #tpu.memory_space<semaphore_mem>>)
      %dma_wait3A_245 = arith.constant 0 : i32
      %dma_wait3A_246 = arith.constant 0 : i32
      %dma_wait3A_247 = tpu.memref_slice %arg8[%run_scoped3A_14, %dma_wait3A_245, %dma_wait3A_246] : memref<4x80x128xf32, #tpu.memory_space<vmem>> -> memref<1x80x128xf32, #tpu.memory_space<vmem>>
      %dma_wait3A_248 = tpu.memref_squeeze %dma_wait3A_247 : memref<1x80x128xf32, #tpu.memory_space<vmem>> -> memref<80x128xf32, #tpu.memory_space<vmem>>
      %dma_wait3A_249 = arith.constant 0 : i32
      %dma_wait3A_250 = tpu.memref_slice %arg9[%add3A_13, %dma_wait3A_249] : memref<5120x128xf32, #tpu.memory_space<vmem_shared>> -> memref<80x128xf32, #tpu.memory_space<vmem_shared>>
      %dma_wait3A_251 = arith.constant 0 : i32
      %dma_wait3A_252 = tpu.memref_slice %arg9[%add3A_13, %dma_wait3A_251] : memref<5120x128xf32, #tpu.memory_space<vmem_shared>> -> memref<80x128xf32, #tpu.memory_space<vmem_shared>>
      %dma_wait3A_253 = arith.constant 0 : i32
      %dma_wait3A_254 = arith.constant 0 : i32
      %dma_wait3A_255 = tpu.memref_slice %arg8[%run_scoped3A_14, %dma_wait3A_253, %dma_wait3A_254] : memref<4x80x128xf32, #tpu.memory_space<vmem>> -> memref<1x80x128xf32, #tpu.memory_space<vmem>>
      %dma_wait3A_256 = tpu.memref_squeeze %dma_wait3A_255 : memref<1x80x128xf32, #tpu.memory_space<vmem>> -> memref<80x128xf32, #tpu.memory_space<vmem>>
      tpu.wait_dma2 semaphore(%run_scoped3A_232 : memref<!tpu.dma_semaphore, #tpu.memory_space<semaphore_mem>>) src(%dma_wait3A_256 : memref<80x128xf32, #tpu.memory_space<vmem>>) dst(%dma_wait3A_252 : memref<80x128xf32, #tpu.memory_space<vmem_shared>>)
      tpu.yield
    }) : () -> ()
    %mul3A_15 = arith.constant 320 : i32
    %mul3A_16 = arith.muli %arg1, %mul3A_15 : i32
    %add3A_17 = arith.constant 160 : i32
    %add3A_18 = arith.addi %mul3A_16, %add3A_17 : i32
    %run_scoped3A_19 = arith.constant 0 : i32
    "tpu.region"() ({
      %run_scoped3A_232 = tpu.sem_alloc : memref<!tpu.dma_semaphore, #tpu.memory_space<semaphore_mem>>
      %dma_start3A_233 = arith.constant 0 : i32
      %dma_start3A_234 = arith.constant 0 : i32
      %dma_start3A_235 = tpu.memref_slice %arg8[%run_scoped3A_19, %dma_start3A_233, %dma_start3A_234] : memref<4x80x128xf32, #tpu.memory_space<vmem>> -> memref<1x80x128xf32, #tpu.memory_space<vmem>>
      %dma_start3A_236 = tpu.memref_squeeze %dma_start3A_235 : memref<1x80x128xf32, #tpu.memory_space<vmem>> -> memref<80x128xf32, #tpu.memory_space<vmem>>
      %dma_start3A_237 = arith.constant 0 : i32
      %dma_start3A_238 = tpu.memref_slice %arg9[%add3A_18, %dma_start3A_237] : memref<5120x128xf32, #tpu.memory_space<vmem_shared>> -> memref<80x128xf32, #tpu.memory_space<vmem_shared>>
      %dma_start3A_239 = arith.constant 0 : i32
      %dma_start3A_240 = tpu.memref_slice %arg9[%add3A_18, %dma_start3A_239] : memref<5120x128xf32, #tpu.memory_space<vmem_shared>> -> memref<80x128xf32, #tpu.memory_space<vmem_shared>>
      %dma_start3A_241 = arith.constant 0 : i32
      %dma_start3A_242 = arith.constant 0 : i32
      %dma_start3A_243 = tpu.memref_slice %arg8[%run_scoped3A_19, %dma_start3A_241, %dma_start3A_242] : memref<4x80x128xf32, #tpu.memory_space<vmem>> -> memref<1x80x128xf32, #tpu.memory_space<vmem>>
      %dma_start3A_244 = tpu.memref_squeeze %dma_start3A_243 : memref<1x80x128xf32, #tpu.memory_space<vmem>> -> memref<80x128xf32, #tpu.memory_space<vmem>>
      tpu.enqueue_dma source(%dma_start3A_244 : memref<80x128xf32, #tpu.memory_space<vmem>>) target(%dma_start3A_240 : memref<80x128xf32, #tpu.memory_space<vmem_shared>>) target_semaphore(%run_scoped3A_232 : memref<!tpu.dma_semaphore, #tpu.memory_space<semaphore_mem>>)
      %dma_wait3A_245 = arith.constant 0 : i32
      %dma_wait3A_246 = arith.constant 0 : i32
      %dma_wait3A_247 = tpu.memref_slice %arg8[%run_scoped3A_19, %dma_wait3A_245, %dma_wait3A_246] : memref<4x80x128xf32, #tpu.memory_space<vmem>> -> memref<1x80x128xf32, #tpu.memory_space<vmem>>
      %dma_wait3A_248 = tpu.memref_squeeze %dma_wait3A_247 : memref<1x80x128xf32, #tpu.memory_space<vmem>> -> memref<80x128xf32, #tpu.memory_space<vmem>>
      %dma_wait3A_249 = arith.constant 0 : i32
      %dma_wait3A_250 = tpu.memref_slice %arg9[%add3A_18, %dma_wait3A_249] : memref<5120x128xf32, #tpu.memory_space<vmem_shared>> -> memref<80x128xf32, #tpu.memory_space<vmem_shared>>
      %dma_wait3A_251 = arith.constant 0 : i32
      %dma_wait3A_252 = tpu.memref_slice %arg9[%add3A_18, %dma_wait3A_251] : memref<5120x128xf32, #tpu.memory_space<vmem_shared>> -> memref<80x128xf32, #tpu.memory_space<vmem_shared>>
      %dma_wait3A_253 = arith.constant 0 : i32
      %dma_wait3A_254 = arith.constant 0 : i32
      %dma_wait3A_255 = tpu.memref_slice %arg8[%run_scoped3A_19, %dma_wait3A_253, %dma_wait3A_254] : memref<4x80x128xf32, #tpu.memory_space<vmem>> -> memref<1x80x128xf32, #tpu.memory_space<vmem>>
      %dma_wait3A_256 = tpu.memref_squeeze %dma_wait3A_255 : memref<1x80x128xf32, #tpu.memory_space<vmem>> -> memref<80x128xf32, #tpu.memory_space<vmem>>
      tpu.wait_dma2 semaphore(%run_scoped3A_232 : memref<!tpu.dma_semaphore, #tpu.memory_space<semaphore_mem>>) src(%dma_wait3A_256 : memref<80x128xf32, #tpu.memory_space<vmem>>) dst(%dma_wait3A_252 : memref<80x128xf32, #tpu.memory_space<vmem_shared>>)
      tpu.yield
    }) : () -> ()
    %mul3A_20 = arith.constant 320 : i32
    %mul3A_21 = arith.muli %arg1, %mul3A_20 : i32
    %add3A_22 = arith.constant 240 : i32
    %add3A_23 = arith.addi %mul3A_21, %add3A_22 : i32
    %run_scoped3A_24 = arith.constant 0 : i32
    "tpu.region"() ({
      %run_scoped3A_232 = tpu.sem_alloc : memref<!tpu.dma_semaphore, #tpu.memory_space<semaphore_mem>>
      %dma_start3A_233 = arith.constant 0 : i32
      %dma_start3A_234 = arith.constant 0 : i32
      %dma_start3A_235 = tpu.memref_slice %arg8[%run_scoped3A_24, %dma_start3A_233, %dma_start3A_234] : memref<4x80x128xf32, #tpu.memory_space<vmem>> -> memref<1x80x128xf32, #tpu.memory_space<vmem>>
      %dma_start3A_236 = tpu.memref_squeeze %dma_start3A_235 : memref<1x80x128xf32, #tpu.memory_space<vmem>> -> memref<80x128xf32, #tpu.memory_space<vmem>>
      %dma_start3A_237 = arith.constant 0 : i32
      %dma_start3A_238 = tpu.memref_slice %arg9[%add3A_23, %dma_start3A_237] : memref<5120x128xf32, #tpu.memory_space<vmem_shared>> -> memref<80x128xf32, #tpu.memory_space<vmem_shared>>
      %dma_start3A_239 = arith.constant 0 : i32
      %dma_start3A_240 = tpu.memref_slice %arg9[%add3A_23, %dma_start3A_239] : memref<5120x128xf32, #tpu.memory_space<vmem_shared>> -> memref<80x128xf32, #tpu.memory_space<vmem_shared>>
      %dma_start3A_241 = arith.constant 0 : i32
      %dma_start3A_242 = arith.constant 0 : i32
      %dma_start3A_243 = tpu.memref_slice %arg8[%run_scoped3A_24, %dma_start3A_241, %dma_start3A_242] : memref<4x80x128xf32, #tpu.memory_space<vmem>> -> memref<1x80x128xf32, #tpu.memory_space<vmem>>
      %dma_start3A_244 = tpu.memref_squeeze %dma_start3A_243 : memref<1x80x128xf32, #tpu.memory_space<vmem>> -> memref<80x128xf32, #tpu.memory_space<vmem>>
      tpu.enqueue_dma source(%dma_start3A_244 : memref<80x128xf32, #tpu.memory_space<vmem>>) target(%dma_start3A_240 : memref<80x128xf32, #tpu.memory_space<vmem_shared>>) target_semaphore(%run_scoped3A_232 : memref<!tpu.dma_semaphore, #tpu.memory_space<semaphore_mem>>)
      %dma_wait3A_245 = arith.constant 0 : i32
      %dma_wait3A_246 = arith.constant 0 : i32
      %dma_wait3A_247 = tpu.memref_slice %arg8[%run_scoped3A_24, %dma_wait3A_245, %dma_wait3A_246] : memref<4x80x128xf32, #tpu.memory_space<vmem>> -> memref<1x80x128xf32, #tpu.memory_space<vmem>>
      %dma_wait3A_248 = tpu.memref_squeeze %dma_wait3A_247 : memref<1x80x128xf32, #tpu.memory_space<vmem>> -> memref<80x128xf32, #tpu.memory_space<vmem>>
      %dma_wait3A_249 = arith.constant 0 : i32
      %dma_wait3A_250 = tpu.memref_slice %arg9[%add3A_23, %dma_wait3A_249] : memref<5120x128xf32, #tpu.memory_space<vmem_shared>> -> memref<80x128xf32, #tpu.memory_space<vmem_shared>>
      %dma_wait3A_251 = arith.constant 0 : i32
      %dma_wait3A_252 = tpu.memref_slice %arg9[%add3A_23, %dma_wait3A_251] : memref<5120x128xf32, #tpu.memory_space<vmem_shared>> -> memref<80x128xf32, #tpu.memory_space<vmem_shared>>
      %dma_wait3A_253 = arith.constant 0 : i32
      %dma_wait3A_254 = arith.constant 0 : i32
      %dma_wait3A_255 = tpu.memref_slice %arg8[%run_scoped3A_24, %dma_wait3A_253, %dma_wait3A_254] : memref<4x80x128xf32, #tpu.memory_space<vmem>> -> memref<1x80x128xf32, #tpu.memory_space<vmem>>
      %dma_wait3A_256 = tpu.memref_squeeze %dma_wait3A_255 : memref<1x80x128xf32, #tpu.memory_space<vmem>> -> memref<80x128xf32, #tpu.memory_space<vmem>>
      tpu.wait_dma2 semaphore(%run_scoped3A_232 : memref<!tpu.dma_semaphore, #tpu.memory_space<semaphore_mem>>) src(%dma_wait3A_256 : memref<80x128xf32, #tpu.memory_space<vmem>>) dst(%dma_wait3A_252 : memref<80x128xf32, #tpu.memory_space<vmem_shared>>)
      tpu.yield
    }) : () -> ()
    %barrier3A = arith.constant 0 : index
    tpu.barrier barrier_id(%barrier3A)
    %scan3A_25 = arith.constant 0 : i32
    %scan3A_26 = arith.constant 0 : i32
    %scan3A_27 = arith.constant 5 : i32
    %scan3A_28 = arith.addi %scan3A_26, %scan3A_27 : i32
    %scan3A_29 = arith.constant 1 : i32
    scf.for %scan3A_232 = %scan3A_26 to %scan3A_28 step %scan3A_29  : i32 {
      %mul3A_233 = arith.constant 20000 : i32
      %mul3A_234 = arith.muli %arg1, %mul3A_233 : i32
      %add3A_235 = arith.constant 0 : i32
      %add3A_236 = arith.addi %mul3A_234, %add3A_235 : i32
      %mul3A_237 = arith.constant 2000 : i32
      %mul3A_238 = arith.muli %scan3A_232, %mul3A_237 : i32
      %add3A_239 = arith.addi %add3A_236, %mul3A_238 : i32
      "tpu.region"() ({
        %run_scoped3A_246 = tpu.sem_alloc : memref<!tpu.dma_semaphore, #tpu.memory_space<semaphore_mem>>
        %dma_start3A_247 = tpu.memref_slice %arg3[%add3A_239] : memref<320000xi32, #tpu.memory_space<hbm>> -> memref<2000xi32, #tpu.memory_space<hbm>>
        %dma_start3A_248 = tpu.memref_slice %arg3[%add3A_239] : memref<320000xi32, #tpu.memory_space<hbm>> -> memref<2000xi32, #tpu.memory_space<hbm>>
        tpu.enqueue_dma source(%dma_start3A_248 : memref<2000xi32, #tpu.memory_space<hbm>>) target(%arg7 : memref<2000xi32, #tpu.memory_space<vmem>>) target_semaphore(%run_scoped3A_246 : memref<!tpu.dma_semaphore, #tpu.memory_space<semaphore_mem>>)
        %dma_wait3A_249 = tpu.memref_slice %arg3[%add3A_239] : memref<320000xi32, #tpu.memory_space<hbm>> -> memref<2000xi32, #tpu.memory_space<hbm>>
        %dma_wait3A_250 = tpu.memref_slice %arg3[%add3A_239] : memref<320000xi32, #tpu.memory_space<hbm>> -> memref<2000xi32, #tpu.memory_space<hbm>>
        tpu.wait_dma2 semaphore(%run_scoped3A_246 : memref<!tpu.dma_semaphore, #tpu.memory_space<semaphore_mem>>) src(%dma_wait3A_250 : memref<2000xi32, #tpu.memory_space<hbm>>) dst(%arg7 : memref<2000xi32, #tpu.memory_space<vmem>>)
        tpu.yield
      }) : () -> ()
      %scan3A_240 = arith.constant 0 : i32
      %scan3A_241 = arith.constant 0 : i32
      %scan3A_242 = arith.constant 25 : i32
      %scan3A_243 = arith.addi %scan3A_241, %scan3A_242 : i32
      %scan3A_244 = arith.constant 1 : i32
      scf.for %scan3A_246 = %scan3A_241 to %scan3A_243 step %scan3A_244  : i32 {
        %mul3A_247 = arith.constant 80 : i32
        %mul3A_248 = arith.muli %scan3A_246, %mul3A_247 : i32
        %add3A_249 = arith.constant 0 : i32
        %add3A_250 = arith.addi %mul3A_248, %add3A_249 : i32
        %get3A = arith.index_cast %add3A_250 : i32 to index
        %get3A_251 = tpu.vector_load %arg7[%get3A] {strides = array<i32>} : memref<2000xi32, #tpu.memory_space<vmem>>, vector<16xi32>,
        %shift_right_logical3A = arith.constant 16 : i32
        %shift_right_logical3A_252 = vector.broadcast %shift_right_logical3A : i32 to vector<16xi32>
        %shift_right_logical3A_253 = arith.shrui %get3A_251, %shift_right_logical3A_252 : vector<16xi32>
        %sub3A = vector.broadcast %mul3A_0 : i32 to vector<16xi32>
        %sub3A_254 = arith.subi %shift_right_logical3A_253, %sub3A : vector<16xi32>
        %ge3A = arith.constant 0 : i32
        %ge3A_255 = vector.broadcast %ge3A : i32 to vector<16xi32>
        %ge3A_256 = arith.cmpi sge, %sub3A_254, %ge3A_255 : vector<16xi32>
        %lt3A = arith.constant 5000 : i32
        %lt3A_257 = vector.broadcast %lt3A : i32 to vector<16xi32>
        %lt3A_258 = arith.cmpi slt, %sub3A_254, %lt3A_257 : vector<16xi32>
        %and3A = arith.andi %ge3A_256, %lt3A_258 : vector<16xi1>
        %and3A_259 = arith.constant 65535 : i32
        %and3A_260 = vector.broadcast %and3A_259 : i32 to vector<16xi32>
        %and3A_261 = arith.andi %get3A_251, %and3A_260 : vector<16xi32>
        %mul3A_262 = arith.constant 25 : i32
        %mul3A_263 = arith.muli %scan3A_232, %mul3A_262 : i32
        %add3A_264 = arith.addi %mul3A_263, %scan3A_246 : i32
        %swap3A = arith.index_cast %add3A_264 : i32 to index
        %swap3A_265 = arith.constant 0 : index
        %swap3A_266 = tpu.vector_load %arg5[%swap3A, %swap3A_265] {strides = array<i32>} : memref<125x80xi32, #tpu.memory_space<vmem>>, vector<16xi32>,
        tpu.vector_store %arg5[%swap3A, %swap3A_265], %and3A_261 {strides = array<i32>} : memref<125x80xi32, #tpu.memory_space<vmem>>, vector<16xi32>,
        %and3A_267 = arith.constant 63 : i32
        %and3A_268 = vector.broadcast %and3A_267 : i32 to vector<16xi32>
        %and3A_269 = arith.andi %shift_right_logical3A_253, %and3A_268 : vector<16xi32>
        %add3A_270 = arith.constant 5000 : i32
        %add3A_271 = vector.broadcast %add3A_270 : i32 to vector<16xi32>
        %add3A_272 = arith.addi %add3A_271, %and3A_269 : vector<16xi32>
        %select_n3A = arith.select %and3A, %sub3A_254, %add3A_272 : vector<16xi1>, vector<16xi32>
        %mul3A_273 = arith.constant 25 : i32
        %mul3A_274 = arith.muli %scan3A_232, %mul3A_273 : i32
        %add3A_275 = arith.addi %mul3A_274, %scan3A_246 : i32
        %swap3A_276 = arith.index_cast %add3A_275 : i32 to index
        %swap3A_277 = arith.constant 0 : index
        %swap3A_278 = tpu.vector_load %arg6[%swap3A_276, %swap3A_277] {strides = array<i32>} : memref<125x80xi32, #tpu.memory_space<vmem>>, vector<16xi32>,
        tpu.vector_store %arg6[%swap3A_276, %swap3A_277], %select_n3A {strides = array<i32>} : memref<125x80xi32, #tpu.memory_space<vmem>>, vector<16xi32>,
        %mul3A_279 = arith.constant 80 : i32
        %mul3A_280 = arith.muli %scan3A_246, %mul3A_279 : i32
        %add3A_281 = arith.constant 16 : i32
        %add3A_282 = arith.addi %mul3A_280, %add3A_281 : i32
        %get3A_283 = arith.index_cast %add3A_282 : i32 to index
        %get3A_284 = tpu.vector_load %arg7[%get3A_283] {strides = array<i32>} : memref<2000xi32, #tpu.memory_space<vmem>>, vector<16xi32>,
        %shift_right_logical3A_285 = arith.constant 16 : i32
        %shift_right_logical3A_286 = vector.broadcast %shift_right_logical3A_285 : i32 to vector<16xi32>
        %shift_right_logical3A_287 = arith.shrui %get3A_284, %shift_right_logical3A_286 : vector<16xi32>
        %sub3A_288 = vector.broadcast %mul3A_0 : i32 to vector<16xi32>
        %sub3A_289 = arith.subi %shift_right_logical3A_287, %sub3A_288 : vector<16xi32>
        %ge3A_290 = arith.constant 0 : i32
        %ge3A_291 = vector.broadcast %ge3A_290 : i32 to vector<16xi32>
        %ge3A_292 = arith.cmpi sge, %sub3A_289, %ge3A_291 : vector<16xi32>
        %lt3A_293 = arith.constant 5000 : i32
        %lt3A_294 = vector.broadcast %lt3A_293 : i32 to vector<16xi32>
        %lt3A_295 = arith.cmpi slt, %sub3A_289, %lt3A_294 : vector<16xi32>
        %and3A_296 = arith.andi %ge3A_292, %lt3A_295 : vector<16xi1>
        %and3A_297 = arith.constant 65535 : i32
        %and3A_298 = vector.broadcast %and3A_297 : i32 to vector<16xi32>
        %and3A_299 = arith.andi %get3A_284, %and3A_298 : vector<16xi32>
        %mul3A_300 = arith.constant 25 : i32
        %mul3A_301 = arith.muli %scan3A_232, %mul3A_300 : i32
        %add3A_302 = arith.addi %mul3A_301, %scan3A_246 : i32
        %swap3A_303 = arith.index_cast %add3A_302 : i32 to index
        %swap3A_304 = arith.constant 16 : index
        %swap3A_305 = tpu.vector_load %arg5[%swap3A_303, %swap3A_304] {strides = array<i32>} : memref<125x80xi32, #tpu.memory_space<vmem>>, vector<16xi32>,
        tpu.vector_store %arg5[%swap3A_303, %swap3A_304], %and3A_299 {strides = array<i32>} : memref<125x80xi32, #tpu.memory_space<vmem>>, vector<16xi32>,
        %and3A_306 = arith.constant 63 : i32
        %and3A_307 = vector.broadcast %and3A_306 : i32 to vector<16xi32>
        %and3A_308 = arith.andi %shift_right_logical3A_287, %and3A_307 : vector<16xi32>
        %add3A_309 = arith.constant 5000 : i32
        %add3A_310 = vector.broadcast %add3A_309 : i32 to vector<16xi32>
        %add3A_311 = arith.addi %add3A_310, %and3A_308 : vector<16xi32>
        %select_n3A_312 = arith.select %and3A_296, %sub3A_289, %add3A_311 : vector<16xi1>, vector<16xi32>
        %mul3A_313 = arith.constant 25 : i32
        %mul3A_314 = arith.muli %scan3A_232, %mul3A_313 : i32
        %add3A_315 = arith.addi %mul3A_314, %scan3A_246 : i32
        %swap3A_316 = arith.index_cast %add3A_315 : i32 to index
        %swap3A_317 = arith.constant 16 : index
        %swap3A_318 = tpu.vector_load %arg6[%swap3A_316, %swap3A_317] {strides = array<i32>} : memref<125x80xi32, #tpu.memory_space<vmem>>, vector<16xi32>,
        tpu.vector_store %arg6[%swap3A_316, %swap3A_317], %select_n3A_312 {strides = array<i32>} : memref<125x80xi32, #tpu.memory_space<vmem>>, vector<16xi32>,
        %mul3A_319 = arith.constant 80 : i32
        %mul3A_320 = arith.muli %scan3A_246, %mul3A_319 : i32
        %add3A_321 = arith.constant 32 : i32
        %add3A_322 = arith.addi %mul3A_320, %add3A_321 : i32
        %get3A_323 = arith.index_cast %add3A_322 : i32 to index
        %get3A_324 = tpu.vector_load %arg7[%get3A_323] {strides = array<i32>} : memref<2000xi32, #tpu.memory_space<vmem>>, vector<16xi32>,
        %shift_right_logical3A_325 = arith.constant 16 : i32
        %shift_right_logical3A_326 = vector.broadcast %shift_right_logical3A_325 : i32 to vector<16xi32>
        %shift_right_logical3A_327 = arith.shrui %get3A_324, %shift_right_logical3A_326 : vector<16xi32>
        %sub3A_328 = vector.broadcast %mul3A_0 : i32 to vector<16xi32>
        %sub3A_329 = arith.subi %shift_right_logical3A_327, %sub3A_328 : vector<16xi32>
        %ge3A_330 = arith.constant 0 : i32
        %ge3A_331 = vector.broadcast %ge3A_330 : i32 to vector<16xi32>
        %ge3A_332 = arith.cmpi sge, %sub3A_329, %ge3A_331 : vector<16xi32>
        %lt3A_333 = arith.constant 5000 : i32
        %lt3A_334 = vector.broadcast %lt3A_333 : i32 to vector<16xi32>
        %lt3A_335 = arith.cmpi slt, %sub3A_329, %lt3A_334 : vector<16xi32>
        %and3A_336 = arith.andi %ge3A_332, %lt3A_335 : vector<16xi1>
        %and3A_337 = arith.constant 65535 : i32
        %and3A_338 = vector.broadcast %and3A_337 : i32 to vector<16xi32>
        %and3A_339 = arith.andi %get3A_324, %and3A_338 : vector<16xi32>
        %mul3A_340 = arith.constant 25 : i32
        %mul3A_341 = arith.muli %scan3A_232, %mul3A_340 : i32
        %add3A_342 = arith.addi %mul3A_341, %scan3A_246 : i32
        %swap3A_343 = arith.index_cast %add3A_342 : i32 to index
        %swap3A_344 = arith.constant 32 : index
        %swap3A_345 = tpu.vector_load %arg5[%swap3A_343, %swap3A_344] {strides = array<i32>} : memref<125x80xi32, #tpu.memory_space<vmem>>, vector<16xi32>,
        tpu.vector_store %arg5[%swap3A_343, %swap3A_344], %and3A_339 {strides = array<i32>} : memref<125x80xi32, #tpu.memory_space<vmem>>, vector<16xi32>,
        %and3A_346 = arith.constant 63 : i32
        %and3A_347 = vector.broadcast %and3A_346 : i32 to vector<16xi32>
        %and3A_348 = arith.andi %shift_right_logical3A_327, %and3A_347 : vector<16xi32>
        %add3A_349 = arith.constant 5000 : i32
        %add3A_350 = vector.broadcast %add3A_349 : i32 to vector<16xi32>
        %add3A_351 = arith.addi %add3A_350, %and3A_348 : vector<16xi32>
        %select_n3A_352 = arith.select %and3A_336, %sub3A_329, %add3A_351 : vector<16xi1>, vector<16xi32>
        %mul3A_353 = arith.constant 25 : i32
        %mul3A_354 = arith.muli %scan3A_232, %mul3A_353 : i32
        %add3A_355 = arith.addi %mul3A_354, %scan3A_246 : i32
        %swap3A_356 = arith.index_cast %add3A_355 : i32 to index
        %swap3A_357 = arith.constant 32 : index
        %swap3A_358 = tpu.vector_load %arg6[%swap3A_356, %swap3A_357] {strides = array<i32>} : memref<125x80xi32, #tpu.memory_space<vmem>>, vector<16xi32>,
        tpu.vector_store %arg6[%swap3A_356, %swap3A_357], %select_n3A_352 {strides = array<i32>} : memref<125x80xi32, #tpu.memory_space<vmem>>, vector<16xi32>,
        %mul3A_359 = arith.constant 80 : i32
        %mul3A_360 = arith.muli %scan3A_246, %mul3A_359 : i32
        %add3A_361 = arith.constant 48 : i32
        %add3A_362 = arith.addi %mul3A_360, %add3A_361 : i32
        %get3A_363 = arith.index_cast %add3A_362 : i32 to index
        %get3A_364 = tpu.vector_load %arg7[%get3A_363] {strides = array<i32>} : memref<2000xi32, #tpu.memory_space<vmem>>, vector<16xi32>,
        %shift_right_logical3A_365 = arith.constant 16 : i32
        %shift_right_logical3A_366 = vector.broadcast %shift_right_logical3A_365 : i32 to vector<16xi32>
        %shift_right_logical3A_367 = arith.shrui %get3A_364, %shift_right_logical3A_366 : vector<16xi32>
        %sub3A_368 = vector.broadcast %mul3A_0 : i32 to vector<16xi32>
        %sub3A_369 = arith.subi %shift_right_logical3A_367, %sub3A_368 : vector<16xi32>
        %ge3A_370 = arith.constant 0 : i32
        %ge3A_371 = vector.broadcast %ge3A_370 : i32 to vector<16xi32>
        %ge3A_372 = arith.cmpi sge, %sub3A_369, %ge3A_371 : vector<16xi32>
        %lt3A_373 = arith.constant 5000 : i32
        %lt3A_374 = vector.broadcast %lt3A_373 : i32 to vector<16xi32>
        %lt3A_375 = arith.cmpi slt, %sub3A_369, %lt3A_374 : vector<16xi32>
        %and3A_376 = arith.andi %ge3A_372, %lt3A_375 : vector<16xi1>
        %and3A_377 = arith.constant 65535 : i32
        %and3A_378 = vector.broadcast %and3A_377 : i32 to vector<16xi32>
        %and3A_379 = arith.andi %get3A_364, %and3A_378 : vector<16xi32>
        %mul3A_380 = arith.constant 25 : i32
        %mul3A_381 = arith.muli %scan3A_232, %mul3A_380 : i32
        %add3A_382 = arith.addi %mul3A_381, %scan3A_246 : i32
        %swap3A_383 = arith.index_cast %add3A_382 : i32 to index
        %swap3A_384 = arith.constant 48 : index
        %swap3A_385 = tpu.vector_load %arg5[%swap3A_383, %swap3A_384] {strides = array<i32>} : memref<125x80xi32, #tpu.memory_space<vmem>>, vector<16xi32>,
        tpu.vector_store %arg5[%swap3A_383, %swap3A_384], %and3A_379 {strides = array<i32>} : memref<125x80xi32, #tpu.memory_space<vmem>>, vector<16xi32>,
        %and3A_386 = arith.constant 63 : i32
        %and3A_387 = vector.broadcast %and3A_386 : i32 to vector<16xi32>
        %and3A_388 = arith.andi %shift_right_logical3A_367, %and3A_387 : vector<16xi32>
        %add3A_389 = arith.constant 5000 : i32
        %add3A_390 = vector.broadcast %add3A_389 : i32 to vector<16xi32>
        %add3A_391 = arith.addi %add3A_390, %and3A_388 : vector<16xi32>
        %select_n3A_392 = arith.select %and3A_376, %sub3A_369, %add3A_391 : vector<16xi1>, vector<16xi32>
        %mul3A_393 = arith.constant 25 : i32
        %mul3A_394 = arith.muli %scan3A_232, %mul3A_393 : i32
        %add3A_395 = arith.addi %mul3A_394, %scan3A_246 : i32
        %swap3A_396 = arith.index_cast %add3A_395 : i32 to index
        %swap3A_397 = arith.constant 48 : index
        %swap3A_398 = tpu.vector_load %arg6[%swap3A_396, %swap3A_397] {strides = array<i32>} : memref<125x80xi32, #tpu.memory_space<vmem>>, vector<16xi32>,
        tpu.vector_store %arg6[%swap3A_396, %swap3A_397], %select_n3A_392 {strides = array<i32>} : memref<125x80xi32, #tpu.memory_space<vmem>>, vector<16xi32>,
        %mul3A_399 = arith.constant 80 : i32
        %mul3A_400 = arith.muli %scan3A_246, %mul3A_399 : i32
        %add3A_401 = arith.constant 64 : i32
        %add3A_402 = arith.addi %mul3A_400, %add3A_401 : i32
        %get3A_403 = arith.index_cast %add3A_402 : i32 to index
        %get3A_404 = tpu.vector_load %arg7[%get3A_403] {strides = array<i32>} : memref<2000xi32, #tpu.memory_space<vmem>>, vector<16xi32>,
        %shift_right_logical3A_405 = arith.constant 16 : i32
        %shift_right_logical3A_406 = vector.broadcast %shift_right_logical3A_405 : i32 to vector<16xi32>
        %shift_right_logical3A_407 = arith.shrui %get3A_404, %shift_right_logical3A_406 : vector<16xi32>
        %sub3A_408 = vector.broadcast %mul3A_0 : i32 to vector<16xi32>
        %sub3A_409 = arith.subi %shift_right_logical3A_407, %sub3A_408 : vector<16xi32>
        %ge3A_410 = arith.constant 0 : i32
        %ge3A_411 = vector.broadcast %ge3A_410 : i32 to vector<16xi32>
        %ge3A_412 = arith.cmpi sge, %sub3A_409, %ge3A_411 : vector<16xi32>
        %lt3A_413 = arith.constant 5000 : i32
        %lt3A_414 = vector.broadcast %lt3A_413 : i32 to vector<16xi32>
        %lt3A_415 = arith.cmpi slt, %sub3A_409, %lt3A_414 : vector<16xi32>
        %and3A_416 = arith.andi %ge3A_412, %lt3A_415 : vector<16xi1>
        %and3A_417 = arith.constant 65535 : i32
        %and3A_418 = vector.broadcast %and3A_417 : i32 to vector<16xi32>
        %and3A_419 = arith.andi %get3A_404, %and3A_418 : vector<16xi32>
        %mul3A_420 = arith.constant 25 : i32
        %mul3A_421 = arith.muli %scan3A_232, %mul3A_420 : i32
        %add3A_422 = arith.addi %mul3A_421, %scan3A_246 : i32
        %swap3A_423 = arith.index_cast %add3A_422 : i32 to index
        %swap3A_424 = arith.constant 64 : index
        %swap3A_425 = tpu.vector_load %arg5[%swap3A_423, %swap3A_424] {strides = array<i32>} : memref<125x80xi32, #tpu.memory_space<vmem>>, vector<16xi32>,
        tpu.vector_store %arg5[%swap3A_423, %swap3A_424], %and3A_419 {strides = array<i32>} : memref<125x80xi32, #tpu.memory_space<vmem>>, vector<16xi32>,
        %and3A_426 = arith.constant 63 : i32
        %and3A_427 = vector.broadcast %and3A_426 : i32 to vector<16xi32>
        %and3A_428 = arith.andi %shift_right_logical3A_407, %and3A_427 : vector<16xi32>
        %add3A_429 = arith.constant 5000 : i32
        %add3A_430 = vector.broadcast %add3A_429 : i32 to vector<16xi32>
        %add3A_431 = arith.addi %add3A_430, %and3A_428 : vector<16xi32>
        %select_n3A_432 = arith.select %and3A_416, %sub3A_409, %add3A_431 : vector<16xi1>, vector<16xi32>
        %mul3A_433 = arith.constant 25 : i32
        %mul3A_434 = arith.muli %scan3A_232, %mul3A_433 : i32
        %add3A_435 = arith.addi %mul3A_434, %scan3A_246 : i32
        %swap3A_436 = arith.index_cast %add3A_435 : i32 to index
        %swap3A_437 = arith.constant 64 : index
        %swap3A_438 = tpu.vector_load %arg6[%swap3A_436, %swap3A_437] {strides = array<i32>} : memref<125x80xi32, #tpu.memory_space<vmem>>, vector<16xi32>,
        tpu.vector_store %arg6[%swap3A_436, %swap3A_437], %select_n3A_432 {strides = array<i32>} : memref<125x80xi32, #tpu.memory_space<vmem>>, vector<16xi32>,
      }
      %scan3A_245 = arith.constant 25 : i32
    }
    %scan3A_30 = arith.constant 5 : i32
    %dma_start3A = arith.constant 0 : i32
    %dma_start3A_31 = arith.constant 0 : i32
    %dma_start3A_32 = arith.constant 0 : i32
    %dma_start3A_33 = arith.constant 0 : i32
    %dma_start3A_34 = tpu.memref_slice %arg8[%dma_start3A_31, %dma_start3A_32, %dma_start3A_33] : memref<4x80x128xf32, #tpu.memory_space<vmem>> -> memref<1x80x128xf32, #tpu.memory_space<vmem>>
    %dma_start3A_35 = tpu.memref_squeeze %dma_start3A_34 : memref<1x80x128xf32, #tpu.memory_space<vmem>> -> memref<80x128xf32, #tpu.memory_space<vmem>>
    %dma_start3A_36 = arith.constant 0 : i32
    %dma_start3A_37 = tpu.memref_slice %arg5[%dma_start3A, %dma_start3A_36] : memref<125x80xi32, #tpu.memory_space<vmem>> -> memref<1x80xi32, #tpu.memory_space<vmem>>
    %dma_start3A_38 = tpu.memref_squeeze %dma_start3A_37 : memref<1x80xi32, #tpu.memory_space<vmem>> -> memref<80xi32, #tpu.memory_space<vmem>>
    %dma_start3A_39 = arith.constant 0 : i32
    %dma_start3A_40 = arith.constant 0 : i32
    %dma_start3A_41 = tpu.memref_slice %arg2[%dma_start3A_39, %dma_start3A_40] : memref<20480x128xf32, #tpu.memory_space<hbm>> -> memref<20480x128xf32, #tpu.memory_space<hbm>>
    tpu.enqueue_indirect_dma source(%dma_start3A_41 : memref<20480x128xf32, #tpu.memory_space<hbm>>) target(%dma_start3A_35 : memref<80x128xf32, #tpu.memory_space<vmem>>) offsets(%dma_start3A_38 : memref<80xi32, #tpu.memory_space<vmem>>) semaphore(%arg10 : memref<!tpu.dma_semaphore, #tpu.memory_space<semaphore_mem>>)
    %dma_start3A_42 = arith.constant 1 : i32
    %dma_start3A_43 = arith.constant 1 : i32
    %dma_start3A_44 = arith.constant 0 : i32
    %dma_start3A_45 = arith.constant 0 : i32
    %dma_start3A_46 = tpu.memref_slice %arg8[%dma_start3A_43, %dma_start3A_44, %dma_start3A_45] : memref<4x80x128xf32, #tpu.memory_space<vmem>> -> memref<1x80x128xf32, #tpu.memory_space<vmem>>
    %dma_start3A_47 = tpu.memref_squeeze %dma_start3A_46 : memref<1x80x128xf32, #tpu.memory_space<vmem>> -> memref<80x128xf32, #tpu.memory_space<vmem>>
    %dma_start3A_48 = arith.constant 0 : i32
    %dma_start3A_49 = tpu.memref_slice %arg5[%dma_start3A_42, %dma_start3A_48] : memref<125x80xi32, #tpu.memory_space<vmem>> -> memref<1x80xi32, #tpu.memory_space<vmem>>
    %dma_start3A_50 = tpu.memref_squeeze %dma_start3A_49 : memref<1x80xi32, #tpu.memory_space<vmem>> -> memref<80xi32, #tpu.memory_space<vmem>>
    %dma_start3A_51 = arith.constant 0 : i32
    %dma_start3A_52 = arith.constant 0 : i32
    %dma_start3A_53 = tpu.memref_slice %arg2[%dma_start3A_51, %dma_start3A_52] : memref<20480x128xf32, #tpu.memory_space<hbm>> -> memref<20480x128xf32, #tpu.memory_space<hbm>>
    tpu.enqueue_indirect_dma source(%dma_start3A_53 : memref<20480x128xf32, #tpu.memory_space<hbm>>) target(%dma_start3A_47 : memref<80x128xf32, #tpu.memory_space<vmem>>) offsets(%dma_start3A_50 : memref<80xi32, #tpu.memory_space<vmem>>) semaphore(%arg10 : memref<!tpu.dma_semaphore, #tpu.memory_space<semaphore_mem>>)
    %scan3A_54 = arith.constant 0 : i32
    %scan3A_55 = arith.constant 0 : i32
    %scan3A_56 = arith.constant 31 : i32
    %scan3A_57 = arith.addi %scan3A_55, %scan3A_56 : i32
    %scan3A_58 = arith.constant 1 : i32
    scf.for %scan3A_232 = %scan3A_55 to %scan3A_57 step %scan3A_58  : i32 {
      %mul3A_233 = arith.constant 2 : i32
      %mul3A_234 = arith.muli %mul3A_233, %scan3A_232 : i32
      %mul3A_235 = arith.constant 2 : i32
      %mul3A_236 = arith.muli %mul3A_234, %mul3A_235 : i32
      %add3A_237 = arith.constant 0 : i32
      %add3A_238 = arith.addi %mul3A_236, %add3A_237 : i32
      %dma_wait3A_239 = arith.constant 0 : i32
      %dma_wait3A_240 = arith.constant 0 : i32
      %dma_wait3A_241 = arith.constant 0 : i32
      %dma_wait3A_242 = tpu.memref_slice %arg8[%dma_wait3A_239, %dma_wait3A_240, %dma_wait3A_241] : memref<4x80x128xf32, #tpu.memory_space<vmem>> -> memref<1x80x128xf32, #tpu.memory_space<vmem>>
      %dma_wait3A_243 = tpu.memref_squeeze %dma_wait3A_242 : memref<1x80x128xf32, #tpu.memory_space<vmem>> -> memref<80x128xf32, #tpu.memory_space<vmem>>
      %dma_wait3A_244 = arith.constant 0 : i32
      %dma_wait3A_245 = tpu.memref_slice %arg5[%add3A_238, %dma_wait3A_244] : memref<125x80xi32, #tpu.memory_space<vmem>> -> memref<1x80xi32, #tpu.memory_space<vmem>>
      %dma_wait3A_246 = tpu.memref_squeeze %dma_wait3A_245 : memref<1x80xi32, #tpu.memory_space<vmem>> -> memref<80xi32, #tpu.memory_space<vmem>>
      %dma_wait3A_247 = arith.constant 0 : i32
      %dma_wait3A_248 = arith.constant 0 : i32
      %dma_wait3A_249 = tpu.memref_slice %arg2[%dma_wait3A_247, %dma_wait3A_248] : memref<20480x128xf32, #tpu.memory_space<hbm>> -> memref<20480x128xf32, #tpu.memory_space<hbm>>
      tpu.wait_indirect_dma semaphore(%arg10 : memref<!tpu.dma_semaphore, #tpu.memory_space<semaphore_mem>>) src(%dma_wait3A_249 : memref<20480x128xf32, #tpu.memory_space<hbm>>) dst(%dma_wait3A_243 : memref<80x128xf32, #tpu.memory_space<vmem>>)
      %mul3A_250 = arith.constant 2 : i32
      %mul3A_251 = arith.muli %mul3A_234, %mul3A_250 : i32
      %add3A_252 = arith.constant 1 : i32
      %add3A_253 = arith.addi %mul3A_251, %add3A_252 : i32
      %dma_wait3A_254 = arith.constant 1 : i32
      %dma_wait3A_255 = arith.constant 0 : i32
      %dma_wait3A_256 = arith.constant 0 : i32
      %dma_wait3A_257 = tpu.memref_slice %arg8[%dma_wait3A_254, %dma_wait3A_255, %dma_wait3A_256] : memref<4x80x128xf32, #tpu.memory_space<vmem>> -> memref<1x80x128xf32, #tpu.memory_space<vmem>>
      %dma_wait3A_258 = tpu.memref_squeeze %dma_wait3A_257 : memref<1x80x128xf32, #tpu.memory_space<vmem>> -> memref<80x128xf32, #tpu.memory_space<vmem>>
      %dma_wait3A_259 = arith.constant 0 : i32
      %dma_wait3A_260 = tpu.memref_slice %arg5[%add3A_253, %dma_wait3A_259] : memref<125x80xi32, #tpu.memory_space<vmem>> -> memref<1x80xi32, #tpu.memory_space<vmem>>
      %dma_wait3A_261 = tpu.memref_squeeze %dma_wait3A_260 : memref<1x80xi32, #tpu.memory_space<vmem>> -> memref<80xi32, #tpu.memory_space<vmem>>
      %dma_wait3A_262 = arith.constant 0 : i32
      %dma_wait3A_263 = arith.constant 0 : i32
      %dma_wait3A_264 = tpu.memref_slice %arg2[%dma_wait3A_262, %dma_wait3A_263] : memref<20480x128xf32, #tpu.memory_space<hbm>> -> memref<20480x128xf32, #tpu.memory_space<hbm>>
      tpu.wait_indirect_dma semaphore(%arg10 : memref<!tpu.dma_semaphore, #tpu.memory_space<semaphore_mem>>) src(%dma_wait3A_264 : memref<20480x128xf32, #tpu.memory_space<hbm>>) dst(%dma_wait3A_258 : memref<80x128xf32, #tpu.memory_space<vmem>>)
      %add3A_265 = arith.constant 1 : i32
      %add3A_266 = arith.addi %mul3A_234, %add3A_265 : i32
      %mul3A_267 = arith.constant 2 : i32
      %mul3A_268 = arith.muli %add3A_266, %mul3A_267 : i32
      %add3A_269 = arith.constant 0 : i32
      %add3A_270 = arith.addi %mul3A_268, %add3A_269 : i32
      %dma_start3A_271 = arith.constant 2 : i32
      %dma_start3A_272 = arith.constant 0 : i32
      %dma_start3A_273 = arith.constant 0 : i32
      %dma_start3A_274 = tpu.memref_slice %arg8[%dma_start3A_271, %dma_start3A_272, %dma_start3A_273] : memref<4x80x128xf32, #tpu.memory_space<vmem>> -> memref<1x80x128xf32, #tpu.memory_space<vmem>>
      %dma_start3A_275 = tpu.memref_squeeze %dma_start3A_274 : memref<1x80x128xf32, #tpu.memory_space<vmem>> -> memref<80x128xf32, #tpu.memory_space<vmem>>
      %dma_start3A_276 = arith.constant 0 : i32
      %dma_start3A_277 = tpu.memref_slice %arg5[%add3A_270, %dma_start3A_276] : memref<125x80xi32, #tpu.memory_space<vmem>> -> memref<1x80xi32, #tpu.memory_space<vmem>>
      %dma_start3A_278 = tpu.memref_squeeze %dma_start3A_277 : memref<1x80xi32, #tpu.memory_space<vmem>> -> memref<80xi32, #tpu.memory_space<vmem>>
      %dma_start3A_279 = arith.constant 0 : i32
      %dma_start3A_280 = arith.constant 0 : i32
      %dma_start3A_281 = tpu.memref_slice %arg2[%dma_start3A_279, %dma_start3A_280] : memref<20480x128xf32, #tpu.memory_space<hbm>> -> memref<20480x128xf32, #tpu.memory_space<hbm>>
      tpu.enqueue_indirect_dma source(%dma_start3A_281 : memref<20480x128xf32, #tpu.memory_space<hbm>>) target(%dma_start3A_275 : memref<80x128xf32, #tpu.memory_space<vmem>>) offsets(%dma_start3A_278 : memref<80xi32, #tpu.memory_space<vmem>>) semaphore(%arg10 : memref<!tpu.dma_semaphore, #tpu.memory_space<semaphore_mem>>)
      %mul3A_282 = arith.constant 2 : i32
      %mul3A_283 = arith.muli %add3A_266, %mul3A_282 : i32
      %add3A_284 = arith.constant 1 : i32
      %add3A_285 = arith.addi %mul3A_283, %add3A_284 : i32
      %dma_start3A_286 = arith.constant 3 : i32
      %dma_start3A_287 = arith.constant 0 : i32
      %dma_start3A_288 = arith.constant 0 : i32
      %dma_start3A_289 = tpu.memref_slice %arg8[%dma_start3A_286, %dma_start3A_287, %dma_start3A_288] : memref<4x80x128xf32, #tpu.memory_space<vmem>> -> memref<1x80x128xf32, #tpu.memory_space<vmem>>
      %dma_start3A_290 = tpu.memref_squeeze %dma_start3A_289 : memref<1x80x128xf32, #tpu.memory_space<vmem>> -> memref<80x128xf32, #tpu.memory_space<vmem>>
      %dma_start3A_291 = arith.constant 0 : i32
      %dma_start3A_292 = tpu.memref_slice %arg5[%add3A_285, %dma_start3A_291] : memref<125x80xi32, #tpu.memory_space<vmem>> -> memref<1x80xi32, #tpu.memory_space<vmem>>
      %dma_start3A_293 = tpu.memref_squeeze %dma_start3A_292 : memref<1x80xi32, #tpu.memory_space<vmem>> -> memref<80xi32, #tpu.memory_space<vmem>>
      %dma_start3A_294 = arith.constant 0 : i32
      %dma_start3A_295 = arith.constant 0 : i32
      %dma_start3A_296 = tpu.memref_slice %arg2[%dma_start3A_294, %dma_start3A_295] : memref<20480x128xf32, #tpu.memory_space<hbm>> -> memref<20480x128xf32, #tpu.memory_space<hbm>>
      tpu.enqueue_indirect_dma source(%dma_start3A_296 : memref<20480x128xf32, #tpu.memory_space<hbm>>) target(%dma_start3A_290 : memref<80x128xf32, #tpu.memory_space<vmem>>) offsets(%dma_start3A_293 : memref<80xi32, #tpu.memory_space<vmem>>) semaphore(%arg10 : memref<!tpu.dma_semaphore, #tpu.memory_space<semaphore_mem>>)
      %mul3A_297 = arith.constant 2 : i32
      %mul3A_298 = arith.muli %mul3A_234, %mul3A_297 : i32
      %add3A_299 = arith.constant 0 : i32
      %add3A_300 = arith.addi %mul3A_298, %add3A_299 : i32
      %dma_start3A_301 = arith.constant 0 : i32
      %dma_start3A_302 = arith.constant 0 : i32
      %dma_start3A_303 = arith.constant 0 : i32
      %dma_start3A_304 = tpu.memref_slice %arg8[%dma_start3A_301, %dma_start3A_302, %dma_start3A_303] : memref<4x80x128xf32, #tpu.memory_space<vmem>> -> memref<1x80x128xf32, #tpu.memory_space<vmem>>
      %dma_start3A_305 = tpu.memref_squeeze %dma_start3A_304 : memref<1x80x128xf32, #tpu.memory_space<vmem>> -> memref<80x128xf32, #tpu.memory_space<vmem>>
      %dma_start3A_306 = arith.constant 0 : i32
      %dma_start3A_307 = tpu.memref_slice %arg6[%add3A_300, %dma_start3A_306] : memref<125x80xi32, #tpu.memory_space<vmem>> -> memref<1x80xi32, #tpu.memory_space<vmem>>
      %dma_start3A_308 = tpu.memref_squeeze %dma_start3A_307 : memref<1x80xi32, #tpu.memory_space<vmem>> -> memref<80xi32, #tpu.memory_space<vmem>>
      %dma_start3A_309 = arith.constant 0 : i32
      %dma_start3A_310 = arith.constant 0 : i32
      %dma_start3A_311 = tpu.memref_slice %arg9[%dma_start3A_309, %dma_start3A_310] : memref<5120x128xf32, #tpu.memory_space<vmem_shared>> -> memref<5120x128xf32, #tpu.memory_space<vmem_shared>>
      tpu.enqueue_indirect_dma source(%dma_start3A_305 : memref<80x128xf32, #tpu.memory_space<vmem>>) target(%dma_start3A_311 : memref<5120x128xf32, #tpu.memory_space<vmem_shared>>) offsets(%dma_start3A_308 : memref<80xi32, #tpu.memory_space<vmem>>) semaphore(%arg11 : memref<!tpu.dma_semaphore, #tpu.memory_space<semaphore_mem>>) {add = true}
      %mul3A_312 = arith.constant 2 : i32
      %mul3A_313 = arith.muli %mul3A_234, %mul3A_312 : i32
      %add3A_314 = arith.constant 1 : i32
      %add3A_315 = arith.addi %mul3A_313, %add3A_314 : i32
      %dma_start3A_316 = arith.constant 1 : i32
      %dma_start3A_317 = arith.constant 0 : i32
      %dma_start3A_318 = arith.constant 0 : i32
      %dma_start3A_319 = tpu.memref_slice %arg8[%dma_start3A_316, %dma_start3A_317, %dma_start3A_318] : memref<4x80x128xf32, #tpu.memory_space<vmem>> -> memref<1x80x128xf32, #tpu.memory_space<vmem>>
      %dma_start3A_320 = tpu.memref_squeeze %dma_start3A_319 : memref<1x80x128xf32, #tpu.memory_space<vmem>> -> memref<80x128xf32, #tpu.memory_space<vmem>>
      %dma_start3A_321 = arith.constant 0 : i32
      %dma_start3A_322 = tpu.memref_slice %arg6[%add3A_315, %dma_start3A_321] : memref<125x80xi32, #tpu.memory_space<vmem>> -> memref<1x80xi32, #tpu.memory_space<vmem>>
      %dma_start3A_323 = tpu.memref_squeeze %dma_start3A_322 : memref<1x80xi32, #tpu.memory_space<vmem>> -> memref<80xi32, #tpu.memory_space<vmem>>
      %dma_start3A_324 = arith.constant 0 : i32
      %dma_start3A_325 = arith.constant 0 : i32
      %dma_start3A_326 = tpu.memref_slice %arg9[%dma_start3A_324, %dma_start3A_325] : memref<5120x128xf32, #tpu.memory_space<vmem_shared>> -> memref<5120x128xf32, #tpu.memory_space<vmem_shared>>
      tpu.enqueue_indirect_dma source(%dma_start3A_320 : memref<80x128xf32, #tpu.memory_space<vmem>>) target(%dma_start3A_326 : memref<5120x128xf32, #tpu.memory_space<vmem_shared>>) offsets(%dma_start3A_323 : memref<80xi32, #tpu.memory_space<vmem>>) semaphore(%arg11 : memref<!tpu.dma_semaphore, #tpu.memory_space<semaphore_mem>>) {add = true}
      %mul3A_327 = arith.constant 2 : i32
      %mul3A_328 = arith.muli %mul3A_234, %mul3A_327 : i32
      %add3A_329 = arith.constant 0 : i32
      %add3A_330 = arith.addi %mul3A_328, %add3A_329 : i32
      %dma_wait3A_331 = arith.constant 0 : i32
      %dma_wait3A_332 = arith.constant 0 : i32
      %dma_wait3A_333 = arith.constant 0 : i32
      %dma_wait3A_334 = tpu.memref_slice %arg8[%dma_wait3A_331, %dma_wait3A_332, %dma_wait3A_333] : memref<4x80x128xf32, #tpu.memory_space<vmem>> -> memref<1x80x128xf32, #tpu.memory_space<vmem>>
      %dma_wait3A_335 = tpu.memref_squeeze %dma_wait3A_334 : memref<1x80x128xf32, #tpu.memory_space<vmem>> -> memref<80x128xf32, #tpu.memory_space<vmem>>
      %dma_wait3A_336 = arith.constant 0 : i32
      %dma_wait3A_337 = tpu.memref_slice %arg6[%add3A_330, %dma_wait3A_336] : memref<125x80xi32, #tpu.memory_space<vmem>> -> memref<1x80xi32, #tpu.memory_space<vmem>>
      %dma_wait3A_338 = tpu.memref_squeeze %dma_wait3A_337 : memref<1x80xi32, #tpu.memory_space<vmem>> -> memref<80xi32, #tpu.memory_space<vmem>>
      %dma_wait3A_339 = arith.constant 0 : i32
      %dma_wait3A_340 = arith.constant 0 : i32
      %dma_wait3A_341 = tpu.memref_slice %arg9[%dma_wait3A_339, %dma_wait3A_340] : memref<5120x128xf32, #tpu.memory_space<vmem_shared>> -> memref<5120x128xf32, #tpu.memory_space<vmem_shared>>
      tpu.wait_indirect_dma semaphore(%arg11 : memref<!tpu.dma_semaphore, #tpu.memory_space<semaphore_mem>>) src(%dma_wait3A_335 : memref<80x128xf32, #tpu.memory_space<vmem>>) dst(%dma_wait3A_341 : memref<5120x128xf32, #tpu.memory_space<vmem_shared>>)
      %mul3A_342 = arith.constant 2 : i32
      %mul3A_343 = arith.muli %mul3A_234, %mul3A_342 : i32
      %add3A_344 = arith.constant 1 : i32
      %add3A_345 = arith.addi %mul3A_343, %add3A_344 : i32
      %dma_wait3A_346 = arith.constant 1 : i32
      %dma_wait3A_347 = arith.constant 0 : i32
      %dma_wait3A_348 = arith.constant 0 : i32
      %dma_wait3A_349 = tpu.memref_slice %arg8[%dma_wait3A_346, %dma_wait3A_347, %dma_wait3A_348] : memref<4x80x128xf32, #tpu.memory_space<vmem>> -> memref<1x80x128xf32, #tpu.memory_space<vmem>>
      %dma_wait3A_350 = tpu.memref_squeeze %dma_wait3A_349 : memref<1x80x128xf32, #tpu.memory_space<vmem>> -> memref<80x128xf32, #tpu.memory_space<vmem>>
      %dma_wait3A_351 = arith.constant 0 : i32
      %dma_wait3A_352 = tpu.memref_slice %arg6[%add3A_345, %dma_wait3A_351] : memref<125x80xi32, #tpu.memory_space<vmem>> -> memref<1x80xi32, #tpu.memory_space<vmem>>
      %dma_wait3A_353 = tpu.memref_squeeze %dma_wait3A_352 : memref<1x80xi32, #tpu.memory_space<vmem>> -> memref<80xi32, #tpu.memory_space<vmem>>
      %dma_wait3A_354 = arith.constant 0 : i32
      %dma_wait3A_355 = arith.constant 0 : i32
      %dma_wait3A_356 = tpu.memref_slice %arg9[%dma_wait3A_354, %dma_wait3A_355] : memref<5120x128xf32, #tpu.memory_space<vmem_shared>> -> memref<5120x128xf32, #tpu.memory_space<vmem_shared>>
      tpu.wait_indirect_dma semaphore(%arg11 : memref<!tpu.dma_semaphore, #tpu.memory_space<semaphore_mem>>) src(%dma_wait3A_350 : memref<80x128xf32, #tpu.memory_space<vmem>>) dst(%dma_wait3A_356 : memref<5120x128xf32, #tpu.memory_space<vmem_shared>>)
      %add3A_357 = arith.constant 1 : i32
      %add3A_358 = arith.addi %mul3A_234, %add3A_357 : i32
      %mul3A_359 = arith.constant 2 : i32
      %mul3A_360 = arith.muli %add3A_358, %mul3A_359 : i32
      %add3A_361 = arith.constant 0 : i32
      %add3A_362 = arith.addi %mul3A_360, %add3A_361 : i32
      %dma_wait3A_363 = arith.constant 2 : i32
      %dma_wait3A_364 = arith.constant 0 : i32
      %dma_wait3A_365 = arith.constant 0 : i32
      %dma_wait3A_366 = tpu.memref_slice %arg8[%dma_wait3A_363, %dma_wait3A_364, %dma_wait3A_365] : memref<4x80x128xf32, #tpu.memory_space<vmem>> -> memref<1x80x128xf32, #tpu.memory_space<vmem>>
      %dma_wait3A_367 = tpu.memref_squeeze %dma_wait3A_366 : memref<1x80x128xf32, #tpu.memory_space<vmem>> -> memref<80x128xf32, #tpu.memory_space<vmem>>
      %dma_wait3A_368 = arith.constant 0 : i32
      %dma_wait3A_369 = tpu.memref_slice %arg5[%add3A_362, %dma_wait3A_368] : memref<125x80xi32, #tpu.memory_space<vmem>> -> memref<1x80xi32, #tpu.memory_space<vmem>>
      %dma_wait3A_370 = tpu.memref_squeeze %dma_wait3A_369 : memref<1x80xi32, #tpu.memory_space<vmem>> -> memref<80xi32, #tpu.memory_space<vmem>>
      %dma_wait3A_371 = arith.constant 0 : i32
      %dma_wait3A_372 = arith.constant 0 : i32
      %dma_wait3A_373 = tpu.memref_slice %arg2[%dma_wait3A_371, %dma_wait3A_372] : memref<20480x128xf32, #tpu.memory_space<hbm>> -> memref<20480x128xf32, #tpu.memory_space<hbm>>
      tpu.wait_indirect_dma semaphore(%arg10 : memref<!tpu.dma_semaphore, #tpu.memory_space<semaphore_mem>>) src(%dma_wait3A_373 : memref<20480x128xf32, #tpu.memory_space<hbm>>) dst(%dma_wait3A_367 : memref<80x128xf32, #tpu.memory_space<vmem>>)
      %mul3A_374 = arith.constant 2 : i32
      %mul3A_375 = arith.muli %add3A_358, %mul3A_374 : i32
      %add3A_376 = arith.constant 1 : i32
      %add3A_377 = arith.addi %mul3A_375, %add3A_376 : i32
      %dma_wait3A_378 = arith.constant 3 : i32
      %dma_wait3A_379 = arith.constant 0 : i32
      %dma_wait3A_380 = arith.constant 0 : i32
      %dma_wait3A_381 = tpu.memref_slice %arg8[%dma_wait3A_378, %dma_wait3A_379, %dma_wait3A_380] : memref<4x80x128xf32, #tpu.memory_space<vmem>> -> memref<1x80x128xf32, #tpu.memory_space<vmem>>
      %dma_wait3A_382 = tpu.memref_squeeze %dma_wait3A_381 : memref<1x80x128xf32, #tpu.memory_space<vmem>> -> memref<80x128xf32, #tpu.memory_space<vmem>>
      %dma_wait3A_383 = arith.constant 0 : i32
      %dma_wait3A_384 = tpu.memref_slice %arg5[%add3A_377, %dma_wait3A_383] : memref<125x80xi32, #tpu.memory_space<vmem>> -> memref<1x80xi32, #tpu.memory_space<vmem>>
      %dma_wait3A_385 = tpu.memref_squeeze %dma_wait3A_384 : memref<1x80xi32, #tpu.memory_space<vmem>> -> memref<80xi32, #tpu.memory_space<vmem>>
      %dma_wait3A_386 = arith.constant 0 : i32
      %dma_wait3A_387 = arith.constant 0 : i32
      %dma_wait3A_388 = tpu.memref_slice %arg2[%dma_wait3A_386, %dma_wait3A_387] : memref<20480x128xf32, #tpu.memory_space<hbm>> -> memref<20480x128xf32, #tpu.memory_space<hbm>>
      tpu.wait_indirect_dma semaphore(%arg10 : memref<!tpu.dma_semaphore, #tpu.memory_space<semaphore_mem>>) src(%dma_wait3A_388 : memref<20480x128xf32, #tpu.memory_space<hbm>>) dst(%dma_wait3A_382 : memref<80x128xf32, #tpu.memory_space<vmem>>)
      %lt3A = arith.constant 30 : i32
      %lt3A_389 = arith.cmpi slt, %scan3A_232, %lt3A : i32
      %convert_element_type3A = arith.extui %lt3A_389 : i1 to i32
      %cond3A = arith.constant 0 : i32
      %cond3A_390 = arith.cmpi ne, %convert_element_type3A, %cond3A : i32
      scf.if %cond3A_390 {
        %add3A_455 = arith.constant 2 : i32
        %add3A_456 = arith.addi %mul3A_234, %add3A_455 : i32
        %mul3A_457 = arith.constant 2 : i32
        %mul3A_458 = arith.muli %add3A_456, %mul3A_457 : i32
        %add3A_459 = arith.constant 0 : i32
        %add3A_460 = arith.addi %mul3A_458, %add3A_459 : i32
        %dma_start3A_461 = arith.constant 0 : i32
        %dma_start3A_462 = arith.constant 0 : i32
        %dma_start3A_463 = arith.constant 0 : i32
        %dma_start3A_464 = tpu.memref_slice %arg8[%dma_start3A_461, %dma_start3A_462, %dma_start3A_463] : memref<4x80x128xf32, #tpu.memory_space<vmem>> -> memref<1x80x128xf32, #tpu.memory_space<vmem>>
        %dma_start3A_465 = tpu.memref_squeeze %dma_start3A_464 : memref<1x80x128xf32, #tpu.memory_space<vmem>> -> memref<80x128xf32, #tpu.memory_space<vmem>>
        %dma_start3A_466 = arith.constant 0 : i32
        %dma_start3A_467 = tpu.memref_slice %arg5[%add3A_460, %dma_start3A_466] : memref<125x80xi32, #tpu.memory_space<vmem>> -> memref<1x80xi32, #tpu.memory_space<vmem>>
        %dma_start3A_468 = tpu.memref_squeeze %dma_start3A_467 : memref<1x80xi32, #tpu.memory_space<vmem>> -> memref<80xi32, #tpu.memory_space<vmem>>
        %dma_start3A_469 = arith.constant 0 : i32
        %dma_start3A_470 = arith.constant 0 : i32
        %dma_start3A_471 = tpu.memref_slice %arg2[%dma_start3A_469, %dma_start3A_470] : memref<20480x128xf32, #tpu.memory_space<hbm>> -> memref<20480x128xf32, #tpu.memory_space<hbm>>
        tpu.enqueue_indirect_dma source(%dma_start3A_471 : memref<20480x128xf32, #tpu.memory_space<hbm>>) target(%dma_start3A_465 : memref<80x128xf32, #tpu.memory_space<vmem>>) offsets(%dma_start3A_468 : memref<80xi32, #tpu.memory_space<vmem>>) semaphore(%arg10 : memref<!tpu.dma_semaphore, #tpu.memory_space<semaphore_mem>>)
        %mul3A_472 = arith.constant 2 : i32
        %mul3A_473 = arith.muli %add3A_456, %mul3A_472 : i32
        %add3A_474 = arith.constant 1 : i32
        %add3A_475 = arith.addi %mul3A_473, %add3A_474 : i32
        %dma_start3A_476 = arith.constant 1 : i32
        %dma_start3A_477 = arith.constant 0 : i32
        %dma_start3A_478 = arith.constant 0 : i32
        %dma_start3A_479 = tpu.memref_slice %arg8[%dma_start3A_476, %dma_start3A_477, %dma_start3A_478] : memref<4x80x128xf32, #tpu.memory_space<vmem>> -> memref<1x80x128xf32, #tpu.memory_space<vmem>>
        %dma_start3A_480 = tpu.memref_squeeze %dma_start3A_479 : memref<1x80x128xf32, #tpu.memory_space<vmem>> -> memref<80x128xf32, #tpu.memory_space<vmem>>
        %dma_start3A_481 = arith.constant 0 : i32
        %dma_start3A_482 = tpu.memref_slice %arg5[%add3A_475, %dma_start3A_481] : memref<125x80xi32, #tpu.memory_space<vmem>> -> memref<1x80xi32, #tpu.memory_space<vmem>>
        %dma_start3A_483 = tpu.memref_squeeze %dma_start3A_482 : memref<1x80xi32, #tpu.memory_space<vmem>> -> memref<80xi32, #tpu.memory_space<vmem>>
        %dma_start3A_484 = arith.constant 0 : i32
        %dma_start3A_485 = arith.constant 0 : i32
        %dma_start3A_486 = tpu.memref_slice %arg2[%dma_start3A_484, %dma_start3A_485] : memref<20480x128xf32, #tpu.memory_space<hbm>> -> memref<20480x128xf32, #tpu.memory_space<hbm>>
        tpu.enqueue_indirect_dma source(%dma_start3A_486 : memref<20480x128xf32, #tpu.memory_space<hbm>>) target(%dma_start3A_480 : memref<80x128xf32, #tpu.memory_space<vmem>>) offsets(%dma_start3A_483 : memref<80xi32, #tpu.memory_space<vmem>>) semaphore(%arg10 : memref<!tpu.dma_semaphore, #tpu.memory_space<semaphore_mem>>)
      } else {
      }
      %add3A_391 = arith.constant 1 : i32
      %add3A_392 = arith.addi %mul3A_234, %add3A_391 : i32
      %mul3A_393 = arith.constant 2 : i32
      %mul3A_394 = arith.muli %add3A_392, %mul3A_393 : i32
      %add3A_395 = arith.constant 0 : i32
      %add3A_396 = arith.addi %mul3A_394, %add3A_395 : i32
      %dma_start3A_397 = arith.constant 2 : i32
      %dma_start3A_398 = arith.constant 0 : i32
      %dma_start3A_399 = arith.constant 0 : i32
      %dma_start3A_400 = tpu.memref_slice %arg8[%dma_start3A_397, %dma_start3A_398, %dma_start3A_399] : memref<4x80x128xf32, #tpu.memory_space<vmem>> -> memref<1x80x128xf32, #tpu.memory_space<vmem>>
      %dma_start3A_401 = tpu.memref_squeeze %dma_start3A_400 : memref<1x80x128xf32, #tpu.memory_space<vmem>> -> memref<80x128xf32, #tpu.memory_space<vmem>>
      %dma_start3A_402 = arith.constant 0 : i32
      %dma_start3A_403 = tpu.memref_slice %arg6[%add3A_396, %dma_start3A_402] : memref<125x80xi32, #tpu.memory_space<vmem>> -> memref<1x80xi32, #tpu.memory_space<vmem>>
      %dma_start3A_404 = tpu.memref_squeeze %dma_start3A_403 : memref<1x80xi32, #tpu.memory_space<vmem>> -> memref<80xi32, #tpu.memory_space<vmem>>
      %dma_start3A_405 = arith.constant 0 : i32
      %dma_start3A_406 = arith.constant 0 : i32
      %dma_start3A_407 = tpu.memref_slice %arg9[%dma_start3A_405, %dma_start3A_406] : memref<5120x128xf32, #tpu.memory_space<vmem_shared>> -> memref<5120x128xf32, #tpu.memory_space<vmem_shared>>
      tpu.enqueue_indirect_dma source(%dma_start3A_401 : memref<80x128xf32, #tpu.memory_space<vmem>>) target(%dma_start3A_407 : memref<5120x128xf32, #tpu.memory_space<vmem_shared>>) offsets(%dma_start3A_404 : memref<80xi32, #tpu.memory_space<vmem>>) semaphore(%arg11 : memref<!tpu.dma_semaphore, #tpu.memory_space<semaphore_mem>>) {add = true}
      %mul3A_408 = arith.constant 2 : i32
      %mul3A_409 = arith.muli %add3A_392, %mul3A_408 : i32
      %add3A_410 = arith.constant 1 : i32
      %add3A_411 = arith.addi %mul3A_409, %add3A_410 : i32
      %dma_start3A_412 = arith.constant 3 : i32
      %dma_start3A_413 = arith.constant 0 : i32
      %dma_start3A_414 = arith.constant 0 : i32
      %dma_start3A_415 = tpu.memref_slice %arg8[%dma_start3A_412, %dma_start3A_413, %dma_start3A_414] : memref<4x80x128xf32, #tpu.memory_space<vmem>> -> memref<1x80x128xf32, #tpu.memory_space<vmem>>
      %dma_start3A_416 = tpu.memref_squeeze %dma_start3A_415 : memref<1x80x128xf32, #tpu.memory_space<vmem>> -> memref<80x128xf32, #tpu.memory_space<vmem>>
      %dma_start3A_417 = arith.constant 0 : i32
      %dma_start3A_418 = tpu.memref_slice %arg6[%add3A_411, %dma_start3A_417] : memref<125x80xi32, #tpu.memory_space<vmem>> -> memref<1x80xi32, #tpu.memory_space<vmem>>
      %dma_start3A_419 = tpu.memref_squeeze %dma_start3A_418 : memref<1x80xi32, #tpu.memory_space<vmem>> -> memref<80xi32, #tpu.memory_space<vmem>>
      %dma_start3A_420 = arith.constant 0 : i32
      %dma_start3A_421 = arith.constant 0 : i32
      %dma_start3A_422 = tpu.memref_slice %arg9[%dma_start3A_420, %dma_start3A_421] : memref<5120x128xf32, #tpu.memory_space<vmem_shared>> -> memref<5120x128xf32, #tpu.memory_space<vmem_shared>>
      tpu.enqueue_indirect_dma source(%dma_start3A_416 : memref<80x128xf32, #tpu.memory_space<vmem>>) target(%dma_start3A_422 : memref<5120x128xf32, #tpu.memory_space<vmem_shared>>) offsets(%dma_start3A_419 : memref<80xi32, #tpu.memory_space<vmem>>) semaphore(%arg11 : memref<!tpu.dma_semaphore, #tpu.memory_space<semaphore_mem>>) {add = true}
      %add3A_423 = arith.constant 1 : i32
      %add3A_424 = arith.addi %mul3A_234, %add3A_423 : i32
      %mul3A_425 = arith.constant 2 : i32
      %mul3A_426 = arith.muli %add3A_424, %mul3A_425 : i32
      %add3A_427 = arith.constant 0 : i32
      %add3A_428 = arith.addi %mul3A_426, %add3A_427 : i32
      %dma_wait3A_429 = arith.constant 2 : i32
      %dma_wait3A_430 = arith.constant 0 : i32
      %dma_wait3A_431 = arith.constant 0 : i32
      %dma_wait3A_432 = tpu.memref_slice %arg8[%dma_wait3A_429, %dma_wait3A_430, %dma_wait3A_431] : memref<4x80x128xf32, #tpu.memory_space<vmem>> -> memref<1x80x128xf32, #tpu.memory_space<vmem>>
      %dma_wait3A_433 = tpu.memref_squeeze %dma_wait3A_432 : memref<1x80x128xf32, #tpu.memory_space<vmem>> -> memref<80x128xf32, #tpu.memory_space<vmem>>
      %dma_wait3A_434 = arith.constant 0 : i32
      %dma_wait3A_435 = tpu.memref_slice %arg6[%add3A_428, %dma_wait3A_434] : memref<125x80xi32, #tpu.memory_space<vmem>> -> memref<1x80xi32, #tpu.memory_space<vmem>>
      %dma_wait3A_436 = tpu.memref_squeeze %dma_wait3A_435 : memref<1x80xi32, #tpu.memory_space<vmem>> -> memref<80xi32, #tpu.memory_space<vmem>>
      %dma_wait3A_437 = arith.constant 0 : i32
      %dma_wait3A_438 = arith.constant 0 : i32
      %dma_wait3A_439 = tpu.memref_slice %arg9[%dma_wait3A_437, %dma_wait3A_438] : memref<5120x128xf32, #tpu.memory_space<vmem_shared>> -> memref<5120x128xf32, #tpu.memory_space<vmem_shared>>
      tpu.wait_indirect_dma semaphore(%arg11 : memref<!tpu.dma_semaphore, #tpu.memory_space<semaphore_mem>>) src(%dma_wait3A_433 : memref<80x128xf32, #tpu.memory_space<vmem>>) dst(%dma_wait3A_439 : memref<5120x128xf32, #tpu.memory_space<vmem_shared>>)
      %mul3A_440 = arith.constant 2 : i32
      %mul3A_441 = arith.muli %add3A_424, %mul3A_440 : i32
      %add3A_442 = arith.constant 1 : i32
      %add3A_443 = arith.addi %mul3A_441, %add3A_442 : i32
      %dma_wait3A_444 = arith.constant 3 : i32
      %dma_wait3A_445 = arith.constant 0 : i32
      %dma_wait3A_446 = arith.constant 0 : i32
      %dma_wait3A_447 = tpu.memref_slice %arg8[%dma_wait3A_444, %dma_wait3A_445, %dma_wait3A_446] : memref<4x80x128xf32, #tpu.memory_space<vmem>> -> memref<1x80x128xf32, #tpu.memory_space<vmem>>
      %dma_wait3A_448 = tpu.memref_squeeze %dma_wait3A_447 : memref<1x80x128xf32, #tpu.memory_space<vmem>> -> memref<80x128xf32, #tpu.memory_space<vmem>>
      %dma_wait3A_449 = arith.constant 0 : i32
      %dma_wait3A_450 = tpu.memref_slice %arg6[%add3A_443, %dma_wait3A_449] : memref<125x80xi32, #tpu.memory_space<vmem>> -> memref<1x80xi32, #tpu.memory_space<vmem>>
      %dma_wait3A_451 = tpu.memref_squeeze %dma_wait3A_450 : memref<1x80xi32, #tpu.memory_space<vmem>> -> memref<80xi32, #tpu.memory_space<vmem>>
      %dma_wait3A_452 = arith.constant 0 : i32
      %dma_wait3A_453 = arith.constant 0 : i32
      %dma_wait3A_454 = tpu.memref_slice %arg9[%dma_wait3A_452, %dma_wait3A_453] : memref<5120x128xf32, #tpu.memory_space<vmem_shared>> -> memref<5120x128xf32, #tpu.memory_space<vmem_shared>>
      tpu.wait_indirect_dma semaphore(%arg11 : memref<!tpu.dma_semaphore, #tpu.memory_space<semaphore_mem>>) src(%dma_wait3A_448 : memref<80x128xf32, #tpu.memory_space<vmem>>) dst(%dma_wait3A_454 : memref<5120x128xf32, #tpu.memory_space<vmem_shared>>)
    }
    %scan3A_59 = arith.constant 31 : i32
    %dma_start3A_60 = arith.constant 124 : i32
    %dma_start3A_61 = arith.constant 0 : i32
    %dma_start3A_62 = arith.constant 0 : i32
    %dma_start3A_63 = arith.constant 0 : i32
    %dma_start3A_64 = tpu.memref_slice %arg8[%dma_start3A_61, %dma_start3A_62, %dma_start3A_63] : memref<4x80x128xf32, #tpu.memory_space<vmem>> -> memref<1x80x128xf32, #tpu.memory_space<vmem>>
    %dma_start3A_65 = tpu.memref_squeeze %dma_start3A_64 : memref<1x80x128xf32, #tpu.memory_space<vmem>> -> memref<80x128xf32, #tpu.memory_space<vmem>>
    %dma_start3A_66 = arith.constant 0 : i32
    %dma_start3A_67 = tpu.memref_slice %arg5[%dma_start3A_60, %dma_start3A_66] : memref<125x80xi32, #tpu.memory_space<vmem>> -> memref<1x80xi32, #tpu.memory_space<vmem>>
    %dma_start3A_68 = tpu.memref_squeeze %dma_start3A_67 : memref<1x80xi32, #tpu.memory_space<vmem>> -> memref<80xi32, #tpu.memory_space<vmem>>
    %dma_start3A_69 = arith.constant 0 : i32
    %dma_start3A_70 = arith.constant 0 : i32
    %dma_start3A_71 = tpu.memref_slice %arg2[%dma_start3A_69, %dma_start3A_70] : memref<20480x128xf32, #tpu.memory_space<hbm>> -> memref<20480x128xf32, #tpu.memory_space<hbm>>
    tpu.enqueue_indirect_dma source(%dma_start3A_71 : memref<20480x128xf32, #tpu.memory_space<hbm>>) target(%dma_start3A_65 : memref<80x128xf32, #tpu.memory_space<vmem>>) offsets(%dma_start3A_68 : memref<80xi32, #tpu.memory_space<vmem>>) semaphore(%arg10 : memref<!tpu.dma_semaphore, #tpu.memory_space<semaphore_mem>>)
    %dma_wait3A = arith.constant 124 : i32
    %dma_wait3A_72 = arith.constant 0 : i32
    %dma_wait3A_73 = arith.constant 0 : i32
    %dma_wait3A_74 = arith.constant 0 : i32
    %dma_wait3A_75 = tpu.memref_slice %arg8[%dma_wait3A_72, %dma_wait3A_73, %dma_wait3A_74] : memref<4x80x128xf32, #tpu.memory_space<vmem>> -> memref<1x80x128xf32, #tpu.memory_space<vmem>>
    %dma_wait3A_76 = tpu.memref_squeeze %dma_wait3A_75 : memref<1x80x128xf32, #tpu.memory_space<vmem>> -> memref<80x128xf32, #tpu.memory_space<vmem>>
    %dma_wait3A_77 = arith.constant 0 : i32
    %dma_wait3A_78 = tpu.memref_slice %arg5[%dma_wait3A, %dma_wait3A_77] : memref<125x80xi32, #tpu.memory_space<vmem>> -> memref<1x80xi32, #tpu.memory_space<vmem>>
    %dma_wait3A_79 = tpu.memref_squeeze %dma_wait3A_78 : memref<1x80xi32, #tpu.memory_space<vmem>> -> memref<80xi32, #tpu.memory_space<vmem>>
    %dma_wait3A_80 = arith.constant 0 : i32
    %dma_wait3A_81 = arith.constant 0 : i32
    %dma_wait3A_82 = tpu.memref_slice %arg2[%dma_wait3A_80, %dma_wait3A_81] : memref<20480x128xf32, #tpu.memory_space<hbm>> -> memref<20480x128xf32, #tpu.memory_space<hbm>>
    tpu.wait_indirect_dma semaphore(%arg10 : memref<!tpu.dma_semaphore, #tpu.memory_space<semaphore_mem>>) src(%dma_wait3A_82 : memref<20480x128xf32, #tpu.memory_space<hbm>>) dst(%dma_wait3A_76 : memref<80x128xf32, #tpu.memory_space<vmem>>)
    %dma_start3A_83 = arith.constant 0 : i32
    %dma_start3A_84 = arith.constant 124 : i32
    %dma_start3A_85 = arith.constant 0 : i32
    %dma_start3A_86 = arith.constant 0 : i32
    %dma_start3A_87 = tpu.memref_slice %arg8[%dma_start3A_83, %dma_start3A_85, %dma_start3A_86] : memref<4x80x128xf32, #tpu.memory_space<vmem>> -> memref<1x80x128xf32, #tpu.memory_space<vmem>>
    %dma_start3A_88 = tpu.memref_squeeze %dma_start3A_87 : memref<1x80x128xf32, #tpu.memory_space<vmem>> -> memref<80x128xf32, #tpu.memory_space<vmem>>
    %dma_start3A_89 = arith.constant 0 : i32
    %dma_start3A_90 = tpu.memref_slice %arg6[%dma_start3A_84, %dma_start3A_89] : memref<125x80xi32, #tpu.memory_space<vmem>> -> memref<1x80xi32, #tpu.memory_space<vmem>>
    %dma_start3A_91 = tpu.memref_squeeze %dma_start3A_90 : memref<1x80xi32, #tpu.memory_space<vmem>> -> memref<80xi32, #tpu.memory_space<vmem>>
    %dma_start3A_92 = arith.constant 0 : i32
    %dma_start3A_93 = arith.constant 0 : i32
    %dma_start3A_94 = tpu.memref_slice %arg9[%dma_start3A_92, %dma_start3A_93] : memref<5120x128xf32, #tpu.memory_space<vmem_shared>> -> memref<5120x128xf32, #tpu.memory_space<vmem_shared>>
    tpu.enqueue_indirect_dma source(%dma_start3A_88 : memref<80x128xf32, #tpu.memory_space<vmem>>) target(%dma_start3A_94 : memref<5120x128xf32, #tpu.memory_space<vmem_shared>>) offsets(%dma_start3A_91 : memref<80xi32, #tpu.memory_space<vmem>>) semaphore(%arg11 : memref<!tpu.dma_semaphore, #tpu.memory_space<semaphore_mem>>) {add = true}
    %dma_wait3A_95 = arith.constant 0 : i32
    %dma_wait3A_96 = arith.constant 124 : i32
    %dma_wait3A_97 = arith.constant 0 : i32
    %dma_wait3A_98 = arith.constant 0 : i32
    %dma_wait3A_99 = tpu.memref_slice %arg8[%dma_wait3A_95, %dma_wait3A_97, %dma_wait3A_98] : memref<4x80x128xf32, #tpu.memory_space<vmem>> -> memref<1x80x128xf32, #tpu.memory_space<vmem>>
    %dma_wait3A_100 = tpu.memref_squeeze %dma_wait3A_99 : memref<1x80x128xf32, #tpu.memory_space<vmem>> -> memref<80x128xf32, #tpu.memory_space<vmem>>
    %dma_wait3A_101 = arith.constant 0 : i32
    %dma_wait3A_102 = tpu.memref_slice %arg6[%dma_wait3A_96, %dma_wait3A_101] : memref<125x80xi32, #tpu.memory_space<vmem>> -> memref<1x80xi32, #tpu.memory_space<vmem>>
    %dma_wait3A_103 = tpu.memref_squeeze %dma_wait3A_102 : memref<1x80xi32, #tpu.memory_space<vmem>> -> memref<80xi32, #tpu.memory_space<vmem>>
    %dma_wait3A_104 = arith.constant 0 : i32
    %dma_wait3A_105 = arith.constant 0 : i32
    %dma_wait3A_106 = tpu.memref_slice %arg9[%dma_wait3A_104, %dma_wait3A_105] : memref<5120x128xf32, #tpu.memory_space<vmem_shared>> -> memref<5120x128xf32, #tpu.memory_space<vmem_shared>>
    tpu.wait_indirect_dma semaphore(%arg11 : memref<!tpu.dma_semaphore, #tpu.memory_space<semaphore_mem>>) src(%dma_wait3A_100 : memref<80x128xf32, #tpu.memory_space<vmem>>) dst(%dma_wait3A_106 : memref<5120x128xf32, #tpu.memory_space<vmem_shared>>)
    %scan3A_107 = arith.constant 0 : i32
    %scan3A_108 = arith.constant 0 : i32
    %scan3A_109 = arith.constant 5 : i32
    %scan3A_110 = arith.addi %scan3A_108, %scan3A_109 : i32
    %scan3A_111 = arith.constant 1 : i32
    scf.for %scan3A_232 = %scan3A_108 to %scan3A_110 step %scan3A_111  : i32 {
      %mul3A_233 = arith.constant 20000 : i32
      %mul3A_234 = arith.muli %arg1, %mul3A_233 : i32
      %add3A_235 = arith.constant 10000 : i32
      %add3A_236 = arith.addi %mul3A_234, %add3A_235 : i32
      %mul3A_237 = arith.constant 2000 : i32
      %mul3A_238 = arith.muli %scan3A_232, %mul3A_237 : i32
      %add3A_239 = arith.addi %add3A_236, %mul3A_238 : i32
      "tpu.region"() ({
        %run_scoped3A_246 = tpu.sem_alloc : memref<!tpu.dma_semaphore, #tpu.memory_space<semaphore_mem>>
        %dma_start3A_247 = tpu.memref_slice %arg3[%add3A_239] : memref<320000xi32, #tpu.memory_space<hbm>> -> memref<2000xi32, #tpu.memory_space<hbm>>
        %dma_start3A_248 = tpu.memref_slice %arg3[%add3A_239] : memref<320000xi32, #tpu.memory_space<hbm>> -> memref<2000xi32, #tpu.memory_space<hbm>>
        tpu.enqueue_dma source(%dma_start3A_248 : memref<2000xi32, #tpu.memory_space<hbm>>) target(%arg7 : memref<2000xi32, #tpu.memory_space<vmem>>) target_semaphore(%run_scoped3A_246 : memref<!tpu.dma_semaphore, #tpu.memory_space<semaphore_mem>>)
        %dma_wait3A_249 = tpu.memref_slice %arg3[%add3A_239] : memref<320000xi32, #tpu.memory_space<hbm>> -> memref<2000xi32, #tpu.memory_space<hbm>>
        %dma_wait3A_250 = tpu.memref_slice %arg3[%add3A_239] : memref<320000xi32, #tpu.memory_space<hbm>> -> memref<2000xi32, #tpu.memory_space<hbm>>
        tpu.wait_dma2 semaphore(%run_scoped3A_246 : memref<!tpu.dma_semaphore, #tpu.memory_space<semaphore_mem>>) src(%dma_wait3A_250 : memref<2000xi32, #tpu.memory_space<hbm>>) dst(%arg7 : memref<2000xi32, #tpu.memory_space<vmem>>)
        tpu.yield
      }) : () -> ()
      %scan3A_240 = arith.constant 0 : i32
      %scan3A_241 = arith.constant 0 : i32
      %scan3A_242 = arith.constant 25 : i32
      %scan3A_243 = arith.addi %scan3A_241, %scan3A_242 : i32
      %scan3A_244 = arith.constant 1 : i32
      scf.for %scan3A_246 = %scan3A_241 to %scan3A_243 step %scan3A_244  : i32 {
        %mul3A_247 = arith.constant 80 : i32
        %mul3A_248 = arith.muli %scan3A_246, %mul3A_247 : i32
        %add3A_249 = arith.constant 0 : i32
        %add3A_250 = arith.addi %mul3A_248, %add3A_249 : i32
        %get3A = arith.index_cast %add3A_250 : i32 to index
        %get3A_251 = tpu.vector_load %arg7[%get3A] {strides = array<i32>} : memref<2000xi32, #tpu.memory_space<vmem>>, vector<16xi32>,
        %shift_right_logical3A = arith.constant 16 : i32
        %shift_right_logical3A_252 = vector.broadcast %shift_right_logical3A : i32 to vector<16xi32>
        %shift_right_logical3A_253 = arith.shrui %get3A_251, %shift_right_logical3A_252 : vector<16xi32>
        %sub3A = vector.broadcast %mul3A_0 : i32 to vector<16xi32>
        %sub3A_254 = arith.subi %shift_right_logical3A_253, %sub3A : vector<16xi32>
        %ge3A = arith.constant 0 : i32
        %ge3A_255 = vector.broadcast %ge3A : i32 to vector<16xi32>
        %ge3A_256 = arith.cmpi sge, %sub3A_254, %ge3A_255 : vector<16xi32>
        %lt3A = arith.constant 5000 : i32
        %lt3A_257 = vector.broadcast %lt3A : i32 to vector<16xi32>
        %lt3A_258 = arith.cmpi slt, %sub3A_254, %lt3A_257 : vector<16xi32>
        %and3A = arith.andi %ge3A_256, %lt3A_258 : vector<16xi1>
        %and3A_259 = arith.constant 65535 : i32
        %and3A_260 = vector.broadcast %and3A_259 : i32 to vector<16xi32>
        %and3A_261 = arith.andi %get3A_251, %and3A_260 : vector<16xi32>
        %mul3A_262 = arith.constant 25 : i32
        %mul3A_263 = arith.muli %scan3A_232, %mul3A_262 : i32
        %add3A_264 = arith.addi %mul3A_263, %scan3A_246 : i32
        %swap3A = arith.index_cast %add3A_264 : i32 to index
        %swap3A_265 = arith.constant 0 : index
        %swap3A_266 = tpu.vector_load %arg5[%swap3A, %swap3A_265] {strides = array<i32>} : memref<125x80xi32, #tpu.memory_space<vmem>>, vector<16xi32>,
        tpu.vector_store %arg5[%swap3A, %swap3A_265], %and3A_261 {strides = array<i32>} : memref<125x80xi32, #tpu.memory_space<vmem>>, vector<16xi32>,
        %and3A_267 = arith.constant 63 : i32
        %and3A_268 = vector.broadcast %and3A_267 : i32 to vector<16xi32>
        %and3A_269 = arith.andi %shift_right_logical3A_253, %and3A_268 : vector<16xi32>
        %add3A_270 = arith.constant 5000 : i32
        %add3A_271 = vector.broadcast %add3A_270 : i32 to vector<16xi32>
        %add3A_272 = arith.addi %add3A_271, %and3A_269 : vector<16xi32>
        %select_n3A = arith.select %and3A, %sub3A_254, %add3A_272 : vector<16xi1>, vector<16xi32>
        %mul3A_273 = arith.constant 25 : i32
        %mul3A_274 = arith.muli %scan3A_232, %mul3A_273 : i32
        %add3A_275 = arith.addi %mul3A_274, %scan3A_246 : i32
        %swap3A_276 = arith.index_cast %add3A_275 : i32 to index
        %swap3A_277 = arith.constant 0 : index
        %swap3A_278 = tpu.vector_load %arg6[%swap3A_276, %swap3A_277] {strides = array<i32>} : memref<125x80xi32, #tpu.memory_space<vmem>>, vector<16xi32>,
        tpu.vector_store %arg6[%swap3A_276, %swap3A_277], %select_n3A {strides = array<i32>} : memref<125x80xi32, #tpu.memory_space<vmem>>, vector<16xi32>,
        %mul3A_279 = arith.constant 80 : i32
        %mul3A_280 = arith.muli %scan3A_246, %mul3A_279 : i32
        %add3A_281 = arith.constant 16 : i32
        %add3A_282 = arith.addi %mul3A_280, %add3A_281 : i32
        %get3A_283 = arith.index_cast %add3A_282 : i32 to index
        %get3A_284 = tpu.vector_load %arg7[%get3A_283] {strides = array<i32>} : memref<2000xi32, #tpu.memory_space<vmem>>, vector<16xi32>,
        %shift_right_logical3A_285 = arith.constant 16 : i32
        %shift_right_logical3A_286 = vector.broadcast %shift_right_logical3A_285 : i32 to vector<16xi32>
        %shift_right_logical3A_287 = arith.shrui %get3A_284, %shift_right_logical3A_286 : vector<16xi32>
        %sub3A_288 = vector.broadcast %mul3A_0 : i32 to vector<16xi32>
        %sub3A_289 = arith.subi %shift_right_logical3A_287, %sub3A_288 : vector<16xi32>
        %ge3A_290 = arith.constant 0 : i32
        %ge3A_291 = vector.broadcast %ge3A_290 : i32 to vector<16xi32>
        %ge3A_292 = arith.cmpi sge, %sub3A_289, %ge3A_291 : vector<16xi32>
        %lt3A_293 = arith.constant 5000 : i32
        %lt3A_294 = vector.broadcast %lt3A_293 : i32 to vector<16xi32>
        %lt3A_295 = arith.cmpi slt, %sub3A_289, %lt3A_294 : vector<16xi32>
        %and3A_296 = arith.andi %ge3A_292, %lt3A_295 : vector<16xi1>
        %and3A_297 = arith.constant 65535 : i32
        %and3A_298 = vector.broadcast %and3A_297 : i32 to vector<16xi32>
        %and3A_299 = arith.andi %get3A_284, %and3A_298 : vector<16xi32>
        %mul3A_300 = arith.constant 25 : i32
        %mul3A_301 = arith.muli %scan3A_232, %mul3A_300 : i32
        %add3A_302 = arith.addi %mul3A_301, %scan3A_246 : i32
        %swap3A_303 = arith.index_cast %add3A_302 : i32 to index
        %swap3A_304 = arith.constant 16 : index
        %swap3A_305 = tpu.vector_load %arg5[%swap3A_303, %swap3A_304] {strides = array<i32>} : memref<125x80xi32, #tpu.memory_space<vmem>>, vector<16xi32>,
        tpu.vector_store %arg5[%swap3A_303, %swap3A_304], %and3A_299 {strides = array<i32>} : memref<125x80xi32, #tpu.memory_space<vmem>>, vector<16xi32>,
        %and3A_306 = arith.constant 63 : i32
        %and3A_307 = vector.broadcast %and3A_306 : i32 to vector<16xi32>
        %and3A_308 = arith.andi %shift_right_logical3A_287, %and3A_307 : vector<16xi32>
        %add3A_309 = arith.constant 5000 : i32
        %add3A_310 = vector.broadcast %add3A_309 : i32 to vector<16xi32>
        %add3A_311 = arith.addi %add3A_310, %and3A_308 : vector<16xi32>
        %select_n3A_312 = arith.select %and3A_296, %sub3A_289, %add3A_311 : vector<16xi1>, vector<16xi32>
        %mul3A_313 = arith.constant 25 : i32
        %mul3A_314 = arith.muli %scan3A_232, %mul3A_313 : i32
        %add3A_315 = arith.addi %mul3A_314, %scan3A_246 : i32
        %swap3A_316 = arith.index_cast %add3A_315 : i32 to index
        %swap3A_317 = arith.constant 16 : index
        %swap3A_318 = tpu.vector_load %arg6[%swap3A_316, %swap3A_317] {strides = array<i32>} : memref<125x80xi32, #tpu.memory_space<vmem>>, vector<16xi32>,
        tpu.vector_store %arg6[%swap3A_316, %swap3A_317], %select_n3A_312 {strides = array<i32>} : memref<125x80xi32, #tpu.memory_space<vmem>>, vector<16xi32>,
        %mul3A_319 = arith.constant 80 : i32
        %mul3A_320 = arith.muli %scan3A_246, %mul3A_319 : i32
        %add3A_321 = arith.constant 32 : i32
        %add3A_322 = arith.addi %mul3A_320, %add3A_321 : i32
        %get3A_323 = arith.index_cast %add3A_322 : i32 to index
        %get3A_324 = tpu.vector_load %arg7[%get3A_323] {strides = array<i32>} : memref<2000xi32, #tpu.memory_space<vmem>>, vector<16xi32>,
        %shift_right_logical3A_325 = arith.constant 16 : i32
        %shift_right_logical3A_326 = vector.broadcast %shift_right_logical3A_325 : i32 to vector<16xi32>
        %shift_right_logical3A_327 = arith.shrui %get3A_324, %shift_right_logical3A_326 : vector<16xi32>
        %sub3A_328 = vector.broadcast %mul3A_0 : i32 to vector<16xi32>
        %sub3A_329 = arith.subi %shift_right_logical3A_327, %sub3A_328 : vector<16xi32>
        %ge3A_330 = arith.constant 0 : i32
        %ge3A_331 = vector.broadcast %ge3A_330 : i32 to vector<16xi32>
        %ge3A_332 = arith.cmpi sge, %sub3A_329, %ge3A_331 : vector<16xi32>
        %lt3A_333 = arith.constant 5000 : i32
        %lt3A_334 = vector.broadcast %lt3A_333 : i32 to vector<16xi32>
        %lt3A_335 = arith.cmpi slt, %sub3A_329, %lt3A_334 : vector<16xi32>
        %and3A_336 = arith.andi %ge3A_332, %lt3A_335 : vector<16xi1>
        %and3A_337 = arith.constant 65535 : i32
        %and3A_338 = vector.broadcast %and3A_337 : i32 to vector<16xi32>
        %and3A_339 = arith.andi %get3A_324, %and3A_338 : vector<16xi32>
        %mul3A_340 = arith.constant 25 : i32
        %mul3A_341 = arith.muli %scan3A_232, %mul3A_340 : i32
        %add3A_342 = arith.addi %mul3A_341, %scan3A_246 : i32
        %swap3A_343 = arith.index_cast %add3A_342 : i32 to index
        %swap3A_344 = arith.constant 32 : index
        %swap3A_345 = tpu.vector_load %arg5[%swap3A_343, %swap3A_344] {strides = array<i32>} : memref<125x80xi32, #tpu.memory_space<vmem>>, vector<16xi32>,
        tpu.vector_store %arg5[%swap3A_343, %swap3A_344], %and3A_339 {strides = array<i32>} : memref<125x80xi32, #tpu.memory_space<vmem>>, vector<16xi32>,
        %and3A_346 = arith.constant 63 : i32
        %and3A_347 = vector.broadcast %and3A_346 : i32 to vector<16xi32>
        %and3A_348 = arith.andi %shift_right_logical3A_327, %and3A_347 : vector<16xi32>
        %add3A_349 = arith.constant 5000 : i32
        %add3A_350 = vector.broadcast %add3A_349 : i32 to vector<16xi32>
        %add3A_351 = arith.addi %add3A_350, %and3A_348 : vector<16xi32>
        %select_n3A_352 = arith.select %and3A_336, %sub3A_329, %add3A_351 : vector<16xi1>, vector<16xi32>
        %mul3A_353 = arith.constant 25 : i32
        %mul3A_354 = arith.muli %scan3A_232, %mul3A_353 : i32
        %add3A_355 = arith.addi %mul3A_354, %scan3A_246 : i32
        %swap3A_356 = arith.index_cast %add3A_355 : i32 to index
        %swap3A_357 = arith.constant 32 : index
        %swap3A_358 = tpu.vector_load %arg6[%swap3A_356, %swap3A_357] {strides = array<i32>} : memref<125x80xi32, #tpu.memory_space<vmem>>, vector<16xi32>,
        tpu.vector_store %arg6[%swap3A_356, %swap3A_357], %select_n3A_352 {strides = array<i32>} : memref<125x80xi32, #tpu.memory_space<vmem>>, vector<16xi32>,
        %mul3A_359 = arith.constant 80 : i32
        %mul3A_360 = arith.muli %scan3A_246, %mul3A_359 : i32
        %add3A_361 = arith.constant 48 : i32
        %add3A_362 = arith.addi %mul3A_360, %add3A_361 : i32
        %get3A_363 = arith.index_cast %add3A_362 : i32 to index
        %get3A_364 = tpu.vector_load %arg7[%get3A_363] {strides = array<i32>} : memref<2000xi32, #tpu.memory_space<vmem>>, vector<16xi32>,
        %shift_right_logical3A_365 = arith.constant 16 : i32
        %shift_right_logical3A_366 = vector.broadcast %shift_right_logical3A_365 : i32 to vector<16xi32>
        %shift_right_logical3A_367 = arith.shrui %get3A_364, %shift_right_logical3A_366 : vector<16xi32>
        %sub3A_368 = vector.broadcast %mul3A_0 : i32 to vector<16xi32>
        %sub3A_369 = arith.subi %shift_right_logical3A_367, %sub3A_368 : vector<16xi32>
        %ge3A_370 = arith.constant 0 : i32
        %ge3A_371 = vector.broadcast %ge3A_370 : i32 to vector<16xi32>
        %ge3A_372 = arith.cmpi sge, %sub3A_369, %ge3A_371 : vector<16xi32>
        %lt3A_373 = arith.constant 5000 : i32
        %lt3A_374 = vector.broadcast %lt3A_373 : i32 to vector<16xi32>
        %lt3A_375 = arith.cmpi slt, %sub3A_369, %lt3A_374 : vector<16xi32>
        %and3A_376 = arith.andi %ge3A_372, %lt3A_375 : vector<16xi1>
        %and3A_377 = arith.constant 65535 : i32
        %and3A_378 = vector.broadcast %and3A_377 : i32 to vector<16xi32>
        %and3A_379 = arith.andi %get3A_364, %and3A_378 : vector<16xi32>
        %mul3A_380 = arith.constant 25 : i32
        %mul3A_381 = arith.muli %scan3A_232, %mul3A_380 : i32
        %add3A_382 = arith.addi %mul3A_381, %scan3A_246 : i32
        %swap3A_383 = arith.index_cast %add3A_382 : i32 to index
        %swap3A_384 = arith.constant 48 : index
        %swap3A_385 = tpu.vector_load %arg5[%swap3A_383, %swap3A_384] {strides = array<i32>} : memref<125x80xi32, #tpu.memory_space<vmem>>, vector<16xi32>,
        tpu.vector_store %arg5[%swap3A_383, %swap3A_384], %and3A_379 {strides = array<i32>} : memref<125x80xi32, #tpu.memory_space<vmem>>, vector<16xi32>,
        %and3A_386 = arith.constant 63 : i32
        %and3A_387 = vector.broadcast %and3A_386 : i32 to vector<16xi32>
        %and3A_388 = arith.andi %shift_right_logical3A_367, %and3A_387 : vector<16xi32>
        %add3A_389 = arith.constant 5000 : i32
        %add3A_390 = vector.broadcast %add3A_389 : i32 to vector<16xi32>
        %add3A_391 = arith.addi %add3A_390, %and3A_388 : vector<16xi32>
        %select_n3A_392 = arith.select %and3A_376, %sub3A_369, %add3A_391 : vector<16xi1>, vector<16xi32>
        %mul3A_393 = arith.constant 25 : i32
        %mul3A_394 = arith.muli %scan3A_232, %mul3A_393 : i32
        %add3A_395 = arith.addi %mul3A_394, %scan3A_246 : i32
        %swap3A_396 = arith.index_cast %add3A_395 : i32 to index
        %swap3A_397 = arith.constant 48 : index
        %swap3A_398 = tpu.vector_load %arg6[%swap3A_396, %swap3A_397] {strides = array<i32>} : memref<125x80xi32, #tpu.memory_space<vmem>>, vector<16xi32>,
        tpu.vector_store %arg6[%swap3A_396, %swap3A_397], %select_n3A_392 {strides = array<i32>} : memref<125x80xi32, #tpu.memory_space<vmem>>, vector<16xi32>,
        %mul3A_399 = arith.constant 80 : i32
        %mul3A_400 = arith.muli %scan3A_246, %mul3A_399 : i32
        %add3A_401 = arith.constant 64 : i32
        %add3A_402 = arith.addi %mul3A_400, %add3A_401 : i32
        %get3A_403 = arith.index_cast %add3A_402 : i32 to index
        %get3A_404 = tpu.vector_load %arg7[%get3A_403] {strides = array<i32>} : memref<2000xi32, #tpu.memory_space<vmem>>, vector<16xi32>,
        %shift_right_logical3A_405 = arith.constant 16 : i32
        %shift_right_logical3A_406 = vector.broadcast %shift_right_logical3A_405 : i32 to vector<16xi32>
        %shift_right_logical3A_407 = arith.shrui %get3A_404, %shift_right_logical3A_406 : vector<16xi32>
        %sub3A_408 = vector.broadcast %mul3A_0 : i32 to vector<16xi32>
        %sub3A_409 = arith.subi %shift_right_logical3A_407, %sub3A_408 : vector<16xi32>
        %ge3A_410 = arith.constant 0 : i32
        %ge3A_411 = vector.broadcast %ge3A_410 : i32 to vector<16xi32>
        %ge3A_412 = arith.cmpi sge, %sub3A_409, %ge3A_411 : vector<16xi32>
        %lt3A_413 = arith.constant 5000 : i32
        %lt3A_414 = vector.broadcast %lt3A_413 : i32 to vector<16xi32>
        %lt3A_415 = arith.cmpi slt, %sub3A_409, %lt3A_414 : vector<16xi32>
        %and3A_416 = arith.andi %ge3A_412, %lt3A_415 : vector<16xi1>
        %and3A_417 = arith.constant 65535 : i32
        %and3A_418 = vector.broadcast %and3A_417 : i32 to vector<16xi32>
        %and3A_419 = arith.andi %get3A_404, %and3A_418 : vector<16xi32>
        %mul3A_420 = arith.constant 25 : i32
        %mul3A_421 = arith.muli %scan3A_232, %mul3A_420 : i32
        %add3A_422 = arith.addi %mul3A_421, %scan3A_246 : i32
        %swap3A_423 = arith.index_cast %add3A_422 : i32 to index
        %swap3A_424 = arith.constant 64 : index
        %swap3A_425 = tpu.vector_load %arg5[%swap3A_423, %swap3A_424] {strides = array<i32>} : memref<125x80xi32, #tpu.memory_space<vmem>>, vector<16xi32>,
        tpu.vector_store %arg5[%swap3A_423, %swap3A_424], %and3A_419 {strides = array<i32>} : memref<125x80xi32, #tpu.memory_space<vmem>>, vector<16xi32>,
        %and3A_426 = arith.constant 63 : i32
        %and3A_427 = vector.broadcast %and3A_426 : i32 to vector<16xi32>
        %and3A_428 = arith.andi %shift_right_logical3A_407, %and3A_427 : vector<16xi32>
        %add3A_429 = arith.constant 5000 : i32
        %add3A_430 = vector.broadcast %add3A_429 : i32 to vector<16xi32>
        %add3A_431 = arith.addi %add3A_430, %and3A_428 : vector<16xi32>
        %select_n3A_432 = arith.select %and3A_416, %sub3A_409, %add3A_431 : vector<16xi1>, vector<16xi32>
        %mul3A_433 = arith.constant 25 : i32
        %mul3A_434 = arith.muli %scan3A_232, %mul3A_433 : i32
        %add3A_435 = arith.addi %mul3A_434, %scan3A_246 : i32
        %swap3A_436 = arith.index_cast %add3A_435 : i32 to index
        %swap3A_437 = arith.constant 64 : index
        %swap3A_438 = tpu.vector_load %arg6[%swap3A_436, %swap3A_437] {strides = array<i32>} : memref<125x80xi32, #tpu.memory_space<vmem>>, vector<16xi32>,
        tpu.vector_store %arg6[%swap3A_436, %swap3A_437], %select_n3A_432 {strides = array<i32>} : memref<125x80xi32, #tpu.memory_space<vmem>>, vector<16xi32>,
      }
      %scan3A_245 = arith.constant 25 : i32
    }
    %scan3A_112 = arith.constant 5 : i32
    %dma_start3A_113 = arith.constant 0 : i32
    %dma_start3A_114 = arith.constant 0 : i32
    %dma_start3A_115 = arith.constant 0 : i32
    %dma_start3A_116 = arith.constant 0 : i32
    %dma_start3A_117 = tpu.memref_slice %arg8[%dma_start3A_114, %dma_start3A_115, %dma_start3A_116] : memref<4x80x128xf32, #tpu.memory_space<vmem>> -> memref<1x80x128xf32, #tpu.memory_space<vmem>>
    %dma_start3A_118 = tpu.memref_squeeze %dma_start3A_117 : memref<1x80x128xf32, #tpu.memory_space<vmem>> -> memref<80x128xf32, #tpu.memory_space<vmem>>
    %dma_start3A_119 = arith.constant 0 : i32
    %dma_start3A_120 = tpu.memref_slice %arg5[%dma_start3A_113, %dma_start3A_119] : memref<125x80xi32, #tpu.memory_space<vmem>> -> memref<1x80xi32, #tpu.memory_space<vmem>>
    %dma_start3A_121 = tpu.memref_squeeze %dma_start3A_120 : memref<1x80xi32, #tpu.memory_space<vmem>> -> memref<80xi32, #tpu.memory_space<vmem>>
    %dma_start3A_122 = arith.constant 0 : i32
    %dma_start3A_123 = arith.constant 0 : i32
    %dma_start3A_124 = tpu.memref_slice %arg2[%dma_start3A_122, %dma_start3A_123] : memref<20480x128xf32, #tpu.memory_space<hbm>> -> memref<20480x128xf32, #tpu.memory_space<hbm>>
    tpu.enqueue_indirect_dma source(%dma_start3A_124 : memref<20480x128xf32, #tpu.memory_space<hbm>>) target(%dma_start3A_118 : memref<80x128xf32, #tpu.memory_space<vmem>>) offsets(%dma_start3A_121 : memref<80xi32, #tpu.memory_space<vmem>>) semaphore(%arg10 : memref<!tpu.dma_semaphore, #tpu.memory_space<semaphore_mem>>)
    %dma_start3A_125 = arith.constant 1 : i32
    %dma_start3A_126 = arith.constant 1 : i32
    %dma_start3A_127 = arith.constant 0 : i32
    %dma_start3A_128 = arith.constant 0 : i32
    %dma_start3A_129 = tpu.memref_slice %arg8[%dma_start3A_126, %dma_start3A_127, %dma_start3A_128] : memref<4x80x128xf32, #tpu.memory_space<vmem>> -> memref<1x80x128xf32, #tpu.memory_space<vmem>>
    %dma_start3A_130 = tpu.memref_squeeze %dma_start3A_129 : memref<1x80x128xf32, #tpu.memory_space<vmem>> -> memref<80x128xf32, #tpu.memory_space<vmem>>
    %dma_start3A_131 = arith.constant 0 : i32
    %dma_start3A_132 = tpu.memref_slice %arg5[%dma_start3A_125, %dma_start3A_131] : memref<125x80xi32, #tpu.memory_space<vmem>> -> memref<1x80xi32, #tpu.memory_space<vmem>>
    %dma_start3A_133 = tpu.memref_squeeze %dma_start3A_132 : memref<1x80xi32, #tpu.memory_space<vmem>> -> memref<80xi32, #tpu.memory_space<vmem>>
    %dma_start3A_134 = arith.constant 0 : i32
    %dma_start3A_135 = arith.constant 0 : i32
    %dma_start3A_136 = tpu.memref_slice %arg2[%dma_start3A_134, %dma_start3A_135] : memref<20480x128xf32, #tpu.memory_space<hbm>> -> memref<20480x128xf32, #tpu.memory_space<hbm>>
    tpu.enqueue_indirect_dma source(%dma_start3A_136 : memref<20480x128xf32, #tpu.memory_space<hbm>>) target(%dma_start3A_130 : memref<80x128xf32, #tpu.memory_space<vmem>>) offsets(%dma_start3A_133 : memref<80xi32, #tpu.memory_space<vmem>>) semaphore(%arg10 : memref<!tpu.dma_semaphore, #tpu.memory_space<semaphore_mem>>)
    %scan3A_137 = arith.constant 0 : i32
    %scan3A_138 = arith.constant 0 : i32
    %scan3A_139 = arith.constant 31 : i32
    %scan3A_140 = arith.addi %scan3A_138, %scan3A_139 : i32
    %scan3A_141 = arith.constant 1 : i32
    scf.for %scan3A_232 = %scan3A_138 to %scan3A_140 step %scan3A_141  : i32 {
      %mul3A_233 = arith.constant 2 : i32
      %mul3A_234 = arith.muli %mul3A_233, %scan3A_232 : i32
      %mul3A_235 = arith.constant 2 : i32
      %mul3A_236 = arith.muli %mul3A_234, %mul3A_235 : i32
      %add3A_237 = arith.constant 0 : i32
      %add3A_238 = arith.addi %mul3A_236, %add3A_237 : i32
      %dma_wait3A_239 = arith.constant 0 : i32
      %dma_wait3A_240 = arith.constant 0 : i32
      %dma_wait3A_241 = arith.constant 0 : i32
      %dma_wait3A_242 = tpu.memref_slice %arg8[%dma_wait3A_239, %dma_wait3A_240, %dma_wait3A_241] : memref<4x80x128xf32, #tpu.memory_space<vmem>> -> memref<1x80x128xf32, #tpu.memory_space<vmem>>
      %dma_wait3A_243 = tpu.memref_squeeze %dma_wait3A_242 : memref<1x80x128xf32, #tpu.memory_space<vmem>> -> memref<80x128xf32, #tpu.memory_space<vmem>>
      %dma_wait3A_244 = arith.constant 0 : i32
      %dma_wait3A_245 = tpu.memref_slice %arg5[%add3A_238, %dma_wait3A_244] : memref<125x80xi32, #tpu.memory_space<vmem>> -> memref<1x80xi32, #tpu.memory_space<vmem>>
      %dma_wait3A_246 = tpu.memref_squeeze %dma_wait3A_245 : memref<1x80xi32, #tpu.memory_space<vmem>> -> memref<80xi32, #tpu.memory_space<vmem>>
      %dma_wait3A_247 = arith.constant 0 : i32
      %dma_wait3A_248 = arith.constant 0 : i32
      %dma_wait3A_249 = tpu.memref_slice %arg2[%dma_wait3A_247, %dma_wait3A_248] : memref<20480x128xf32, #tpu.memory_space<hbm>> -> memref<20480x128xf32, #tpu.memory_space<hbm>>
      tpu.wait_indirect_dma semaphore(%arg10 : memref<!tpu.dma_semaphore, #tpu.memory_space<semaphore_mem>>) src(%dma_wait3A_249 : memref<20480x128xf32, #tpu.memory_space<hbm>>) dst(%dma_wait3A_243 : memref<80x128xf32, #tpu.memory_space<vmem>>)
      %mul3A_250 = arith.constant 2 : i32
      %mul3A_251 = arith.muli %mul3A_234, %mul3A_250 : i32
      %add3A_252 = arith.constant 1 : i32
      %add3A_253 = arith.addi %mul3A_251, %add3A_252 : i32
      %dma_wait3A_254 = arith.constant 1 : i32
      %dma_wait3A_255 = arith.constant 0 : i32
      %dma_wait3A_256 = arith.constant 0 : i32
      %dma_wait3A_257 = tpu.memref_slice %arg8[%dma_wait3A_254, %dma_wait3A_255, %dma_wait3A_256] : memref<4x80x128xf32, #tpu.memory_space<vmem>> -> memref<1x80x128xf32, #tpu.memory_space<vmem>>
      %dma_wait3A_258 = tpu.memref_squeeze %dma_wait3A_257 : memref<1x80x128xf32, #tpu.memory_space<vmem>> -> memref<80x128xf32, #tpu.memory_space<vmem>>
      %dma_wait3A_259 = arith.constant 0 : i32
      %dma_wait3A_260 = tpu.memref_slice %arg5[%add3A_253, %dma_wait3A_259] : memref<125x80xi32, #tpu.memory_space<vmem>> -> memref<1x80xi32, #tpu.memory_space<vmem>>
      %dma_wait3A_261 = tpu.memref_squeeze %dma_wait3A_260 : memref<1x80xi32, #tpu.memory_space<vmem>> -> memref<80xi32, #tpu.memory_space<vmem>>
      %dma_wait3A_262 = arith.constant 0 : i32
      %dma_wait3A_263 = arith.constant 0 : i32
      %dma_wait3A_264 = tpu.memref_slice %arg2[%dma_wait3A_262, %dma_wait3A_263] : memref<20480x128xf32, #tpu.memory_space<hbm>> -> memref<20480x128xf32, #tpu.memory_space<hbm>>
      tpu.wait_indirect_dma semaphore(%arg10 : memref<!tpu.dma_semaphore, #tpu.memory_space<semaphore_mem>>) src(%dma_wait3A_264 : memref<20480x128xf32, #tpu.memory_space<hbm>>) dst(%dma_wait3A_258 : memref<80x128xf32, #tpu.memory_space<vmem>>)
      %add3A_265 = arith.constant 1 : i32
      %add3A_266 = arith.addi %mul3A_234, %add3A_265 : i32
      %mul3A_267 = arith.constant 2 : i32
      %mul3A_268 = arith.muli %add3A_266, %mul3A_267 : i32
      %add3A_269 = arith.constant 0 : i32
      %add3A_270 = arith.addi %mul3A_268, %add3A_269 : i32
      %dma_start3A_271 = arith.constant 2 : i32
      %dma_start3A_272 = arith.constant 0 : i32
      %dma_start3A_273 = arith.constant 0 : i32
      %dma_start3A_274 = tpu.memref_slice %arg8[%dma_start3A_271, %dma_start3A_272, %dma_start3A_273] : memref<4x80x128xf32, #tpu.memory_space<vmem>> -> memref<1x80x128xf32, #tpu.memory_space<vmem>>
      %dma_start3A_275 = tpu.memref_squeeze %dma_start3A_274 : memref<1x80x128xf32, #tpu.memory_space<vmem>> -> memref<80x128xf32, #tpu.memory_space<vmem>>
      %dma_start3A_276 = arith.constant 0 : i32
      %dma_start3A_277 = tpu.memref_slice %arg5[%add3A_270, %dma_start3A_276] : memref<125x80xi32, #tpu.memory_space<vmem>> -> memref<1x80xi32, #tpu.memory_space<vmem>>
      %dma_start3A_278 = tpu.memref_squeeze %dma_start3A_277 : memref<1x80xi32, #tpu.memory_space<vmem>> -> memref<80xi32, #tpu.memory_space<vmem>>
      %dma_start3A_279 = arith.constant 0 : i32
      %dma_start3A_280 = arith.constant 0 : i32
      %dma_start3A_281 = tpu.memref_slice %arg2[%dma_start3A_279, %dma_start3A_280] : memref<20480x128xf32, #tpu.memory_space<hbm>> -> memref<20480x128xf32, #tpu.memory_space<hbm>>
      tpu.enqueue_indirect_dma source(%dma_start3A_281 : memref<20480x128xf32, #tpu.memory_space<hbm>>) target(%dma_start3A_275 : memref<80x128xf32, #tpu.memory_space<vmem>>) offsets(%dma_start3A_278 : memref<80xi32, #tpu.memory_space<vmem>>) semaphore(%arg10 : memref<!tpu.dma_semaphore, #tpu.memory_space<semaphore_mem>>)
      %mul3A_282 = arith.constant 2 : i32
      %mul3A_283 = arith.muli %add3A_266, %mul3A_282 : i32
      %add3A_284 = arith.constant 1 : i32
      %add3A_285 = arith.addi %mul3A_283, %add3A_284 : i32
      %dma_start3A_286 = arith.constant 3 : i32
      %dma_start3A_287 = arith.constant 0 : i32
      %dma_start3A_288 = arith.constant 0 : i32
      %dma_start3A_289 = tpu.memref_slice %arg8[%dma_start3A_286, %dma_start3A_287, %dma_start3A_288] : memref<4x80x128xf32, #tpu.memory_space<vmem>> -> memref<1x80x128xf32, #tpu.memory_space<vmem>>
      %dma_start3A_290 = tpu.memref_squeeze %dma_start3A_289 : memref<1x80x128xf32, #tpu.memory_space<vmem>> -> memref<80x128xf32, #tpu.memory_space<vmem>>
      %dma_start3A_291 = arith.constant 0 : i32
      %dma_start3A_292 = tpu.memref_slice %arg5[%add3A_285, %dma_start3A_291] : memref<125x80xi32, #tpu.memory_space<vmem>> -> memref<1x80xi32, #tpu.memory_space<vmem>>
      %dma_start3A_293 = tpu.memref_squeeze %dma_start3A_292 : memref<1x80xi32, #tpu.memory_space<vmem>> -> memref<80xi32, #tpu.memory_space<vmem>>
      %dma_start3A_294 = arith.constant 0 : i32
      %dma_start3A_295 = arith.constant 0 : i32
      %dma_start3A_296 = tpu.memref_slice %arg2[%dma_start3A_294, %dma_start3A_295] : memref<20480x128xf32, #tpu.memory_space<hbm>> -> memref<20480x128xf32, #tpu.memory_space<hbm>>
      tpu.enqueue_indirect_dma source(%dma_start3A_296 : memref<20480x128xf32, #tpu.memory_space<hbm>>) target(%dma_start3A_290 : memref<80x128xf32, #tpu.memory_space<vmem>>) offsets(%dma_start3A_293 : memref<80xi32, #tpu.memory_space<vmem>>) semaphore(%arg10 : memref<!tpu.dma_semaphore, #tpu.memory_space<semaphore_mem>>)
      %mul3A_297 = arith.constant 2 : i32
      %mul3A_298 = arith.muli %mul3A_234, %mul3A_297 : i32
      %add3A_299 = arith.constant 0 : i32
      %add3A_300 = arith.addi %mul3A_298, %add3A_299 : i32
      %dma_start3A_301 = arith.constant 0 : i32
      %dma_start3A_302 = arith.constant 0 : i32
      %dma_start3A_303 = arith.constant 0 : i32
      %dma_start3A_304 = tpu.memref_slice %arg8[%dma_start3A_301, %dma_start3A_302, %dma_start3A_303] : memref<4x80x128xf32, #tpu.memory_space<vmem>> -> memref<1x80x128xf32, #tpu.memory_space<vmem>>
      %dma_start3A_305 = tpu.memref_squeeze %dma_start3A_304 : memref<1x80x128xf32, #tpu.memory_space<vmem>> -> memref<80x128xf32, #tpu.memory_space<vmem>>
      %dma_start3A_306 = arith.constant 0 : i32
      %dma_start3A_307 = tpu.memref_slice %arg6[%add3A_300, %dma_start3A_306] : memref<125x80xi32, #tpu.memory_space<vmem>> -> memref<1x80xi32, #tpu.memory_space<vmem>>
      %dma_start3A_308 = tpu.memref_squeeze %dma_start3A_307 : memref<1x80xi32, #tpu.memory_space<vmem>> -> memref<80xi32, #tpu.memory_space<vmem>>
      %dma_start3A_309 = arith.constant 0 : i32
      %dma_start3A_310 = arith.constant 0 : i32
      %dma_start3A_311 = tpu.memref_slice %arg9[%dma_start3A_309, %dma_start3A_310] : memref<5120x128xf32, #tpu.memory_space<vmem_shared>> -> memref<5120x128xf32, #tpu.memory_space<vmem_shared>>
      tpu.enqueue_indirect_dma source(%dma_start3A_305 : memref<80x128xf32, #tpu.memory_space<vmem>>) target(%dma_start3A_311 : memref<5120x128xf32, #tpu.memory_space<vmem_shared>>) offsets(%dma_start3A_308 : memref<80xi32, #tpu.memory_space<vmem>>) semaphore(%arg11 : memref<!tpu.dma_semaphore, #tpu.memory_space<semaphore_mem>>) {add = true}
      %mul3A_312 = arith.constant 2 : i32
      %mul3A_313 = arith.muli %mul3A_234, %mul3A_312 : i32
      %add3A_314 = arith.constant 1 : i32
      %add3A_315 = arith.addi %mul3A_313, %add3A_314 : i32
      %dma_start3A_316 = arith.constant 1 : i32
      %dma_start3A_317 = arith.constant 0 : i32
      %dma_start3A_318 = arith.constant 0 : i32
      %dma_start3A_319 = tpu.memref_slice %arg8[%dma_start3A_316, %dma_start3A_317, %dma_start3A_318] : memref<4x80x128xf32, #tpu.memory_space<vmem>> -> memref<1x80x128xf32, #tpu.memory_space<vmem>>
      %dma_start3A_320 = tpu.memref_squeeze %dma_start3A_319 : memref<1x80x128xf32, #tpu.memory_space<vmem>> -> memref<80x128xf32, #tpu.memory_space<vmem>>
      %dma_start3A_321 = arith.constant 0 : i32
      %dma_start3A_322 = tpu.memref_slice %arg6[%add3A_315, %dma_start3A_321] : memref<125x80xi32, #tpu.memory_space<vmem>> -> memref<1x80xi32, #tpu.memory_space<vmem>>
      %dma_start3A_323 = tpu.memref_squeeze %dma_start3A_322 : memref<1x80xi32, #tpu.memory_space<vmem>> -> memref<80xi32, #tpu.memory_space<vmem>>
      %dma_start3A_324 = arith.constant 0 : i32
      %dma_start3A_325 = arith.constant 0 : i32
      %dma_start3A_326 = tpu.memref_slice %arg9[%dma_start3A_324, %dma_start3A_325] : memref<5120x128xf32, #tpu.memory_space<vmem_shared>> -> memref<5120x128xf32, #tpu.memory_space<vmem_shared>>
      tpu.enqueue_indirect_dma source(%dma_start3A_320 : memref<80x128xf32, #tpu.memory_space<vmem>>) target(%dma_start3A_326 : memref<5120x128xf32, #tpu.memory_space<vmem_shared>>) offsets(%dma_start3A_323 : memref<80xi32, #tpu.memory_space<vmem>>) semaphore(%arg11 : memref<!tpu.dma_semaphore, #tpu.memory_space<semaphore_mem>>) {add = true}
      %mul3A_327 = arith.constant 2 : i32
      %mul3A_328 = arith.muli %mul3A_234, %mul3A_327 : i32
      %add3A_329 = arith.constant 0 : i32
      %add3A_330 = arith.addi %mul3A_328, %add3A_329 : i32
      %dma_wait3A_331 = arith.constant 0 : i32
      %dma_wait3A_332 = arith.constant 0 : i32
      %dma_wait3A_333 = arith.constant 0 : i32
      %dma_wait3A_334 = tpu.memref_slice %arg8[%dma_wait3A_331, %dma_wait3A_332, %dma_wait3A_333] : memref<4x80x128xf32, #tpu.memory_space<vmem>> -> memref<1x80x128xf32, #tpu.memory_space<vmem>>
      %dma_wait3A_335 = tpu.memref_squeeze %dma_wait3A_334 : memref<1x80x128xf32, #tpu.memory_space<vmem>> -> memref<80x128xf32, #tpu.memory_space<vmem>>
      %dma_wait3A_336 = arith.constant 0 : i32
      %dma_wait3A_337 = tpu.memref_slice %arg6[%add3A_330, %dma_wait3A_336] : memref<125x80xi32, #tpu.memory_space<vmem>> -> memref<1x80xi32, #tpu.memory_space<vmem>>
      %dma_wait3A_338 = tpu.memref_squeeze %dma_wait3A_337 : memref<1x80xi32, #tpu.memory_space<vmem>> -> memref<80xi32, #tpu.memory_space<vmem>>
      %dma_wait3A_339 = arith.constant 0 : i32
      %dma_wait3A_340 = arith.constant 0 : i32
      %dma_wait3A_341 = tpu.memref_slice %arg9[%dma_wait3A_339, %dma_wait3A_340] : memref<5120x128xf32, #tpu.memory_space<vmem_shared>> -> memref<5120x128xf32, #tpu.memory_space<vmem_shared>>
      tpu.wait_indirect_dma semaphore(%arg11 : memref<!tpu.dma_semaphore, #tpu.memory_space<semaphore_mem>>) src(%dma_wait3A_335 : memref<80x128xf32, #tpu.memory_space<vmem>>) dst(%dma_wait3A_341 : memref<5120x128xf32, #tpu.memory_space<vmem_shared>>)
      %mul3A_342 = arith.constant 2 : i32
      %mul3A_343 = arith.muli %mul3A_234, %mul3A_342 : i32
      %add3A_344 = arith.constant 1 : i32
      %add3A_345 = arith.addi %mul3A_343, %add3A_344 : i32
      %dma_wait3A_346 = arith.constant 1 : i32
      %dma_wait3A_347 = arith.constant 0 : i32
      %dma_wait3A_348 = arith.constant 0 : i32
      %dma_wait3A_349 = tpu.memref_slice %arg8[%dma_wait3A_346, %dma_wait3A_347, %dma_wait3A_348] : memref<4x80x128xf32, #tpu.memory_space<vmem>> -> memref<1x80x128xf32, #tpu.memory_space<vmem>>
      %dma_wait3A_350 = tpu.memref_squeeze %dma_wait3A_349 : memref<1x80x128xf32, #tpu.memory_space<vmem>> -> memref<80x128xf32, #tpu.memory_space<vmem>>
      %dma_wait3A_351 = arith.constant 0 : i32
      %dma_wait3A_352 = tpu.memref_slice %arg6[%add3A_345, %dma_wait3A_351] : memref<125x80xi32, #tpu.memory_space<vmem>> -> memref<1x80xi32, #tpu.memory_space<vmem>>
      %dma_wait3A_353 = tpu.memref_squeeze %dma_wait3A_352 : memref<1x80xi32, #tpu.memory_space<vmem>> -> memref<80xi32, #tpu.memory_space<vmem>>
      %dma_wait3A_354 = arith.constant 0 : i32
      %dma_wait3A_355 = arith.constant 0 : i32
      %dma_wait3A_356 = tpu.memref_slice %arg9[%dma_wait3A_354, %dma_wait3A_355] : memref<5120x128xf32, #tpu.memory_space<vmem_shared>> -> memref<5120x128xf32, #tpu.memory_space<vmem_shared>>
      tpu.wait_indirect_dma semaphore(%arg11 : memref<!tpu.dma_semaphore, #tpu.memory_space<semaphore_mem>>) src(%dma_wait3A_350 : memref<80x128xf32, #tpu.memory_space<vmem>>) dst(%dma_wait3A_356 : memref<5120x128xf32, #tpu.memory_space<vmem_shared>>)
      %add3A_357 = arith.constant 1 : i32
      %add3A_358 = arith.addi %mul3A_234, %add3A_357 : i32
      %mul3A_359 = arith.constant 2 : i32
      %mul3A_360 = arith.muli %add3A_358, %mul3A_359 : i32
      %add3A_361 = arith.constant 0 : i32
      %add3A_362 = arith.addi %mul3A_360, %add3A_361 : i32
      %dma_wait3A_363 = arith.constant 2 : i32
      %dma_wait3A_364 = arith.constant 0 : i32
      %dma_wait3A_365 = arith.constant 0 : i32
      %dma_wait3A_366 = tpu.memref_slice %arg8[%dma_wait3A_363, %dma_wait3A_364, %dma_wait3A_365] : memref<4x80x128xf32, #tpu.memory_space<vmem>> -> memref<1x80x128xf32, #tpu.memory_space<vmem>>
      %dma_wait3A_367 = tpu.memref_squeeze %dma_wait3A_366 : memref<1x80x128xf32, #tpu.memory_space<vmem>> -> memref<80x128xf32, #tpu.memory_space<vmem>>
      %dma_wait3A_368 = arith.constant 0 : i32
      %dma_wait3A_369 = tpu.memref_slice %arg5[%add3A_362, %dma_wait3A_368] : memref<125x80xi32, #tpu.memory_space<vmem>> -> memref<1x80xi32, #tpu.memory_space<vmem>>
      %dma_wait3A_370 = tpu.memref_squeeze %dma_wait3A_369 : memref<1x80xi32, #tpu.memory_space<vmem>> -> memref<80xi32, #tpu.memory_space<vmem>>
      %dma_wait3A_371 = arith.constant 0 : i32
      %dma_wait3A_372 = arith.constant 0 : i32
      %dma_wait3A_373 = tpu.memref_slice %arg2[%dma_wait3A_371, %dma_wait3A_372] : memref<20480x128xf32, #tpu.memory_space<hbm>> -> memref<20480x128xf32, #tpu.memory_space<hbm>>
      tpu.wait_indirect_dma semaphore(%arg10 : memref<!tpu.dma_semaphore, #tpu.memory_space<semaphore_mem>>) src(%dma_wait3A_373 : memref<20480x128xf32, #tpu.memory_space<hbm>>) dst(%dma_wait3A_367 : memref<80x128xf32, #tpu.memory_space<vmem>>)
      %mul3A_374 = arith.constant 2 : i32
      %mul3A_375 = arith.muli %add3A_358, %mul3A_374 : i32
      %add3A_376 = arith.constant 1 : i32
      %add3A_377 = arith.addi %mul3A_375, %add3A_376 : i32
      %dma_wait3A_378 = arith.constant 3 : i32
      %dma_wait3A_379 = arith.constant 0 : i32
      %dma_wait3A_380 = arith.constant 0 : i32
      %dma_wait3A_381 = tpu.memref_slice %arg8[%dma_wait3A_378, %dma_wait3A_379, %dma_wait3A_380] : memref<4x80x128xf32, #tpu.memory_space<vmem>> -> memref<1x80x128xf32, #tpu.memory_space<vmem>>
      %dma_wait3A_382 = tpu.memref_squeeze %dma_wait3A_381 : memref<1x80x128xf32, #tpu.memory_space<vmem>> -> memref<80x128xf32, #tpu.memory_space<vmem>>
      %dma_wait3A_383 = arith.constant 0 : i32
      %dma_wait3A_384 = tpu.memref_slice %arg5[%add3A_377, %dma_wait3A_383] : memref<125x80xi32, #tpu.memory_space<vmem>> -> memref<1x80xi32, #tpu.memory_space<vmem>>
      %dma_wait3A_385 = tpu.memref_squeeze %dma_wait3A_384 : memref<1x80xi32, #tpu.memory_space<vmem>> -> memref<80xi32, #tpu.memory_space<vmem>>
      %dma_wait3A_386 = arith.constant 0 : i32
      %dma_wait3A_387 = arith.constant 0 : i32
      %dma_wait3A_388 = tpu.memref_slice %arg2[%dma_wait3A_386, %dma_wait3A_387] : memref<20480x128xf32, #tpu.memory_space<hbm>> -> memref<20480x128xf32, #tpu.memory_space<hbm>>
      tpu.wait_indirect_dma semaphore(%arg10 : memref<!tpu.dma_semaphore, #tpu.memory_space<semaphore_mem>>) src(%dma_wait3A_388 : memref<20480x128xf32, #tpu.memory_space<hbm>>) dst(%dma_wait3A_382 : memref<80x128xf32, #tpu.memory_space<vmem>>)
      %lt3A = arith.constant 30 : i32
      %lt3A_389 = arith.cmpi slt, %scan3A_232, %lt3A : i32
      %convert_element_type3A = arith.extui %lt3A_389 : i1 to i32
      %cond3A = arith.constant 0 : i32
      %cond3A_390 = arith.cmpi ne, %convert_element_type3A, %cond3A : i32
      scf.if %cond3A_390 {
        %add3A_455 = arith.constant 2 : i32
        %add3A_456 = arith.addi %mul3A_234, %add3A_455 : i32
        %mul3A_457 = arith.constant 2 : i32
        %mul3A_458 = arith.muli %add3A_456, %mul3A_457 : i32
        %add3A_459 = arith.constant 0 : i32
        %add3A_460 = arith.addi %mul3A_458, %add3A_459 : i32
        %dma_start3A_461 = arith.constant 0 : i32
        %dma_start3A_462 = arith.constant 0 : i32
        %dma_start3A_463 = arith.constant 0 : i32
        %dma_start3A_464 = tpu.memref_slice %arg8[%dma_start3A_461, %dma_start3A_462, %dma_start3A_463] : memref<4x80x128xf32, #tpu.memory_space<vmem>> -> memref<1x80x128xf32, #tpu.memory_space<vmem>>
        %dma_start3A_465 = tpu.memref_squeeze %dma_start3A_464 : memref<1x80x128xf32, #tpu.memory_space<vmem>> -> memref<80x128xf32, #tpu.memory_space<vmem>>
        %dma_start3A_466 = arith.constant 0 : i32
        %dma_start3A_467 = tpu.memref_slice %arg5[%add3A_460, %dma_start3A_466] : memref<125x80xi32, #tpu.memory_space<vmem>> -> memref<1x80xi32, #tpu.memory_space<vmem>>
        %dma_start3A_468 = tpu.memref_squeeze %dma_start3A_467 : memref<1x80xi32, #tpu.memory_space<vmem>> -> memref<80xi32, #tpu.memory_space<vmem>>
        %dma_start3A_469 = arith.constant 0 : i32
        %dma_start3A_470 = arith.constant 0 : i32
        %dma_start3A_471 = tpu.memref_slice %arg2[%dma_start3A_469, %dma_start3A_470] : memref<20480x128xf32, #tpu.memory_space<hbm>> -> memref<20480x128xf32, #tpu.memory_space<hbm>>
        tpu.enqueue_indirect_dma source(%dma_start3A_471 : memref<20480x128xf32, #tpu.memory_space<hbm>>) target(%dma_start3A_465 : memref<80x128xf32, #tpu.memory_space<vmem>>) offsets(%dma_start3A_468 : memref<80xi32, #tpu.memory_space<vmem>>) semaphore(%arg10 : memref<!tpu.dma_semaphore, #tpu.memory_space<semaphore_mem>>)
        %mul3A_472 = arith.constant 2 : i32
        %mul3A_473 = arith.muli %add3A_456, %mul3A_472 : i32
        %add3A_474 = arith.constant 1 : i32
        %add3A_475 = arith.addi %mul3A_473, %add3A_474 : i32
        %dma_start3A_476 = arith.constant 1 : i32
        %dma_start3A_477 = arith.constant 0 : i32
        %dma_start3A_478 = arith.constant 0 : i32
        %dma_start3A_479 = tpu.memref_slice %arg8[%dma_start3A_476, %dma_start3A_477, %dma_start3A_478] : memref<4x80x128xf32, #tpu.memory_space<vmem>> -> memref<1x80x128xf32, #tpu.memory_space<vmem>>
        %dma_start3A_480 = tpu.memref_squeeze %dma_start3A_479 : memref<1x80x128xf32, #tpu.memory_space<vmem>> -> memref<80x128xf32, #tpu.memory_space<vmem>>
        %dma_start3A_481 = arith.constant 0 : i32
        %dma_start3A_482 = tpu.memref_slice %arg5[%add3A_475, %dma_start3A_481] : memref<125x80xi32, #tpu.memory_space<vmem>> -> memref<1x80xi32, #tpu.memory_space<vmem>>
        %dma_start3A_483 = tpu.memref_squeeze %dma_start3A_482 : memref<1x80xi32, #tpu.memory_space<vmem>> -> memref<80xi32, #tpu.memory_space<vmem>>
        %dma_start3A_484 = arith.constant 0 : i32
        %dma_start3A_485 = arith.constant 0 : i32
        %dma_start3A_486 = tpu.memref_slice %arg2[%dma_start3A_484, %dma_start3A_485] : memref<20480x128xf32, #tpu.memory_space<hbm>> -> memref<20480x128xf32, #tpu.memory_space<hbm>>
        tpu.enqueue_indirect_dma source(%dma_start3A_486 : memref<20480x128xf32, #tpu.memory_space<hbm>>) target(%dma_start3A_480 : memref<80x128xf32, #tpu.memory_space<vmem>>) offsets(%dma_start3A_483 : memref<80xi32, #tpu.memory_space<vmem>>) semaphore(%arg10 : memref<!tpu.dma_semaphore, #tpu.memory_space<semaphore_mem>>)
      } else {
      }
      %add3A_391 = arith.constant 1 : i32
      %add3A_392 = arith.addi %mul3A_234, %add3A_391 : i32
      %mul3A_393 = arith.constant 2 : i32
      %mul3A_394 = arith.muli %add3A_392, %mul3A_393 : i32
      %add3A_395 = arith.constant 0 : i32
      %add3A_396 = arith.addi %mul3A_394, %add3A_395 : i32
      %dma_start3A_397 = arith.constant 2 : i32
      %dma_start3A_398 = arith.constant 0 : i32
      %dma_start3A_399 = arith.constant 0 : i32
      %dma_start3A_400 = tpu.memref_slice %arg8[%dma_start3A_397, %dma_start3A_398, %dma_start3A_399] : memref<4x80x128xf32, #tpu.memory_space<vmem>> -> memref<1x80x128xf32, #tpu.memory_space<vmem>>
      %dma_start3A_401 = tpu.memref_squeeze %dma_start3A_400 : memref<1x80x128xf32, #tpu.memory_space<vmem>> -> memref<80x128xf32, #tpu.memory_space<vmem>>
      %dma_start3A_402 = arith.constant 0 : i32
      %dma_start3A_403 = tpu.memref_slice %arg6[%add3A_396, %dma_start3A_402] : memref<125x80xi32, #tpu.memory_space<vmem>> -> memref<1x80xi32, #tpu.memory_space<vmem>>
      %dma_start3A_404 = tpu.memref_squeeze %dma_start3A_403 : memref<1x80xi32, #tpu.memory_space<vmem>> -> memref<80xi32, #tpu.memory_space<vmem>>
      %dma_start3A_405 = arith.constant 0 : i32
      %dma_start3A_406 = arith.constant 0 : i32
      %dma_start3A_407 = tpu.memref_slice %arg9[%dma_start3A_405, %dma_start3A_406] : memref<5120x128xf32, #tpu.memory_space<vmem_shared>> -> memref<5120x128xf32, #tpu.memory_space<vmem_shared>>
      tpu.enqueue_indirect_dma source(%dma_start3A_401 : memref<80x128xf32, #tpu.memory_space<vmem>>) target(%dma_start3A_407 : memref<5120x128xf32, #tpu.memory_space<vmem_shared>>) offsets(%dma_start3A_404 : memref<80xi32, #tpu.memory_space<vmem>>) semaphore(%arg11 : memref<!tpu.dma_semaphore, #tpu.memory_space<semaphore_mem>>) {add = true}
      %mul3A_408 = arith.constant 2 : i32
      %mul3A_409 = arith.muli %add3A_392, %mul3A_408 : i32
      %add3A_410 = arith.constant 1 : i32
      %add3A_411 = arith.addi %mul3A_409, %add3A_410 : i32
      %dma_start3A_412 = arith.constant 3 : i32
      %dma_start3A_413 = arith.constant 0 : i32
      %dma_start3A_414 = arith.constant 0 : i32
      %dma_start3A_415 = tpu.memref_slice %arg8[%dma_start3A_412, %dma_start3A_413, %dma_start3A_414] : memref<4x80x128xf32, #tpu.memory_space<vmem>> -> memref<1x80x128xf32, #tpu.memory_space<vmem>>
      %dma_start3A_416 = tpu.memref_squeeze %dma_start3A_415 : memref<1x80x128xf32, #tpu.memory_space<vmem>> -> memref<80x128xf32, #tpu.memory_space<vmem>>
      %dma_start3A_417 = arith.constant 0 : i32
      %dma_start3A_418 = tpu.memref_slice %arg6[%add3A_411, %dma_start3A_417] : memref<125x80xi32, #tpu.memory_space<vmem>> -> memref<1x80xi32, #tpu.memory_space<vmem>>
      %dma_start3A_419 = tpu.memref_squeeze %dma_start3A_418 : memref<1x80xi32, #tpu.memory_space<vmem>> -> memref<80xi32, #tpu.memory_space<vmem>>
      %dma_start3A_420 = arith.constant 0 : i32
      %dma_start3A_421 = arith.constant 0 : i32
      %dma_start3A_422 = tpu.memref_slice %arg9[%dma_start3A_420, %dma_start3A_421] : memref<5120x128xf32, #tpu.memory_space<vmem_shared>> -> memref<5120x128xf32, #tpu.memory_space<vmem_shared>>
      tpu.enqueue_indirect_dma source(%dma_start3A_416 : memref<80x128xf32, #tpu.memory_space<vmem>>) target(%dma_start3A_422 : memref<5120x128xf32, #tpu.memory_space<vmem_shared>>) offsets(%dma_start3A_419 : memref<80xi32, #tpu.memory_space<vmem>>) semaphore(%arg11 : memref<!tpu.dma_semaphore, #tpu.memory_space<semaphore_mem>>) {add = true}
      %add3A_423 = arith.constant 1 : i32
      %add3A_424 = arith.addi %mul3A_234, %add3A_423 : i32
      %mul3A_425 = arith.constant 2 : i32
      %mul3A_426 = arith.muli %add3A_424, %mul3A_425 : i32
      %add3A_427 = arith.constant 0 : i32
      %add3A_428 = arith.addi %mul3A_426, %add3A_427 : i32
      %dma_wait3A_429 = arith.constant 2 : i32
      %dma_wait3A_430 = arith.constant 0 : i32
      %dma_wait3A_431 = arith.constant 0 : i32
      %dma_wait3A_432 = tpu.memref_slice %arg8[%dma_wait3A_429, %dma_wait3A_430, %dma_wait3A_431] : memref<4x80x128xf32, #tpu.memory_space<vmem>> -> memref<1x80x128xf32, #tpu.memory_space<vmem>>
      %dma_wait3A_433 = tpu.memref_squeeze %dma_wait3A_432 : memref<1x80x128xf32, #tpu.memory_space<vmem>> -> memref<80x128xf32, #tpu.memory_space<vmem>>
      %dma_wait3A_434 = arith.constant 0 : i32
      %dma_wait3A_435 = tpu.memref_slice %arg6[%add3A_428, %dma_wait3A_434] : memref<125x80xi32, #tpu.memory_space<vmem>> -> memref<1x80xi32, #tpu.memory_space<vmem>>
      %dma_wait3A_436 = tpu.memref_squeeze %dma_wait3A_435 : memref<1x80xi32, #tpu.memory_space<vmem>> -> memref<80xi32, #tpu.memory_space<vmem>>
      %dma_wait3A_437 = arith.constant 0 : i32
      %dma_wait3A_438 = arith.constant 0 : i32
      %dma_wait3A_439 = tpu.memref_slice %arg9[%dma_wait3A_437, %dma_wait3A_438] : memref<5120x128xf32, #tpu.memory_space<vmem_shared>> -> memref<5120x128xf32, #tpu.memory_space<vmem_shared>>
      tpu.wait_indirect_dma semaphore(%arg11 : memref<!tpu.dma_semaphore, #tpu.memory_space<semaphore_mem>>) src(%dma_wait3A_433 : memref<80x128xf32, #tpu.memory_space<vmem>>) dst(%dma_wait3A_439 : memref<5120x128xf32, #tpu.memory_space<vmem_shared>>)
      %mul3A_440 = arith.constant 2 : i32
      %mul3A_441 = arith.muli %add3A_424, %mul3A_440 : i32
      %add3A_442 = arith.constant 1 : i32
      %add3A_443 = arith.addi %mul3A_441, %add3A_442 : i32
      %dma_wait3A_444 = arith.constant 3 : i32
      %dma_wait3A_445 = arith.constant 0 : i32
      %dma_wait3A_446 = arith.constant 0 : i32
      %dma_wait3A_447 = tpu.memref_slice %arg8[%dma_wait3A_444, %dma_wait3A_445, %dma_wait3A_446] : memref<4x80x128xf32, #tpu.memory_space<vmem>> -> memref<1x80x128xf32, #tpu.memory_space<vmem>>
      %dma_wait3A_448 = tpu.memref_squeeze %dma_wait3A_447 : memref<1x80x128xf32, #tpu.memory_space<vmem>> -> memref<80x128xf32, #tpu.memory_space<vmem>>
      %dma_wait3A_449 = arith.constant 0 : i32
      %dma_wait3A_450 = tpu.memref_slice %arg6[%add3A_443, %dma_wait3A_449] : memref<125x80xi32, #tpu.memory_space<vmem>> -> memref<1x80xi32, #tpu.memory_space<vmem>>
      %dma_wait3A_451 = tpu.memref_squeeze %dma_wait3A_450 : memref<1x80xi32, #tpu.memory_space<vmem>> -> memref<80xi32, #tpu.memory_space<vmem>>
      %dma_wait3A_452 = arith.constant 0 : i32
      %dma_wait3A_453 = arith.constant 0 : i32
      %dma_wait3A_454 = tpu.memref_slice %arg9[%dma_wait3A_452, %dma_wait3A_453] : memref<5120x128xf32, #tpu.memory_space<vmem_shared>> -> memref<5120x128xf32, #tpu.memory_space<vmem_shared>>
      tpu.wait_indirect_dma semaphore(%arg11 : memref<!tpu.dma_semaphore, #tpu.memory_space<semaphore_mem>>) src(%dma_wait3A_448 : memref<80x128xf32, #tpu.memory_space<vmem>>) dst(%dma_wait3A_454 : memref<5120x128xf32, #tpu.memory_space<vmem_shared>>)
    }
    %scan3A_142 = arith.constant 31 : i32
    %dma_start3A_143 = arith.constant 124 : i32
    %dma_start3A_144 = arith.constant 0 : i32
    %dma_start3A_145 = arith.constant 0 : i32
    %dma_start3A_146 = arith.constant 0 : i32
    %dma_start3A_147 = tpu.memref_slice %arg8[%dma_start3A_144, %dma_start3A_145, %dma_start3A_146] : memref<4x80x128xf32, #tpu.memory_space<vmem>> -> memref<1x80x128xf32, #tpu.memory_space<vmem>>
    %dma_start3A_148 = tpu.memref_squeeze %dma_start3A_147 : memref<1x80x128xf32, #tpu.memory_space<vmem>> -> memref<80x128xf32, #tpu.memory_space<vmem>>
    %dma_start3A_149 = arith.constant 0 : i32
    %dma_start3A_150 = tpu.memref_slice %arg5[%dma_start3A_143, %dma_start3A_149] : memref<125x80xi32, #tpu.memory_space<vmem>> -> memref<1x80xi32, #tpu.memory_space<vmem>>
    %dma_start3A_151 = tpu.memref_squeeze %dma_start3A_150 : memref<1x80xi32, #tpu.memory_space<vmem>> -> memref<80xi32, #tpu.memory_space<vmem>>
    %dma_start3A_152 = arith.constant 0 : i32
    %dma_start3A_153 = arith.constant 0 : i32
    %dma_start3A_154 = tpu.memref_slice %arg2[%dma_start3A_152, %dma_start3A_153] : memref<20480x128xf32, #tpu.memory_space<hbm>> -> memref<20480x128xf32, #tpu.memory_space<hbm>>
    tpu.enqueue_indirect_dma source(%dma_start3A_154 : memref<20480x128xf32, #tpu.memory_space<hbm>>) target(%dma_start3A_148 : memref<80x128xf32, #tpu.memory_space<vmem>>) offsets(%dma_start3A_151 : memref<80xi32, #tpu.memory_space<vmem>>) semaphore(%arg10 : memref<!tpu.dma_semaphore, #tpu.memory_space<semaphore_mem>>)
    %dma_wait3A_155 = arith.constant 124 : i32
    %dma_wait3A_156 = arith.constant 0 : i32
    %dma_wait3A_157 = arith.constant 0 : i32
    %dma_wait3A_158 = arith.constant 0 : i32
    %dma_wait3A_159 = tpu.memref_slice %arg8[%dma_wait3A_156, %dma_wait3A_157, %dma_wait3A_158] : memref<4x80x128xf32, #tpu.memory_space<vmem>> -> memref<1x80x128xf32, #tpu.memory_space<vmem>>
    %dma_wait3A_160 = tpu.memref_squeeze %dma_wait3A_159 : memref<1x80x128xf32, #tpu.memory_space<vmem>> -> memref<80x128xf32, #tpu.memory_space<vmem>>
    %dma_wait3A_161 = arith.constant 0 : i32
    %dma_wait3A_162 = tpu.memref_slice %arg5[%dma_wait3A_155, %dma_wait3A_161] : memref<125x80xi32, #tpu.memory_space<vmem>> -> memref<1x80xi32, #tpu.memory_space<vmem>>
    %dma_wait3A_163 = tpu.memref_squeeze %dma_wait3A_162 : memref<1x80xi32, #tpu.memory_space<vmem>> -> memref<80xi32, #tpu.memory_space<vmem>>
    %dma_wait3A_164 = arith.constant 0 : i32
    %dma_wait3A_165 = arith.constant 0 : i32
    %dma_wait3A_166 = tpu.memref_slice %arg2[%dma_wait3A_164, %dma_wait3A_165] : memref<20480x128xf32, #tpu.memory_space<hbm>> -> memref<20480x128xf32, #tpu.memory_space<hbm>>
    tpu.wait_indirect_dma semaphore(%arg10 : memref<!tpu.dma_semaphore, #tpu.memory_space<semaphore_mem>>) src(%dma_wait3A_166 : memref<20480x128xf32, #tpu.memory_space<hbm>>) dst(%dma_wait3A_160 : memref<80x128xf32, #tpu.memory_space<vmem>>)
    %dma_start3A_167 = arith.constant 0 : i32
    %dma_start3A_168 = arith.constant 124 : i32
    %dma_start3A_169 = arith.constant 0 : i32
    %dma_start3A_170 = arith.constant 0 : i32
    %dma_start3A_171 = tpu.memref_slice %arg8[%dma_start3A_167, %dma_start3A_169, %dma_start3A_170] : memref<4x80x128xf32, #tpu.memory_space<vmem>> -> memref<1x80x128xf32, #tpu.memory_space<vmem>>
    %dma_start3A_172 = tpu.memref_squeeze %dma_start3A_171 : memref<1x80x128xf32, #tpu.memory_space<vmem>> -> memref<80x128xf32, #tpu.memory_space<vmem>>
    %dma_start3A_173 = arith.constant 0 : i32
    %dma_start3A_174 = tpu.memref_slice %arg6[%dma_start3A_168, %dma_start3A_173] : memref<125x80xi32, #tpu.memory_space<vmem>> -> memref<1x80xi32, #tpu.memory_space<vmem>>
    %dma_start3A_175 = tpu.memref_squeeze %dma_start3A_174 : memref<1x80xi32, #tpu.memory_space<vmem>> -> memref<80xi32, #tpu.memory_space<vmem>>
    %dma_start3A_176 = arith.constant 0 : i32
    %dma_start3A_177 = arith.constant 0 : i32
    %dma_start3A_178 = tpu.memref_slice %arg9[%dma_start3A_176, %dma_start3A_177] : memref<5120x128xf32, #tpu.memory_space<vmem_shared>> -> memref<5120x128xf32, #tpu.memory_space<vmem_shared>>
    tpu.enqueue_indirect_dma source(%dma_start3A_172 : memref<80x128xf32, #tpu.memory_space<vmem>>) target(%dma_start3A_178 : memref<5120x128xf32, #tpu.memory_space<vmem_shared>>) offsets(%dma_start3A_175 : memref<80xi32, #tpu.memory_space<vmem>>) semaphore(%arg11 : memref<!tpu.dma_semaphore, #tpu.memory_space<semaphore_mem>>) {add = true}
    %dma_wait3A_179 = arith.constant 0 : i32
    %dma_wait3A_180 = arith.constant 124 : i32
    %dma_wait3A_181 = arith.constant 0 : i32
    %dma_wait3A_182 = arith.constant 0 : i32
    %dma_wait3A_183 = tpu.memref_slice %arg8[%dma_wait3A_179, %dma_wait3A_181, %dma_wait3A_182] : memref<4x80x128xf32, #tpu.memory_space<vmem>> -> memref<1x80x128xf32, #tpu.memory_space<vmem>>
    %dma_wait3A_184 = tpu.memref_squeeze %dma_wait3A_183 : memref<1x80x128xf32, #tpu.memory_space<vmem>> -> memref<80x128xf32, #tpu.memory_space<vmem>>
    %dma_wait3A_185 = arith.constant 0 : i32
    %dma_wait3A_186 = tpu.memref_slice %arg6[%dma_wait3A_180, %dma_wait3A_185] : memref<125x80xi32, #tpu.memory_space<vmem>> -> memref<1x80xi32, #tpu.memory_space<vmem>>
    %dma_wait3A_187 = tpu.memref_squeeze %dma_wait3A_186 : memref<1x80xi32, #tpu.memory_space<vmem>> -> memref<80xi32, #tpu.memory_space<vmem>>
    %dma_wait3A_188 = arith.constant 0 : i32
    %dma_wait3A_189 = arith.constant 0 : i32
    %dma_wait3A_190 = tpu.memref_slice %arg9[%dma_wait3A_188, %dma_wait3A_189] : memref<5120x128xf32, #tpu.memory_space<vmem_shared>> -> memref<5120x128xf32, #tpu.memory_space<vmem_shared>>
    tpu.wait_indirect_dma semaphore(%arg11 : memref<!tpu.dma_semaphore, #tpu.memory_space<semaphore_mem>>) src(%dma_wait3A_184 : memref<80x128xf32, #tpu.memory_space<vmem>>) dst(%dma_wait3A_190 : memref<5120x128xf32, #tpu.memory_space<vmem_shared>>)
    %barrier3A_191 = arith.constant 0 : index
    tpu.barrier barrier_id(%barrier3A_191)
    %mul3A_192 = arith.constant 320 : i32
    %mul3A_193 = arith.muli %arg1, %mul3A_192 : i32
    %add3A_194 = arith.constant 0 : i32
    %add3A_195 = arith.addi %mul3A_193, %add3A_194 : i32
    %run_scoped3A_196 = arith.constant 0 : i32
    "tpu.region"() ({
      %run_scoped3A_232 = tpu.sem_alloc : memref<!tpu.dma_semaphore, #tpu.memory_space<semaphore_mem>>
      %dma_start3A_233 = arith.constant 0 : i32
      %dma_start3A_234 = arith.constant 0 : i32
      %dma_start3A_235 = tpu.memref_slice %arg8[%run_scoped3A_196, %dma_start3A_233, %dma_start3A_234] : memref<4x80x128xf32, #tpu.memory_space<vmem>> -> memref<1x80x128xf32, #tpu.memory_space<vmem>>
      %dma_start3A_236 = tpu.memref_squeeze %dma_start3A_235 : memref<1x80x128xf32, #tpu.memory_space<vmem>> -> memref<80x128xf32, #tpu.memory_space<vmem>>
      %dma_start3A_237 = arith.constant 0 : i32
      %dma_start3A_238 = tpu.memref_slice %arg9[%add3A_195, %dma_start3A_237] : memref<5120x128xf32, #tpu.memory_space<vmem_shared>> -> memref<80x128xf32, #tpu.memory_space<vmem_shared>>
      %dma_start3A_239 = arith.constant 0 : i32
      %dma_start3A_240 = arith.constant 0 : i32
      %dma_start3A_241 = tpu.memref_slice %arg8[%run_scoped3A_196, %dma_start3A_239, %dma_start3A_240] : memref<4x80x128xf32, #tpu.memory_space<vmem>> -> memref<1x80x128xf32, #tpu.memory_space<vmem>>
      %dma_start3A_242 = tpu.memref_squeeze %dma_start3A_241 : memref<1x80x128xf32, #tpu.memory_space<vmem>> -> memref<80x128xf32, #tpu.memory_space<vmem>>
      %dma_start3A_243 = arith.constant 0 : i32
      %dma_start3A_244 = tpu.memref_slice %arg9[%add3A_195, %dma_start3A_243] : memref<5120x128xf32, #tpu.memory_space<vmem_shared>> -> memref<80x128xf32, #tpu.memory_space<vmem_shared>>
      tpu.enqueue_dma source(%dma_start3A_244 : memref<80x128xf32, #tpu.memory_space<vmem_shared>>) target(%dma_start3A_242 : memref<80x128xf32, #tpu.memory_space<vmem>>) target_semaphore(%run_scoped3A_232 : memref<!tpu.dma_semaphore, #tpu.memory_space<semaphore_mem>>)
      %dma_wait3A_245 = arith.constant 0 : i32
      %dma_wait3A_246 = arith.constant 0 : i32
      %dma_wait3A_247 = tpu.memref_slice %arg8[%run_scoped3A_196, %dma_wait3A_245, %dma_wait3A_246] : memref<4x80x128xf32, #tpu.memory_space<vmem>> -> memref<1x80x128xf32, #tpu.memory_space<vmem>>
      %dma_wait3A_248 = tpu.memref_squeeze %dma_wait3A_247 : memref<1x80x128xf32, #tpu.memory_space<vmem>> -> memref<80x128xf32, #tpu.memory_space<vmem>>
      %dma_wait3A_249 = arith.constant 0 : i32
      %dma_wait3A_250 = tpu.memref_slice %arg9[%add3A_195, %dma_wait3A_249] : memref<5120x128xf32, #tpu.memory_space<vmem_shared>> -> memref<80x128xf32, #tpu.memory_space<vmem_shared>>
      %dma_wait3A_251 = arith.constant 0 : i32
      %dma_wait3A_252 = arith.constant 0 : i32
      %dma_wait3A_253 = tpu.memref_slice %arg8[%run_scoped3A_196, %dma_wait3A_251, %dma_wait3A_252] : memref<4x80x128xf32, #tpu.memory_space<vmem>> -> memref<1x80x128xf32, #tpu.memory_space<vmem>>
      %dma_wait3A_254 = tpu.memref_squeeze %dma_wait3A_253 : memref<1x80x128xf32, #tpu.memory_space<vmem>> -> memref<80x128xf32, #tpu.memory_space<vmem>>
      %dma_wait3A_255 = arith.constant 0 : i32
      %dma_wait3A_256 = tpu.memref_slice %arg9[%add3A_195, %dma_wait3A_255] : memref<5120x128xf32, #tpu.memory_space<vmem_shared>> -> memref<80x128xf32, #tpu.memory_space<vmem_shared>>
      tpu.wait_dma2 semaphore(%run_scoped3A_232 : memref<!tpu.dma_semaphore, #tpu.memory_space<semaphore_mem>>) src(%dma_wait3A_256 : memref<80x128xf32, #tpu.memory_space<vmem_shared>>) dst(%dma_wait3A_254 : memref<80x128xf32, #tpu.memory_space<vmem>>)
      tpu.yield
    }) : () -> ()
    %mul3A_197 = arith.constant 320 : i32
    %mul3A_198 = arith.muli %arg1, %mul3A_197 : i32
    %add3A_199 = arith.constant 0 : i32
    %add3A_200 = arith.addi %mul3A_198, %add3A_199 : i32
    %run_scoped3A_201 = arith.constant 0 : i32
    "tpu.region"() ({
      %run_scoped3A_232 = tpu.sem_alloc : memref<!tpu.dma_semaphore, #tpu.memory_space<semaphore_mem>>
      %dma_start3A_233 = arith.constant 0 : i32
      %dma_start3A_234 = arith.constant 0 : i32
      %dma_start3A_235 = tpu.memref_slice %arg8[%run_scoped3A_201, %dma_start3A_233, %dma_start3A_234] : memref<4x80x128xf32, #tpu.memory_space<vmem>> -> memref<1x80x128xf32, #tpu.memory_space<vmem>>
      %dma_start3A_236 = tpu.memref_squeeze %dma_start3A_235 : memref<1x80x128xf32, #tpu.memory_space<vmem>> -> memref<80x128xf32, #tpu.memory_space<vmem>>
      %dma_start3A_237 = arith.constant 0 : i32
      %dma_start3A_238 = tpu.memref_slice %arg4[%arg0, %add3A_200, %dma_start3A_237] : memref<2x5120x128xf32, #tpu.memory_space<hbm>> -> memref<1x80x128xf32, #tpu.memory_space<hbm>>
      %dma_start3A_239 = tpu.memref_squeeze %dma_start3A_238 : memref<1x80x128xf32, #tpu.memory_space<hbm>> -> memref<80x128xf32, #tpu.memory_space<hbm>>
      %dma_start3A_240 = arith.constant 0 : i32
      %dma_start3A_241 = tpu.memref_slice %arg4[%arg0, %add3A_200, %dma_start3A_240] : memref<2x5120x128xf32, #tpu.memory_space<hbm>> -> memref<1x80x128xf32, #tpu.memory_space<hbm>>
      %dma_start3A_242 = tpu.memref_squeeze %dma_start3A_241 : memref<1x80x128xf32, #tpu.memory_space<hbm>> -> memref<80x128xf32, #tpu.memory_space<hbm>>
      %dma_start3A_243 = arith.constant 0 : i32
      %dma_start3A_244 = arith.constant 0 : i32
      %dma_start3A_245 = tpu.memref_slice %arg8[%run_scoped3A_201, %dma_start3A_243, %dma_start3A_244] : memref<4x80x128xf32, #tpu.memory_space<vmem>> -> memref<1x80x128xf32, #tpu.memory_space<vmem>>
      %dma_start3A_246 = tpu.memref_squeeze %dma_start3A_245 : memref<1x80x128xf32, #tpu.memory_space<vmem>> -> memref<80x128xf32, #tpu.memory_space<vmem>>
      tpu.enqueue_dma source(%dma_start3A_246 : memref<80x128xf32, #tpu.memory_space<vmem>>) target(%dma_start3A_242 : memref<80x128xf32, #tpu.memory_space<hbm>>) target_semaphore(%run_scoped3A_232 : memref<!tpu.dma_semaphore, #tpu.memory_space<semaphore_mem>>)
      %dma_wait3A_247 = arith.constant 0 : i32
      %dma_wait3A_248 = arith.constant 0 : i32
      %dma_wait3A_249 = tpu.memref_slice %arg8[%run_scoped3A_201, %dma_wait3A_247, %dma_wait3A_248] : memref<4x80x128xf32, #tpu.memory_space<vmem>> -> memref<1x80x128xf32, #tpu.memory_space<vmem>>
      %dma_wait3A_250 = tpu.memref_squeeze %dma_wait3A_249 : memref<1x80x128xf32, #tpu.memory_space<vmem>> -> memref<80x128xf32, #tpu.memory_space<vmem>>
      %dma_wait3A_251 = arith.constant 0 : i32
      %dma_wait3A_252 = tpu.memref_slice %arg4[%arg0, %add3A_200, %dma_wait3A_251] : memref<2x5120x128xf32, #tpu.memory_space<hbm>> -> memref<1x80x128xf32, #tpu.memory_space<hbm>>
      %dma_wait3A_253 = tpu.memref_squeeze %dma_wait3A_252 : memref<1x80x128xf32, #tpu.memory_space<hbm>> -> memref<80x128xf32, #tpu.memory_space<hbm>>
      %dma_wait3A_254 = arith.constant 0 : i32
      %dma_wait3A_255 = tpu.memref_slice %arg4[%arg0, %add3A_200, %dma_wait3A_254] : memref<2x5120x128xf32, #tpu.memory_space<hbm>> -> memref<1x80x128xf32, #tpu.memory_space<hbm>>
      %dma_wait3A_256 = tpu.memref_squeeze %dma_wait3A_255 : memref<1x80x128xf32, #tpu.memory_space<hbm>> -> memref<80x128xf32, #tpu.memory_space<hbm>>
      %dma_wait3A_257 = arith.constant 0 : i32
      %dma_wait3A_258 = arith.constant 0 : i32
      %dma_wait3A_259 = tpu.memref_slice %arg8[%run_scoped3A_201, %dma_wait3A_257, %dma_wait3A_258] : memref<4x80x128xf32, #tpu.memory_space<vmem>> -> memref<1x80x128xf32, #tpu.memory_space<vmem>>
      %dma_wait3A_260 = tpu.memref_squeeze %dma_wait3A_259 : memref<1x80x128xf32, #tpu.memory_space<vmem>> -> memref<80x128xf32, #tpu.memory_space<vmem>>
      tpu.wait_dma2 semaphore(%run_scoped3A_232 : memref<!tpu.dma_semaphore, #tpu.memory_space<semaphore_mem>>) src(%dma_wait3A_260 : memref<80x128xf32, #tpu.memory_space<vmem>>) dst(%dma_wait3A_256 : memref<80x128xf32, #tpu.memory_space<hbm>>)
      tpu.yield
    }) : () -> ()
    %mul3A_202 = arith.constant 320 : i32
    %mul3A_203 = arith.muli %arg1, %mul3A_202 : i32
    %add3A_204 = arith.constant 80 : i32
    %add3A_205 = arith.addi %mul3A_203, %add3A_204 : i32
    %run_scoped3A_206 = arith.constant 0 : i32
    "tpu.region"() ({
      %run_scoped3A_232 = tpu.sem_alloc : memref<!tpu.dma_semaphore, #tpu.memory_space<semaphore_mem>>
      %dma_start3A_233 = arith.constant 0 : i32
      %dma_start3A_234 = arith.constant 0 : i32
      %dma_start3A_235 = tpu.memref_slice %arg8[%run_scoped3A_206, %dma_start3A_233, %dma_start3A_234] : memref<4x80x128xf32, #tpu.memory_space<vmem>> -> memref<1x80x128xf32, #tpu.memory_space<vmem>>
      %dma_start3A_236 = tpu.memref_squeeze %dma_start3A_235 : memref<1x80x128xf32, #tpu.memory_space<vmem>> -> memref<80x128xf32, #tpu.memory_space<vmem>>
      %dma_start3A_237 = arith.constant 0 : i32
      %dma_start3A_238 = tpu.memref_slice %arg9[%add3A_205, %dma_start3A_237] : memref<5120x128xf32, #tpu.memory_space<vmem_shared>> -> memref<80x128xf32, #tpu.memory_space<vmem_shared>>
      %dma_start3A_239 = arith.constant 0 : i32
      %dma_start3A_240 = arith.constant 0 : i32
      %dma_start3A_241 = tpu.memref_slice %arg8[%run_scoped3A_206, %dma_start3A_239, %dma_start3A_240] : memref<4x80x128xf32, #tpu.memory_space<vmem>> -> memref<1x80x128xf32, #tpu.memory_space<vmem>>
      %dma_start3A_242 = tpu.memref_squeeze %dma_start3A_241 : memref<1x80x128xf32, #tpu.memory_space<vmem>> -> memref<80x128xf32, #tpu.memory_space<vmem>>
      %dma_start3A_243 = arith.constant 0 : i32
      %dma_start3A_244 = tpu.memref_slice %arg9[%add3A_205, %dma_start3A_243] : memref<5120x128xf32, #tpu.memory_space<vmem_shared>> -> memref<80x128xf32, #tpu.memory_space<vmem_shared>>
      tpu.enqueue_dma source(%dma_start3A_244 : memref<80x128xf32, #tpu.memory_space<vmem_shared>>) target(%dma_start3A_242 : memref<80x128xf32, #tpu.memory_space<vmem>>) target_semaphore(%run_scoped3A_232 : memref<!tpu.dma_semaphore, #tpu.memory_space<semaphore_mem>>)
      %dma_wait3A_245 = arith.constant 0 : i32
      %dma_wait3A_246 = arith.constant 0 : i32
      %dma_wait3A_247 = tpu.memref_slice %arg8[%run_scoped3A_206, %dma_wait3A_245, %dma_wait3A_246] : memref<4x80x128xf32, #tpu.memory_space<vmem>> -> memref<1x80x128xf32, #tpu.memory_space<vmem>>
      %dma_wait3A_248 = tpu.memref_squeeze %dma_wait3A_247 : memref<1x80x128xf32, #tpu.memory_space<vmem>> -> memref<80x128xf32, #tpu.memory_space<vmem>>
      %dma_wait3A_249 = arith.constant 0 : i32
      %dma_wait3A_250 = tpu.memref_slice %arg9[%add3A_205, %dma_wait3A_249] : memref<5120x128xf32, #tpu.memory_space<vmem_shared>> -> memref<80x128xf32, #tpu.memory_space<vmem_shared>>
      %dma_wait3A_251 = arith.constant 0 : i32
      %dma_wait3A_252 = arith.constant 0 : i32
      %dma_wait3A_253 = tpu.memref_slice %arg8[%run_scoped3A_206, %dma_wait3A_251, %dma_wait3A_252] : memref<4x80x128xf32, #tpu.memory_space<vmem>> -> memref<1x80x128xf32, #tpu.memory_space<vmem>>
      %dma_wait3A_254 = tpu.memref_squeeze %dma_wait3A_253 : memref<1x80x128xf32, #tpu.memory_space<vmem>> -> memref<80x128xf32, #tpu.memory_space<vmem>>
      %dma_wait3A_255 = arith.constant 0 : i32
      %dma_wait3A_256 = tpu.memref_slice %arg9[%add3A_205, %dma_wait3A_255] : memref<5120x128xf32, #tpu.memory_space<vmem_shared>> -> memref<80x128xf32, #tpu.memory_space<vmem_shared>>
      tpu.wait_dma2 semaphore(%run_scoped3A_232 : memref<!tpu.dma_semaphore, #tpu.memory_space<semaphore_mem>>) src(%dma_wait3A_256 : memref<80x128xf32, #tpu.memory_space<vmem_shared>>) dst(%dma_wait3A_254 : memref<80x128xf32, #tpu.memory_space<vmem>>)
      tpu.yield
    }) : () -> ()
    %mul3A_207 = arith.constant 320 : i32
    %mul3A_208 = arith.muli %arg1, %mul3A_207 : i32
    %add3A_209 = arith.constant 80 : i32
    %add3A_210 = arith.addi %mul3A_208, %add3A_209 : i32
    %run_scoped3A_211 = arith.constant 0 : i32
    "tpu.region"() ({
      %run_scoped3A_232 = tpu.sem_alloc : memref<!tpu.dma_semaphore, #tpu.memory_space<semaphore_mem>>
      %dma_start3A_233 = arith.constant 0 : i32
      %dma_start3A_234 = arith.constant 0 : i32
      %dma_start3A_235 = tpu.memref_slice %arg8[%run_scoped3A_211, %dma_start3A_233, %dma_start3A_234] : memref<4x80x128xf32, #tpu.memory_space<vmem>> -> memref<1x80x128xf32, #tpu.memory_space<vmem>>
      %dma_start3A_236 = tpu.memref_squeeze %dma_start3A_235 : memref<1x80x128xf32, #tpu.memory_space<vmem>> -> memref<80x128xf32, #tpu.memory_space<vmem>>
      %dma_start3A_237 = arith.constant 0 : i32
      %dma_start3A_238 = tpu.memref_slice %arg4[%arg0, %add3A_210, %dma_start3A_237] : memref<2x5120x128xf32, #tpu.memory_space<hbm>> -> memref<1x80x128xf32, #tpu.memory_space<hbm>>
      %dma_start3A_239 = tpu.memref_squeeze %dma_start3A_238 : memref<1x80x128xf32, #tpu.memory_space<hbm>> -> memref<80x128xf32, #tpu.memory_space<hbm>>
      %dma_start3A_240 = arith.constant 0 : i32
      %dma_start3A_241 = tpu.memref_slice %arg4[%arg0, %add3A_210, %dma_start3A_240] : memref<2x5120x128xf32, #tpu.memory_space<hbm>> -> memref<1x80x128xf32, #tpu.memory_space<hbm>>
      %dma_start3A_242 = tpu.memref_squeeze %dma_start3A_241 : memref<1x80x128xf32, #tpu.memory_space<hbm>> -> memref<80x128xf32, #tpu.memory_space<hbm>>
      %dma_start3A_243 = arith.constant 0 : i32
      %dma_start3A_244 = arith.constant 0 : i32
      %dma_start3A_245 = tpu.memref_slice %arg8[%run_scoped3A_211, %dma_start3A_243, %dma_start3A_244] : memref<4x80x128xf32, #tpu.memory_space<vmem>> -> memref<1x80x128xf32, #tpu.memory_space<vmem>>
      %dma_start3A_246 = tpu.memref_squeeze %dma_start3A_245 : memref<1x80x128xf32, #tpu.memory_space<vmem>> -> memref<80x128xf32, #tpu.memory_space<vmem>>
      tpu.enqueue_dma source(%dma_start3A_246 : memref<80x128xf32, #tpu.memory_space<vmem>>) target(%dma_start3A_242 : memref<80x128xf32, #tpu.memory_space<hbm>>) target_semaphore(%run_scoped3A_232 : memref<!tpu.dma_semaphore, #tpu.memory_space<semaphore_mem>>)
      %dma_wait3A_247 = arith.constant 0 : i32
      %dma_wait3A_248 = arith.constant 0 : i32
      %dma_wait3A_249 = tpu.memref_slice %arg8[%run_scoped3A_211, %dma_wait3A_247, %dma_wait3A_248] : memref<4x80x128xf32, #tpu.memory_space<vmem>> -> memref<1x80x128xf32, #tpu.memory_space<vmem>>
      %dma_wait3A_250 = tpu.memref_squeeze %dma_wait3A_249 : memref<1x80x128xf32, #tpu.memory_space<vmem>> -> memref<80x128xf32, #tpu.memory_space<vmem>>
      %dma_wait3A_251 = arith.constant 0 : i32
      %dma_wait3A_252 = tpu.memref_slice %arg4[%arg0, %add3A_210, %dma_wait3A_251] : memref<2x5120x128xf32, #tpu.memory_space<hbm>> -> memref<1x80x128xf32, #tpu.memory_space<hbm>>
      %dma_wait3A_253 = tpu.memref_squeeze %dma_wait3A_252 : memref<1x80x128xf32, #tpu.memory_space<hbm>> -> memref<80x128xf32, #tpu.memory_space<hbm>>
      %dma_wait3A_254 = arith.constant 0 : i32
      %dma_wait3A_255 = tpu.memref_slice %arg4[%arg0, %add3A_210, %dma_wait3A_254] : memref<2x5120x128xf32, #tpu.memory_space<hbm>> -> memref<1x80x128xf32, #tpu.memory_space<hbm>>
      %dma_wait3A_256 = tpu.memref_squeeze %dma_wait3A_255 : memref<1x80x128xf32, #tpu.memory_space<hbm>> -> memref<80x128xf32, #tpu.memory_space<hbm>>
      %dma_wait3A_257 = arith.constant 0 : i32
      %dma_wait3A_258 = arith.constant 0 : i32
      %dma_wait3A_259 = tpu.memref_slice %arg8[%run_scoped3A_211, %dma_wait3A_257, %dma_wait3A_258] : memref<4x80x128xf32, #tpu.memory_space<vmem>> -> memref<1x80x128xf32, #tpu.memory_space<vmem>>
      %dma_wait3A_260 = tpu.memref_squeeze %dma_wait3A_259 : memref<1x80x128xf32, #tpu.memory_space<vmem>> -> memref<80x128xf32, #tpu.memory_space<vmem>>
      tpu.wait_dma2 semaphore(%run_scoped3A_232 : memref<!tpu.dma_semaphore, #tpu.memory_space<semaphore_mem>>) src(%dma_wait3A_260 : memref<80x128xf32, #tpu.memory_space<vmem>>) dst(%dma_wait3A_256 : memref<80x128xf32, #tpu.memory_space<hbm>>)
      tpu.yield
    }) : () -> ()
    %mul3A_212 = arith.constant 320 : i32
    %mul3A_213 = arith.muli %arg1, %mul3A_212 : i32
    %add3A_214 = arith.constant 160 : i32
    %add3A_215 = arith.addi %mul3A_213, %add3A_214 : i32
    %run_scoped3A_216 = arith.constant 0 : i32
    "tpu.region"() ({
      %run_scoped3A_232 = tpu.sem_alloc : memref<!tpu.dma_semaphore, #tpu.memory_space<semaphore_mem>>
      %dma_start3A_233 = arith.constant 0 : i32
      %dma_start3A_234 = arith.constant 0 : i32
      %dma_start3A_235 = tpu.memref_slice %arg8[%run_scoped3A_216, %dma_start3A_233, %dma_start3A_234] : memref<4x80x128xf32, #tpu.memory_space<vmem>> -> memref<1x80x128xf32, #tpu.memory_space<vmem>>
      %dma_start3A_236 = tpu.memref_squeeze %dma_start3A_235 : memref<1x80x128xf32, #tpu.memory_space<vmem>> -> memref<80x128xf32, #tpu.memory_space<vmem>>
      %dma_start3A_237 = arith.constant 0 : i32
      %dma_start3A_238 = tpu.memref_slice %arg9[%add3A_215, %dma_start3A_237] : memref<5120x128xf32, #tpu.memory_space<vmem_shared>> -> memref<80x128xf32, #tpu.memory_space<vmem_shared>>
      %dma_start3A_239 = arith.constant 0 : i32
      %dma_start3A_240 = arith.constant 0 : i32
      %dma_start3A_241 = tpu.memref_slice %arg8[%run_scoped3A_216, %dma_start3A_239, %dma_start3A_240] : memref<4x80x128xf32, #tpu.memory_space<vmem>> -> memref<1x80x128xf32, #tpu.memory_space<vmem>>
      %dma_start3A_242 = tpu.memref_squeeze %dma_start3A_241 : memref<1x80x128xf32, #tpu.memory_space<vmem>> -> memref<80x128xf32, #tpu.memory_space<vmem>>
      %dma_start3A_243 = arith.constant 0 : i32
      %dma_start3A_244 = tpu.memref_slice %arg9[%add3A_215, %dma_start3A_243] : memref<5120x128xf32, #tpu.memory_space<vmem_shared>> -> memref<80x128xf32, #tpu.memory_space<vmem_shared>>
      tpu.enqueue_dma source(%dma_start3A_244 : memref<80x128xf32, #tpu.memory_space<vmem_shared>>) target(%dma_start3A_242 : memref<80x128xf32, #tpu.memory_space<vmem>>) target_semaphore(%run_scoped3A_232 : memref<!tpu.dma_semaphore, #tpu.memory_space<semaphore_mem>>)
      %dma_wait3A_245 = arith.constant 0 : i32
      %dma_wait3A_246 = arith.constant 0 : i32
      %dma_wait3A_247 = tpu.memref_slice %arg8[%run_scoped3A_216, %dma_wait3A_245, %dma_wait3A_246] : memref<4x80x128xf32, #tpu.memory_space<vmem>> -> memref<1x80x128xf32, #tpu.memory_space<vmem>>
      %dma_wait3A_248 = tpu.memref_squeeze %dma_wait3A_247 : memref<1x80x128xf32, #tpu.memory_space<vmem>> -> memref<80x128xf32, #tpu.memory_space<vmem>>
      %dma_wait3A_249 = arith.constant 0 : i32
      %dma_wait3A_250 = tpu.memref_slice %arg9[%add3A_215, %dma_wait3A_249] : memref<5120x128xf32, #tpu.memory_space<vmem_shared>> -> memref<80x128xf32, #tpu.memory_space<vmem_shared>>
      %dma_wait3A_251 = arith.constant 0 : i32
      %dma_wait3A_252 = arith.constant 0 : i32
      %dma_wait3A_253 = tpu.memref_slice %arg8[%run_scoped3A_216, %dma_wait3A_251, %dma_wait3A_252] : memref<4x80x128xf32, #tpu.memory_space<vmem>> -> memref<1x80x128xf32, #tpu.memory_space<vmem>>
      %dma_wait3A_254 = tpu.memref_squeeze %dma_wait3A_253 : memref<1x80x128xf32, #tpu.memory_space<vmem>> -> memref<80x128xf32, #tpu.memory_space<vmem>>
      %dma_wait3A_255 = arith.constant 0 : i32
      %dma_wait3A_256 = tpu.memref_slice %arg9[%add3A_215, %dma_wait3A_255] : memref<5120x128xf32, #tpu.memory_space<vmem_shared>> -> memref<80x128xf32, #tpu.memory_space<vmem_shared>>
      tpu.wait_dma2 semaphore(%run_scoped3A_232 : memref<!tpu.dma_semaphore, #tpu.memory_space<semaphore_mem>>) src(%dma_wait3A_256 : memref<80x128xf32, #tpu.memory_space<vmem_shared>>) dst(%dma_wait3A_254 : memref<80x128xf32, #tpu.memory_space<vmem>>)
      tpu.yield
    }) : () -> ()
    %mul3A_217 = arith.constant 320 : i32
    %mul3A_218 = arith.muli %arg1, %mul3A_217 : i32
    %add3A_219 = arith.constant 160 : i32
    %add3A_220 = arith.addi %mul3A_218, %add3A_219 : i32
    %run_scoped3A_221 = arith.constant 0 : i32
    "tpu.region"() ({
      %run_scoped3A_232 = tpu.sem_alloc : memref<!tpu.dma_semaphore, #tpu.memory_space<semaphore_mem>>
      %dma_start3A_233 = arith.constant 0 : i32
      %dma_start3A_234 = arith.constant 0 : i32
      %dma_start3A_235 = tpu.memref_slice %arg8[%run_scoped3A_221, %dma_start3A_233, %dma_start3A_234] : memref<4x80x128xf32, #tpu.memory_space<vmem>> -> memref<1x80x128xf32, #tpu.memory_space<vmem>>
      %dma_start3A_236 = tpu.memref_squeeze %dma_start3A_235 : memref<1x80x128xf32, #tpu.memory_space<vmem>> -> memref<80x128xf32, #tpu.memory_space<vmem>>
      %dma_start3A_237 = arith.constant 0 : i32
      %dma_start3A_238 = tpu.memref_slice %arg4[%arg0, %add3A_220, %dma_start3A_237] : memref<2x5120x128xf32, #tpu.memory_space<hbm>> -> memref<1x80x128xf32, #tpu.memory_space<hbm>>
      %dma_start3A_239 = tpu.memref_squeeze %dma_start3A_238 : memref<1x80x128xf32, #tpu.memory_space<hbm>> -> memref<80x128xf32, #tpu.memory_space<hbm>>
      %dma_start3A_240 = arith.constant 0 : i32
      %dma_start3A_241 = tpu.memref_slice %arg4[%arg0, %add3A_220, %dma_start3A_240] : memref<2x5120x128xf32, #tpu.memory_space<hbm>> -> memref<1x80x128xf32, #tpu.memory_space<hbm>>
      %dma_start3A_242 = tpu.memref_squeeze %dma_start3A_241 : memref<1x80x128xf32, #tpu.memory_space<hbm>> -> memref<80x128xf32, #tpu.memory_space<hbm>>
      %dma_start3A_243 = arith.constant 0 : i32
      %dma_start3A_244 = arith.constant 0 : i32
      %dma_start3A_245 = tpu.memref_slice %arg8[%run_scoped3A_221, %dma_start3A_243, %dma_start3A_244] : memref<4x80x128xf32, #tpu.memory_space<vmem>> -> memref<1x80x128xf32, #tpu.memory_space<vmem>>
      %dma_start3A_246 = tpu.memref_squeeze %dma_start3A_245 : memref<1x80x128xf32, #tpu.memory_space<vmem>> -> memref<80x128xf32, #tpu.memory_space<vmem>>
      tpu.enqueue_dma source(%dma_start3A_246 : memref<80x128xf32, #tpu.memory_space<vmem>>) target(%dma_start3A_242 : memref<80x128xf32, #tpu.memory_space<hbm>>) target_semaphore(%run_scoped3A_232 : memref<!tpu.dma_semaphore, #tpu.memory_space<semaphore_mem>>)
      %dma_wait3A_247 = arith.constant 0 : i32
      %dma_wait3A_248 = arith.constant 0 : i32
      %dma_wait3A_249 = tpu.memref_slice %arg8[%run_scoped3A_221, %dma_wait3A_247, %dma_wait3A_248] : memref<4x80x128xf32, #tpu.memory_space<vmem>> -> memref<1x80x128xf32, #tpu.memory_space<vmem>>
      %dma_wait3A_250 = tpu.memref_squeeze %dma_wait3A_249 : memref<1x80x128xf32, #tpu.memory_space<vmem>> -> memref<80x128xf32, #tpu.memory_space<vmem>>
      %dma_wait3A_251 = arith.constant 0 : i32
      %dma_wait3A_252 = tpu.memref_slice %arg4[%arg0, %add3A_220, %dma_wait3A_251] : memref<2x5120x128xf32, #tpu.memory_space<hbm>> -> memref<1x80x128xf32, #tpu.memory_space<hbm>>
      %dma_wait3A_253 = tpu.memref_squeeze %dma_wait3A_252 : memref<1x80x128xf32, #tpu.memory_space<hbm>> -> memref<80x128xf32, #tpu.memory_space<hbm>>
      %dma_wait3A_254 = arith.constant 0 : i32
      %dma_wait3A_255 = tpu.memref_slice %arg4[%arg0, %add3A_220, %dma_wait3A_254] : memref<2x5120x128xf32, #tpu.memory_space<hbm>> -> memref<1x80x128xf32, #tpu.memory_space<hbm>>
      %dma_wait3A_256 = tpu.memref_squeeze %dma_wait3A_255 : memref<1x80x128xf32, #tpu.memory_space<hbm>> -> memref<80x128xf32, #tpu.memory_space<hbm>>
      %dma_wait3A_257 = arith.constant 0 : i32
      %dma_wait3A_258 = arith.constant 0 : i32
      %dma_wait3A_259 = tpu.memref_slice %arg8[%run_scoped3A_221, %dma_wait3A_257, %dma_wait3A_258] : memref<4x80x128xf32, #tpu.memory_space<vmem>> -> memref<1x80x128xf32, #tpu.memory_space<vmem>>
      %dma_wait3A_260 = tpu.memref_squeeze %dma_wait3A_259 : memref<1x80x128xf32, #tpu.memory_space<vmem>> -> memref<80x128xf32, #tpu.memory_space<vmem>>
      tpu.wait_dma2 semaphore(%run_scoped3A_232 : memref<!tpu.dma_semaphore, #tpu.memory_space<semaphore_mem>>) src(%dma_wait3A_260 : memref<80x128xf32, #tpu.memory_space<vmem>>) dst(%dma_wait3A_256 : memref<80x128xf32, #tpu.memory_space<hbm>>)
      tpu.yield
    }) : () -> ()
    %mul3A_222 = arith.constant 320 : i32
    %mul3A_223 = arith.muli %arg1, %mul3A_222 : i32
    %add3A_224 = arith.constant 240 : i32
    %add3A_225 = arith.addi %mul3A_223, %add3A_224 : i32
    %run_scoped3A_226 = arith.constant 0 : i32
    "tpu.region"() ({
      %run_scoped3A_232 = tpu.sem_alloc : memref<!tpu.dma_semaphore, #tpu.memory_space<semaphore_mem>>
      %dma_start3A_233 = arith.constant 0 : i32
      %dma_start3A_234 = arith.constant 0 : i32
      %dma_start3A_235 = tpu.memref_slice %arg8[%run_scoped3A_226, %dma_start3A_233, %dma_start3A_234] : memref<4x80x128xf32, #tpu.memory_space<vmem>> -> memref<1x80x128xf32, #tpu.memory_space<vmem>>
      %dma_start3A_236 = tpu.memref_squeeze %dma_start3A_235 : memref<1x80x128xf32, #tpu.memory_space<vmem>> -> memref<80x128xf32, #tpu.memory_space<vmem>>
      %dma_start3A_237 = arith.constant 0 : i32
      %dma_start3A_238 = tpu.memref_slice %arg9[%add3A_225, %dma_start3A_237] : memref<5120x128xf32, #tpu.memory_space<vmem_shared>> -> memref<80x128xf32, #tpu.memory_space<vmem_shared>>
      %dma_start3A_239 = arith.constant 0 : i32
      %dma_start3A_240 = arith.constant 0 : i32
      %dma_start3A_241 = tpu.memref_slice %arg8[%run_scoped3A_226, %dma_start3A_239, %dma_start3A_240] : memref<4x80x128xf32, #tpu.memory_space<vmem>> -> memref<1x80x128xf32, #tpu.memory_space<vmem>>
      %dma_start3A_242 = tpu.memref_squeeze %dma_start3A_241 : memref<1x80x128xf32, #tpu.memory_space<vmem>> -> memref<80x128xf32, #tpu.memory_space<vmem>>
      %dma_start3A_243 = arith.constant 0 : i32
      %dma_start3A_244 = tpu.memref_slice %arg9[%add3A_225, %dma_start3A_243] : memref<5120x128xf32, #tpu.memory_space<vmem_shared>> -> memref<80x128xf32, #tpu.memory_space<vmem_shared>>
      tpu.enqueue_dma source(%dma_start3A_244 : memref<80x128xf32, #tpu.memory_space<vmem_shared>>) target(%dma_start3A_242 : memref<80x128xf32, #tpu.memory_space<vmem>>) target_semaphore(%run_scoped3A_232 : memref<!tpu.dma_semaphore, #tpu.memory_space<semaphore_mem>>)
      %dma_wait3A_245 = arith.constant 0 : i32
      %dma_wait3A_246 = arith.constant 0 : i32
      %dma_wait3A_247 = tpu.memref_slice %arg8[%run_scoped3A_226, %dma_wait3A_245, %dma_wait3A_246] : memref<4x80x128xf32, #tpu.memory_space<vmem>> -> memref<1x80x128xf32, #tpu.memory_space<vmem>>
      %dma_wait3A_248 = tpu.memref_squeeze %dma_wait3A_247 : memref<1x80x128xf32, #tpu.memory_space<vmem>> -> memref<80x128xf32, #tpu.memory_space<vmem>>
      %dma_wait3A_249 = arith.constant 0 : i32
      %dma_wait3A_250 = tpu.memref_slice %arg9[%add3A_225, %dma_wait3A_249] : memref<5120x128xf32, #tpu.memory_space<vmem_shared>> -> memref<80x128xf32, #tpu.memory_space<vmem_shared>>
      %dma_wait3A_251 = arith.constant 0 : i32
      %dma_wait3A_252 = arith.constant 0 : i32
      %dma_wait3A_253 = tpu.memref_slice %arg8[%run_scoped3A_226, %dma_wait3A_251, %dma_wait3A_252] : memref<4x80x128xf32, #tpu.memory_space<vmem>> -> memref<1x80x128xf32, #tpu.memory_space<vmem>>
      %dma_wait3A_254 = tpu.memref_squeeze %dma_wait3A_253 : memref<1x80x128xf32, #tpu.memory_space<vmem>> -> memref<80x128xf32, #tpu.memory_space<vmem>>
      %dma_wait3A_255 = arith.constant 0 : i32
      %dma_wait3A_256 = tpu.memref_slice %arg9[%add3A_225, %dma_wait3A_255] : memref<5120x128xf32, #tpu.memory_space<vmem_shared>> -> memref<80x128xf32, #tpu.memory_space<vmem_shared>>
      tpu.wait_dma2 semaphore(%run_scoped3A_232 : memref<!tpu.dma_semaphore, #tpu.memory_space<semaphore_mem>>) src(%dma_wait3A_256 : memref<80x128xf32, #tpu.memory_space<vmem_shared>>) dst(%dma_wait3A_254 : memref<80x128xf32, #tpu.memory_space<vmem>>)
      tpu.yield
    }) : () -> ()
    %mul3A_227 = arith.constant 320 : i32
    %mul3A_228 = arith.muli %arg1, %mul3A_227 : i32
    %add3A_229 = arith.constant 240 : i32
    %add3A_230 = arith.addi %mul3A_228, %add3A_229 : i32
    %run_scoped3A_231 = arith.constant 0 : i32
    "tpu.region"() ({
      %run_scoped3A_232 = tpu.sem_alloc : memref<!tpu.dma_semaphore, #tpu.memory_space<semaphore_mem>>
      %dma_start3A_233 = arith.constant 0 : i32
      %dma_start3A_234 = arith.constant 0 : i32
      %dma_start3A_235 = tpu.memref_slice %arg8[%run_scoped3A_231, %dma_start3A_233, %dma_start3A_234] : memref<4x80x128xf32, #tpu.memory_space<vmem>> -> memref<1x80x128xf32, #tpu.memory_space<vmem>>
      %dma_start3A_236 = tpu.memref_squeeze %dma_start3A_235 : memref<1x80x128xf32, #tpu.memory_space<vmem>> -> memref<80x128xf32, #tpu.memory_space<vmem>>
      %dma_start3A_237 = arith.constant 0 : i32
      %dma_start3A_238 = tpu.memref_slice %arg4[%arg0, %add3A_230, %dma_start3A_237] : memref<2x5120x128xf32, #tpu.memory_space<hbm>> -> memref<1x80x128xf32, #tpu.memory_space<hbm>>
      %dma_start3A_239 = tpu.memref_squeeze %dma_start3A_238 : memref<1x80x128xf32, #tpu.memory_space<hbm>> -> memref<80x128xf32, #tpu.memory_space<hbm>>
      %dma_start3A_240 = arith.constant 0 : i32
      %dma_start3A_241 = tpu.memref_slice %arg4[%arg0, %add3A_230, %dma_start3A_240] : memref<2x5120x128xf32, #tpu.memory_space<hbm>> -> memref<1x80x128xf32, #tpu.memory_space<hbm>>
      %dma_start3A_242 = tpu.memref_squeeze %dma_start3A_241 : memref<1x80x128xf32, #tpu.memory_space<hbm>> -> memref<80x128xf32, #tpu.memory_space<hbm>>
      %dma_start3A_243 = arith.constant 0 : i32
      %dma_start3A_244 = arith.constant 0 : i32
      %dma_start3A_245 = tpu.memref_slice %arg8[%run_scoped3A_231, %dma_start3A_243, %dma_start3A_244] : memref<4x80x128xf32, #tpu.memory_space<vmem>> -> memref<1x80x128xf32, #tpu.memory_space<vmem>>
      %dma_start3A_246 = tpu.memref_squeeze %dma_start3A_245 : memref<1x80x128xf32, #tpu.memory_space<vmem>> -> memref<80x128xf32, #tpu.memory_space<vmem>>
      tpu.enqueue_dma source(%dma_start3A_246 : memref<80x128xf32, #tpu.memory_space<vmem>>) target(%dma_start3A_242 : memref<80x128xf32, #tpu.memory_space<hbm>>) target_semaphore(%run_scoped3A_232 : memref<!tpu.dma_semaphore, #tpu.memory_space<semaphore_mem>>)
      %dma_wait3A_247 = arith.constant 0 : i32
      %dma_wait3A_248 = arith.constant 0 : i32
      %dma_wait3A_249 = tpu.memref_slice %arg8[%run_scoped3A_231, %dma_wait3A_247, %dma_wait3A_248] : memref<4x80x128xf32, #tpu.memory_space<vmem>> -> memref<1x80x128xf32, #tpu.memory_space<vmem>>
      %dma_wait3A_250 = tpu.memref_squeeze %dma_wait3A_249 : memref<1x80x128xf32, #tpu.memory_space<vmem>> -> memref<80x128xf32, #tpu.memory_space<vmem>>
      %dma_wait3A_251 = arith.constant 0 : i32
      %dma_wait3A_252 = tpu.memref_slice %arg4[%arg0, %add3A_230, %dma_wait3A_251] : memref<2x5120x128xf32, #tpu.memory_space<hbm>> -> memref<1x80x128xf32, #tpu.memory_space<hbm>>
      %dma_wait3A_253 = tpu.memref_squeeze %dma_wait3A_252 : memref<1x80x128xf32, #tpu.memory_space<hbm>> -> memref<80x128xf32, #tpu.memory_space<hbm>>
      %dma_wait3A_254 = arith.constant 0 : i32
      %dma_wait3A_255 = tpu.memref_slice %arg4[%arg0, %add3A_230, %dma_wait3A_254] : memref<2x5120x128xf32, #tpu.memory_space<hbm>> -> memref<1x80x128xf32, #tpu.memory_space<hbm>>
      %dma_wait3A_256 = tpu.memref_squeeze %dma_wait3A_255 : memref<1x80x128xf32, #tpu.memory_space<hbm>> -> memref<80x128xf32, #tpu.memory_space<hbm>>
      %dma_wait3A_257 = arith.constant 0 : i32
      %dma_wait3A_258 = arith.constant 0 : i32
      %dma_wait3A_259 = tpu.memref_slice %arg8[%run_scoped3A_231, %dma_wait3A_257, %dma_wait3A_258] : memref<4x80x128xf32, #tpu.memory_space<vmem>> -> memref<1x80x128xf32, #tpu.memory_space<vmem>>
      %dma_wait3A_260 = tpu.memref_squeeze %dma_wait3A_259 : memref<1x80x128xf32, #tpu.memory_space<vmem>> -> memref<80x128xf32, #tpu.memory_space<vmem>>
      tpu.wait_dma2 semaphore(%run_scoped3A_232 : memref<!tpu.dma_semaphore, #tpu.memory_space<semaphore_mem>>) src(%dma_wait3A_260 : memref<80x128xf32, #tpu.memory_space<vmem>>) dst(%dma_wait3A_256 : memref<80x128xf32, #tpu.memory_space<hbm>>)
      tpu.yield
    }) : () -> ()
    return
  }
}

#map = affine_map<(d0, d1) -> (0, 0)>
#map1 = affine_map<(d0, d1) -> (0)>
#map2 = affine_map<(d0, d1) -> (0, 0, 0)>
module attributes {stable_mosaic.version = 14 : i64} {
  func.func @_edge_kernel(%arg0: i32, %arg1: i32, %arg2: memref<20480x128xf32, #tpu.memory_space<hbm>>, %arg3: memref<320000xi32, #tpu.memory_space<hbm>>, %arg4: memref<2x5120x128xf32, #tpu.memory_space<hbm>>, %arg5: memref<125x80xi32, #tpu.memory_space<vmem>>, %arg6: memref<125x80xi32, #tpu.memory_space<vmem>>, %arg7: memref<2000xi32, #tpu.memory_space<vmem>>, %arg8: memref<4x80x128xf32, #tpu.memory_space<vmem>>, %arg9: memref<5120x128xf32, #tpu.memory_space<vmem_shared>>, %arg10: memref<!tpu.dma_semaphore, #tpu.memory_space<semaphore_mem>>, %arg11: memref<!tpu.dma_semaphore, #tpu.memory_space<semaphore_mem>>) attributes {dimension_semantics = [#tpu.dimension_semantics<core_parallel>, #tpu.dimension_semantics<subcore_parallel>], iteration_bounds = array<i64: 2, 16>, scalar_prefetch = 0 : i64, scratch_operands = 7 : i64, tpu.core_type = #tpu.core_type<sc_vector_subcore>, window_params = [{transform_indices = #map}, {transform_indices = #map1}, {transform_indices = #map2}]} {
    %mul3A = arith.constant 5000 : i32
    %mul3A_0 = arith.muli %arg0, %mul3A : i32
    %broadcast_in_dim3A = arith.constant 0.000000e+00 : f32
    %broadcast_in_dim3A_1 = vector.broadcast %broadcast_in_dim3A : f32 to vector<16xf32>
    %scan3A = arith.constant 0 : i32
    %scan3A_2 = arith.constant 0 : i32
    %scan3A_3 = arith.constant 640 : i32
    %scan3A_4 = arith.addi %scan3A_2, %scan3A_3 : i32
    %scan3A_5 = arith.constant 1 : i32
    scf.for %scan3A_232 = %scan3A_2 to %scan3A_4 step %scan3A_5  : i32 {
      %jit3A = arith.constant 8 : i32
      %div3A = arith.divsi %scan3A_232, %jit3A : i32
      %sign3A = arith.constant 0 : i32
      %sign3A_233 = arith.cmpi sgt, %scan3A_232, %sign3A : i32
      %sign3A_234 = arith.extui %sign3A_233 : i1 to i32
      %sign3A_235 = arith.constant 0 : i32
      %sign3A_236 = arith.cmpi slt, %scan3A_232, %sign3A_235 : i32
      %sign3A_237 = arith.extui %sign3A_236 : i1 to i32
      %sign3A_238 = arith.subi %sign3A_234, %sign3A_237 : i32
      %sign3A_239 = arith.constant 0 : i32
      %sign3A_240 = arith.cmpi sgt, %jit3A, %sign3A_239 : i32
      %sign3A_241 = arith.extui %sign3A_240 : i1 to i32
      %sign3A_242 = arith.constant 0 : i32
      %sign3A_243 = arith.cmpi slt, %jit3A, %sign3A_242 : i32
      %sign3A_244 = arith.extui %sign3A_243 : i1 to i32
      %sign3A_245 = arith.subi %sign3A_241, %sign3A_244 : i32
      %ne3A = arith.cmpi ne, %sign3A_238, %sign3A_245 : i32
      %rem3A = arith.remsi %scan3A_232, %jit3A : i32
      %ne3A_246 = arith.constant 0 : i32
      %ne3A_247 = arith.cmpi ne, %rem3A, %ne3A_246 : i32
      %and3A = arith.andi %ne3A, %ne3A_247 : i1
      %sub3A = arith.constant 1 : i32
      %sub3A_248 = arith.subi %div3A, %sub3A : i32
      %select_n3A = arith.select %and3A, %sub3A_248, %div3A : i32
      %jit3A_249 = arith.constant 8 : i32
      %eq3A = arith.constant 0 : i32
      %eq3A_250 = arith.cmpi eq, %jit3A_249, %eq3A : i32
      %jit3A_251 = arith.constant 1 : i32
      %select_n3A_252 = arith.select %eq3A_250, %jit3A_251, %jit3A_249 : i32
      %rem3A_253 = arith.remsi %scan3A_232, %select_n3A_252 : i32
      %ne3A_254 = arith.constant 0 : i32
      %ne3A_255 = arith.cmpi ne, %rem3A_253, %ne3A_254 : i32
      %lt3A = arith.constant 0 : i32
      %lt3A_256 = arith.cmpi slt, %rem3A_253, %lt3A : i32
      %lt3A_257 = arith.constant 0 : i32
      %lt3A_258 = arith.cmpi slt, %select_n3A_252, %lt3A_257 : i32
      %ne3A_259 = arith.xori %lt3A_256, %lt3A_258 : i1
      %and3A_260 = arith.andi %ne3A_259, %ne3A_255 : i1
      %add3A_261 = arith.addi %rem3A_253, %select_n3A_252 : i32
      %select_n3A_262 = arith.select %and3A_260, %add3A_261, %rem3A_253 : i32
      %mul3A_263 = arith.constant 16 : i32
      %mul3A_264 = arith.muli %select_n3A_262, %mul3A_263 : i32
      %swap3A = arith.constant 0 : i32
      %swap3A_265 = arith.index_cast %swap3A : i32 to index
      %swap3A_266 = arith.index_cast %select_n3A : i32 to index
      %swap3A_267 = arith.index_cast %mul3A_264 : i32 to index
      %swap3A_268 = tpu.vector_load %arg8[%swap3A_265, %swap3A_266, %swap3A_267] {strides = array<i32>} : memref<4x80x128xf32, #tpu.memory_space<vmem>>, vector<16xf32>,
      tpu.vector_store %arg8[%swap3A_265, %swap3A_266, %swap3A_267], %broadcast_in_dim3A_1 {strides = array<i32>} : memref<4x80x128xf32, #tpu.memory_space<vmem>>, vector<16xf32>,
    }
    %scan3A_6 = arith.constant 640 : i32
    %mul3A_7 = arith.constant 320 : i32
    %mul3A_8 = arith.muli %arg1, %mul3A_7 : i32
    %add3A = arith.constant 0 : i32
    %add3A_9 = arith.addi %mul3A_8, %add3A : i32
    %run_scoped3A = arith.constant 0 : i32
    "tpu.region"() ({
      %run_scoped3A_232 = tpu.sem_alloc : memref<!tpu.dma_semaphore, #tpu.memory_space<semaphore_mem>>
      %dma_start3A_233 = arith.constant 0 : i32
      %dma_start3A_234 = arith.constant 0 : i32
      %dma_start3A_235 = tpu.memref_slice %arg8[%run_scoped3A, %dma_start3A_233, %dma_start3A_234] : memref<4x80x128xf32, #tpu.memory_space<vmem>> -> memref<1x80x128xf32, #tpu.memory_space<vmem>>
      %dma_start3A_236 = tpu.memref_squeeze %dma_start3A_235 : memref<1x80x128xf32, #tpu.memory_space<vmem>> -> memref<80x128xf32, #tpu.memory_space<vmem>>
      %dma_start3A_237 = arith.constant 0 : i32
      %dma_start3A_238 = tpu.memref_slice %arg9[%add3A_9, %dma_start3A_237] : memref<5120x128xf32, #tpu.memory_space<vmem_shared>> -> memref<80x128xf32, #tpu.memory_space<vmem_shared>>
      %dma_start3A_239 = arith.constant 0 : i32
      %dma_start3A_240 = tpu.memref_slice %arg9[%add3A_9, %dma_start3A_239] : memref<5120x128xf32, #tpu.memory_space<vmem_shared>> -> memref<80x128xf32, #tpu.memory_space<vmem_shared>>
      %dma_start3A_241 = arith.constant 0 : i32
      %dma_start3A_242 = arith.constant 0 : i32
      %dma_start3A_243 = tpu.memref_slice %arg8[%run_scoped3A, %dma_start3A_241, %dma_start3A_242] : memref<4x80x128xf32, #tpu.memory_space<vmem>> -> memref<1x80x128xf32, #tpu.memory_space<vmem>>
      %dma_start3A_244 = tpu.memref_squeeze %dma_start3A_243 : memref<1x80x128xf32, #tpu.memory_space<vmem>> -> memref<80x128xf32, #tpu.memory_space<vmem>>
      tpu.enqueue_dma source(%dma_start3A_244 : memref<80x128xf32, #tpu.memory_space<vmem>>) target(%dma_start3A_240 : memref<80x128xf32, #tpu.memory_space<vmem_shared>>) target_semaphore(%run_scoped3A_232 : memref<!tpu.dma_semaphore, #tpu.memory_space<semaphore_mem>>)
      %dma_wait3A_245 = arith.constant 0 : i32
      %dma_wait3A_246 = arith.constant 0 : i32
      %dma_wait3A_247 = tpu.memref_slice %arg8[%run_scoped3A, %dma_wait3A_245, %dma_wait3A_246] : memref<4x80x128xf32, #tpu.memory_space<vmem>> -> memref<1x80x128xf32, #tpu.memory_space<vmem>>
      %dma_wait3A_248 = tpu.memref_squeeze %dma_wait3A_247 : memref<1x80x128xf32, #tpu.memory_space<vmem>> -> memref<80x128xf32, #tpu.memory_space<vmem>>
      %dma_wait3A_249 = arith.constant 0 : i32
      %dma_wait3A_250 = tpu.memref_slice %arg9[%add3A_9, %dma_wait3A_249] : memref<5120x128xf32, #tpu.memory_space<vmem_shared>> -> memref<80x128xf32, #tpu.memory_space<vmem_shared>>
      %dma_wait3A_251 = arith.constant 0 : i32
      %dma_wait3A_252 = tpu.memref_slice %arg9[%add3A_9, %dma_wait3A_251] : memref<5120x128xf32, #tpu.memory_space<vmem_shared>> -> memref<80x128xf32, #tpu.memory_space<vmem_shared>>
      %dma_wait3A_253 = arith.constant 0 : i32
      %dma_wait3A_254 = arith.constant 0 : i32
      %dma_wait3A_255 = tpu.memref_slice %arg8[%run_scoped3A, %dma_wait3A_253, %dma_wait3A_254] : memref<4x80x128xf32, #tpu.memory_space<vmem>> -> memref<1x80x128xf32, #tpu.memory_space<vmem>>
      %dma_wait3A_256 = tpu.memref_squeeze %dma_wait3A_255 : memref<1x80x128xf32, #tpu.memory_space<vmem>> -> memref<80x128xf32, #tpu.memory_space<vmem>>
      tpu.wait_dma2 semaphore(%run_scoped3A_232 : memref<!tpu.dma_semaphore, #tpu.memory_space<semaphore_mem>>) src(%dma_wait3A_256 : memref<80x128xf32, #tpu.memory_space<vmem>>) dst(%dma_wait3A_252 : memref<80x128xf32, #tpu.memory_space<vmem_shared>>)
      tpu.yield
    }) : () -> ()
    %mul3A_10 = arith.constant 320 : i32
    %mul3A_11 = arith.muli %arg1, %mul3A_10 : i32
    %add3A_12 = arith.constant 80 : i32
    %add3A_13 = arith.addi %mul3A_11, %add3A_12 : i32
    %run_scoped3A_14 = arith.constant 0 : i32
    "tpu.region"() ({
      %run_scoped3A_232 = tpu.sem_alloc : memref<!tpu.dma_semaphore, #tpu.memory_space<semaphore_mem>>
      %dma_start3A_233 = arith.constant 0 : i32
      %dma_start3A_234 = arith.constant 0 : i32
      %dma_start3A_235 = tpu.memref_slice %arg8[%run_scoped3A_14, %dma_start3A_233, %dma_start3A_234] : memref<4x80x128xf32, #tpu.memory_space<vmem>> -> memref<1x80x128xf32, #tpu.memory_space<vmem>>
      %dma_start3A_236 = tpu.memref_squeeze %dma_start3A_235 : memref<1x80x128xf32, #tpu.memory_space<vmem>> -> memref<80x128xf32, #tpu.memory_space<vmem>>
      %dma_start3A_237 = arith.constant 0 : i32
      %dma_start3A_238 = tpu.memref_slice %arg9[%add3A_13, %dma_start3A_237] : memref<5120x128xf32, #tpu.memory_space<vmem_shared>> -> memref<80x128xf32, #tpu.memory_space<vmem_shared>>
      %dma_start3A_239 = arith.constant 0 : i32
      %dma_start3A_240 = tpu.memref_slice %arg9[%add3A_13, %dma_start3A_239] : memref<5120x128xf32, #tpu.memory_space<vmem_shared>> -> memref<80x128xf32, #tpu.memory_space<vmem_shared>>
      %dma_start3A_241 = arith.constant 0 : i32
      %dma_start3A_242 = arith.constant 0 : i32
      %dma_start3A_243 = tpu.memref_slice %arg8[%run_scoped3A_14, %dma_start3A_241, %dma_start3A_242] : memref<4x80x128xf32, #tpu.memory_space<vmem>> -> memref<1x80x128xf32, #tpu.memory_space<vmem>>
      %dma_start3A_244 = tpu.memref_squeeze %dma_start3A_243 : memref<1x80x128xf32, #tpu.memory_space<vmem>> -> memref<80x128xf32, #tpu.memory_space<vmem>>
      tpu.enqueue_dma source(%dma_start3A_244 : memref<80x128xf32, #tpu.memory_space<vmem>>) target(%dma_start3A_240 : memref<80x128xf32, #tpu.memory_space<vmem_shared>>) target_semaphore(%run_scoped3A_232 : memref<!tpu.dma_semaphore, #tpu.memory_space<semaphore_mem>>)
      %dma_wait3A_245 = arith.constant 0 : i32
      %dma_wait3A_246 = arith.constant 0 : i32
      %dma_wait3A_247 = tpu.memref_slice %arg8[%run_scoped3A_14, %dma_wait3A_245, %dma_wait3A_246] : memref<4x80x128xf32, #tpu.memory_space<vmem>> -> memref<1x80x128xf32, #tpu.memory_space<vmem>>
      %dma_wait3A_248 = tpu.memref_squeeze %dma_wait3A_247 : memref<1x80x128xf32, #tpu.memory_space<vmem>> -> memref<80x128xf32, #tpu.memory_space<vmem>>
      %dma_wait3A_249 = arith.constant 0 : i32
      %dma_wait3A_250 = tpu.memref_slice %arg9[%add3A_13, %dma_wait3A_249] : memref<5120x128xf32, #tpu.memory_space<vmem_shared>> -> memref<80x128xf32, #tpu.memory_space<vmem_shared>>
      %dma_wait3A_251 = arith.constant 0 : i32
      %dma_wait3A_252 = tpu.memref_slice %arg9[%add3A_13, %dma_wait3A_251] : memref<5120x128xf32, #tpu.memory_space<vmem_shared>> -> memref<80x128xf32, #tpu.memory_space<vmem_shared>>
      %dma_wait3A_253 = arith.constant 0 : i32
      %dma_wait3A_254 = arith.constant 0 : i32
      %dma_wait3A_255 = tpu.memref_slice %arg8[%run_scoped3A_14, %dma_wait3A_253, %dma_wait3A_254] : memref<4x80x128xf32, #tpu.memory_space<vmem>> -> memref<1x80x128xf32, #tpu.memory_space<vmem>>
      %dma_wait3A_256 = tpu.memref_squeeze %dma_wait3A_255 : memref<1x80x128xf32, #tpu.memory_space<vmem>> -> memref<80x128xf32, #tpu.memory_space<vmem>>
      tpu.wait_dma2 semaphore(%run_scoped3A_232 : memref<!tpu.dma_semaphore, #tpu.memory_space<semaphore_mem>>) src(%dma_wait3A_256 : memref<80x128xf32, #tpu.memory_space<vmem>>) dst(%dma_wait3A_252 : memref<80x128xf32, #tpu.memory_space<vmem_shared>>)
      tpu.yield
    }) : () -> ()
    %mul3A_15 = arith.constant 320 : i32
    %mul3A_16 = arith.muli %arg1, %mul3A_15 : i32
    %add3A_17 = arith.constant 160 : i32
    %add3A_18 = arith.addi %mul3A_16, %add3A_17 : i32
    %run_scoped3A_19 = arith.constant 0 : i32
    "tpu.region"() ({
      %run_scoped3A_232 = tpu.sem_alloc : memref<!tpu.dma_semaphore, #tpu.memory_space<semaphore_mem>>
      %dma_start3A_233 = arith.constant 0 : i32
      %dma_start3A_234 = arith.constant 0 : i32
      %dma_start3A_235 = tpu.memref_slice %arg8[%run_scoped3A_19, %dma_start3A_233, %dma_start3A_234] : memref<4x80x128xf32, #tpu.memory_space<vmem>> -> memref<1x80x128xf32, #tpu.memory_space<vmem>>
      %dma_start3A_236 = tpu.memref_squeeze %dma_start3A_235 : memref<1x80x128xf32, #tpu.memory_space<vmem>> -> memref<80x128xf32, #tpu.memory_space<vmem>>
      %dma_start3A_237 = arith.constant 0 : i32
      %dma_start3A_238 = tpu.memref_slice %arg9[%add3A_18, %dma_start3A_237] : memref<5120x128xf32, #tpu.memory_space<vmem_shared>> -> memref<80x128xf32, #tpu.memory_space<vmem_shared>>
      %dma_start3A_239 = arith.constant 0 : i32
      %dma_start3A_240 = tpu.memref_slice %arg9[%add3A_18, %dma_start3A_239] : memref<5120x128xf32, #tpu.memory_space<vmem_shared>> -> memref<80x128xf32, #tpu.memory_space<vmem_shared>>
      %dma_start3A_241 = arith.constant 0 : i32
      %dma_start3A_242 = arith.constant 0 : i32
      %dma_start3A_243 = tpu.memref_slice %arg8[%run_scoped3A_19, %dma_start3A_241, %dma_start3A_242] : memref<4x80x128xf32, #tpu.memory_space<vmem>> -> memref<1x80x128xf32, #tpu.memory_space<vmem>>
      %dma_start3A_244 = tpu.memref_squeeze %dma_start3A_243 : memref<1x80x128xf32, #tpu.memory_space<vmem>> -> memref<80x128xf32, #tpu.memory_space<vmem>>
      tpu.enqueue_dma source(%dma_start3A_244 : memref<80x128xf32, #tpu.memory_space<vmem>>) target(%dma_start3A_240 : memref<80x128xf32, #tpu.memory_space<vmem_shared>>) target_semaphore(%run_scoped3A_232 : memref<!tpu.dma_semaphore, #tpu.memory_space<semaphore_mem>>)
      %dma_wait3A_245 = arith.constant 0 : i32
      %dma_wait3A_246 = arith.constant 0 : i32
      %dma_wait3A_247 = tpu.memref_slice %arg8[%run_scoped3A_19, %dma_wait3A_245, %dma_wait3A_246] : memref<4x80x128xf32, #tpu.memory_space<vmem>> -> memref<1x80x128xf32, #tpu.memory_space<vmem>>
      %dma_wait3A_248 = tpu.memref_squeeze %dma_wait3A_247 : memref<1x80x128xf32, #tpu.memory_space<vmem>> -> memref<80x128xf32, #tpu.memory_space<vmem>>
      %dma_wait3A_249 = arith.constant 0 : i32
      %dma_wait3A_250 = tpu.memref_slice %arg9[%add3A_18, %dma_wait3A_249] : memref<5120x128xf32, #tpu.memory_space<vmem_shared>> -> memref<80x128xf32, #tpu.memory_space<vmem_shared>>
      %dma_wait3A_251 = arith.constant 0 : i32
      %dma_wait3A_252 = tpu.memref_slice %arg9[%add3A_18, %dma_wait3A_251] : memref<5120x128xf32, #tpu.memory_space<vmem_shared>> -> memref<80x128xf32, #tpu.memory_space<vmem_shared>>
      %dma_wait3A_253 = arith.constant 0 : i32
      %dma_wait3A_254 = arith.constant 0 : i32
      %dma_wait3A_255 = tpu.memref_slice %arg8[%run_scoped3A_19, %dma_wait3A_253, %dma_wait3A_254] : memref<4x80x128xf32, #tpu.memory_space<vmem>> -> memref<1x80x128xf32, #tpu.memory_space<vmem>>
      %dma_wait3A_256 = tpu.memref_squeeze %dma_wait3A_255 : memref<1x80x128xf32, #tpu.memory_space<vmem>> -> memref<80x128xf32, #tpu.memory_space<vmem>>
      tpu.wait_dma2 semaphore(%run_scoped3A_232 : memref<!tpu.dma_semaphore, #tpu.memory_space<semaphore_mem>>) src(%dma_wait3A_256 : memref<80x128xf32, #tpu.memory_space<vmem>>) dst(%dma_wait3A_252 : memref<80x128xf32, #tpu.memory_space<vmem_shared>>)
      tpu.yield
    }) : () -> ()
    %mul3A_20 = arith.constant 320 : i32
    %mul3A_21 = arith.muli %arg1, %mul3A_20 : i32
    %add3A_22 = arith.constant 240 : i32
    %add3A_23 = arith.addi %mul3A_21, %add3A_22 : i32
    %run_scoped3A_24 = arith.constant 0 : i32
    "tpu.region"() ({
      %run_scoped3A_232 = tpu.sem_alloc : memref<!tpu.dma_semaphore, #tpu.memory_space<semaphore_mem>>
      %dma_start3A_233 = arith.constant 0 : i32
      %dma_start3A_234 = arith.constant 0 : i32
      %dma_start3A_235 = tpu.memref_slice %arg8[%run_scoped3A_24, %dma_start3A_233, %dma_start3A_234] : memref<4x80x128xf32, #tpu.memory_space<vmem>> -> memref<1x80x128xf32, #tpu.memory_space<vmem>>
      %dma_start3A_236 = tpu.memref_squeeze %dma_start3A_235 : memref<1x80x128xf32, #tpu.memory_space<vmem>> -> memref<80x128xf32, #tpu.memory_space<vmem>>
      %dma_start3A_237 = arith.constant 0 : i32
      %dma_start3A_238 = tpu.memref_slice %arg9[%add3A_23, %dma_start3A_237] : memref<5120x128xf32, #tpu.memory_space<vmem_shared>> -> memref<80x128xf32, #tpu.memory_space<vmem_shared>>
      %dma_start3A_239 = arith.constant 0 : i32
      %dma_start3A_240 = tpu.memref_slice %arg9[%add3A_23, %dma_start3A_239] : memref<5120x128xf32, #tpu.memory_space<vmem_shared>> -> memref<80x128xf32, #tpu.memory_space<vmem_shared>>
      %dma_start3A_241 = arith.constant 0 : i32
      %dma_start3A_242 = arith.constant 0 : i32
      %dma_start3A_243 = tpu.memref_slice %arg8[%run_scoped3A_24, %dma_start3A_241, %dma_start3A_242] : memref<4x80x128xf32, #tpu.memory_space<vmem>> -> memref<1x80x128xf32, #tpu.memory_space<vmem>>
      %dma_start3A_244 = tpu.memref_squeeze %dma_start3A_243 : memref<1x80x128xf32, #tpu.memory_space<vmem>> -> memref<80x128xf32, #tpu.memory_space<vmem>>
      tpu.enqueue_dma source(%dma_start3A_244 : memref<80x128xf32, #tpu.memory_space<vmem>>) target(%dma_start3A_240 : memref<80x128xf32, #tpu.memory_space<vmem_shared>>) target_semaphore(%run_scoped3A_232 : memref<!tpu.dma_semaphore, #tpu.memory_space<semaphore_mem>>)
      %dma_wait3A_245 = arith.constant 0 : i32
      %dma_wait3A_246 = arith.constant 0 : i32
      %dma_wait3A_247 = tpu.memref_slice %arg8[%run_scoped3A_24, %dma_wait3A_245, %dma_wait3A_246] : memref<4x80x128xf32, #tpu.memory_space<vmem>> -> memref<1x80x128xf32, #tpu.memory_space<vmem>>
      %dma_wait3A_248 = tpu.memref_squeeze %dma_wait3A_247 : memref<1x80x128xf32, #tpu.memory_space<vmem>> -> memref<80x128xf32, #tpu.memory_space<vmem>>
      %dma_wait3A_249 = arith.constant 0 : i32
      %dma_wait3A_250 = tpu.memref_slice %arg9[%add3A_23, %dma_wait3A_249] : memref<5120x128xf32, #tpu.memory_space<vmem_shared>> -> memref<80x128xf32, #tpu.memory_space<vmem_shared>>
      %dma_wait3A_251 = arith.constant 0 : i32
      %dma_wait3A_252 = tpu.memref_slice %arg9[%add3A_23, %dma_wait3A_251] : memref<5120x128xf32, #tpu.memory_space<vmem_shared>> -> memref<80x128xf32, #tpu.memory_space<vmem_shared>>
      %dma_wait3A_253 = arith.constant 0 : i32
      %dma_wait3A_254 = arith.constant 0 : i32
      %dma_wait3A_255 = tpu.memref_slice %arg8[%run_scoped3A_24, %dma_wait3A_253, %dma_wait3A_254] : memref<4x80x128xf32, #tpu.memory_space<vmem>> -> memref<1x80x128xf32, #tpu.memory_space<vmem>>
      %dma_wait3A_256 = tpu.memref_squeeze %dma_wait3A_255 : memref<1x80x128xf32, #tpu.memory_space<vmem>> -> memref<80x128xf32, #tpu.memory_space<vmem>>
      tpu.wait_dma2 semaphore(%run_scoped3A_232 : memref<!tpu.dma_semaphore, #tpu.memory_space<semaphore_mem>>) src(%dma_wait3A_256 : memref<80x128xf32, #tpu.memory_space<vmem>>) dst(%dma_wait3A_252 : memref<80x128xf32, #tpu.memory_space<vmem_shared>>)
      tpu.yield
    }) : () -> ()
    %barrier3A = arith.constant 0 : index
    tpu.barrier barrier_id(%barrier3A)
    %scan3A_25 = arith.constant 0 : i32
    %scan3A_26 = arith.constant 0 : i32
    %scan3A_27 = arith.constant 5 : i32
    %scan3A_28 = arith.addi %scan3A_26, %scan3A_27 : i32
    %scan3A_29 = arith.constant 1 : i32
    scf.for %scan3A_232 = %scan3A_26 to %scan3A_28 step %scan3A_29  : i32 {
      %mul3A_233 = arith.constant 20000 : i32
      %mul3A_234 = arith.muli %arg1, %mul3A_233 : i32
      %add3A_235 = arith.constant 0 : i32
      %add3A_236 = arith.addi %mul3A_234, %add3A_235 : i32
      %mul3A_237 = arith.constant 2000 : i32
      %mul3A_238 = arith.muli %scan3A_232, %mul3A_237 : i32
      %add3A_239 = arith.addi %add3A_236, %mul3A_238 : i32
      "tpu.region"() ({
        %run_scoped3A_246 = tpu.sem_alloc : memref<!tpu.dma_semaphore, #tpu.memory_space<semaphore_mem>>
        %dma_start3A_247 = tpu.memref_slice %arg3[%add3A_239] : memref<320000xi32, #tpu.memory_space<hbm>> -> memref<2000xi32, #tpu.memory_space<hbm>>
        %dma_start3A_248 = tpu.memref_slice %arg3[%add3A_239] : memref<320000xi32, #tpu.memory_space<hbm>> -> memref<2000xi32, #tpu.memory_space<hbm>>
        tpu.enqueue_dma source(%dma_start3A_248 : memref<2000xi32, #tpu.memory_space<hbm>>) target(%arg7 : memref<2000xi32, #tpu.memory_space<vmem>>) target_semaphore(%run_scoped3A_246 : memref<!tpu.dma_semaphore, #tpu.memory_space<semaphore_mem>>)
        %dma_wait3A_249 = tpu.memref_slice %arg3[%add3A_239] : memref<320000xi32, #tpu.memory_space<hbm>> -> memref<2000xi32, #tpu.memory_space<hbm>>
        %dma_wait3A_250 = tpu.memref_slice %arg3[%add3A_239] : memref<320000xi32, #tpu.memory_space<hbm>> -> memref<2000xi32, #tpu.memory_space<hbm>>
        tpu.wait_dma2 semaphore(%run_scoped3A_246 : memref<!tpu.dma_semaphore, #tpu.memory_space<semaphore_mem>>) src(%dma_wait3A_250 : memref<2000xi32, #tpu.memory_space<hbm>>) dst(%arg7 : memref<2000xi32, #tpu.memory_space<vmem>>)
        tpu.yield
      }) : () -> ()
      %scan3A_240 = arith.constant 0 : i32
      %scan3A_241 = arith.constant 0 : i32
      %scan3A_242 = arith.constant 25 : i32
      %scan3A_243 = arith.addi %scan3A_241, %scan3A_242 : i32
      %scan3A_244 = arith.constant 1 : i32
      scf.for %scan3A_246 = %scan3A_241 to %scan3A_243 step %scan3A_244  : i32 {
        %mul3A_247 = arith.constant 80 : i32
        %mul3A_248 = arith.muli %scan3A_246, %mul3A_247 : i32
        %add3A_249 = arith.constant 0 : i32
        %add3A_250 = arith.addi %mul3A_248, %add3A_249 : i32
        %get3A = arith.index_cast %add3A_250 : i32 to index
        %get3A_251 = tpu.vector_load %arg7[%get3A] {strides = array<i32>} : memref<2000xi32, #tpu.memory_space<vmem>>, vector<16xi32>,
        %shift_right_logical3A = arith.constant 16 : i32
        %shift_right_logical3A_252 = vector.broadcast %shift_right_logical3A : i32 to vector<16xi32>
        %shift_right_logical3A_253 = arith.shrui %get3A_251, %shift_right_logical3A_252 : vector<16xi32>
        %sub3A = vector.broadcast %mul3A_0 : i32 to vector<16xi32>
        %sub3A_254 = arith.subi %shift_right_logical3A_253, %sub3A : vector<16xi32>
        %ge3A = arith.constant 0 : i32
        %ge3A_255 = vector.broadcast %ge3A : i32 to vector<16xi32>
        %ge3A_256 = arith.cmpi sge, %sub3A_254, %ge3A_255 : vector<16xi32>
        %lt3A = arith.constant 5000 : i32
        %lt3A_257 = vector.broadcast %lt3A : i32 to vector<16xi32>
        %lt3A_258 = arith.cmpi slt, %sub3A_254, %lt3A_257 : vector<16xi32>
        %and3A = arith.andi %ge3A_256, %lt3A_258 : vector<16xi1>
        %and3A_259 = arith.constant 65535 : i32
        %and3A_260 = vector.broadcast %and3A_259 : i32 to vector<16xi32>
        %and3A_261 = arith.andi %get3A_251, %and3A_260 : vector<16xi32>
        %mul3A_262 = arith.constant 25 : i32
        %mul3A_263 = arith.muli %scan3A_232, %mul3A_262 : i32
        %add3A_264 = arith.addi %mul3A_263, %scan3A_246 : i32
        %swap3A = arith.index_cast %add3A_264 : i32 to index
        %swap3A_265 = arith.constant 0 : index
        %swap3A_266 = tpu.vector_load %arg5[%swap3A, %swap3A_265] {strides = array<i32>} : memref<125x80xi32, #tpu.memory_space<vmem>>, vector<16xi32>,
        tpu.vector_store %arg5[%swap3A, %swap3A_265], %and3A_261 {strides = array<i32>} : memref<125x80xi32, #tpu.memory_space<vmem>>, vector<16xi32>,
        %and3A_267 = arith.constant 63 : i32
        %and3A_268 = vector.broadcast %and3A_267 : i32 to vector<16xi32>
        %and3A_269 = arith.andi %shift_right_logical3A_253, %and3A_268 : vector<16xi32>
        %add3A_270 = arith.constant 5000 : i32
        %add3A_271 = vector.broadcast %add3A_270 : i32 to vector<16xi32>
        %add3A_272 = arith.addi %add3A_271, %and3A_269 : vector<16xi32>
        %select_n3A = arith.select %and3A, %sub3A_254, %add3A_272 : vector<16xi1>, vector<16xi32>
        %mul3A_273 = arith.constant 25 : i32
        %mul3A_274 = arith.muli %scan3A_232, %mul3A_273 : i32
        %add3A_275 = arith.addi %mul3A_274, %scan3A_246 : i32
        %swap3A_276 = arith.index_cast %add3A_275 : i32 to index
        %swap3A_277 = arith.constant 0 : index
        %swap3A_278 = tpu.vector_load %arg6[%swap3A_276, %swap3A_277] {strides = array<i32>} : memref<125x80xi32, #tpu.memory_space<vmem>>, vector<16xi32>,
        tpu.vector_store %arg6[%swap3A_276, %swap3A_277], %select_n3A {strides = array<i32>} : memref<125x80xi32, #tpu.memory_space<vmem>>, vector<16xi32>,
        %mul3A_279 = arith.constant 80 : i32
        %mul3A_280 = arith.muli %scan3A_246, %mul3A_279 : i32
        %add3A_281 = arith.constant 16 : i32
        %add3A_282 = arith.addi %mul3A_280, %add3A_281 : i32
        %get3A_283 = arith.index_cast %add3A_282 : i32 to index
        %get3A_284 = tpu.vector_load %arg7[%get3A_283] {strides = array<i32>} : memref<2000xi32, #tpu.memory_space<vmem>>, vector<16xi32>,
        %shift_right_logical3A_285 = arith.constant 16 : i32
        %shift_right_logical3A_286 = vector.broadcast %shift_right_logical3A_285 : i32 to vector<16xi32>
        %shift_right_logical3A_287 = arith.shrui %get3A_284, %shift_right_logical3A_286 : vector<16xi32>
        %sub3A_288 = vector.broadcast %mul3A_0 : i32 to vector<16xi32>
        %sub3A_289 = arith.subi %shift_right_logical3A_287, %sub3A_288 : vector<16xi32>
        %ge3A_290 = arith.constant 0 : i32
        %ge3A_291 = vector.broadcast %ge3A_290 : i32 to vector<16xi32>
        %ge3A_292 = arith.cmpi sge, %sub3A_289, %ge3A_291 : vector<16xi32>
        %lt3A_293 = arith.constant 5000 : i32
        %lt3A_294 = vector.broadcast %lt3A_293 : i32 to vector<16xi32>
        %lt3A_295 = arith.cmpi slt, %sub3A_289, %lt3A_294 : vector<16xi32>
        %and3A_296 = arith.andi %ge3A_292, %lt3A_295 : vector<16xi1>
        %and3A_297 = arith.constant 65535 : i32
        %and3A_298 = vector.broadcast %and3A_297 : i32 to vector<16xi32>
        %and3A_299 = arith.andi %get3A_284, %and3A_298 : vector<16xi32>
        %mul3A_300 = arith.constant 25 : i32
        %mul3A_301 = arith.muli %scan3A_232, %mul3A_300 : i32
        %add3A_302 = arith.addi %mul3A_301, %scan3A_246 : i32
        %swap3A_303 = arith.index_cast %add3A_302 : i32 to index
        %swap3A_304 = arith.constant 16 : index
        %swap3A_305 = tpu.vector_load %arg5[%swap3A_303, %swap3A_304] {strides = array<i32>} : memref<125x80xi32, #tpu.memory_space<vmem>>, vector<16xi32>,
        tpu.vector_store %arg5[%swap3A_303, %swap3A_304], %and3A_299 {strides = array<i32>} : memref<125x80xi32, #tpu.memory_space<vmem>>, vector<16xi32>,
        %and3A_306 = arith.constant 63 : i32
        %and3A_307 = vector.broadcast %and3A_306 : i32 to vector<16xi32>
        %and3A_308 = arith.andi %shift_right_logical3A_287, %and3A_307 : vector<16xi32>
        %add3A_309 = arith.constant 5000 : i32
        %add3A_310 = vector.broadcast %add3A_309 : i32 to vector<16xi32>
        %add3A_311 = arith.addi %add3A_310, %and3A_308 : vector<16xi32>
        %select_n3A_312 = arith.select %and3A_296, %sub3A_289, %add3A_311 : vector<16xi1>, vector<16xi32>
        %mul3A_313 = arith.constant 25 : i32
        %mul3A_314 = arith.muli %scan3A_232, %mul3A_313 : i32
        %add3A_315 = arith.addi %mul3A_314, %scan3A_246 : i32
        %swap3A_316 = arith.index_cast %add3A_315 : i32 to index
        %swap3A_317 = arith.constant 16 : index
        %swap3A_318 = tpu.vector_load %arg6[%swap3A_316, %swap3A_317] {strides = array<i32>} : memref<125x80xi32, #tpu.memory_space<vmem>>, vector<16xi32>,
        tpu.vector_store %arg6[%swap3A_316, %swap3A_317], %select_n3A_312 {strides = array<i32>} : memref<125x80xi32, #tpu.memory_space<vmem>>, vector<16xi32>,
        %mul3A_319 = arith.constant 80 : i32
        %mul3A_320 = arith.muli %scan3A_246, %mul3A_319 : i32
        %add3A_321 = arith.constant 32 : i32
        %add3A_322 = arith.addi %mul3A_320, %add3A_321 : i32
        %get3A_323 = arith.index_cast %add3A_322 : i32 to index
        %get3A_324 = tpu.vector_load %arg7[%get3A_323] {strides = array<i32>} : memref<2000xi32, #tpu.memory_space<vmem>>, vector<16xi32>,
        %shift_right_logical3A_325 = arith.constant 16 : i32
        %shift_right_logical3A_326 = vector.broadcast %shift_right_logical3A_325 : i32 to vector<16xi32>
        %shift_right_logical3A_327 = arith.shrui %get3A_324, %shift_right_logical3A_326 : vector<16xi32>
        %sub3A_328 = vector.broadcast %mul3A_0 : i32 to vector<16xi32>
        %sub3A_329 = arith.subi %shift_right_logical3A_327, %sub3A_328 : vector<16xi32>
        %ge3A_330 = arith.constant 0 : i32
        %ge3A_331 = vector.broadcast %ge3A_330 : i32 to vector<16xi32>
        %ge3A_332 = arith.cmpi sge, %sub3A_329, %ge3A_331 : vector<16xi32>
        %lt3A_333 = arith.constant 5000 : i32
        %lt3A_334 = vector.broadcast %lt3A_333 : i32 to vector<16xi32>
        %lt3A_335 = arith.cmpi slt, %sub3A_329, %lt3A_334 : vector<16xi32>
        %and3A_336 = arith.andi %ge3A_332, %lt3A_335 : vector<16xi1>
        %and3A_337 = arith.constant 65535 : i32
        %and3A_338 = vector.broadcast %and3A_337 : i32 to vector<16xi32>
        %and3A_339 = arith.andi %get3A_324, %and3A_338 : vector<16xi32>
        %mul3A_340 = arith.constant 25 : i32
        %mul3A_341 = arith.muli %scan3A_232, %mul3A_340 : i32
        %add3A_342 = arith.addi %mul3A_341, %scan3A_246 : i32
        %swap3A_343 = arith.index_cast %add3A_342 : i32 to index
        %swap3A_344 = arith.constant 32 : index
        %swap3A_345 = tpu.vector_load %arg5[%swap3A_343, %swap3A_344] {strides = array<i32>} : memref<125x80xi32, #tpu.memory_space<vmem>>, vector<16xi32>,
        tpu.vector_store %arg5[%swap3A_343, %swap3A_344], %and3A_339 {strides = array<i32>} : memref<125x80xi32, #tpu.memory_space<vmem>>, vector<16xi32>,
        %and3A_346 = arith.constant 63 : i32
        %and3A_347 = vector.broadcast %and3A_346 : i32 to vector<16xi32>
        %and3A_348 = arith.andi %shift_right_logical3A_327, %and3A_347 : vector<16xi32>
        %add3A_349 = arith.constant 5000 : i32
        %add3A_350 = vector.broadcast %add3A_349 : i32 to vector<16xi32>
        %add3A_351 = arith.addi %add3A_350, %and3A_348 : vector<16xi32>
        %select_n3A_352 = arith.select %and3A_336, %sub3A_329, %add3A_351 : vector<16xi1>, vector<16xi32>
        %mul3A_353 = arith.constant 25 : i32
        %mul3A_354 = arith.muli %scan3A_232, %mul3A_353 : i32
        %add3A_355 = arith.addi %mul3A_354, %scan3A_246 : i32
        %swap3A_356 = arith.index_cast %add3A_355 : i32 to index
        %swap3A_357 = arith.constant 32 : index
        %swap3A_358 = tpu.vector_load %arg6[%swap3A_356, %swap3A_357] {strides = array<i32>} : memref<125x80xi32, #tpu.memory_space<vmem>>, vector<16xi32>,
        tpu.vector_store %arg6[%swap3A_356, %swap3A_357], %select_n3A_352 {strides = array<i32>} : memref<125x80xi32, #tpu.memory_space<vmem>>, vector<16xi32>,
        %mul3A_359 = arith.constant 80 : i32
        %mul3A_360 = arith.muli %scan3A_246, %mul3A_359 : i32
        %add3A_361 = arith.constant 48 : i32
        %add3A_362 = arith.addi %mul3A_360, %add3A_361 : i32
        %get3A_363 = arith.index_cast %add3A_362 : i32 to index
        %get3A_364 = tpu.vector_load %arg7[%get3A_363] {strides = array<i32>} : memref<2000xi32, #tpu.memory_space<vmem>>, vector<16xi32>,
        %shift_right_logical3A_365 = arith.constant 16 : i32
        %shift_right_logical3A_366 = vector.broadcast %shift_right_logical3A_365 : i32 to vector<16xi32>
        %shift_right_logical3A_367 = arith.shrui %get3A_364, %shift_right_logical3A_366 : vector<16xi32>
        %sub3A_368 = vector.broadcast %mul3A_0 : i32 to vector<16xi32>
        %sub3A_369 = arith.subi %shift_right_logical3A_367, %sub3A_368 : vector<16xi32>
        %ge3A_370 = arith.constant 0 : i32
        %ge3A_371 = vector.broadcast %ge3A_370 : i32 to vector<16xi32>
        %ge3A_372 = arith.cmpi sge, %sub3A_369, %ge3A_371 : vector<16xi32>
        %lt3A_373 = arith.constant 5000 : i32
        %lt3A_374 = vector.broadcast %lt3A_373 : i32 to vector<16xi32>
        %lt3A_375 = arith.cmpi slt, %sub3A_369, %lt3A_374 : vector<16xi32>
        %and3A_376 = arith.andi %ge3A_372, %lt3A_375 : vector<16xi1>
        %and3A_377 = arith.constant 65535 : i32
        %and3A_378 = vector.broadcast %and3A_377 : i32 to vector<16xi32>
        %and3A_379 = arith.andi %get3A_364, %and3A_378 : vector<16xi32>
        %mul3A_380 = arith.constant 25 : i32
        %mul3A_381 = arith.muli %scan3A_232, %mul3A_380 : i32
        %add3A_382 = arith.addi %mul3A_381, %scan3A_246 : i32
        %swap3A_383 = arith.index_cast %add3A_382 : i32 to index
        %swap3A_384 = arith.constant 48 : index
        %swap3A_385 = tpu.vector_load %arg5[%swap3A_383, %swap3A_384] {strides = array<i32>} : memref<125x80xi32, #tpu.memory_space<vmem>>, vector<16xi32>,
        tpu.vector_store %arg5[%swap3A_383, %swap3A_384], %and3A_379 {strides = array<i32>} : memref<125x80xi32, #tpu.memory_space<vmem>>, vector<16xi32>,
        %and3A_386 = arith.constant 63 : i32
        %and3A_387 = vector.broadcast %and3A_386 : i32 to vector<16xi32>
        %and3A_388 = arith.andi %shift_right_logical3A_367, %and3A_387 : vector<16xi32>
        %add3A_389 = arith.constant 5000 : i32
        %add3A_390 = vector.broadcast %add3A_389 : i32 to vector<16xi32>
        %add3A_391 = arith.addi %add3A_390, %and3A_388 : vector<16xi32>
        %select_n3A_392 = arith.select %and3A_376, %sub3A_369, %add3A_391 : vector<16xi1>, vector<16xi32>
        %mul3A_393 = arith.constant 25 : i32
        %mul3A_394 = arith.muli %scan3A_232, %mul3A_393 : i32
        %add3A_395 = arith.addi %mul3A_394, %scan3A_246 : i32
        %swap3A_396 = arith.index_cast %add3A_395 : i32 to index
        %swap3A_397 = arith.constant 48 : index
        %swap3A_398 = tpu.vector_load %arg6[%swap3A_396, %swap3A_397] {strides = array<i32>} : memref<125x80xi32, #tpu.memory_space<vmem>>, vector<16xi32>,
        tpu.vector_store %arg6[%swap3A_396, %swap3A_397], %select_n3A_392 {strides = array<i32>} : memref<125x80xi32, #tpu.memory_space<vmem>>, vector<16xi32>,
        %mul3A_399 = arith.constant 80 : i32
        %mul3A_400 = arith.muli %scan3A_246, %mul3A_399 : i32
        %add3A_401 = arith.constant 64 : i32
        %add3A_402 = arith.addi %mul3A_400, %add3A_401 : i32
        %get3A_403 = arith.index_cast %add3A_402 : i32 to index
        %get3A_404 = tpu.vector_load %arg7[%get3A_403] {strides = array<i32>} : memref<2000xi32, #tpu.memory_space<vmem>>, vector<16xi32>,
        %shift_right_logical3A_405 = arith.constant 16 : i32
        %shift_right_logical3A_406 = vector.broadcast %shift_right_logical3A_405 : i32 to vector<16xi32>
        %shift_right_logical3A_407 = arith.shrui %get3A_404, %shift_right_logical3A_406 : vector<16xi32>
        %sub3A_408 = vector.broadcast %mul3A_0 : i32 to vector<16xi32>
        %sub3A_409 = arith.subi %shift_right_logical3A_407, %sub3A_408 : vector<16xi32>
        %ge3A_410 = arith.constant 0 : i32
        %ge3A_411 = vector.broadcast %ge3A_410 : i32 to vector<16xi32>
        %ge3A_412 = arith.cmpi sge, %sub3A_409, %ge3A_411 : vector<16xi32>
        %lt3A_413 = arith.constant 5000 : i32
        %lt3A_414 = vector.broadcast %lt3A_413 : i32 to vector<16xi32>
        %lt3A_415 = arith.cmpi slt, %sub3A_409, %lt3A_414 : vector<16xi32>
        %and3A_416 = arith.andi %ge3A_412, %lt3A_415 : vector<16xi1>
        %and3A_417 = arith.constant 65535 : i32
        %and3A_418 = vector.broadcast %and3A_417 : i32 to vector<16xi32>
        %and3A_419 = arith.andi %get3A_404, %and3A_418 : vector<16xi32>
        %mul3A_420 = arith.constant 25 : i32
        %mul3A_421 = arith.muli %scan3A_232, %mul3A_420 : i32
        %add3A_422 = arith.addi %mul3A_421, %scan3A_246 : i32
        %swap3A_423 = arith.index_cast %add3A_422 : i32 to index
        %swap3A_424 = arith.constant 64 : index
        %swap3A_425 = tpu.vector_load %arg5[%swap3A_423, %swap3A_424] {strides = array<i32>} : memref<125x80xi32, #tpu.memory_space<vmem>>, vector<16xi32>,
        tpu.vector_store %arg5[%swap3A_423, %swap3A_424], %and3A_419 {strides = array<i32>} : memref<125x80xi32, #tpu.memory_space<vmem>>, vector<16xi32>,
        %and3A_426 = arith.constant 63 : i32
        %and3A_427 = vector.broadcast %and3A_426 : i32 to vector<16xi32>
        %and3A_428 = arith.andi %shift_right_logical3A_407, %and3A_427 : vector<16xi32>
        %add3A_429 = arith.constant 5000 : i32
        %add3A_430 = vector.broadcast %add3A_429 : i32 to vector<16xi32>
        %add3A_431 = arith.addi %add3A_430, %and3A_428 : vector<16xi32>
        %select_n3A_432 = arith.select %and3A_416, %sub3A_409, %add3A_431 : vector<16xi1>, vector<16xi32>
        %mul3A_433 = arith.constant 25 : i32
        %mul3A_434 = arith.muli %scan3A_232, %mul3A_433 : i32
        %add3A_435 = arith.addi %mul3A_434, %scan3A_246 : i32
        %swap3A_436 = arith.index_cast %add3A_435 : i32 to index
        %swap3A_437 = arith.constant 64 : index
        %swap3A_438 = tpu.vector_load %arg6[%swap3A_436, %swap3A_437] {strides = array<i32>} : memref<125x80xi32, #tpu.memory_space<vmem>>, vector<16xi32>,
        tpu.vector_store %arg6[%swap3A_436, %swap3A_437], %select_n3A_432 {strides = array<i32>} : memref<125x80xi32, #tpu.memory_space<vmem>>, vector<16xi32>,
      }
      %scan3A_245 = arith.constant 25 : i32
    }
    %scan3A_30 = arith.constant 5 : i32
    %dma_start3A = arith.constant 0 : i32
    %dma_start3A_31 = arith.constant 0 : i32
    %dma_start3A_32 = arith.constant 0 : i32
    %dma_start3A_33 = arith.constant 0 : i32
    %dma_start3A_34 = tpu.memref_slice %arg8[%dma_start3A_31, %dma_start3A_32, %dma_start3A_33] : memref<4x80x128xf32, #tpu.memory_space<vmem>> -> memref<1x80x128xf32, #tpu.memory_space<vmem>>
    %dma_start3A_35 = tpu.memref_squeeze %dma_start3A_34 : memref<1x80x128xf32, #tpu.memory_space<vmem>> -> memref<80x128xf32, #tpu.memory_space<vmem>>
    %dma_start3A_36 = arith.constant 0 : i32
    %dma_start3A_37 = tpu.memref_slice %arg5[%dma_start3A, %dma_start3A_36] : memref<125x80xi32, #tpu.memory_space<vmem>> -> memref<1x80xi32, #tpu.memory_space<vmem>>
    %dma_start3A_38 = tpu.memref_squeeze %dma_start3A_37 : memref<1x80xi32, #tpu.memory_space<vmem>> -> memref<80xi32, #tpu.memory_space<vmem>>
    %dma_start3A_39 = arith.constant 0 : i32
    %dma_start3A_40 = arith.constant 0 : i32
    %dma_start3A_41 = tpu.memref_slice %arg2[%dma_start3A_39, %dma_start3A_40] : memref<20480x128xf32, #tpu.memory_space<hbm>> -> memref<20480x128xf32, #tpu.memory_space<hbm>>
    tpu.enqueue_indirect_dma source(%dma_start3A_41 : memref<20480x128xf32, #tpu.memory_space<hbm>>) target(%dma_start3A_35 : memref<80x128xf32, #tpu.memory_space<vmem>>) offsets(%dma_start3A_38 : memref<80xi32, #tpu.memory_space<vmem>>) semaphore(%arg10 : memref<!tpu.dma_semaphore, #tpu.memory_space<semaphore_mem>>)
    %dma_start3A_42 = arith.constant 1 : i32
    %dma_start3A_43 = arith.constant 1 : i32
    %dma_start3A_44 = arith.constant 0 : i32
    %dma_start3A_45 = arith.constant 0 : i32
    %dma_start3A_46 = tpu.memref_slice %arg8[%dma_start3A_43, %dma_start3A_44, %dma_start3A_45] : memref<4x80x128xf32, #tpu.memory_space<vmem>> -> memref<1x80x128xf32, #tpu.memory_space<vmem>>
    %dma_start3A_47 = tpu.memref_squeeze %dma_start3A_46 : memref<1x80x128xf32, #tpu.memory_space<vmem>> -> memref<80x128xf32, #tpu.memory_space<vmem>>
    %dma_start3A_48 = arith.constant 0 : i32
    %dma_start3A_49 = tpu.memref_slice %arg5[%dma_start3A_42, %dma_start3A_48] : memref<125x80xi32, #tpu.memory_space<vmem>> -> memref<1x80xi32, #tpu.memory_space<vmem>>
    %dma_start3A_50 = tpu.memref_squeeze %dma_start3A_49 : memref<1x80xi32, #tpu.memory_space<vmem>> -> memref<80xi32, #tpu.memory_space<vmem>>
    %dma_start3A_51 = arith.constant 0 : i32
    %dma_start3A_52 = arith.constant 0 : i32
    %dma_start3A_53 = tpu.memref_slice %arg2[%dma_start3A_51, %dma_start3A_52] : memref<20480x128xf32, #tpu.memory_space<hbm>> -> memref<20480x128xf32, #tpu.memory_space<hbm>>
    tpu.enqueue_indirect_dma source(%dma_start3A_53 : memref<20480x128xf32, #tpu.memory_space<hbm>>) target(%dma_start3A_47 : memref<80x128xf32, #tpu.memory_space<vmem>>) offsets(%dma_start3A_50 : memref<80xi32, #tpu.memory_space<vmem>>) semaphore(%arg10 : memref<!tpu.dma_semaphore, #tpu.memory_space<semaphore_mem>>)
    %scan3A_54 = arith.constant 0 : i32
    %scan3A_55 = arith.constant 0 : i32
    %scan3A_56 = arith.constant 31 : i32
    %scan3A_57 = arith.addi %scan3A_55, %scan3A_56 : i32
    %scan3A_58 = arith.constant 1 : i32
    scf.for %scan3A_232 = %scan3A_55 to %scan3A_57 step %scan3A_58  : i32 {
      %mul3A_233 = arith.constant 2 : i32
      %mul3A_234 = arith.muli %mul3A_233, %scan3A_232 : i32
      %mul3A_235 = arith.constant 2 : i32
      %mul3A_236 = arith.muli %mul3A_234, %mul3A_235 : i32
      %add3A_237 = arith.constant 0 : i32
      %add3A_238 = arith.addi %mul3A_236, %add3A_237 : i32
      %dma_wait3A_239 = arith.constant 0 : i32
      %dma_wait3A_240 = arith.constant 0 : i32
      %dma_wait3A_241 = arith.constant 0 : i32
      %dma_wait3A_242 = tpu.memref_slice %arg8[%dma_wait3A_239, %dma_wait3A_240, %dma_wait3A_241] : memref<4x80x128xf32, #tpu.memory_space<vmem>> -> memref<1x80x128xf32, #tpu.memory_space<vmem>>
      %dma_wait3A_243 = tpu.memref_squeeze %dma_wait3A_242 : memref<1x80x128xf32, #tpu.memory_space<vmem>> -> memref<80x128xf32, #tpu.memory_space<vmem>>
      %dma_wait3A_244 = arith.constant 0 : i32
      %dma_wait3A_245 = tpu.memref_slice %arg5[%add3A_238, %dma_wait3A_244] : memref<125x80xi32, #tpu.memory_space<vmem>> -> memref<1x80xi32, #tpu.memory_space<vmem>>
      %dma_wait3A_246 = tpu.memref_squeeze %dma_wait3A_245 : memref<1x80xi32, #tpu.memory_space<vmem>> -> memref<80xi32, #tpu.memory_space<vmem>>
      %dma_wait3A_247 = arith.constant 0 : i32
      %dma_wait3A_248 = arith.constant 0 : i32
      %dma_wait3A_249 = tpu.memref_slice %arg2[%dma_wait3A_247, %dma_wait3A_248] : memref<20480x128xf32, #tpu.memory_space<hbm>> -> memref<20480x128xf32, #tpu.memory_space<hbm>>
      tpu.wait_indirect_dma semaphore(%arg10 : memref<!tpu.dma_semaphore, #tpu.memory_space<semaphore_mem>>) src(%dma_wait3A_249 : memref<20480x128xf32, #tpu.memory_space<hbm>>) dst(%dma_wait3A_243 : memref<80x128xf32, #tpu.memory_space<vmem>>)
      %mul3A_250 = arith.constant 2 : i32
      %mul3A_251 = arith.muli %mul3A_234, %mul3A_250 : i32
      %add3A_252 = arith.constant 1 : i32
      %add3A_253 = arith.addi %mul3A_251, %add3A_252 : i32
      %dma_wait3A_254 = arith.constant 1 : i32
      %dma_wait3A_255 = arith.constant 0 : i32
      %dma_wait3A_256 = arith.constant 0 : i32
      %dma_wait3A_257 = tpu.memref_slice %arg8[%dma_wait3A_254, %dma_wait3A_255, %dma_wait3A_256] : memref<4x80x128xf32, #tpu.memory_space<vmem>> -> memref<1x80x128xf32, #tpu.memory_space<vmem>>
      %dma_wait3A_258 = tpu.memref_squeeze %dma_wait3A_257 : memref<1x80x128xf32, #tpu.memory_space<vmem>> -> memref<80x128xf32, #tpu.memory_space<vmem>>
      %dma_wait3A_259 = arith.constant 0 : i32
      %dma_wait3A_260 = tpu.memref_slice %arg5[%add3A_253, %dma_wait3A_259] : memref<125x80xi32, #tpu.memory_space<vmem>> -> memref<1x80xi32, #tpu.memory_space<vmem>>
      %dma_wait3A_261 = tpu.memref_squeeze %dma_wait3A_260 : memref<1x80xi32, #tpu.memory_space<vmem>> -> memref<80xi32, #tpu.memory_space<vmem>>
      %dma_wait3A_262 = arith.constant 0 : i32
      %dma_wait3A_263 = arith.constant 0 : i32
      %dma_wait3A_264 = tpu.memref_slice %arg2[%dma_wait3A_262, %dma_wait3A_263] : memref<20480x128xf32, #tpu.memory_space<hbm>> -> memref<20480x128xf32, #tpu.memory_space<hbm>>
      tpu.wait_indirect_dma semaphore(%arg10 : memref<!tpu.dma_semaphore, #tpu.memory_space<semaphore_mem>>) src(%dma_wait3A_264 : memref<20480x128xf32, #tpu.memory_space<hbm>>) dst(%dma_wait3A_258 : memref<80x128xf32, #tpu.memory_space<vmem>>)
      %add3A_265 = arith.constant 1 : i32
      %add3A_266 = arith.addi %mul3A_234, %add3A_265 : i32
      %mul3A_267 = arith.constant 2 : i32
      %mul3A_268 = arith.muli %add3A_266, %mul3A_267 : i32
      %add3A_269 = arith.constant 0 : i32
      %add3A_270 = arith.addi %mul3A_268, %add3A_269 : i32
      %dma_start3A_271 = arith.constant 2 : i32
      %dma_start3A_272 = arith.constant 0 : i32
      %dma_start3A_273 = arith.constant 0 : i32
      %dma_start3A_274 = tpu.memref_slice %arg8[%dma_start3A_271, %dma_start3A_272, %dma_start3A_273] : memref<4x80x128xf32, #tpu.memory_space<vmem>> -> memref<1x80x128xf32, #tpu.memory_space<vmem>>
      %dma_start3A_275 = tpu.memref_squeeze %dma_start3A_274 : memref<1x80x128xf32, #tpu.memory_space<vmem>> -> memref<80x128xf32, #tpu.memory_space<vmem>>
      %dma_start3A_276 = arith.constant 0 : i32
      %dma_start3A_277 = tpu.memref_slice %arg5[%add3A_270, %dma_start3A_276] : memref<125x80xi32, #tpu.memory_space<vmem>> -> memref<1x80xi32, #tpu.memory_space<vmem>>
      %dma_start3A_278 = tpu.memref_squeeze %dma_start3A_277 : memref<1x80xi32, #tpu.memory_space<vmem>> -> memref<80xi32, #tpu.memory_space<vmem>>
      %dma_start3A_279 = arith.constant 0 : i32
      %dma_start3A_280 = arith.constant 0 : i32
      %dma_start3A_281 = tpu.memref_slice %arg2[%dma_start3A_279, %dma_start3A_280] : memref<20480x128xf32, #tpu.memory_space<hbm>> -> memref<20480x128xf32, #tpu.memory_space<hbm>>
      tpu.enqueue_indirect_dma source(%dma_start3A_281 : memref<20480x128xf32, #tpu.memory_space<hbm>>) target(%dma_start3A_275 : memref<80x128xf32, #tpu.memory_space<vmem>>) offsets(%dma_start3A_278 : memref<80xi32, #tpu.memory_space<vmem>>) semaphore(%arg10 : memref<!tpu.dma_semaphore, #tpu.memory_space<semaphore_mem>>)
      %mul3A_282 = arith.constant 2 : i32
      %mul3A_283 = arith.muli %add3A_266, %mul3A_282 : i32
      %add3A_284 = arith.constant 1 : i32
      %add3A_285 = arith.addi %mul3A_283, %add3A_284 : i32
      %dma_start3A_286 = arith.constant 3 : i32
      %dma_start3A_287 = arith.constant 0 : i32
      %dma_start3A_288 = arith.constant 0 : i32
      %dma_start3A_289 = tpu.memref_slice %arg8[%dma_start3A_286, %dma_start3A_287, %dma_start3A_288] : memref<4x80x128xf32, #tpu.memory_space<vmem>> -> memref<1x80x128xf32, #tpu.memory_space<vmem>>
      %dma_start3A_290 = tpu.memref_squeeze %dma_start3A_289 : memref<1x80x128xf32, #tpu.memory_space<vmem>> -> memref<80x128xf32, #tpu.memory_space<vmem>>
      %dma_start3A_291 = arith.constant 0 : i32
      %dma_start3A_292 = tpu.memref_slice %arg5[%add3A_285, %dma_start3A_291] : memref<125x80xi32, #tpu.memory_space<vmem>> -> memref<1x80xi32, #tpu.memory_space<vmem>>
      %dma_start3A_293 = tpu.memref_squeeze %dma_start3A_292 : memref<1x80xi32, #tpu.memory_space<vmem>> -> memref<80xi32, #tpu.memory_space<vmem>>
      %dma_start3A_294 = arith.constant 0 : i32
      %dma_start3A_295 = arith.constant 0 : i32
      %dma_start3A_296 = tpu.memref_slice %arg2[%dma_start3A_294, %dma_start3A_295] : memref<20480x128xf32, #tpu.memory_space<hbm>> -> memref<20480x128xf32, #tpu.memory_space<hbm>>
      tpu.enqueue_indirect_dma source(%dma_start3A_296 : memref<20480x128xf32, #tpu.memory_space<hbm>>) target(%dma_start3A_290 : memref<80x128xf32, #tpu.memory_space<vmem>>) offsets(%dma_start3A_293 : memref<80xi32, #tpu.memory_space<vmem>>) semaphore(%arg10 : memref<!tpu.dma_semaphore, #tpu.memory_space<semaphore_mem>>)
      %mul3A_297 = arith.constant 2 : i32
      %mul3A_298 = arith.muli %mul3A_234, %mul3A_297 : i32
      %add3A_299 = arith.constant 0 : i32
      %add3A_300 = arith.addi %mul3A_298, %add3A_299 : i32
      %dma_start3A_301 = arith.constant 0 : i32
      %dma_start3A_302 = arith.constant 0 : i32
      %dma_start3A_303 = arith.constant 0 : i32
      %dma_start3A_304 = tpu.memref_slice %arg8[%dma_start3A_301, %dma_start3A_302, %dma_start3A_303] : memref<4x80x128xf32, #tpu.memory_space<vmem>> -> memref<1x80x128xf32, #tpu.memory_space<vmem>>
      %dma_start3A_305 = tpu.memref_squeeze %dma_start3A_304 : memref<1x80x128xf32, #tpu.memory_space<vmem>> -> memref<80x128xf32, #tpu.memory_space<vmem>>
      %dma_start3A_306 = arith.constant 0 : i32
      %dma_start3A_307 = tpu.memref_slice %arg6[%add3A_300, %dma_start3A_306] : memref<125x80xi32, #tpu.memory_space<vmem>> -> memref<1x80xi32, #tpu.memory_space<vmem>>
      %dma_start3A_308 = tpu.memref_squeeze %dma_start3A_307 : memref<1x80xi32, #tpu.memory_space<vmem>> -> memref<80xi32, #tpu.memory_space<vmem>>
      %dma_start3A_309 = arith.constant 0 : i32
      %dma_start3A_310 = arith.constant 0 : i32
      %dma_start3A_311 = tpu.memref_slice %arg9[%dma_start3A_309, %dma_start3A_310] : memref<5120x128xf32, #tpu.memory_space<vmem_shared>> -> memref<5120x128xf32, #tpu.memory_space<vmem_shared>>
      tpu.enqueue_indirect_dma source(%dma_start3A_305 : memref<80x128xf32, #tpu.memory_space<vmem>>) target(%dma_start3A_311 : memref<5120x128xf32, #tpu.memory_space<vmem_shared>>) offsets(%dma_start3A_308 : memref<80xi32, #tpu.memory_space<vmem>>) semaphore(%arg11 : memref<!tpu.dma_semaphore, #tpu.memory_space<semaphore_mem>>) {add = true}
      %mul3A_312 = arith.constant 2 : i32
      %mul3A_313 = arith.muli %mul3A_234, %mul3A_312 : i32
      %add3A_314 = arith.constant 1 : i32
      %add3A_315 = arith.addi %mul3A_313, %add3A_314 : i32
      %dma_start3A_316 = arith.constant 1 : i32
      %dma_start3A_317 = arith.constant 0 : i32
      %dma_start3A_318 = arith.constant 0 : i32
      %dma_start3A_319 = tpu.memref_slice %arg8[%dma_start3A_316, %dma_start3A_317, %dma_start3A_318] : memref<4x80x128xf32, #tpu.memory_space<vmem>> -> memref<1x80x128xf32, #tpu.memory_space<vmem>>
      %dma_start3A_320 = tpu.memref_squeeze %dma_start3A_319 : memref<1x80x128xf32, #tpu.memory_space<vmem>> -> memref<80x128xf32, #tpu.memory_space<vmem>>
      %dma_start3A_321 = arith.constant 0 : i32
      %dma_start3A_322 = tpu.memref_slice %arg6[%add3A_315, %dma_start3A_321] : memref<125x80xi32, #tpu.memory_space<vmem>> -> memref<1x80xi32, #tpu.memory_space<vmem>>
      %dma_start3A_323 = tpu.memref_squeeze %dma_start3A_322 : memref<1x80xi32, #tpu.memory_space<vmem>> -> memref<80xi32, #tpu.memory_space<vmem>>
      %dma_start3A_324 = arith.constant 0 : i32
      %dma_start3A_325 = arith.constant 0 : i32
      %dma_start3A_326 = tpu.memref_slice %arg9[%dma_start3A_324, %dma_start3A_325] : memref<5120x128xf32, #tpu.memory_space<vmem_shared>> -> memref<5120x128xf32, #tpu.memory_space<vmem_shared>>
      tpu.enqueue_indirect_dma source(%dma_start3A_320 : memref<80x128xf32, #tpu.memory_space<vmem>>) target(%dma_start3A_326 : memref<5120x128xf32, #tpu.memory_space<vmem_shared>>) offsets(%dma_start3A_323 : memref<80xi32, #tpu.memory_space<vmem>>) semaphore(%arg11 : memref<!tpu.dma_semaphore, #tpu.memory_space<semaphore_mem>>) {add = true}
      %mul3A_327 = arith.constant 2 : i32
      %mul3A_328 = arith.muli %mul3A_234, %mul3A_327 : i32
      %add3A_329 = arith.constant 0 : i32
      %add3A_330 = arith.addi %mul3A_328, %add3A_329 : i32
      %dma_wait3A_331 = arith.constant 0 : i32
      %dma_wait3A_332 = arith.constant 0 : i32
      %dma_wait3A_333 = arith.constant 0 : i32
      %dma_wait3A_334 = tpu.memref_slice %arg8[%dma_wait3A_331, %dma_wait3A_332, %dma_wait3A_333] : memref<4x80x128xf32, #tpu.memory_space<vmem>> -> memref<1x80x128xf32, #tpu.memory_space<vmem>>
      %dma_wait3A_335 = tpu.memref_squeeze %dma_wait3A_334 : memref<1x80x128xf32, #tpu.memory_space<vmem>> -> memref<80x128xf32, #tpu.memory_space<vmem>>
      %dma_wait3A_336 = arith.constant 0 : i32
      %dma_wait3A_337 = tpu.memref_slice %arg6[%add3A_330, %dma_wait3A_336] : memref<125x80xi32, #tpu.memory_space<vmem>> -> memref<1x80xi32, #tpu.memory_space<vmem>>
      %dma_wait3A_338 = tpu.memref_squeeze %dma_wait3A_337 : memref<1x80xi32, #tpu.memory_space<vmem>> -> memref<80xi32, #tpu.memory_space<vmem>>
      %dma_wait3A_339 = arith.constant 0 : i32
      %dma_wait3A_340 = arith.constant 0 : i32
      %dma_wait3A_341 = tpu.memref_slice %arg9[%dma_wait3A_339, %dma_wait3A_340] : memref<5120x128xf32, #tpu.memory_space<vmem_shared>> -> memref<5120x128xf32, #tpu.memory_space<vmem_shared>>
      tpu.wait_indirect_dma semaphore(%arg11 : memref<!tpu.dma_semaphore, #tpu.memory_space<semaphore_mem>>) src(%dma_wait3A_335 : memref<80x128xf32, #tpu.memory_space<vmem>>) dst(%dma_wait3A_341 : memref<5120x128xf32, #tpu.memory_space<vmem_shared>>)
      %mul3A_342 = arith.constant 2 : i32
      %mul3A_343 = arith.muli %mul3A_234, %mul3A_342 : i32
      %add3A_344 = arith.constant 1 : i32
      %add3A_345 = arith.addi %mul3A_343, %add3A_344 : i32
      %dma_wait3A_346 = arith.constant 1 : i32
      %dma_wait3A_347 = arith.constant 0 : i32
      %dma_wait3A_348 = arith.constant 0 : i32
      %dma_wait3A_349 = tpu.memref_slice %arg8[%dma_wait3A_346, %dma_wait3A_347, %dma_wait3A_348] : memref<4x80x128xf32, #tpu.memory_space<vmem>> -> memref<1x80x128xf32, #tpu.memory_space<vmem>>
      %dma_wait3A_350 = tpu.memref_squeeze %dma_wait3A_349 : memref<1x80x128xf32, #tpu.memory_space<vmem>> -> memref<80x128xf32, #tpu.memory_space<vmem>>
      %dma_wait3A_351 = arith.constant 0 : i32
      %dma_wait3A_352 = tpu.memref_slice %arg6[%add3A_345, %dma_wait3A_351] : memref<125x80xi32, #tpu.memory_space<vmem>> -> memref<1x80xi32, #tpu.memory_space<vmem>>
      %dma_wait3A_353 = tpu.memref_squeeze %dma_wait3A_352 : memref<1x80xi32, #tpu.memory_space<vmem>> -> memref<80xi32, #tpu.memory_space<vmem>>
      %dma_wait3A_354 = arith.constant 0 : i32
      %dma_wait3A_355 = arith.constant 0 : i32
      %dma_wait3A_356 = tpu.memref_slice %arg9[%dma_wait3A_354, %dma_wait3A_355] : memref<5120x128xf32, #tpu.memory_space<vmem_shared>> -> memref<5120x128xf32, #tpu.memory_space<vmem_shared>>
      tpu.wait_indirect_dma semaphore(%arg11 : memref<!tpu.dma_semaphore, #tpu.memory_space<semaphore_mem>>) src(%dma_wait3A_350 : memref<80x128xf32, #tpu.memory_space<vmem>>) dst(%dma_wait3A_356 : memref<5120x128xf32, #tpu.memory_space<vmem_shared>>)
      %add3A_357 = arith.constant 1 : i32
      %add3A_358 = arith.addi %mul3A_234, %add3A_357 : i32
      %mul3A_359 = arith.constant 2 : i32
      %mul3A_360 = arith.muli %add3A_358, %mul3A_359 : i32
      %add3A_361 = arith.constant 0 : i32
      %add3A_362 = arith.addi %mul3A_360, %add3A_361 : i32
      %dma_wait3A_363 = arith.constant 2 : i32
      %dma_wait3A_364 = arith.constant 0 : i32
      %dma_wait3A_365 = arith.constant 0 : i32
      %dma_wait3A_366 = tpu.memref_slice %arg8[%dma_wait3A_363, %dma_wait3A_364, %dma_wait3A_365] : memref<4x80x128xf32, #tpu.memory_space<vmem>> -> memref<1x80x128xf32, #tpu.memory_space<vmem>>
      %dma_wait3A_367 = tpu.memref_squeeze %dma_wait3A_366 : memref<1x80x128xf32, #tpu.memory_space<vmem>> -> memref<80x128xf32, #tpu.memory_space<vmem>>
      %dma_wait3A_368 = arith.constant 0 : i32
      %dma_wait3A_369 = tpu.memref_slice %arg5[%add3A_362, %dma_wait3A_368] : memref<125x80xi32, #tpu.memory_space<vmem>> -> memref<1x80xi32, #tpu.memory_space<vmem>>
      %dma_wait3A_370 = tpu.memref_squeeze %dma_wait3A_369 : memref<1x80xi32, #tpu.memory_space<vmem>> -> memref<80xi32, #tpu.memory_space<vmem>>
      %dma_wait3A_371 = arith.constant 0 : i32
      %dma_wait3A_372 = arith.constant 0 : i32
      %dma_wait3A_373 = tpu.memref_slice %arg2[%dma_wait3A_371, %dma_wait3A_372] : memref<20480x128xf32, #tpu.memory_space<hbm>> -> memref<20480x128xf32, #tpu.memory_space<hbm>>
      tpu.wait_indirect_dma semaphore(%arg10 : memref<!tpu.dma_semaphore, #tpu.memory_space<semaphore_mem>>) src(%dma_wait3A_373 : memref<20480x128xf32, #tpu.memory_space<hbm>>) dst(%dma_wait3A_367 : memref<80x128xf32, #tpu.memory_space<vmem>>)
      %mul3A_374 = arith.constant 2 : i32
      %mul3A_375 = arith.muli %add3A_358, %mul3A_374 : i32
      %add3A_376 = arith.constant 1 : i32
      %add3A_377 = arith.addi %mul3A_375, %add3A_376 : i32
      %dma_wait3A_378 = arith.constant 3 : i32
      %dma_wait3A_379 = arith.constant 0 : i32
      %dma_wait3A_380 = arith.constant 0 : i32
      %dma_wait3A_381 = tpu.memref_slice %arg8[%dma_wait3A_378, %dma_wait3A_379, %dma_wait3A_380] : memref<4x80x128xf32, #tpu.memory_space<vmem>> -> memref<1x80x128xf32, #tpu.memory_space<vmem>>
      %dma_wait3A_382 = tpu.memref_squeeze %dma_wait3A_381 : memref<1x80x128xf32, #tpu.memory_space<vmem>> -> memref<80x128xf32, #tpu.memory_space<vmem>>
      %dma_wait3A_383 = arith.constant 0 : i32
      %dma_wait3A_384 = tpu.memref_slice %arg5[%add3A_377, %dma_wait3A_383] : memref<125x80xi32, #tpu.memory_space<vmem>> -> memref<1x80xi32, #tpu.memory_space<vmem>>
      %dma_wait3A_385 = tpu.memref_squeeze %dma_wait3A_384 : memref<1x80xi32, #tpu.memory_space<vmem>> -> memref<80xi32, #tpu.memory_space<vmem>>
      %dma_wait3A_386 = arith.constant 0 : i32
      %dma_wait3A_387 = arith.constant 0 : i32
      %dma_wait3A_388 = tpu.memref_slice %arg2[%dma_wait3A_386, %dma_wait3A_387] : memref<20480x128xf32, #tpu.memory_space<hbm>> -> memref<20480x128xf32, #tpu.memory_space<hbm>>
      tpu.wait_indirect_dma semaphore(%arg10 : memref<!tpu.dma_semaphore, #tpu.memory_space<semaphore_mem>>) src(%dma_wait3A_388 : memref<20480x128xf32, #tpu.memory_space<hbm>>) dst(%dma_wait3A_382 : memref<80x128xf32, #tpu.memory_space<vmem>>)
      %lt3A = arith.constant 30 : i32
      %lt3A_389 = arith.cmpi slt, %scan3A_232, %lt3A : i32
      %convert_element_type3A = arith.extui %lt3A_389 : i1 to i32
      %cond3A = arith.constant 0 : i32
      %cond3A_390 = arith.cmpi ne, %convert_element_type3A, %cond3A : i32
      scf.if %cond3A_390 {
        %add3A_455 = arith.constant 2 : i32
        %add3A_456 = arith.addi %mul3A_234, %add3A_455 : i32
        %mul3A_457 = arith.constant 2 : i32
        %mul3A_458 = arith.muli %add3A_456, %mul3A_457 : i32
        %add3A_459 = arith.constant 0 : i32
        %add3A_460 = arith.addi %mul3A_458, %add3A_459 : i32
        %dma_start3A_461 = arith.constant 0 : i32
        %dma_start3A_462 = arith.constant 0 : i32
        %dma_start3A_463 = arith.constant 0 : i32
        %dma_start3A_464 = tpu.memref_slice %arg8[%dma_start3A_461, %dma_start3A_462, %dma_start3A_463] : memref<4x80x128xf32, #tpu.memory_space<vmem>> -> memref<1x80x128xf32, #tpu.memory_space<vmem>>
        %dma_start3A_465 = tpu.memref_squeeze %dma_start3A_464 : memref<1x80x128xf32, #tpu.memory_space<vmem>> -> memref<80x128xf32, #tpu.memory_space<vmem>>
        %dma_start3A_466 = arith.constant 0 : i32
        %dma_start3A_467 = tpu.memref_slice %arg5[%add3A_460, %dma_start3A_466] : memref<125x80xi32, #tpu.memory_space<vmem>> -> memref<1x80xi32, #tpu.memory_space<vmem>>
        %dma_start3A_468 = tpu.memref_squeeze %dma_start3A_467 : memref<1x80xi32, #tpu.memory_space<vmem>> -> memref<80xi32, #tpu.memory_space<vmem>>
        %dma_start3A_469 = arith.constant 0 : i32
        %dma_start3A_470 = arith.constant 0 : i32
        %dma_start3A_471 = tpu.memref_slice %arg2[%dma_start3A_469, %dma_start3A_470] : memref<20480x128xf32, #tpu.memory_space<hbm>> -> memref<20480x128xf32, #tpu.memory_space<hbm>>
        tpu.enqueue_indirect_dma source(%dma_start3A_471 : memref<20480x128xf32, #tpu.memory_space<hbm>>) target(%dma_start3A_465 : memref<80x128xf32, #tpu.memory_space<vmem>>) offsets(%dma_start3A_468 : memref<80xi32, #tpu.memory_space<vmem>>) semaphore(%arg10 : memref<!tpu.dma_semaphore, #tpu.memory_space<semaphore_mem>>)
        %mul3A_472 = arith.constant 2 : i32
        %mul3A_473 = arith.muli %add3A_456, %mul3A_472 : i32
        %add3A_474 = arith.constant 1 : i32
        %add3A_475 = arith.addi %mul3A_473, %add3A_474 : i32
        %dma_start3A_476 = arith.constant 1 : i32
        %dma_start3A_477 = arith.constant 0 : i32
        %dma_start3A_478 = arith.constant 0 : i32
        %dma_start3A_479 = tpu.memref_slice %arg8[%dma_start3A_476, %dma_start3A_477, %dma_start3A_478] : memref<4x80x128xf32, #tpu.memory_space<vmem>> -> memref<1x80x128xf32, #tpu.memory_space<vmem>>
        %dma_start3A_480 = tpu.memref_squeeze %dma_start3A_479 : memref<1x80x128xf32, #tpu.memory_space<vmem>> -> memref<80x128xf32, #tpu.memory_space<vmem>>
        %dma_start3A_481 = arith.constant 0 : i32
        %dma_start3A_482 = tpu.memref_slice %arg5[%add3A_475, %dma_start3A_481] : memref<125x80xi32, #tpu.memory_space<vmem>> -> memref<1x80xi32, #tpu.memory_space<vmem>>
        %dma_start3A_483 = tpu.memref_squeeze %dma_start3A_482 : memref<1x80xi32, #tpu.memory_space<vmem>> -> memref<80xi32, #tpu.memory_space<vmem>>
        %dma_start3A_484 = arith.constant 0 : i32
        %dma_start3A_485 = arith.constant 0 : i32
        %dma_start3A_486 = tpu.memref_slice %arg2[%dma_start3A_484, %dma_start3A_485] : memref<20480x128xf32, #tpu.memory_space<hbm>> -> memref<20480x128xf32, #tpu.memory_space<hbm>>
        tpu.enqueue_indirect_dma source(%dma_start3A_486 : memref<20480x128xf32, #tpu.memory_space<hbm>>) target(%dma_start3A_480 : memref<80x128xf32, #tpu.memory_space<vmem>>) offsets(%dma_start3A_483 : memref<80xi32, #tpu.memory_space<vmem>>) semaphore(%arg10 : memref<!tpu.dma_semaphore, #tpu.memory_space<semaphore_mem>>)
      } else {
      }
      %add3A_391 = arith.constant 1 : i32
      %add3A_392 = arith.addi %mul3A_234, %add3A_391 : i32
      %mul3A_393 = arith.constant 2 : i32
      %mul3A_394 = arith.muli %add3A_392, %mul3A_393 : i32
      %add3A_395 = arith.constant 0 : i32
      %add3A_396 = arith.addi %mul3A_394, %add3A_395 : i32
      %dma_start3A_397 = arith.constant 2 : i32
      %dma_start3A_398 = arith.constant 0 : i32
      %dma_start3A_399 = arith.constant 0 : i32
      %dma_start3A_400 = tpu.memref_slice %arg8[%dma_start3A_397, %dma_start3A_398, %dma_start3A_399] : memref<4x80x128xf32, #tpu.memory_space<vmem>> -> memref<1x80x128xf32, #tpu.memory_space<vmem>>
      %dma_start3A_401 = tpu.memref_squeeze %dma_start3A_400 : memref<1x80x128xf32, #tpu.memory_space<vmem>> -> memref<80x128xf32, #tpu.memory_space<vmem>>
      %dma_start3A_402 = arith.constant 0 : i32
      %dma_start3A_403 = tpu.memref_slice %arg6[%add3A_396, %dma_start3A_402] : memref<125x80xi32, #tpu.memory_space<vmem>> -> memref<1x80xi32, #tpu.memory_space<vmem>>
      %dma_start3A_404 = tpu.memref_squeeze %dma_start3A_403 : memref<1x80xi32, #tpu.memory_space<vmem>> -> memref<80xi32, #tpu.memory_space<vmem>>
      %dma_start3A_405 = arith.constant 0 : i32
      %dma_start3A_406 = arith.constant 0 : i32
      %dma_start3A_407 = tpu.memref_slice %arg9[%dma_start3A_405, %dma_start3A_406] : memref<5120x128xf32, #tpu.memory_space<vmem_shared>> -> memref<5120x128xf32, #tpu.memory_space<vmem_shared>>
      tpu.enqueue_indirect_dma source(%dma_start3A_401 : memref<80x128xf32, #tpu.memory_space<vmem>>) target(%dma_start3A_407 : memref<5120x128xf32, #tpu.memory_space<vmem_shared>>) offsets(%dma_start3A_404 : memref<80xi32, #tpu.memory_space<vmem>>) semaphore(%arg11 : memref<!tpu.dma_semaphore, #tpu.memory_space<semaphore_mem>>) {add = true}
      %mul3A_408 = arith.constant 2 : i32
      %mul3A_409 = arith.muli %add3A_392, %mul3A_408 : i32
      %add3A_410 = arith.constant 1 : i32
      %add3A_411 = arith.addi %mul3A_409, %add3A_410 : i32
      %dma_start3A_412 = arith.constant 3 : i32
      %dma_start3A_413 = arith.constant 0 : i32
      %dma_start3A_414 = arith.constant 0 : i32
      %dma_start3A_415 = tpu.memref_slice %arg8[%dma_start3A_412, %dma_start3A_413, %dma_start3A_414] : memref<4x80x128xf32, #tpu.memory_space<vmem>> -> memref<1x80x128xf32, #tpu.memory_space<vmem>>
      %dma_start3A_416 = tpu.memref_squeeze %dma_start3A_415 : memref<1x80x128xf32, #tpu.memory_space<vmem>> -> memref<80x128xf32, #tpu.memory_space<vmem>>
      %dma_start3A_417 = arith.constant 0 : i32
      %dma_start3A_418 = tpu.memref_slice %arg6[%add3A_411, %dma_start3A_417] : memref<125x80xi32, #tpu.memory_space<vmem>> -> memref<1x80xi32, #tpu.memory_space<vmem>>
      %dma_start3A_419 = tpu.memref_squeeze %dma_start3A_418 : memref<1x80xi32, #tpu.memory_space<vmem>> -> memref<80xi32, #tpu.memory_space<vmem>>
      %dma_start3A_420 = arith.constant 0 : i32
      %dma_start3A_421 = arith.constant 0 : i32
      %dma_start3A_422 = tpu.memref_slice %arg9[%dma_start3A_420, %dma_start3A_421] : memref<5120x128xf32, #tpu.memory_space<vmem_shared>> -> memref<5120x128xf32, #tpu.memory_space<vmem_shared>>
      tpu.enqueue_indirect_dma source(%dma_start3A_416 : memref<80x128xf32, #tpu.memory_space<vmem>>) target(%dma_start3A_422 : memref<5120x128xf32, #tpu.memory_space<vmem_shared>>) offsets(%dma_start3A_419 : memref<80xi32, #tpu.memory_space<vmem>>) semaphore(%arg11 : memref<!tpu.dma_semaphore, #tpu.memory_space<semaphore_mem>>) {add = true}
      %add3A_423 = arith.constant 1 : i32
      %add3A_424 = arith.addi %mul3A_234, %add3A_423 : i32
      %mul3A_425 = arith.constant 2 : i32
      %mul3A_426 = arith.muli %add3A_424, %mul3A_425 : i32
      %add3A_427 = arith.constant 0 : i32
      %add3A_428 = arith.addi %mul3A_426, %add3A_427 : i32
      %dma_wait3A_429 = arith.constant 2 : i32
      %dma_wait3A_430 = arith.constant 0 : i32
      %dma_wait3A_431 = arith.constant 0 : i32
      %dma_wait3A_432 = tpu.memref_slice %arg8[%dma_wait3A_429, %dma_wait3A_430, %dma_wait3A_431] : memref<4x80x128xf32, #tpu.memory_space<vmem>> -> memref<1x80x128xf32, #tpu.memory_space<vmem>>
      %dma_wait3A_433 = tpu.memref_squeeze %dma_wait3A_432 : memref<1x80x128xf32, #tpu.memory_space<vmem>> -> memref<80x128xf32, #tpu.memory_space<vmem>>
      %dma_wait3A_434 = arith.constant 0 : i32
      %dma_wait3A_435 = tpu.memref_slice %arg6[%add3A_428, %dma_wait3A_434] : memref<125x80xi32, #tpu.memory_space<vmem>> -> memref<1x80xi32, #tpu.memory_space<vmem>>
      %dma_wait3A_436 = tpu.memref_squeeze %dma_wait3A_435 : memref<1x80xi32, #tpu.memory_space<vmem>> -> memref<80xi32, #tpu.memory_space<vmem>>
      %dma_wait3A_437 = arith.constant 0 : i32
      %dma_wait3A_438 = arith.constant 0 : i32
      %dma_wait3A_439 = tpu.memref_slice %arg9[%dma_wait3A_437, %dma_wait3A_438] : memref<5120x128xf32, #tpu.memory_space<vmem_shared>> -> memref<5120x128xf32, #tpu.memory_space<vmem_shared>>
      tpu.wait_indirect_dma semaphore(%arg11 : memref<!tpu.dma_semaphore, #tpu.memory_space<semaphore_mem>>) src(%dma_wait3A_433 : memref<80x128xf32, #tpu.memory_space<vmem>>) dst(%dma_wait3A_439 : memref<5120x128xf32, #tpu.memory_space<vmem_shared>>)
      %mul3A_440 = arith.constant 2 : i32
      %mul3A_441 = arith.muli %add3A_424, %mul3A_440 : i32
      %add3A_442 = arith.constant 1 : i32
      %add3A_443 = arith.addi %mul3A_441, %add3A_442 : i32
      %dma_wait3A_444 = arith.constant 3 : i32
      %dma_wait3A_445 = arith.constant 0 : i32
      %dma_wait3A_446 = arith.constant 0 : i32
      %dma_wait3A_447 = tpu.memref_slice %arg8[%dma_wait3A_444, %dma_wait3A_445, %dma_wait3A_446] : memref<4x80x128xf32, #tpu.memory_space<vmem>> -> memref<1x80x128xf32, #tpu.memory_space<vmem>>
      %dma_wait3A_448 = tpu.memref_squeeze %dma_wait3A_447 : memref<1x80x128xf32, #tpu.memory_space<vmem>> -> memref<80x128xf32, #tpu.memory_space<vmem>>
      %dma_wait3A_449 = arith.constant 0 : i32
      %dma_wait3A_450 = tpu.memref_slice %arg6[%add3A_443, %dma_wait3A_449] : memref<125x80xi32, #tpu.memory_space<vmem>> -> memref<1x80xi32, #tpu.memory_space<vmem>>
      %dma_wait3A_451 = tpu.memref_squeeze %dma_wait3A_450 : memref<1x80xi32, #tpu.memory_space<vmem>> -> memref<80xi32, #tpu.memory_space<vmem>>
      %dma_wait3A_452 = arith.constant 0 : i32
      %dma_wait3A_453 = arith.constant 0 : i32
      %dma_wait3A_454 = tpu.memref_slice %arg9[%dma_wait3A_452, %dma_wait3A_453] : memref<5120x128xf32, #tpu.memory_space<vmem_shared>> -> memref<5120x128xf32, #tpu.memory_space<vmem_shared>>
      tpu.wait_indirect_dma semaphore(%arg11 : memref<!tpu.dma_semaphore, #tpu.memory_space<semaphore_mem>>) src(%dma_wait3A_448 : memref<80x128xf32, #tpu.memory_space<vmem>>) dst(%dma_wait3A_454 : memref<5120x128xf32, #tpu.memory_space<vmem_shared>>)
    }
    %scan3A_59 = arith.constant 31 : i32
    %dma_start3A_60 = arith.constant 124 : i32
    %dma_start3A_61 = arith.constant 0 : i32
    %dma_start3A_62 = arith.constant 0 : i32
    %dma_start3A_63 = arith.constant 0 : i32
    %dma_start3A_64 = tpu.memref_slice %arg8[%dma_start3A_61, %dma_start3A_62, %dma_start3A_63] : memref<4x80x128xf32, #tpu.memory_space<vmem>> -> memref<1x80x128xf32, #tpu.memory_space<vmem>>
    %dma_start3A_65 = tpu.memref_squeeze %dma_start3A_64 : memref<1x80x128xf32, #tpu.memory_space<vmem>> -> memref<80x128xf32, #tpu.memory_space<vmem>>
    %dma_start3A_66 = arith.constant 0 : i32
    %dma_start3A_67 = tpu.memref_slice %arg5[%dma_start3A_60, %dma_start3A_66] : memref<125x80xi32, #tpu.memory_space<vmem>> -> memref<1x80xi32, #tpu.memory_space<vmem>>
    %dma_start3A_68 = tpu.memref_squeeze %dma_start3A_67 : memref<1x80xi32, #tpu.memory_space<vmem>> -> memref<80xi32, #tpu.memory_space<vmem>>
    %dma_start3A_69 = arith.constant 0 : i32
    %dma_start3A_70 = arith.constant 0 : i32
    %dma_start3A_71 = tpu.memref_slice %arg2[%dma_start3A_69, %dma_start3A_70] : memref<20480x128xf32, #tpu.memory_space<hbm>> -> memref<20480x128xf32, #tpu.memory_space<hbm>>
    tpu.enqueue_indirect_dma source(%dma_start3A_71 : memref<20480x128xf32, #tpu.memory_space<hbm>>) target(%dma_start3A_65 : memref<80x128xf32, #tpu.memory_space<vmem>>) offsets(%dma_start3A_68 : memref<80xi32, #tpu.memory_space<vmem>>) semaphore(%arg10 : memref<!tpu.dma_semaphore, #tpu.memory_space<semaphore_mem>>)
    %dma_wait3A = arith.constant 124 : i32
    %dma_wait3A_72 = arith.constant 0 : i32
    %dma_wait3A_73 = arith.constant 0 : i32
    %dma_wait3A_74 = arith.constant 0 : i32
    %dma_wait3A_75 = tpu.memref_slice %arg8[%dma_wait3A_72, %dma_wait3A_73, %dma_wait3A_74] : memref<4x80x128xf32, #tpu.memory_space<vmem>> -> memref<1x80x128xf32, #tpu.memory_space<vmem>>
    %dma_wait3A_76 = tpu.memref_squeeze %dma_wait3A_75 : memref<1x80x128xf32, #tpu.memory_space<vmem>> -> memref<80x128xf32, #tpu.memory_space<vmem>>
    %dma_wait3A_77 = arith.constant 0 : i32
    %dma_wait3A_78 = tpu.memref_slice %arg5[%dma_wait3A, %dma_wait3A_77] : memref<125x80xi32, #tpu.memory_space<vmem>> -> memref<1x80xi32, #tpu.memory_space<vmem>>
    %dma_wait3A_79 = tpu.memref_squeeze %dma_wait3A_78 : memref<1x80xi32, #tpu.memory_space<vmem>> -> memref<80xi32, #tpu.memory_space<vmem>>
    %dma_wait3A_80 = arith.constant 0 : i32
    %dma_wait3A_81 = arith.constant 0 : i32
    %dma_wait3A_82 = tpu.memref_slice %arg2[%dma_wait3A_80, %dma_wait3A_81] : memref<20480x128xf32, #tpu.memory_space<hbm>> -> memref<20480x128xf32, #tpu.memory_space<hbm>>
    tpu.wait_indirect_dma semaphore(%arg10 : memref<!tpu.dma_semaphore, #tpu.memory_space<semaphore_mem>>) src(%dma_wait3A_82 : memref<20480x128xf32, #tpu.memory_space<hbm>>) dst(%dma_wait3A_76 : memref<80x128xf32, #tpu.memory_space<vmem>>)
    %dma_start3A_83 = arith.constant 0 : i32
    %dma_start3A_84 = arith.constant 124 : i32
    %dma_start3A_85 = arith.constant 0 : i32
    %dma_start3A_86 = arith.constant 0 : i32
    %dma_start3A_87 = tpu.memref_slice %arg8[%dma_start3A_83, %dma_start3A_85, %dma_start3A_86] : memref<4x80x128xf32, #tpu.memory_space<vmem>> -> memref<1x80x128xf32, #tpu.memory_space<vmem>>
    %dma_start3A_88 = tpu.memref_squeeze %dma_start3A_87 : memref<1x80x128xf32, #tpu.memory_space<vmem>> -> memref<80x128xf32, #tpu.memory_space<vmem>>
    %dma_start3A_89 = arith.constant 0 : i32
    %dma_start3A_90 = tpu.memref_slice %arg6[%dma_start3A_84, %dma_start3A_89] : memref<125x80xi32, #tpu.memory_space<vmem>> -> memref<1x80xi32, #tpu.memory_space<vmem>>
    %dma_start3A_91 = tpu.memref_squeeze %dma_start3A_90 : memref<1x80xi32, #tpu.memory_space<vmem>> -> memref<80xi32, #tpu.memory_space<vmem>>
    %dma_start3A_92 = arith.constant 0 : i32
    %dma_start3A_93 = arith.constant 0 : i32
    %dma_start3A_94 = tpu.memref_slice %arg9[%dma_start3A_92, %dma_start3A_93] : memref<5120x128xf32, #tpu.memory_space<vmem_shared>> -> memref<5120x128xf32, #tpu.memory_space<vmem_shared>>
    tpu.enqueue_indirect_dma source(%dma_start3A_88 : memref<80x128xf32, #tpu.memory_space<vmem>>) target(%dma_start3A_94 : memref<5120x128xf32, #tpu.memory_space<vmem_shared>>) offsets(%dma_start3A_91 : memref<80xi32, #tpu.memory_space<vmem>>) semaphore(%arg11 : memref<!tpu.dma_semaphore, #tpu.memory_space<semaphore_mem>>) {add = true}
    %dma_wait3A_95 = arith.constant 0 : i32
    %dma_wait3A_96 = arith.constant 124 : i32
    %dma_wait3A_97 = arith.constant 0 : i32
    %dma_wait3A_98 = arith.constant 0 : i32
    %dma_wait3A_99 = tpu.memref_slice %arg8[%dma_wait3A_95, %dma_wait3A_97, %dma_wait3A_98] : memref<4x80x128xf32, #tpu.memory_space<vmem>> -> memref<1x80x128xf32, #tpu.memory_space<vmem>>
    %dma_wait3A_100 = tpu.memref_squeeze %dma_wait3A_99 : memref<1x80x128xf32, #tpu.memory_space<vmem>> -> memref<80x128xf32, #tpu.memory_space<vmem>>
    %dma_wait3A_101 = arith.constant 0 : i32
    %dma_wait3A_102 = tpu.memref_slice %arg6[%dma_wait3A_96, %dma_wait3A_101] : memref<125x80xi32, #tpu.memory_space<vmem>> -> memref<1x80xi32, #tpu.memory_space<vmem>>
    %dma_wait3A_103 = tpu.memref_squeeze %dma_wait3A_102 : memref<1x80xi32, #tpu.memory_space<vmem>> -> memref<80xi32, #tpu.memory_space<vmem>>
    %dma_wait3A_104 = arith.constant 0 : i32
    %dma_wait3A_105 = arith.constant 0 : i32
    %dma_wait3A_106 = tpu.memref_slice %arg9[%dma_wait3A_104, %dma_wait3A_105] : memref<5120x128xf32, #tpu.memory_space<vmem_shared>> -> memref<5120x128xf32, #tpu.memory_space<vmem_shared>>
    tpu.wait_indirect_dma semaphore(%arg11 : memref<!tpu.dma_semaphore, #tpu.memory_space<semaphore_mem>>) src(%dma_wait3A_100 : memref<80x128xf32, #tpu.memory_space<vmem>>) dst(%dma_wait3A_106 : memref<5120x128xf32, #tpu.memory_space<vmem_shared>>)
    %scan3A_107 = arith.constant 0 : i32
    %scan3A_108 = arith.constant 0 : i32
    %scan3A_109 = arith.constant 5 : i32
    %scan3A_110 = arith.addi %scan3A_108, %scan3A_109 : i32
    %scan3A_111 = arith.constant 1 : i32
    scf.for %scan3A_232 = %scan3A_108 to %scan3A_110 step %scan3A_111  : i32 {
      %mul3A_233 = arith.constant 20000 : i32
      %mul3A_234 = arith.muli %arg1, %mul3A_233 : i32
      %add3A_235 = arith.constant 10000 : i32
      %add3A_236 = arith.addi %mul3A_234, %add3A_235 : i32
      %mul3A_237 = arith.constant 2000 : i32
      %mul3A_238 = arith.muli %scan3A_232, %mul3A_237 : i32
      %add3A_239 = arith.addi %add3A_236, %mul3A_238 : i32
      "tpu.region"() ({
        %run_scoped3A_246 = tpu.sem_alloc : memref<!tpu.dma_semaphore, #tpu.memory_space<semaphore_mem>>
        %dma_start3A_247 = tpu.memref_slice %arg3[%add3A_239] : memref<320000xi32, #tpu.memory_space<hbm>> -> memref<2000xi32, #tpu.memory_space<hbm>>
        %dma_start3A_248 = tpu.memref_slice %arg3[%add3A_239] : memref<320000xi32, #tpu.memory_space<hbm>> -> memref<2000xi32, #tpu.memory_space<hbm>>
        tpu.enqueue_dma source(%dma_start3A_248 : memref<2000xi32, #tpu.memory_space<hbm>>) target(%arg7 : memref<2000xi32, #tpu.memory_space<vmem>>) target_semaphore(%run_scoped3A_246 : memref<!tpu.dma_semaphore, #tpu.memory_space<semaphore_mem>>)
        %dma_wait3A_249 = tpu.memref_slice %arg3[%add3A_239] : memref<320000xi32, #tpu.memory_space<hbm>> -> memref<2000xi32, #tpu.memory_space<hbm>>
        %dma_wait3A_250 = tpu.memref_slice %arg3[%add3A_239] : memref<320000xi32, #tpu.memory_space<hbm>> -> memref<2000xi32, #tpu.memory_space<hbm>>
        tpu.wait_dma2 semaphore(%run_scoped3A_246 : memref<!tpu.dma_semaphore, #tpu.memory_space<semaphore_mem>>) src(%dma_wait3A_250 : memref<2000xi32, #tpu.memory_space<hbm>>) dst(%arg7 : memref<2000xi32, #tpu.memory_space<vmem>>)
        tpu.yield
      }) : () -> ()
      %scan3A_240 = arith.constant 0 : i32
      %scan3A_241 = arith.constant 0 : i32
      %scan3A_242 = arith.constant 25 : i32
      %scan3A_243 = arith.addi %scan3A_241, %scan3A_242 : i32
      %scan3A_244 = arith.constant 1 : i32
      scf.for %scan3A_246 = %scan3A_241 to %scan3A_243 step %scan3A_244  : i32 {
        %mul3A_247 = arith.constant 80 : i32
        %mul3A_248 = arith.muli %scan3A_246, %mul3A_247 : i32
        %add3A_249 = arith.constant 0 : i32
        %add3A_250 = arith.addi %mul3A_248, %add3A_249 : i32
        %get3A = arith.index_cast %add3A_250 : i32 to index
        %get3A_251 = tpu.vector_load %arg7[%get3A] {strides = array<i32>} : memref<2000xi32, #tpu.memory_space<vmem>>, vector<16xi32>,
        %shift_right_logical3A = arith.constant 16 : i32
        %shift_right_logical3A_252 = vector.broadcast %shift_right_logical3A : i32 to vector<16xi32>
        %shift_right_logical3A_253 = arith.shrui %get3A_251, %shift_right_logical3A_252 : vector<16xi32>
        %sub3A = vector.broadcast %mul3A_0 : i32 to vector<16xi32>
        %sub3A_254 = arith.subi %shift_right_logical3A_253, %sub3A : vector<16xi32>
        %ge3A = arith.constant 0 : i32
        %ge3A_255 = vector.broadcast %ge3A : i32 to vector<16xi32>
        %ge3A_256 = arith.cmpi sge, %sub3A_254, %ge3A_255 : vector<16xi32>
        %lt3A = arith.constant 5000 : i32
        %lt3A_257 = vector.broadcast %lt3A : i32 to vector<16xi32>
        %lt3A_258 = arith.cmpi slt, %sub3A_254, %lt3A_257 : vector<16xi32>
        %and3A = arith.andi %ge3A_256, %lt3A_258 : vector<16xi1>
        %and3A_259 = arith.constant 65535 : i32
        %and3A_260 = vector.broadcast %and3A_259 : i32 to vector<16xi32>
        %and3A_261 = arith.andi %get3A_251, %and3A_260 : vector<16xi32>
        %mul3A_262 = arith.constant 25 : i32
        %mul3A_263 = arith.muli %scan3A_232, %mul3A_262 : i32
        %add3A_264 = arith.addi %mul3A_263, %scan3A_246 : i32
        %swap3A = arith.index_cast %add3A_264 : i32 to index
        %swap3A_265 = arith.constant 0 : index
        %swap3A_266 = tpu.vector_load %arg5[%swap3A, %swap3A_265] {strides = array<i32>} : memref<125x80xi32, #tpu.memory_space<vmem>>, vector<16xi32>,
        tpu.vector_store %arg5[%swap3A, %swap3A_265], %and3A_261 {strides = array<i32>} : memref<125x80xi32, #tpu.memory_space<vmem>>, vector<16xi32>,
        %and3A_267 = arith.constant 63 : i32
        %and3A_268 = vector.broadcast %and3A_267 : i32 to vector<16xi32>
        %and3A_269 = arith.andi %shift_right_logical3A_253, %and3A_268 : vector<16xi32>
        %add3A_270 = arith.constant 5000 : i32
        %add3A_271 = vector.broadcast %add3A_270 : i32 to vector<16xi32>
        %add3A_272 = arith.addi %add3A_271, %and3A_269 : vector<16xi32>
        %select_n3A = arith.select %and3A, %sub3A_254, %add3A_272 : vector<16xi1>, vector<16xi32>
        %mul3A_273 = arith.constant 25 : i32
        %mul3A_274 = arith.muli %scan3A_232, %mul3A_273 : i32
        %add3A_275 = arith.addi %mul3A_274, %scan3A_246 : i32
        %swap3A_276 = arith.index_cast %add3A_275 : i32 to index
        %swap3A_277 = arith.constant 0 : index
        %swap3A_278 = tpu.vector_load %arg6[%swap3A_276, %swap3A_277] {strides = array<i32>} : memref<125x80xi32, #tpu.memory_space<vmem>>, vector<16xi32>,
        tpu.vector_store %arg6[%swap3A_276, %swap3A_277], %select_n3A {strides = array<i32>} : memref<125x80xi32, #tpu.memory_space<vmem>>, vector<16xi32>,
        %mul3A_279 = arith.constant 80 : i32
        %mul3A_280 = arith.muli %scan3A_246, %mul3A_279 : i32
        %add3A_281 = arith.constant 16 : i32
        %add3A_282 = arith.addi %mul3A_280, %add3A_281 : i32
        %get3A_283 = arith.index_cast %add3A_282 : i32 to index
        %get3A_284 = tpu.vector_load %arg7[%get3A_283] {strides = array<i32>} : memref<2000xi32, #tpu.memory_space<vmem>>, vector<16xi32>,
        %shift_right_logical3A_285 = arith.constant 16 : i32
        %shift_right_logical3A_286 = vector.broadcast %shift_right_logical3A_285 : i32 to vector<16xi32>
        %shift_right_logical3A_287 = arith.shrui %get3A_284, %shift_right_logical3A_286 : vector<16xi32>
        %sub3A_288 = vector.broadcast %mul3A_0 : i32 to vector<16xi32>
        %sub3A_289 = arith.subi %shift_right_logical3A_287, %sub3A_288 : vector<16xi32>
        %ge3A_290 = arith.constant 0 : i32
        %ge3A_291 = vector.broadcast %ge3A_290 : i32 to vector<16xi32>
        %ge3A_292 = arith.cmpi sge, %sub3A_289, %ge3A_291 : vector<16xi32>
        %lt3A_293 = arith.constant 5000 : i32
        %lt3A_294 = vector.broadcast %lt3A_293 : i32 to vector<16xi32>
        %lt3A_295 = arith.cmpi slt, %sub3A_289, %lt3A_294 : vector<16xi32>
        %and3A_296 = arith.andi %ge3A_292, %lt3A_295 : vector<16xi1>
        %and3A_297 = arith.constant 65535 : i32
        %and3A_298 = vector.broadcast %and3A_297 : i32 to vector<16xi32>
        %and3A_299 = arith.andi %get3A_284, %and3A_298 : vector<16xi32>
        %mul3A_300 = arith.constant 25 : i32
        %mul3A_301 = arith.muli %scan3A_232, %mul3A_300 : i32
        %add3A_302 = arith.addi %mul3A_301, %scan3A_246 : i32
        %swap3A_303 = arith.index_cast %add3A_302 : i32 to index
        %swap3A_304 = arith.constant 16 : index
        %swap3A_305 = tpu.vector_load %arg5[%swap3A_303, %swap3A_304] {strides = array<i32>} : memref<125x80xi32, #tpu.memory_space<vmem>>, vector<16xi32>,
        tpu.vector_store %arg5[%swap3A_303, %swap3A_304], %and3A_299 {strides = array<i32>} : memref<125x80xi32, #tpu.memory_space<vmem>>, vector<16xi32>,
        %and3A_306 = arith.constant 63 : i32
        %and3A_307 = vector.broadcast %and3A_306 : i32 to vector<16xi32>
        %and3A_308 = arith.andi %shift_right_logical3A_287, %and3A_307 : vector<16xi32>
        %add3A_309 = arith.constant 5000 : i32
        %add3A_310 = vector.broadcast %add3A_309 : i32 to vector<16xi32>
        %add3A_311 = arith.addi %add3A_310, %and3A_308 : vector<16xi32>
        %select_n3A_312 = arith.select %and3A_296, %sub3A_289, %add3A_311 : vector<16xi1>, vector<16xi32>
        %mul3A_313 = arith.constant 25 : i32
        %mul3A_314 = arith.muli %scan3A_232, %mul3A_313 : i32
        %add3A_315 = arith.addi %mul3A_314, %scan3A_246 : i32
        %swap3A_316 = arith.index_cast %add3A_315 : i32 to index
        %swap3A_317 = arith.constant 16 : index
        %swap3A_318 = tpu.vector_load %arg6[%swap3A_316, %swap3A_317] {strides = array<i32>} : memref<125x80xi32, #tpu.memory_space<vmem>>, vector<16xi32>,
        tpu.vector_store %arg6[%swap3A_316, %swap3A_317], %select_n3A_312 {strides = array<i32>} : memref<125x80xi32, #tpu.memory_space<vmem>>, vector<16xi32>,
        %mul3A_319 = arith.constant 80 : i32
        %mul3A_320 = arith.muli %scan3A_246, %mul3A_319 : i32
        %add3A_321 = arith.constant 32 : i32
        %add3A_322 = arith.addi %mul3A_320, %add3A_321 : i32
        %get3A_323 = arith.index_cast %add3A_322 : i32 to index
        %get3A_324 = tpu.vector_load %arg7[%get3A_323] {strides = array<i32>} : memref<2000xi32, #tpu.memory_space<vmem>>, vector<16xi32>,
        %shift_right_logical3A_325 = arith.constant 16 : i32
        %shift_right_logical3A_326 = vector.broadcast %shift_right_logical3A_325 : i32 to vector<16xi32>
        %shift_right_logical3A_327 = arith.shrui %get3A_324, %shift_right_logical3A_326 : vector<16xi32>
        %sub3A_328 = vector.broadcast %mul3A_0 : i32 to vector<16xi32>
        %sub3A_329 = arith.subi %shift_right_logical3A_327, %sub3A_328 : vector<16xi32>
        %ge3A_330 = arith.constant 0 : i32
        %ge3A_331 = vector.broadcast %ge3A_330 : i32 to vector<16xi32>
        %ge3A_332 = arith.cmpi sge, %sub3A_329, %ge3A_331 : vector<16xi32>
        %lt3A_333 = arith.constant 5000 : i32
        %lt3A_334 = vector.broadcast %lt3A_333 : i32 to vector<16xi32>
        %lt3A_335 = arith.cmpi slt, %sub3A_329, %lt3A_334 : vector<16xi32>
        %and3A_336 = arith.andi %ge3A_332, %lt3A_335 : vector<16xi1>
        %and3A_337 = arith.constant 65535 : i32
        %and3A_338 = vector.broadcast %and3A_337 : i32 to vector<16xi32>
        %and3A_339 = arith.andi %get3A_324, %and3A_338 : vector<16xi32>
        %mul3A_340 = arith.constant 25 : i32
        %mul3A_341 = arith.muli %scan3A_232, %mul3A_340 : i32
        %add3A_342 = arith.addi %mul3A_341, %scan3A_246 : i32
        %swap3A_343 = arith.index_cast %add3A_342 : i32 to index
        %swap3A_344 = arith.constant 32 : index
        %swap3A_345 = tpu.vector_load %arg5[%swap3A_343, %swap3A_344] {strides = array<i32>} : memref<125x80xi32, #tpu.memory_space<vmem>>, vector<16xi32>,
        tpu.vector_store %arg5[%swap3A_343, %swap3A_344], %and3A_339 {strides = array<i32>} : memref<125x80xi32, #tpu.memory_space<vmem>>, vector<16xi32>,
        %and3A_346 = arith.constant 63 : i32
        %and3A_347 = vector.broadcast %and3A_346 : i32 to vector<16xi32>
        %and3A_348 = arith.andi %shift_right_logical3A_327, %and3A_347 : vector<16xi32>
        %add3A_349 = arith.constant 5000 : i32
        %add3A_350 = vector.broadcast %add3A_349 : i32 to vector<16xi32>
        %add3A_351 = arith.addi %add3A_350, %and3A_348 : vector<16xi32>
        %select_n3A_352 = arith.select %and3A_336, %sub3A_329, %add3A_351 : vector<16xi1>, vector<16xi32>
        %mul3A_353 = arith.constant 25 : i32
        %mul3A_354 = arith.muli %scan3A_232, %mul3A_353 : i32
        %add3A_355 = arith.addi %mul3A_354, %scan3A_246 : i32
        %swap3A_356 = arith.index_cast %add3A_355 : i32 to index
        %swap3A_357 = arith.constant 32 : index
        %swap3A_358 = tpu.vector_load %arg6[%swap3A_356, %swap3A_357] {strides = array<i32>} : memref<125x80xi32, #tpu.memory_space<vmem>>, vector<16xi32>,
        tpu.vector_store %arg6[%swap3A_356, %swap3A_357], %select_n3A_352 {strides = array<i32>} : memref<125x80xi32, #tpu.memory_space<vmem>>, vector<16xi32>,
        %mul3A_359 = arith.constant 80 : i32
        %mul3A_360 = arith.muli %scan3A_246, %mul3A_359 : i32
        %add3A_361 = arith.constant 48 : i32
        %add3A_362 = arith.addi %mul3A_360, %add3A_361 : i32
        %get3A_363 = arith.index_cast %add3A_362 : i32 to index
        %get3A_364 = tpu.vector_load %arg7[%get3A_363] {strides = array<i32>} : memref<2000xi32, #tpu.memory_space<vmem>>, vector<16xi32>,
        %shift_right_logical3A_365 = arith.constant 16 : i32
        %shift_right_logical3A_366 = vector.broadcast %shift_right_logical3A_365 : i32 to vector<16xi32>
        %shift_right_logical3A_367 = arith.shrui %get3A_364, %shift_right_logical3A_366 : vector<16xi32>
        %sub3A_368 = vector.broadcast %mul3A_0 : i32 to vector<16xi32>
        %sub3A_369 = arith.subi %shift_right_logical3A_367, %sub3A_368 : vector<16xi32>
        %ge3A_370 = arith.constant 0 : i32
        %ge3A_371 = vector.broadcast %ge3A_370 : i32 to vector<16xi32>
        %ge3A_372 = arith.cmpi sge, %sub3A_369, %ge3A_371 : vector<16xi32>
        %lt3A_373 = arith.constant 5000 : i32
        %lt3A_374 = vector.broadcast %lt3A_373 : i32 to vector<16xi32>
        %lt3A_375 = arith.cmpi slt, %sub3A_369, %lt3A_374 : vector<16xi32>
        %and3A_376 = arith.andi %ge3A_372, %lt3A_375 : vector<16xi1>
        %and3A_377 = arith.constant 65535 : i32
        %and3A_378 = vector.broadcast %and3A_377 : i32 to vector<16xi32>
        %and3A_379 = arith.andi %get3A_364, %and3A_378 : vector<16xi32>
        %mul3A_380 = arith.constant 25 : i32
        %mul3A_381 = arith.muli %scan3A_232, %mul3A_380 : i32
        %add3A_382 = arith.addi %mul3A_381, %scan3A_246 : i32
        %swap3A_383 = arith.index_cast %add3A_382 : i32 to index
        %swap3A_384 = arith.constant 48 : index
        %swap3A_385 = tpu.vector_load %arg5[%swap3A_383, %swap3A_384] {strides = array<i32>} : memref<125x80xi32, #tpu.memory_space<vmem>>, vector<16xi32>,
        tpu.vector_store %arg5[%swap3A_383, %swap3A_384], %and3A_379 {strides = array<i32>} : memref<125x80xi32, #tpu.memory_space<vmem>>, vector<16xi32>,
        %and3A_386 = arith.constant 63 : i32
        %and3A_387 = vector.broadcast %and3A_386 : i32 to vector<16xi32>
        %and3A_388 = arith.andi %shift_right_logical3A_367, %and3A_387 : vector<16xi32>
        %add3A_389 = arith.constant 5000 : i32
        %add3A_390 = vector.broadcast %add3A_389 : i32 to vector<16xi32>
        %add3A_391 = arith.addi %add3A_390, %and3A_388 : vector<16xi32>
        %select_n3A_392 = arith.select %and3A_376, %sub3A_369, %add3A_391 : vector<16xi1>, vector<16xi32>
        %mul3A_393 = arith.constant 25 : i32
        %mul3A_394 = arith.muli %scan3A_232, %mul3A_393 : i32
        %add3A_395 = arith.addi %mul3A_394, %scan3A_246 : i32
        %swap3A_396 = arith.index_cast %add3A_395 : i32 to index
        %swap3A_397 = arith.constant 48 : index
        %swap3A_398 = tpu.vector_load %arg6[%swap3A_396, %swap3A_397] {strides = array<i32>} : memref<125x80xi32, #tpu.memory_space<vmem>>, vector<16xi32>,
        tpu.vector_store %arg6[%swap3A_396, %swap3A_397], %select_n3A_392 {strides = array<i32>} : memref<125x80xi32, #tpu.memory_space<vmem>>, vector<16xi32>,
        %mul3A_399 = arith.constant 80 : i32
        %mul3A_400 = arith.muli %scan3A_246, %mul3A_399 : i32
        %add3A_401 = arith.constant 64 : i32
        %add3A_402 = arith.addi %mul3A_400, %add3A_401 : i32
        %get3A_403 = arith.index_cast %add3A_402 : i32 to index
        %get3A_404 = tpu.vector_load %arg7[%get3A_403] {strides = array<i32>} : memref<2000xi32, #tpu.memory_space<vmem>>, vector<16xi32>,
        %shift_right_logical3A_405 = arith.constant 16 : i32
        %shift_right_logical3A_406 = vector.broadcast %shift_right_logical3A_405 : i32 to vector<16xi32>
        %shift_right_logical3A_407 = arith.shrui %get3A_404, %shift_right_logical3A_406 : vector<16xi32>
        %sub3A_408 = vector.broadcast %mul3A_0 : i32 to vector<16xi32>
        %sub3A_409 = arith.subi %shift_right_logical3A_407, %sub3A_408 : vector<16xi32>
        %ge3A_410 = arith.constant 0 : i32
        %ge3A_411 = vector.broadcast %ge3A_410 : i32 to vector<16xi32>
        %ge3A_412 = arith.cmpi sge, %sub3A_409, %ge3A_411 : vector<16xi32>
        %lt3A_413 = arith.constant 5000 : i32
        %lt3A_414 = vector.broadcast %lt3A_413 : i32 to vector<16xi32>
        %lt3A_415 = arith.cmpi slt, %sub3A_409, %lt3A_414 : vector<16xi32>
        %and3A_416 = arith.andi %ge3A_412, %lt3A_415 : vector<16xi1>
        %and3A_417 = arith.constant 65535 : i32
        %and3A_418 = vector.broadcast %and3A_417 : i32 to vector<16xi32>
        %and3A_419 = arith.andi %get3A_404, %and3A_418 : vector<16xi32>
        %mul3A_420 = arith.constant 25 : i32
        %mul3A_421 = arith.muli %scan3A_232, %mul3A_420 : i32
        %add3A_422 = arith.addi %mul3A_421, %scan3A_246 : i32
        %swap3A_423 = arith.index_cast %add3A_422 : i32 to index
        %swap3A_424 = arith.constant 64 : index
        %swap3A_425 = tpu.vector_load %arg5[%swap3A_423, %swap3A_424] {strides = array<i32>} : memref<125x80xi32, #tpu.memory_space<vmem>>, vector<16xi32>,
        tpu.vector_store %arg5[%swap3A_423, %swap3A_424], %and3A_419 {strides = array<i32>} : memref<125x80xi32, #tpu.memory_space<vmem>>, vector<16xi32>,
        %and3A_426 = arith.constant 63 : i32
        %and3A_427 = vector.broadcast %and3A_426 : i32 to vector<16xi32>
        %and3A_428 = arith.andi %shift_right_logical3A_407, %and3A_427 : vector<16xi32>
        %add3A_429 = arith.constant 5000 : i32
        %add3A_430 = vector.broadcast %add3A_429 : i32 to vector<16xi32>
        %add3A_431 = arith.addi %add3A_430, %and3A_428 : vector<16xi32>
        %select_n3A_432 = arith.select %and3A_416, %sub3A_409, %add3A_431 : vector<16xi1>, vector<16xi32>
        %mul3A_433 = arith.constant 25 : i32
        %mul3A_434 = arith.muli %scan3A_232, %mul3A_433 : i32
        %add3A_435 = arith.addi %mul3A_434, %scan3A_246 : i32
        %swap3A_436 = arith.index_cast %add3A_435 : i32 to index
        %swap3A_437 = arith.constant 64 : index
        %swap3A_438 = tpu.vector_load %arg6[%swap3A_436, %swap3A_437] {strides = array<i32>} : memref<125x80xi32, #tpu.memory_space<vmem>>, vector<16xi32>,
        tpu.vector_store %arg6[%swap3A_436, %swap3A_437], %select_n3A_432 {strides = array<i32>} : memref<125x80xi32, #tpu.memory_space<vmem>>, vector<16xi32>,
      }
      %scan3A_245 = arith.constant 25 : i32
    }
    %scan3A_112 = arith.constant 5 : i32
    %dma_start3A_113 = arith.constant 0 : i32
    %dma_start3A_114 = arith.constant 0 : i32
    %dma_start3A_115 = arith.constant 0 : i32
    %dma_start3A_116 = arith.constant 0 : i32
    %dma_start3A_117 = tpu.memref_slice %arg8[%dma_start3A_114, %dma_start3A_115, %dma_start3A_116] : memref<4x80x128xf32, #tpu.memory_space<vmem>> -> memref<1x80x128xf32, #tpu.memory_space<vmem>>
    %dma_start3A_118 = tpu.memref_squeeze %dma_start3A_117 : memref<1x80x128xf32, #tpu.memory_space<vmem>> -> memref<80x128xf32, #tpu.memory_space<vmem>>
    %dma_start3A_119 = arith.constant 0 : i32
    %dma_start3A_120 = tpu.memref_slice %arg5[%dma_start3A_113, %dma_start3A_119] : memref<125x80xi32, #tpu.memory_space<vmem>> -> memref<1x80xi32, #tpu.memory_space<vmem>>
    %dma_start3A_121 = tpu.memref_squeeze %dma_start3A_120 : memref<1x80xi32, #tpu.memory_space<vmem>> -> memref<80xi32, #tpu.memory_space<vmem>>
    %dma_start3A_122 = arith.constant 0 : i32
    %dma_start3A_123 = arith.constant 0 : i32
    %dma_start3A_124 = tpu.memref_slice %arg2[%dma_start3A_122, %dma_start3A_123] : memref<20480x128xf32, #tpu.memory_space<hbm>> -> memref<20480x128xf32, #tpu.memory_space<hbm>>
    tpu.enqueue_indirect_dma source(%dma_start3A_124 : memref<20480x128xf32, #tpu.memory_space<hbm>>) target(%dma_start3A_118 : memref<80x128xf32, #tpu.memory_space<vmem>>) offsets(%dma_start3A_121 : memref<80xi32, #tpu.memory_space<vmem>>) semaphore(%arg10 : memref<!tpu.dma_semaphore, #tpu.memory_space<semaphore_mem>>)
    %dma_start3A_125 = arith.constant 1 : i32
    %dma_start3A_126 = arith.constant 1 : i32
    %dma_start3A_127 = arith.constant 0 : i32
    %dma_start3A_128 = arith.constant 0 : i32
    %dma_start3A_129 = tpu.memref_slice %arg8[%dma_start3A_126, %dma_start3A_127, %dma_start3A_128] : memref<4x80x128xf32, #tpu.memory_space<vmem>> -> memref<1x80x128xf32, #tpu.memory_space<vmem>>
    %dma_start3A_130 = tpu.memref_squeeze %dma_start3A_129 : memref<1x80x128xf32, #tpu.memory_space<vmem>> -> memref<80x128xf32, #tpu.memory_space<vmem>>
    %dma_start3A_131 = arith.constant 0 : i32
    %dma_start3A_132 = tpu.memref_slice %arg5[%dma_start3A_125, %dma_start3A_131] : memref<125x80xi32, #tpu.memory_space<vmem>> -> memref<1x80xi32, #tpu.memory_space<vmem>>
    %dma_start3A_133 = tpu.memref_squeeze %dma_start3A_132 : memref<1x80xi32, #tpu.memory_space<vmem>> -> memref<80xi32, #tpu.memory_space<vmem>>
    %dma_start3A_134 = arith.constant 0 : i32
    %dma_start3A_135 = arith.constant 0 : i32
    %dma_start3A_136 = tpu.memref_slice %arg2[%dma_start3A_134, %dma_start3A_135] : memref<20480x128xf32, #tpu.memory_space<hbm>> -> memref<20480x128xf32, #tpu.memory_space<hbm>>
    tpu.enqueue_indirect_dma source(%dma_start3A_136 : memref<20480x128xf32, #tpu.memory_space<hbm>>) target(%dma_start3A_130 : memref<80x128xf32, #tpu.memory_space<vmem>>) offsets(%dma_start3A_133 : memref<80xi32, #tpu.memory_space<vmem>>) semaphore(%arg10 : memref<!tpu.dma_semaphore, #tpu.memory_space<semaphore_mem>>)
    %scan3A_137 = arith.constant 0 : i32
    %scan3A_138 = arith.constant 0 : i32
    %scan3A_139 = arith.constant 31 : i32
    %scan3A_140 = arith.addi %scan3A_138, %scan3A_139 : i32
    %scan3A_141 = arith.constant 1 : i32
    scf.for %scan3A_232 = %scan3A_138 to %scan3A_140 step %scan3A_141  : i32 {
      %mul3A_233 = arith.constant 2 : i32
      %mul3A_234 = arith.muli %mul3A_233, %scan3A_232 : i32
      %mul3A_235 = arith.constant 2 : i32
      %mul3A_236 = arith.muli %mul3A_234, %mul3A_235 : i32
      %add3A_237 = arith.constant 0 : i32
      %add3A_238 = arith.addi %mul3A_236, %add3A_237 : i32
      %dma_wait3A_239 = arith.constant 0 : i32
      %dma_wait3A_240 = arith.constant 0 : i32
      %dma_wait3A_241 = arith.constant 0 : i32
      %dma_wait3A_242 = tpu.memref_slice %arg8[%dma_wait3A_239, %dma_wait3A_240, %dma_wait3A_241] : memref<4x80x128xf32, #tpu.memory_space<vmem>> -> memref<1x80x128xf32, #tpu.memory_space<vmem>>
      %dma_wait3A_243 = tpu.memref_squeeze %dma_wait3A_242 : memref<1x80x128xf32, #tpu.memory_space<vmem>> -> memref<80x128xf32, #tpu.memory_space<vmem>>
      %dma_wait3A_244 = arith.constant 0 : i32
      %dma_wait3A_245 = tpu.memref_slice %arg5[%add3A_238, %dma_wait3A_244] : memref<125x80xi32, #tpu.memory_space<vmem>> -> memref<1x80xi32, #tpu.memory_space<vmem>>
      %dma_wait3A_246 = tpu.memref_squeeze %dma_wait3A_245 : memref<1x80xi32, #tpu.memory_space<vmem>> -> memref<80xi32, #tpu.memory_space<vmem>>
      %dma_wait3A_247 = arith.constant 0 : i32
      %dma_wait3A_248 = arith.constant 0 : i32
      %dma_wait3A_249 = tpu.memref_slice %arg2[%dma_wait3A_247, %dma_wait3A_248] : memref<20480x128xf32, #tpu.memory_space<hbm>> -> memref<20480x128xf32, #tpu.memory_space<hbm>>
      tpu.wait_indirect_dma semaphore(%arg10 : memref<!tpu.dma_semaphore, #tpu.memory_space<semaphore_mem>>) src(%dma_wait3A_249 : memref<20480x128xf32, #tpu.memory_space<hbm>>) dst(%dma_wait3A_243 : memref<80x128xf32, #tpu.memory_space<vmem>>)
      %mul3A_250 = arith.constant 2 : i32
      %mul3A_251 = arith.muli %mul3A_234, %mul3A_250 : i32
      %add3A_252 = arith.constant 1 : i32
      %add3A_253 = arith.addi %mul3A_251, %add3A_252 : i32
      %dma_wait3A_254 = arith.constant 1 : i32
      %dma_wait3A_255 = arith.constant 0 : i32
      %dma_wait3A_256 = arith.constant 0 : i32
      %dma_wait3A_257 = tpu.memref_slice %arg8[%dma_wait3A_254, %dma_wait3A_255, %dma_wait3A_256] : memref<4x80x128xf32, #tpu.memory_space<vmem>> -> memref<1x80x128xf32, #tpu.memory_space<vmem>>
      %dma_wait3A_258 = tpu.memref_squeeze %dma_wait3A_257 : memref<1x80x128xf32, #tpu.memory_space<vmem>> -> memref<80x128xf32, #tpu.memory_space<vmem>>
      %dma_wait3A_259 = arith.constant 0 : i32
      %dma_wait3A_260 = tpu.memref_slice %arg5[%add3A_253, %dma_wait3A_259] : memref<125x80xi32, #tpu.memory_space<vmem>> -> memref<1x80xi32, #tpu.memory_space<vmem>>
      %dma_wait3A_261 = tpu.memref_squeeze %dma_wait3A_260 : memref<1x80xi32, #tpu.memory_space<vmem>> -> memref<80xi32, #tpu.memory_space<vmem>>
      %dma_wait3A_262 = arith.constant 0 : i32
      %dma_wait3A_263 = arith.constant 0 : i32
      %dma_wait3A_264 = tpu.memref_slice %arg2[%dma_wait3A_262, %dma_wait3A_263] : memref<20480x128xf32, #tpu.memory_space<hbm>> -> memref<20480x128xf32, #tpu.memory_space<hbm>>
      tpu.wait_indirect_dma semaphore(%arg10 : memref<!tpu.dma_semaphore, #tpu.memory_space<semaphore_mem>>) src(%dma_wait3A_264 : memref<20480x128xf32, #tpu.memory_space<hbm>>) dst(%dma_wait3A_258 : memref<80x128xf32, #tpu.memory_space<vmem>>)
      %add3A_265 = arith.constant 1 : i32
      %add3A_266 = arith.addi %mul3A_234, %add3A_265 : i32
      %mul3A_267 = arith.constant 2 : i32
      %mul3A_268 = arith.muli %add3A_266, %mul3A_267 : i32
      %add3A_269 = arith.constant 0 : i32
      %add3A_270 = arith.addi %mul3A_268, %add3A_269 : i32
      %dma_start3A_271 = arith.constant 2 : i32
      %dma_start3A_272 = arith.constant 0 : i32
      %dma_start3A_273 = arith.constant 0 : i32
      %dma_start3A_274 = tpu.memref_slice %arg8[%dma_start3A_271, %dma_start3A_272, %dma_start3A_273] : memref<4x80x128xf32, #tpu.memory_space<vmem>> -> memref<1x80x128xf32, #tpu.memory_space<vmem>>
      %dma_start3A_275 = tpu.memref_squeeze %dma_start3A_274 : memref<1x80x128xf32, #tpu.memory_space<vmem>> -> memref<80x128xf32, #tpu.memory_space<vmem>>
      %dma_start3A_276 = arith.constant 0 : i32
      %dma_start3A_277 = tpu.memref_slice %arg5[%add3A_270, %dma_start3A_276] : memref<125x80xi32, #tpu.memory_space<vmem>> -> memref<1x80xi32, #tpu.memory_space<vmem>>
      %dma_start3A_278 = tpu.memref_squeeze %dma_start3A_277 : memref<1x80xi32, #tpu.memory_space<vmem>> -> memref<80xi32, #tpu.memory_space<vmem>>
      %dma_start3A_279 = arith.constant 0 : i32
      %dma_start3A_280 = arith.constant 0 : i32
      %dma_start3A_281 = tpu.memref_slice %arg2[%dma_start3A_279, %dma_start3A_280] : memref<20480x128xf32, #tpu.memory_space<hbm>> -> memref<20480x128xf32, #tpu.memory_space<hbm>>
      tpu.enqueue_indirect_dma source(%dma_start3A_281 : memref<20480x128xf32, #tpu.memory_space<hbm>>) target(%dma_start3A_275 : memref<80x128xf32, #tpu.memory_space<vmem>>) offsets(%dma_start3A_278 : memref<80xi32, #tpu.memory_space<vmem>>) semaphore(%arg10 : memref<!tpu.dma_semaphore, #tpu.memory_space<semaphore_mem>>)
      %mul3A_282 = arith.constant 2 : i32
      %mul3A_283 = arith.muli %add3A_266, %mul3A_282 : i32
      %add3A_284 = arith.constant 1 : i32
      %add3A_285 = arith.addi %mul3A_283, %add3A_284 : i32
      %dma_start3A_286 = arith.constant 3 : i32
      %dma_start3A_287 = arith.constant 0 : i32
      %dma_start3A_288 = arith.constant 0 : i32
      %dma_start3A_289 = tpu.memref_slice %arg8[%dma_start3A_286, %dma_start3A_287, %dma_start3A_288] : memref<4x80x128xf32, #tpu.memory_space<vmem>> -> memref<1x80x128xf32, #tpu.memory_space<vmem>>
      %dma_start3A_290 = tpu.memref_squeeze %dma_start3A_289 : memref<1x80x128xf32, #tpu.memory_space<vmem>> -> memref<80x128xf32, #tpu.memory_space<vmem>>
      %dma_start3A_291 = arith.constant 0 : i32
      %dma_start3A_292 = tpu.memref_slice %arg5[%add3A_285, %dma_start3A_291] : memref<125x80xi32, #tpu.memory_space<vmem>> -> memref<1x80xi32, #tpu.memory_space<vmem>>
      %dma_start3A_293 = tpu.memref_squeeze %dma_start3A_292 : memref<1x80xi32, #tpu.memory_space<vmem>> -> memref<80xi32, #tpu.memory_space<vmem>>
      %dma_start3A_294 = arith.constant 0 : i32
      %dma_start3A_295 = arith.constant 0 : i32
      %dma_start3A_296 = tpu.memref_slice %arg2[%dma_start3A_294, %dma_start3A_295] : memref<20480x128xf32, #tpu.memory_space<hbm>> -> memref<20480x128xf32, #tpu.memory_space<hbm>>
      tpu.enqueue_indirect_dma source(%dma_start3A_296 : memref<20480x128xf32, #tpu.memory_space<hbm>>) target(%dma_start3A_290 : memref<80x128xf32, #tpu.memory_space<vmem>>) offsets(%dma_start3A_293 : memref<80xi32, #tpu.memory_space<vmem>>) semaphore(%arg10 : memref<!tpu.dma_semaphore, #tpu.memory_space<semaphore_mem>>)
      %mul3A_297 = arith.constant 2 : i32
      %mul3A_298 = arith.muli %mul3A_234, %mul3A_297 : i32
      %add3A_299 = arith.constant 0 : i32
      %add3A_300 = arith.addi %mul3A_298, %add3A_299 : i32
      %dma_start3A_301 = arith.constant 0 : i32
      %dma_start3A_302 = arith.constant 0 : i32
      %dma_start3A_303 = arith.constant 0 : i32
      %dma_start3A_304 = tpu.memref_slice %arg8[%dma_start3A_301, %dma_start3A_302, %dma_start3A_303] : memref<4x80x128xf32, #tpu.memory_space<vmem>> -> memref<1x80x128xf32, #tpu.memory_space<vmem>>
      %dma_start3A_305 = tpu.memref_squeeze %dma_start3A_304 : memref<1x80x128xf32, #tpu.memory_space<vmem>> -> memref<80x128xf32, #tpu.memory_space<vmem>>
      %dma_start3A_306 = arith.constant 0 : i32
      %dma_start3A_307 = tpu.memref_slice %arg6[%add3A_300, %dma_start3A_306] : memref<125x80xi32, #tpu.memory_space<vmem>> -> memref<1x80xi32, #tpu.memory_space<vmem>>
      %dma_start3A_308 = tpu.memref_squeeze %dma_start3A_307 : memref<1x80xi32, #tpu.memory_space<vmem>> -> memref<80xi32, #tpu.memory_space<vmem>>
      %dma_start3A_309 = arith.constant 0 : i32
      %dma_start3A_310 = arith.constant 0 : i32
      %dma_start3A_311 = tpu.memref_slice %arg9[%dma_start3A_309, %dma_start3A_310] : memref<5120x128xf32, #tpu.memory_space<vmem_shared>> -> memref<5120x128xf32, #tpu.memory_space<vmem_shared>>
      tpu.enqueue_indirect_dma source(%dma_start3A_305 : memref<80x128xf32, #tpu.memory_space<vmem>>) target(%dma_start3A_311 : memref<5120x128xf32, #tpu.memory_space<vmem_shared>>) offsets(%dma_start3A_308 : memref<80xi32, #tpu.memory_space<vmem>>) semaphore(%arg11 : memref<!tpu.dma_semaphore, #tpu.memory_space<semaphore_mem>>) {add = true}
      %mul3A_312 = arith.constant 2 : i32
      %mul3A_313 = arith.muli %mul3A_234, %mul3A_312 : i32
      %add3A_314 = arith.constant 1 : i32
      %add3A_315 = arith.addi %mul3A_313, %add3A_314 : i32
      %dma_start3A_316 = arith.constant 1 : i32
      %dma_start3A_317 = arith.constant 0 : i32
      %dma_start3A_318 = arith.constant 0 : i32
      %dma_start3A_319 = tpu.memref_slice %arg8[%dma_start3A_316, %dma_start3A_317, %dma_start3A_318] : memref<4x80x128xf32, #tpu.memory_space<vmem>> -> memref<1x80x128xf32, #tpu.memory_space<vmem>>
      %dma_start3A_320 = tpu.memref_squeeze %dma_start3A_319 : memref<1x80x128xf32, #tpu.memory_space<vmem>> -> memref<80x128xf32, #tpu.memory_space<vmem>>
      %dma_start3A_321 = arith.constant 0 : i32
      %dma_start3A_322 = tpu.memref_slice %arg6[%add3A_315, %dma_start3A_321] : memref<125x80xi32, #tpu.memory_space<vmem>> -> memref<1x80xi32, #tpu.memory_space<vmem>>
      %dma_start3A_323 = tpu.memref_squeeze %dma_start3A_322 : memref<1x80xi32, #tpu.memory_space<vmem>> -> memref<80xi32, #tpu.memory_space<vmem>>
      %dma_start3A_324 = arith.constant 0 : i32
      %dma_start3A_325 = arith.constant 0 : i32
      %dma_start3A_326 = tpu.memref_slice %arg9[%dma_start3A_324, %dma_start3A_325] : memref<5120x128xf32, #tpu.memory_space<vmem_shared>> -> memref<5120x128xf32, #tpu.memory_space<vmem_shared>>
      tpu.enqueue_indirect_dma source(%dma_start3A_320 : memref<80x128xf32, #tpu.memory_space<vmem>>) target(%dma_start3A_326 : memref<5120x128xf32, #tpu.memory_space<vmem_shared>>) offsets(%dma_start3A_323 : memref<80xi32, #tpu.memory_space<vmem>>) semaphore(%arg11 : memref<!tpu.dma_semaphore, #tpu.memory_space<semaphore_mem>>) {add = true}
      %mul3A_327 = arith.constant 2 : i32
      %mul3A_328 = arith.muli %mul3A_234, %mul3A_327 : i32
      %add3A_329 = arith.constant 0 : i32
      %add3A_330 = arith.addi %mul3A_328, %add3A_329 : i32
      %dma_wait3A_331 = arith.constant 0 : i32
      %dma_wait3A_332 = arith.constant 0 : i32
      %dma_wait3A_333 = arith.constant 0 : i32
      %dma_wait3A_334 = tpu.memref_slice %arg8[%dma_wait3A_331, %dma_wait3A_332, %dma_wait3A_333] : memref<4x80x128xf32, #tpu.memory_space<vmem>> -> memref<1x80x128xf32, #tpu.memory_space<vmem>>
      %dma_wait3A_335 = tpu.memref_squeeze %dma_wait3A_334 : memref<1x80x128xf32, #tpu.memory_space<vmem>> -> memref<80x128xf32, #tpu.memory_space<vmem>>
      %dma_wait3A_336 = arith.constant 0 : i32
      %dma_wait3A_337 = tpu.memref_slice %arg6[%add3A_330, %dma_wait3A_336] : memref<125x80xi32, #tpu.memory_space<vmem>> -> memref<1x80xi32, #tpu.memory_space<vmem>>
      %dma_wait3A_338 = tpu.memref_squeeze %dma_wait3A_337 : memref<1x80xi32, #tpu.memory_space<vmem>> -> memref<80xi32, #tpu.memory_space<vmem>>
      %dma_wait3A_339 = arith.constant 0 : i32
      %dma_wait3A_340 = arith.constant 0 : i32
      %dma_wait3A_341 = tpu.memref_slice %arg9[%dma_wait3A_339, %dma_wait3A_340] : memref<5120x128xf32, #tpu.memory_space<vmem_shared>> -> memref<5120x128xf32, #tpu.memory_space<vmem_shared>>
      tpu.wait_indirect_dma semaphore(%arg11 : memref<!tpu.dma_semaphore, #tpu.memory_space<semaphore_mem>>) src(%dma_wait3A_335 : memref<80x128xf32, #tpu.memory_space<vmem>>) dst(%dma_wait3A_341 : memref<5120x128xf32, #tpu.memory_space<vmem_shared>>)
      %mul3A_342 = arith.constant 2 : i32
      %mul3A_343 = arith.muli %mul3A_234, %mul3A_342 : i32
      %add3A_344 = arith.constant 1 : i32
      %add3A_345 = arith.addi %mul3A_343, %add3A_344 : i32
      %dma_wait3A_346 = arith.constant 1 : i32
      %dma_wait3A_347 = arith.constant 0 : i32
      %dma_wait3A_348 = arith.constant 0 : i32
      %dma_wait3A_349 = tpu.memref_slice %arg8[%dma_wait3A_346, %dma_wait3A_347, %dma_wait3A_348] : memref<4x80x128xf32, #tpu.memory_space<vmem>> -> memref<1x80x128xf32, #tpu.memory_space<vmem>>
      %dma_wait3A_350 = tpu.memref_squeeze %dma_wait3A_349 : memref<1x80x128xf32, #tpu.memory_space<vmem>> -> memref<80x128xf32, #tpu.memory_space<vmem>>
      %dma_wait3A_351 = arith.constant 0 : i32
      %dma_wait3A_352 = tpu.memref_slice %arg6[%add3A_345, %dma_wait3A_351] : memref<125x80xi32, #tpu.memory_space<vmem>> -> memref<1x80xi32, #tpu.memory_space<vmem>>
      %dma_wait3A_353 = tpu.memref_squeeze %dma_wait3A_352 : memref<1x80xi32, #tpu.memory_space<vmem>> -> memref<80xi32, #tpu.memory_space<vmem>>
      %dma_wait3A_354 = arith.constant 0 : i32
      %dma_wait3A_355 = arith.constant 0 : i32
      %dma_wait3A_356 = tpu.memref_slice %arg9[%dma_wait3A_354, %dma_wait3A_355] : memref<5120x128xf32, #tpu.memory_space<vmem_shared>> -> memref<5120x128xf32, #tpu.memory_space<vmem_shared>>
      tpu.wait_indirect_dma semaphore(%arg11 : memref<!tpu.dma_semaphore, #tpu.memory_space<semaphore_mem>>) src(%dma_wait3A_350 : memref<80x128xf32, #tpu.memory_space<vmem>>) dst(%dma_wait3A_356 : memref<5120x128xf32, #tpu.memory_space<vmem_shared>>)
      %add3A_357 = arith.constant 1 : i32
      %add3A_358 = arith.addi %mul3A_234, %add3A_357 : i32
      %mul3A_359 = arith.constant 2 : i32
      %mul3A_360 = arith.muli %add3A_358, %mul3A_359 : i32
      %add3A_361 = arith.constant 0 : i32
      %add3A_362 = arith.addi %mul3A_360, %add3A_361 : i32
      %dma_wait3A_363 = arith.constant 2 : i32
      %dma_wait3A_364 = arith.constant 0 : i32
      %dma_wait3A_365 = arith.constant 0 : i32
      %dma_wait3A_366 = tpu.memref_slice %arg8[%dma_wait3A_363, %dma_wait3A_364, %dma_wait3A_365] : memref<4x80x128xf32, #tpu.memory_space<vmem>> -> memref<1x80x128xf32, #tpu.memory_space<vmem>>
      %dma_wait3A_367 = tpu.memref_squeeze %dma_wait3A_366 : memref<1x80x128xf32, #tpu.memory_space<vmem>> -> memref<80x128xf32, #tpu.memory_space<vmem>>
      %dma_wait3A_368 = arith.constant 0 : i32
      %dma_wait3A_369 = tpu.memref_slice %arg5[%add3A_362, %dma_wait3A_368] : memref<125x80xi32, #tpu.memory_space<vmem>> -> memref<1x80xi32, #tpu.memory_space<vmem>>
      %dma_wait3A_370 = tpu.memref_squeeze %dma_wait3A_369 : memref<1x80xi32, #tpu.memory_space<vmem>> -> memref<80xi32, #tpu.memory_space<vmem>>
      %dma_wait3A_371 = arith.constant 0 : i32
      %dma_wait3A_372 = arith.constant 0 : i32
      %dma_wait3A_373 = tpu.memref_slice %arg2[%dma_wait3A_371, %dma_wait3A_372] : memref<20480x128xf32, #tpu.memory_space<hbm>> -> memref<20480x128xf32, #tpu.memory_space<hbm>>
      tpu.wait_indirect_dma semaphore(%arg10 : memref<!tpu.dma_semaphore, #tpu.memory_space<semaphore_mem>>) src(%dma_wait3A_373 : memref<20480x128xf32, #tpu.memory_space<hbm>>) dst(%dma_wait3A_367 : memref<80x128xf32, #tpu.memory_space<vmem>>)
      %mul3A_374 = arith.constant 2 : i32
      %mul3A_375 = arith.muli %add3A_358, %mul3A_374 : i32
      %add3A_376 = arith.constant 1 : i32
      %add3A_377 = arith.addi %mul3A_375, %add3A_376 : i32
      %dma_wait3A_378 = arith.constant 3 : i32
      %dma_wait3A_379 = arith.constant 0 : i32
      %dma_wait3A_380 = arith.constant 0 : i32
      %dma_wait3A_381 = tpu.memref_slice %arg8[%dma_wait3A_378, %dma_wait3A_379, %dma_wait3A_380] : memref<4x80x128xf32, #tpu.memory_space<vmem>> -> memref<1x80x128xf32, #tpu.memory_space<vmem>>
      %dma_wait3A_382 = tpu.memref_squeeze %dma_wait3A_381 : memref<1x80x128xf32, #tpu.memory_space<vmem>> -> memref<80x128xf32, #tpu.memory_space<vmem>>
      %dma_wait3A_383 = arith.constant 0 : i32
      %dma_wait3A_384 = tpu.memref_slice %arg5[%add3A_377, %dma_wait3A_383] : memref<125x80xi32, #tpu.memory_space<vmem>> -> memref<1x80xi32, #tpu.memory_space<vmem>>
      %dma_wait3A_385 = tpu.memref_squeeze %dma_wait3A_384 : memref<1x80xi32, #tpu.memory_space<vmem>> -> memref<80xi32, #tpu.memory_space<vmem>>
      %dma_wait3A_386 = arith.constant 0 : i32
      %dma_wait3A_387 = arith.constant 0 : i32
      %dma_wait3A_388 = tpu.memref_slice %arg2[%dma_wait3A_386, %dma_wait3A_387] : memref<20480x128xf32, #tpu.memory_space<hbm>> -> memref<20480x128xf32, #tpu.memory_space<hbm>>
      tpu.wait_indirect_dma semaphore(%arg10 : memref<!tpu.dma_semaphore, #tpu.memory_space<semaphore_mem>>) src(%dma_wait3A_388 : memref<20480x128xf32, #tpu.memory_space<hbm>>) dst(%dma_wait3A_382 : memref<80x128xf32, #tpu.memory_space<vmem>>)
      %lt3A = arith.constant 30 : i32
      %lt3A_389 = arith.cmpi slt, %scan3A_232, %lt3A : i32
      %convert_element_type3A = arith.extui %lt3A_389 : i1 to i32
      %cond3A = arith.constant 0 : i32
      %cond3A_390 = arith.cmpi ne, %convert_element_type3A, %cond3A : i32
      scf.if %cond3A_390 {
        %add3A_455 = arith.constant 2 : i32
        %add3A_456 = arith.addi %mul3A_234, %add3A_455 : i32
        %mul3A_457 = arith.constant 2 : i32
        %mul3A_458 = arith.muli %add3A_456, %mul3A_457 : i32
        %add3A_459 = arith.constant 0 : i32
        %add3A_460 = arith.addi %mul3A_458, %add3A_459 : i32
        %dma_start3A_461 = arith.constant 0 : i32
        %dma_start3A_462 = arith.constant 0 : i32
        %dma_start3A_463 = arith.constant 0 : i32
        %dma_start3A_464 = tpu.memref_slice %arg8[%dma_start3A_461, %dma_start3A_462, %dma_start3A_463] : memref<4x80x128xf32, #tpu.memory_space<vmem>> -> memref<1x80x128xf32, #tpu.memory_space<vmem>>
        %dma_start3A_465 = tpu.memref_squeeze %dma_start3A_464 : memref<1x80x128xf32, #tpu.memory_space<vmem>> -> memref<80x128xf32, #tpu.memory_space<vmem>>
        %dma_start3A_466 = arith.constant 0 : i32
        %dma_start3A_467 = tpu.memref_slice %arg5[%add3A_460, %dma_start3A_466] : memref<125x80xi32, #tpu.memory_space<vmem>> -> memref<1x80xi32, #tpu.memory_space<vmem>>
        %dma_start3A_468 = tpu.memref_squeeze %dma_start3A_467 : memref<1x80xi32, #tpu.memory_space<vmem>> -> memref<80xi32, #tpu.memory_space<vmem>>
        %dma_start3A_469 = arith.constant 0 : i32
        %dma_start3A_470 = arith.constant 0 : i32
        %dma_start3A_471 = tpu.memref_slice %arg2[%dma_start3A_469, %dma_start3A_470] : memref<20480x128xf32, #tpu.memory_space<hbm>> -> memref<20480x128xf32, #tpu.memory_space<hbm>>
        tpu.enqueue_indirect_dma source(%dma_start3A_471 : memref<20480x128xf32, #tpu.memory_space<hbm>>) target(%dma_start3A_465 : memref<80x128xf32, #tpu.memory_space<vmem>>) offsets(%dma_start3A_468 : memref<80xi32, #tpu.memory_space<vmem>>) semaphore(%arg10 : memref<!tpu.dma_semaphore, #tpu.memory_space<semaphore_mem>>)
        %mul3A_472 = arith.constant 2 : i32
        %mul3A_473 = arith.muli %add3A_456, %mul3A_472 : i32
        %add3A_474 = arith.constant 1 : i32
        %add3A_475 = arith.addi %mul3A_473, %add3A_474 : i32
        %dma_start3A_476 = arith.constant 1 : i32
        %dma_start3A_477 = arith.constant 0 : i32
        %dma_start3A_478 = arith.constant 0 : i32
        %dma_start3A_479 = tpu.memref_slice %arg8[%dma_start3A_476, %dma_start3A_477, %dma_start3A_478] : memref<4x80x128xf32, #tpu.memory_space<vmem>> -> memref<1x80x128xf32, #tpu.memory_space<vmem>>
        %dma_start3A_480 = tpu.memref_squeeze %dma_start3A_479 : memref<1x80x128xf32, #tpu.memory_space<vmem>> -> memref<80x128xf32, #tpu.memory_space<vmem>>
        %dma_start3A_481 = arith.constant 0 : i32
        %dma_start3A_482 = tpu.memref_slice %arg5[%add3A_475, %dma_start3A_481] : memref<125x80xi32, #tpu.memory_space<vmem>> -> memref<1x80xi32, #tpu.memory_space<vmem>>
        %dma_start3A_483 = tpu.memref_squeeze %dma_start3A_482 : memref<1x80xi32, #tpu.memory_space<vmem>> -> memref<80xi32, #tpu.memory_space<vmem>>
        %dma_start3A_484 = arith.constant 0 : i32
        %dma_start3A_485 = arith.constant 0 : i32
        %dma_start3A_486 = tpu.memref_slice %arg2[%dma_start3A_484, %dma_start3A_485] : memref<20480x128xf32, #tpu.memory_space<hbm>> -> memref<20480x128xf32, #tpu.memory_space<hbm>>
        tpu.enqueue_indirect_dma source(%dma_start3A_486 : memref<20480x128xf32, #tpu.memory_space<hbm>>) target(%dma_start3A_480 : memref<80x128xf32, #tpu.memory_space<vmem>>) offsets(%dma_start3A_483 : memref<80xi32, #tpu.memory_space<vmem>>) semaphore(%arg10 : memref<!tpu.dma_semaphore, #tpu.memory_space<semaphore_mem>>)
      } else {
      }
      %add3A_391 = arith.constant 1 : i32
      %add3A_392 = arith.addi %mul3A_234, %add3A_391 : i32
      %mul3A_393 = arith.constant 2 : i32
      %mul3A_394 = arith.muli %add3A_392, %mul3A_393 : i32
      %add3A_395 = arith.constant 0 : i32
      %add3A_396 = arith.addi %mul3A_394, %add3A_395 : i32
      %dma_start3A_397 = arith.constant 2 : i32
      %dma_start3A_398 = arith.constant 0 : i32
      %dma_start3A_399 = arith.constant 0 : i32
      %dma_start3A_400 = tpu.memref_slice %arg8[%dma_start3A_397, %dma_start3A_398, %dma_start3A_399] : memref<4x80x128xf32, #tpu.memory_space<vmem>> -> memref<1x80x128xf32, #tpu.memory_space<vmem>>
      %dma_start3A_401 = tpu.memref_squeeze %dma_start3A_400 : memref<1x80x128xf32, #tpu.memory_space<vmem>> -> memref<80x128xf32, #tpu.memory_space<vmem>>
      %dma_start3A_402 = arith.constant 0 : i32
      %dma_start3A_403 = tpu.memref_slice %arg6[%add3A_396, %dma_start3A_402] : memref<125x80xi32, #tpu.memory_space<vmem>> -> memref<1x80xi32, #tpu.memory_space<vmem>>
      %dma_start3A_404 = tpu.memref_squeeze %dma_start3A_403 : memref<1x80xi32, #tpu.memory_space<vmem>> -> memref<80xi32, #tpu.memory_space<vmem>>
      %dma_start3A_405 = arith.constant 0 : i32
      %dma_start3A_406 = arith.constant 0 : i32
      %dma_start3A_407 = tpu.memref_slice %arg9[%dma_start3A_405, %dma_start3A_406] : memref<5120x128xf32, #tpu.memory_space<vmem_shared>> -> memref<5120x128xf32, #tpu.memory_space<vmem_shared>>
      tpu.enqueue_indirect_dma source(%dma_start3A_401 : memref<80x128xf32, #tpu.memory_space<vmem>>) target(%dma_start3A_407 : memref<5120x128xf32, #tpu.memory_space<vmem_shared>>) offsets(%dma_start3A_404 : memref<80xi32, #tpu.memory_space<vmem>>) semaphore(%arg11 : memref<!tpu.dma_semaphore, #tpu.memory_space<semaphore_mem>>) {add = true}
      %mul3A_408 = arith.constant 2 : i32
      %mul3A_409 = arith.muli %add3A_392, %mul3A_408 : i32
      %add3A_410 = arith.constant 1 : i32
      %add3A_411 = arith.addi %mul3A_409, %add3A_410 : i32
      %dma_start3A_412 = arith.constant 3 : i32
      %dma_start3A_413 = arith.constant 0 : i32
      %dma_start3A_414 = arith.constant 0 : i32
      %dma_start3A_415 = tpu.memref_slice %arg8[%dma_start3A_412, %dma_start3A_413, %dma_start3A_414] : memref<4x80x128xf32, #tpu.memory_space<vmem>> -> memref<1x80x128xf32, #tpu.memory_space<vmem>>
      %dma_start3A_416 = tpu.memref_squeeze %dma_start3A_415 : memref<1x80x128xf32, #tpu.memory_space<vmem>> -> memref<80x128xf32, #tpu.memory_space<vmem>>
      %dma_start3A_417 = arith.constant 0 : i32
      %dma_start3A_418 = tpu.memref_slice %arg6[%add3A_411, %dma_start3A_417] : memref<125x80xi32, #tpu.memory_space<vmem>> -> memref<1x80xi32, #tpu.memory_space<vmem>>
      %dma_start3A_419 = tpu.memref_squeeze %dma_start3A_418 : memref<1x80xi32, #tpu.memory_space<vmem>> -> memref<80xi32, #tpu.memory_space<vmem>>
      %dma_start3A_420 = arith.constant 0 : i32
      %dma_start3A_421 = arith.constant 0 : i32
      %dma_start3A_422 = tpu.memref_slice %arg9[%dma_start3A_420, %dma_start3A_421] : memref<5120x128xf32, #tpu.memory_space<vmem_shared>> -> memref<5120x128xf32, #tpu.memory_space<vmem_shared>>
      tpu.enqueue_indirect_dma source(%dma_start3A_416 : memref<80x128xf32, #tpu.memory_space<vmem>>) target(%dma_start3A_422 : memref<5120x128xf32, #tpu.memory_space<vmem_shared>>) offsets(%dma_start3A_419 : memref<80xi32, #tpu.memory_space<vmem>>) semaphore(%arg11 : memref<!tpu.dma_semaphore, #tpu.memory_space<semaphore_mem>>) {add = true}
      %add3A_423 = arith.constant 1 : i32
      %add3A_424 = arith.addi %mul3A_234, %add3A_423 : i32
      %mul3A_425 = arith.constant 2 : i32
      %mul3A_426 = arith.muli %add3A_424, %mul3A_425 : i32
      %add3A_427 = arith.constant 0 : i32
      %add3A_428 = arith.addi %mul3A_426, %add3A_427 : i32
      %dma_wait3A_429 = arith.constant 2 : i32
      %dma_wait3A_430 = arith.constant 0 : i32
      %dma_wait3A_431 = arith.constant 0 : i32
      %dma_wait3A_432 = tpu.memref_slice %arg8[%dma_wait3A_429, %dma_wait3A_430, %dma_wait3A_431] : memref<4x80x128xf32, #tpu.memory_space<vmem>> -> memref<1x80x128xf32, #tpu.memory_space<vmem>>
      %dma_wait3A_433 = tpu.memref_squeeze %dma_wait3A_432 : memref<1x80x128xf32, #tpu.memory_space<vmem>> -> memref<80x128xf32, #tpu.memory_space<vmem>>
      %dma_wait3A_434 = arith.constant 0 : i32
      %dma_wait3A_435 = tpu.memref_slice %arg6[%add3A_428, %dma_wait3A_434] : memref<125x80xi32, #tpu.memory_space<vmem>> -> memref<1x80xi32, #tpu.memory_space<vmem>>
      %dma_wait3A_436 = tpu.memref_squeeze %dma_wait3A_435 : memref<1x80xi32, #tpu.memory_space<vmem>> -> memref<80xi32, #tpu.memory_space<vmem>>
      %dma_wait3A_437 = arith.constant 0 : i32
      %dma_wait3A_438 = arith.constant 0 : i32
      %dma_wait3A_439 = tpu.memref_slice %arg9[%dma_wait3A_437, %dma_wait3A_438] : memref<5120x128xf32, #tpu.memory_space<vmem_shared>> -> memref<5120x128xf32, #tpu.memory_space<vmem_shared>>
      tpu.wait_indirect_dma semaphore(%arg11 : memref<!tpu.dma_semaphore, #tpu.memory_space<semaphore_mem>>) src(%dma_wait3A_433 : memref<80x128xf32, #tpu.memory_space<vmem>>) dst(%dma_wait3A_439 : memref<5120x128xf32, #tpu.memory_space<vmem_shared>>)
      %mul3A_440 = arith.constant 2 : i32
      %mul3A_441 = arith.muli %add3A_424, %mul3A_440 : i32
      %add3A_442 = arith.constant 1 : i32
      %add3A_443 = arith.addi %mul3A_441, %add3A_442 : i32
      %dma_wait3A_444 = arith.constant 3 : i32
      %dma_wait3A_445 = arith.constant 0 : i32
      %dma_wait3A_446 = arith.constant 0 : i32
      %dma_wait3A_447 = tpu.memref_slice %arg8[%dma_wait3A_444, %dma_wait3A_445, %dma_wait3A_446] : memref<4x80x128xf32, #tpu.memory_space<vmem>> -> memref<1x80x128xf32, #tpu.memory_space<vmem>>
      %dma_wait3A_448 = tpu.memref_squeeze %dma_wait3A_447 : memref<1x80x128xf32, #tpu.memory_space<vmem>> -> memref<80x128xf32, #tpu.memory_space<vmem>>
      %dma_wait3A_449 = arith.constant 0 : i32
      %dma_wait3A_450 = tpu.memref_slice %arg6[%add3A_443, %dma_wait3A_449] : memref<125x80xi32, #tpu.memory_space<vmem>> -> memref<1x80xi32, #tpu.memory_space<vmem>>
      %dma_wait3A_451 = tpu.memref_squeeze %dma_wait3A_450 : memref<1x80xi32, #tpu.memory_space<vmem>> -> memref<80xi32, #tpu.memory_space<vmem>>
      %dma_wait3A_452 = arith.constant 0 : i32
      %dma_wait3A_453 = arith.constant 0 : i32
      %dma_wait3A_454 = tpu.memref_slice %arg9[%dma_wait3A_452, %dma_wait3A_453] : memref<5120x128xf32, #tpu.memory_space<vmem_shared>> -> memref<5120x128xf32, #tpu.memory_space<vmem_shared>>
      tpu.wait_indirect_dma semaphore(%arg11 : memref<!tpu.dma_semaphore, #tpu.memory_space<semaphore_mem>>) src(%dma_wait3A_448 : memref<80x128xf32, #tpu.memory_space<vmem>>) dst(%dma_wait3A_454 : memref<5120x128xf32, #tpu.memory_space<vmem_shared>>)
    }
    %scan3A_142 = arith.constant 31 : i32
    %dma_start3A_143 = arith.constant 124 : i32
    %dma_start3A_144 = arith.constant 0 : i32
    %dma_start3A_145 = arith.constant 0 : i32
    %dma_start3A_146 = arith.constant 0 : i32
    %dma_start3A_147 = tpu.memref_slice %arg8[%dma_start3A_144, %dma_start3A_145, %dma_start3A_146] : memref<4x80x128xf32, #tpu.memory_space<vmem>> -> memref<1x80x128xf32, #tpu.memory_space<vmem>>
    %dma_start3A_148 = tpu.memref_squeeze %dma_start3A_147 : memref<1x80x128xf32, #tpu.memory_space<vmem>> -> memref<80x128xf32, #tpu.memory_space<vmem>>
    %dma_start3A_149 = arith.constant 0 : i32
    %dma_start3A_150 = tpu.memref_slice %arg5[%dma_start3A_143, %dma_start3A_149] : memref<125x80xi32, #tpu.memory_space<vmem>> -> memref<1x80xi32, #tpu.memory_space<vmem>>
    %dma_start3A_151 = tpu.memref_squeeze %dma_start3A_150 : memref<1x80xi32, #tpu.memory_space<vmem>> -> memref<80xi32, #tpu.memory_space<vmem>>
    %dma_start3A_152 = arith.constant 0 : i32
    %dma_start3A_153 = arith.constant 0 : i32
    %dma_start3A_154 = tpu.memref_slice %arg2[%dma_start3A_152, %dma_start3A_153] : memref<20480x128xf32, #tpu.memory_space<hbm>> -> memref<20480x128xf32, #tpu.memory_space<hbm>>
    tpu.enqueue_indirect_dma source(%dma_start3A_154 : memref<20480x128xf32, #tpu.memory_space<hbm>>) target(%dma_start3A_148 : memref<80x128xf32, #tpu.memory_space<vmem>>) offsets(%dma_start3A_151 : memref<80xi32, #tpu.memory_space<vmem>>) semaphore(%arg10 : memref<!tpu.dma_semaphore, #tpu.memory_space<semaphore_mem>>)
    %dma_wait3A_155 = arith.constant 124 : i32
    %dma_wait3A_156 = arith.constant 0 : i32
    %dma_wait3A_157 = arith.constant 0 : i32
    %dma_wait3A_158 = arith.constant 0 : i32
    %dma_wait3A_159 = tpu.memref_slice %arg8[%dma_wait3A_156, %dma_wait3A_157, %dma_wait3A_158] : memref<4x80x128xf32, #tpu.memory_space<vmem>> -> memref<1x80x128xf32, #tpu.memory_space<vmem>>
    %dma_wait3A_160 = tpu.memref_squeeze %dma_wait3A_159 : memref<1x80x128xf32, #tpu.memory_space<vmem>> -> memref<80x128xf32, #tpu.memory_space<vmem>>
    %dma_wait3A_161 = arith.constant 0 : i32
    %dma_wait3A_162 = tpu.memref_slice %arg5[%dma_wait3A_155, %dma_wait3A_161] : memref<125x80xi32, #tpu.memory_space<vmem>> -> memref<1x80xi32, #tpu.memory_space<vmem>>
    %dma_wait3A_163 = tpu.memref_squeeze %dma_wait3A_162 : memref<1x80xi32, #tpu.memory_space<vmem>> -> memref<80xi32, #tpu.memory_space<vmem>>
    %dma_wait3A_164 = arith.constant 0 : i32
    %dma_wait3A_165 = arith.constant 0 : i32
    %dma_wait3A_166 = tpu.memref_slice %arg2[%dma_wait3A_164, %dma_wait3A_165] : memref<20480x128xf32, #tpu.memory_space<hbm>> -> memref<20480x128xf32, #tpu.memory_space<hbm>>
    tpu.wait_indirect_dma semaphore(%arg10 : memref<!tpu.dma_semaphore, #tpu.memory_space<semaphore_mem>>) src(%dma_wait3A_166 : memref<20480x128xf32, #tpu.memory_space<hbm>>) dst(%dma_wait3A_160 : memref<80x128xf32, #tpu.memory_space<vmem>>)
    %dma_start3A_167 = arith.constant 0 : i32
    %dma_start3A_168 = arith.constant 124 : i32
    %dma_start3A_169 = arith.constant 0 : i32
    %dma_start3A_170 = arith.constant 0 : i32
    %dma_start3A_171 = tpu.memref_slice %arg8[%dma_start3A_167, %dma_start3A_169, %dma_start3A_170] : memref<4x80x128xf32, #tpu.memory_space<vmem>> -> memref<1x80x128xf32, #tpu.memory_space<vmem>>
    %dma_start3A_172 = tpu.memref_squeeze %dma_start3A_171 : memref<1x80x128xf32, #tpu.memory_space<vmem>> -> memref<80x128xf32, #tpu.memory_space<vmem>>
    %dma_start3A_173 = arith.constant 0 : i32
    %dma_start3A_174 = tpu.memref_slice %arg6[%dma_start3A_168, %dma_start3A_173] : memref<125x80xi32, #tpu.memory_space<vmem>> -> memref<1x80xi32, #tpu.memory_space<vmem>>
    %dma_start3A_175 = tpu.memref_squeeze %dma_start3A_174 : memref<1x80xi32, #tpu.memory_space<vmem>> -> memref<80xi32, #tpu.memory_space<vmem>>
    %dma_start3A_176 = arith.constant 0 : i32
    %dma_start3A_177 = arith.constant 0 : i32
    %dma_start3A_178 = tpu.memref_slice %arg9[%dma_start3A_176, %dma_start3A_177] : memref<5120x128xf32, #tpu.memory_space<vmem_shared>> -> memref<5120x128xf32, #tpu.memory_space<vmem_shared>>
    tpu.enqueue_indirect_dma source(%dma_start3A_172 : memref<80x128xf32, #tpu.memory_space<vmem>>) target(%dma_start3A_178 : memref<5120x128xf32, #tpu.memory_space<vmem_shared>>) offsets(%dma_start3A_175 : memref<80xi32, #tpu.memory_space<vmem>>) semaphore(%arg11 : memref<!tpu.dma_semaphore, #tpu.memory_space<semaphore_mem>>) {add = true}
    %dma_wait3A_179 = arith.constant 0 : i32
    %dma_wait3A_180 = arith.constant 124 : i32
    %dma_wait3A_181 = arith.constant 0 : i32
    %dma_wait3A_182 = arith.constant 0 : i32
    %dma_wait3A_183 = tpu.memref_slice %arg8[%dma_wait3A_179, %dma_wait3A_181, %dma_wait3A_182] : memref<4x80x128xf32, #tpu.memory_space<vmem>> -> memref<1x80x128xf32, #tpu.memory_space<vmem>>
    %dma_wait3A_184 = tpu.memref_squeeze %dma_wait3A_183 : memref<1x80x128xf32, #tpu.memory_space<vmem>> -> memref<80x128xf32, #tpu.memory_space<vmem>>
    %dma_wait3A_185 = arith.constant 0 : i32
    %dma_wait3A_186 = tpu.memref_slice %arg6[%dma_wait3A_180, %dma_wait3A_185] : memref<125x80xi32, #tpu.memory_space<vmem>> -> memref<1x80xi32, #tpu.memory_space<vmem>>
    %dma_wait3A_187 = tpu.memref_squeeze %dma_wait3A_186 : memref<1x80xi32, #tpu.memory_space<vmem>> -> memref<80xi32, #tpu.memory_space<vmem>>
    %dma_wait3A_188 = arith.constant 0 : i32
    %dma_wait3A_189 = arith.constant 0 : i32
    %dma_wait3A_190 = tpu.memref_slice %arg9[%dma_wait3A_188, %dma_wait3A_189] : memref<5120x128xf32, #tpu.memory_space<vmem_shared>> -> memref<5120x128xf32, #tpu.memory_space<vmem_shared>>
    tpu.wait_indirect_dma semaphore(%arg11 : memref<!tpu.dma_semaphore, #tpu.memory_space<semaphore_mem>>) src(%dma_wait3A_184 : memref<80x128xf32, #tpu.memory_space<vmem>>) dst(%dma_wait3A_190 : memref<5120x128xf32, #tpu.memory_space<vmem_shared>>)
    %barrier3A_191 = arith.constant 0 : index
    tpu.barrier barrier_id(%barrier3A_191)
    %mul3A_192 = arith.constant 320 : i32
    %mul3A_193 = arith.muli %arg1, %mul3A_192 : i32
    %add3A_194 = arith.constant 0 : i32
    %add3A_195 = arith.addi %mul3A_193, %add3A_194 : i32
    %run_scoped3A_196 = arith.constant 0 : i32
    "tpu.region"() ({
      %run_scoped3A_232 = tpu.sem_alloc : memref<!tpu.dma_semaphore, #tpu.memory_space<semaphore_mem>>
      %dma_start3A_233 = arith.constant 0 : i32
      %dma_start3A_234 = arith.constant 0 : i32
      %dma_start3A_235 = tpu.memref_slice %arg8[%run_scoped3A_196, %dma_start3A_233, %dma_start3A_234] : memref<4x80x128xf32, #tpu.memory_space<vmem>> -> memref<1x80x128xf32, #tpu.memory_space<vmem>>
      %dma_start3A_236 = tpu.memref_squeeze %dma_start3A_235 : memref<1x80x128xf32, #tpu.memory_space<vmem>> -> memref<80x128xf32, #tpu.memory_space<vmem>>
      %dma_start3A_237 = arith.constant 0 : i32
      %dma_start3A_238 = tpu.memref_slice %arg9[%add3A_195, %dma_start3A_237] : memref<5120x128xf32, #tpu.memory_space<vmem_shared>> -> memref<80x128xf32, #tpu.memory_space<vmem_shared>>
      %dma_start3A_239 = arith.constant 0 : i32
      %dma_start3A_240 = arith.constant 0 : i32
      %dma_start3A_241 = tpu.memref_slice %arg8[%run_scoped3A_196, %dma_start3A_239, %dma_start3A_240] : memref<4x80x128xf32, #tpu.memory_space<vmem>> -> memref<1x80x128xf32, #tpu.memory_space<vmem>>
      %dma_start3A_242 = tpu.memref_squeeze %dma_start3A_241 : memref<1x80x128xf32, #tpu.memory_space<vmem>> -> memref<80x128xf32, #tpu.memory_space<vmem>>
      %dma_start3A_243 = arith.constant 0 : i32
      %dma_start3A_244 = tpu.memref_slice %arg9[%add3A_195, %dma_start3A_243] : memref<5120x128xf32, #tpu.memory_space<vmem_shared>> -> memref<80x128xf32, #tpu.memory_space<vmem_shared>>
      tpu.enqueue_dma source(%dma_start3A_244 : memref<80x128xf32, #tpu.memory_space<vmem_shared>>) target(%dma_start3A_242 : memref<80x128xf32, #tpu.memory_space<vmem>>) target_semaphore(%run_scoped3A_232 : memref<!tpu.dma_semaphore, #tpu.memory_space<semaphore_mem>>)
      %dma_wait3A_245 = arith.constant 0 : i32
      %dma_wait3A_246 = arith.constant 0 : i32
      %dma_wait3A_247 = tpu.memref_slice %arg8[%run_scoped3A_196, %dma_wait3A_245, %dma_wait3A_246] : memref<4x80x128xf32, #tpu.memory_space<vmem>> -> memref<1x80x128xf32, #tpu.memory_space<vmem>>
      %dma_wait3A_248 = tpu.memref_squeeze %dma_wait3A_247 : memref<1x80x128xf32, #tpu.memory_space<vmem>> -> memref<80x128xf32, #tpu.memory_space<vmem>>
      %dma_wait3A_249 = arith.constant 0 : i32
      %dma_wait3A_250 = tpu.memref_slice %arg9[%add3A_195, %dma_wait3A_249] : memref<5120x128xf32, #tpu.memory_space<vmem_shared>> -> memref<80x128xf32, #tpu.memory_space<vmem_shared>>
      %dma_wait3A_251 = arith.constant 0 : i32
      %dma_wait3A_252 = arith.constant 0 : i32
      %dma_wait3A_253 = tpu.memref_slice %arg8[%run_scoped3A_196, %dma_wait3A_251, %dma_wait3A_252] : memref<4x80x128xf32, #tpu.memory_space<vmem>> -> memref<1x80x128xf32, #tpu.memory_space<vmem>>
      %dma_wait3A_254 = tpu.memref_squeeze %dma_wait3A_253 : memref<1x80x128xf32, #tpu.memory_space<vmem>> -> memref<80x128xf32, #tpu.memory_space<vmem>>
      %dma_wait3A_255 = arith.constant 0 : i32
      %dma_wait3A_256 = tpu.memref_slice %arg9[%add3A_195, %dma_wait3A_255] : memref<5120x128xf32, #tpu.memory_space<vmem_shared>> -> memref<80x128xf32, #tpu.memory_space<vmem_shared>>
      tpu.wait_dma2 semaphore(%run_scoped3A_232 : memref<!tpu.dma_semaphore, #tpu.memory_space<semaphore_mem>>) src(%dma_wait3A_256 : memref<80x128xf32, #tpu.memory_space<vmem_shared>>) dst(%dma_wait3A_254 : memref<80x128xf32, #tpu.memory_space<vmem>>)
      tpu.yield
    }) : () -> ()
    %mul3A_197 = arith.constant 320 : i32
    %mul3A_198 = arith.muli %arg1, %mul3A_197 : i32
    %add3A_199 = arith.constant 0 : i32
    %add3A_200 = arith.addi %mul3A_198, %add3A_199 : i32
    %run_scoped3A_201 = arith.constant 0 : i32
    "tpu.region"() ({
      %run_scoped3A_232 = tpu.sem_alloc : memref<!tpu.dma_semaphore, #tpu.memory_space<semaphore_mem>>
      %dma_start3A_233 = arith.constant 0 : i32
      %dma_start3A_234 = arith.constant 0 : i32
      %dma_start3A_235 = tpu.memref_slice %arg8[%run_scoped3A_201, %dma_start3A_233, %dma_start3A_234] : memref<4x80x128xf32, #tpu.memory_space<vmem>> -> memref<1x80x128xf32, #tpu.memory_space<vmem>>
      %dma_start3A_236 = tpu.memref_squeeze %dma_start3A_235 : memref<1x80x128xf32, #tpu.memory_space<vmem>> -> memref<80x128xf32, #tpu.memory_space<vmem>>
      %dma_start3A_237 = arith.constant 0 : i32
      %dma_start3A_238 = tpu.memref_slice %arg4[%arg0, %add3A_200, %dma_start3A_237] : memref<2x5120x128xf32, #tpu.memory_space<hbm>> -> memref<1x80x128xf32, #tpu.memory_space<hbm>>
      %dma_start3A_239 = tpu.memref_squeeze %dma_start3A_238 : memref<1x80x128xf32, #tpu.memory_space<hbm>> -> memref<80x128xf32, #tpu.memory_space<hbm>>
      %dma_start3A_240 = arith.constant 0 : i32
      %dma_start3A_241 = tpu.memref_slice %arg4[%arg0, %add3A_200, %dma_start3A_240] : memref<2x5120x128xf32, #tpu.memory_space<hbm>> -> memref<1x80x128xf32, #tpu.memory_space<hbm>>
      %dma_start3A_242 = tpu.memref_squeeze %dma_start3A_241 : memref<1x80x128xf32, #tpu.memory_space<hbm>> -> memref<80x128xf32, #tpu.memory_space<hbm>>
      %dma_start3A_243 = arith.constant 0 : i32
      %dma_start3A_244 = arith.constant 0 : i32
      %dma_start3A_245 = tpu.memref_slice %arg8[%run_scoped3A_201, %dma_start3A_243, %dma_start3A_244] : memref<4x80x128xf32, #tpu.memory_space<vmem>> -> memref<1x80x128xf32, #tpu.memory_space<vmem>>
      %dma_start3A_246 = tpu.memref_squeeze %dma_start3A_245 : memref<1x80x128xf32, #tpu.memory_space<vmem>> -> memref<80x128xf32, #tpu.memory_space<vmem>>
      tpu.enqueue_dma source(%dma_start3A_246 : memref<80x128xf32, #tpu.memory_space<vmem>>) target(%dma_start3A_242 : memref<80x128xf32, #tpu.memory_space<hbm>>) target_semaphore(%run_scoped3A_232 : memref<!tpu.dma_semaphore, #tpu.memory_space<semaphore_mem>>)
      %dma_wait3A_247 = arith.constant 0 : i32
      %dma_wait3A_248 = arith.constant 0 : i32
      %dma_wait3A_249 = tpu.memref_slice %arg8[%run_scoped3A_201, %dma_wait3A_247, %dma_wait3A_248] : memref<4x80x128xf32, #tpu.memory_space<vmem>> -> memref<1x80x128xf32, #tpu.memory_space<vmem>>
      %dma_wait3A_250 = tpu.memref_squeeze %dma_wait3A_249 : memref<1x80x128xf32, #tpu.memory_space<vmem>> -> memref<80x128xf32, #tpu.memory_space<vmem>>
      %dma_wait3A_251 = arith.constant 0 : i32
      %dma_wait3A_252 = tpu.memref_slice %arg4[%arg0, %add3A_200, %dma_wait3A_251] : memref<2x5120x128xf32, #tpu.memory_space<hbm>> -> memref<1x80x128xf32, #tpu.memory_space<hbm>>
      %dma_wait3A_253 = tpu.memref_squeeze %dma_wait3A_252 : memref<1x80x128xf32, #tpu.memory_space<hbm>> -> memref<80x128xf32, #tpu.memory_space<hbm>>
      %dma_wait3A_254 = arith.constant 0 : i32
      %dma_wait3A_255 = tpu.memref_slice %arg4[%arg0, %add3A_200, %dma_wait3A_254] : memref<2x5120x128xf32, #tpu.memory_space<hbm>> -> memref<1x80x128xf32, #tpu.memory_space<hbm>>
      %dma_wait3A_256 = tpu.memref_squeeze %dma_wait3A_255 : memref<1x80x128xf32, #tpu.memory_space<hbm>> -> memref<80x128xf32, #tpu.memory_space<hbm>>
      %dma_wait3A_257 = arith.constant 0 : i32
      %dma_wait3A_258 = arith.constant 0 : i32
      %dma_wait3A_259 = tpu.memref_slice %arg8[%run_scoped3A_201, %dma_wait3A_257, %dma_wait3A_258] : memref<4x80x128xf32, #tpu.memory_space<vmem>> -> memref<1x80x128xf32, #tpu.memory_space<vmem>>
      %dma_wait3A_260 = tpu.memref_squeeze %dma_wait3A_259 : memref<1x80x128xf32, #tpu.memory_space<vmem>> -> memref<80x128xf32, #tpu.memory_space<vmem>>
      tpu.wait_dma2 semaphore(%run_scoped3A_232 : memref<!tpu.dma_semaphore, #tpu.memory_space<semaphore_mem>>) src(%dma_wait3A_260 : memref<80x128xf32, #tpu.memory_space<vmem>>) dst(%dma_wait3A_256 : memref<80x128xf32, #tpu.memory_space<hbm>>)
      tpu.yield
    }) : () -> ()
    %mul3A_202 = arith.constant 320 : i32
    %mul3A_203 = arith.muli %arg1, %mul3A_202 : i32
    %add3A_204 = arith.constant 80 : i32
    %add3A_205 = arith.addi %mul3A_203, %add3A_204 : i32
    %run_scoped3A_206 = arith.constant 0 : i32
    "tpu.region"() ({
      %run_scoped3A_232 = tpu.sem_alloc : memref<!tpu.dma_semaphore, #tpu.memory_space<semaphore_mem>>
      %dma_start3A_233 = arith.constant 0 : i32
      %dma_start3A_234 = arith.constant 0 : i32
      %dma_start3A_235 = tpu.memref_slice %arg8[%run_scoped3A_206, %dma_start3A_233, %dma_start3A_234] : memref<4x80x128xf32, #tpu.memory_space<vmem>> -> memref<1x80x128xf32, #tpu.memory_space<vmem>>
      %dma_start3A_236 = tpu.memref_squeeze %dma_start3A_235 : memref<1x80x128xf32, #tpu.memory_space<vmem>> -> memref<80x128xf32, #tpu.memory_space<vmem>>
      %dma_start3A_237 = arith.constant 0 : i32
      %dma_start3A_238 = tpu.memref_slice %arg9[%add3A_205, %dma_start3A_237] : memref<5120x128xf32, #tpu.memory_space<vmem_shared>> -> memref<80x128xf32, #tpu.memory_space<vmem_shared>>
      %dma_start3A_239 = arith.constant 0 : i32
      %dma_start3A_240 = arith.constant 0 : i32
      %dma_start3A_241 = tpu.memref_slice %arg8[%run_scoped3A_206, %dma_start3A_239, %dma_start3A_240] : memref<4x80x128xf32, #tpu.memory_space<vmem>> -> memref<1x80x128xf32, #tpu.memory_space<vmem>>
      %dma_start3A_242 = tpu.memref_squeeze %dma_start3A_241 : memref<1x80x128xf32, #tpu.memory_space<vmem>> -> memref<80x128xf32, #tpu.memory_space<vmem>>
      %dma_start3A_243 = arith.constant 0 : i32
      %dma_start3A_244 = tpu.memref_slice %arg9[%add3A_205, %dma_start3A_243] : memref<5120x128xf32, #tpu.memory_space<vmem_shared>> -> memref<80x128xf32, #tpu.memory_space<vmem_shared>>
      tpu.enqueue_dma source(%dma_start3A_244 : memref<80x128xf32, #tpu.memory_space<vmem_shared>>) target(%dma_start3A_242 : memref<80x128xf32, #tpu.memory_space<vmem>>) target_semaphore(%run_scoped3A_232 : memref<!tpu.dma_semaphore, #tpu.memory_space<semaphore_mem>>)
      %dma_wait3A_245 = arith.constant 0 : i32
      %dma_wait3A_246 = arith.constant 0 : i32
      %dma_wait3A_247 = tpu.memref_slice %arg8[%run_scoped3A_206, %dma_wait3A_245, %dma_wait3A_246] : memref<4x80x128xf32, #tpu.memory_space<vmem>> -> memref<1x80x128xf32, #tpu.memory_space<vmem>>
      %dma_wait3A_248 = tpu.memref_squeeze %dma_wait3A_247 : memref<1x80x128xf32, #tpu.memory_space<vmem>> -> memref<80x128xf32, #tpu.memory_space<vmem>>
      %dma_wait3A_249 = arith.constant 0 : i32
      %dma_wait3A_250 = tpu.memref_slice %arg9[%add3A_205, %dma_wait3A_249] : memref<5120x128xf32, #tpu.memory_space<vmem_shared>> -> memref<80x128xf32, #tpu.memory_space<vmem_shared>>
      %dma_wait3A_251 = arith.constant 0 : i32
      %dma_wait3A_252 = arith.constant 0 : i32
      %dma_wait3A_253 = tpu.memref_slice %arg8[%run_scoped3A_206, %dma_wait3A_251, %dma_wait3A_252] : memref<4x80x128xf32, #tpu.memory_space<vmem>> -> memref<1x80x128xf32, #tpu.memory_space<vmem>>
      %dma_wait3A_254 = tpu.memref_squeeze %dma_wait3A_253 : memref<1x80x128xf32, #tpu.memory_space<vmem>> -> memref<80x128xf32, #tpu.memory_space<vmem>>
      %dma_wait3A_255 = arith.constant 0 : i32
      %dma_wait3A_256 = tpu.memref_slice %arg9[%add3A_205, %dma_wait3A_255] : memref<5120x128xf32, #tpu.memory_space<vmem_shared>> -> memref<80x128xf32, #tpu.memory_space<vmem_shared>>
      tpu.wait_dma2 semaphore(%run_scoped3A_232 : memref<!tpu.dma_semaphore, #tpu.memory_space<semaphore_mem>>) src(%dma_wait3A_256 : memref<80x128xf32, #tpu.memory_space<vmem_shared>>) dst(%dma_wait3A_254 : memref<80x128xf32, #tpu.memory_space<vmem>>)
      tpu.yield
    }) : () -> ()
    %mul3A_207 = arith.constant 320 : i32
    %mul3A_208 = arith.muli %arg1, %mul3A_207 : i32
    %add3A_209 = arith.constant 80 : i32
    %add3A_210 = arith.addi %mul3A_208, %add3A_209 : i32
    %run_scoped3A_211 = arith.constant 0 : i32
    "tpu.region"() ({
      %run_scoped3A_232 = tpu.sem_alloc : memref<!tpu.dma_semaphore, #tpu.memory_space<semaphore_mem>>
      %dma_start3A_233 = arith.constant 0 : i32
      %dma_start3A_234 = arith.constant 0 : i32
      %dma_start3A_235 = tpu.memref_slice %arg8[%run_scoped3A_211, %dma_start3A_233, %dma_start3A_234] : memref<4x80x128xf32, #tpu.memory_space<vmem>> -> memref<1x80x128xf32, #tpu.memory_space<vmem>>
      %dma_start3A_236 = tpu.memref_squeeze %dma_start3A_235 : memref<1x80x128xf32, #tpu.memory_space<vmem>> -> memref<80x128xf32, #tpu.memory_space<vmem>>
      %dma_start3A_237 = arith.constant 0 : i32
      %dma_start3A_238 = tpu.memref_slice %arg4[%arg0, %add3A_210, %dma_start3A_237] : memref<2x5120x128xf32, #tpu.memory_space<hbm>> -> memref<1x80x128xf32, #tpu.memory_space<hbm>>
      %dma_start3A_239 = tpu.memref_squeeze %dma_start3A_238 : memref<1x80x128xf32, #tpu.memory_space<hbm>> -> memref<80x128xf32, #tpu.memory_space<hbm>>
      %dma_start3A_240 = arith.constant 0 : i32
      %dma_start3A_241 = tpu.memref_slice %arg4[%arg0, %add3A_210, %dma_start3A_240] : memref<2x5120x128xf32, #tpu.memory_space<hbm>> -> memref<1x80x128xf32, #tpu.memory_space<hbm>>
      %dma_start3A_242 = tpu.memref_squeeze %dma_start3A_241 : memref<1x80x128xf32, #tpu.memory_space<hbm>> -> memref<80x128xf32, #tpu.memory_space<hbm>>
      %dma_start3A_243 = arith.constant 0 : i32
      %dma_start3A_244 = arith.constant 0 : i32
      %dma_start3A_245 = tpu.memref_slice %arg8[%run_scoped3A_211, %dma_start3A_243, %dma_start3A_244] : memref<4x80x128xf32, #tpu.memory_space<vmem>> -> memref<1x80x128xf32, #tpu.memory_space<vmem>>
      %dma_start3A_246 = tpu.memref_squeeze %dma_start3A_245 : memref<1x80x128xf32, #tpu.memory_space<vmem>> -> memref<80x128xf32, #tpu.memory_space<vmem>>
      tpu.enqueue_dma source(%dma_start3A_246 : memref<80x128xf32, #tpu.memory_space<vmem>>) target(%dma_start3A_242 : memref<80x128xf32, #tpu.memory_space<hbm>>) target_semaphore(%run_scoped3A_232 : memref<!tpu.dma_semaphore, #tpu.memory_space<semaphore_mem>>)
      %dma_wait3A_247 = arith.constant 0 : i32
      %dma_wait3A_248 = arith.constant 0 : i32
      %dma_wait3A_249 = tpu.memref_slice %arg8[%run_scoped3A_211, %dma_wait3A_247, %dma_wait3A_248] : memref<4x80x128xf32, #tpu.memory_space<vmem>> -> memref<1x80x128xf32, #tpu.memory_space<vmem>>
      %dma_wait3A_250 = tpu.memref_squeeze %dma_wait3A_249 : memref<1x80x128xf32, #tpu.memory_space<vmem>> -> memref<80x128xf32, #tpu.memory_space<vmem>>
      %dma_wait3A_251 = arith.constant 0 : i32
      %dma_wait3A_252 = tpu.memref_slice %arg4[%arg0, %add3A_210, %dma_wait3A_251] : memref<2x5120x128xf32, #tpu.memory_space<hbm>> -> memref<1x80x128xf32, #tpu.memory_space<hbm>>
      %dma_wait3A_253 = tpu.memref_squeeze %dma_wait3A_252 : memref<1x80x128xf32, #tpu.memory_space<hbm>> -> memref<80x128xf32, #tpu.memory_space<hbm>>
      %dma_wait3A_254 = arith.constant 0 : i32
      %dma_wait3A_255 = tpu.memref_slice %arg4[%arg0, %add3A_210, %dma_wait3A_254] : memref<2x5120x128xf32, #tpu.memory_space<hbm>> -> memref<1x80x128xf32, #tpu.memory_space<hbm>>
      %dma_wait3A_256 = tpu.memref_squeeze %dma_wait3A_255 : memref<1x80x128xf32, #tpu.memory_space<hbm>> -> memref<80x128xf32, #tpu.memory_space<hbm>>
      %dma_wait3A_257 = arith.constant 0 : i32
      %dma_wait3A_258 = arith.constant 0 : i32
      %dma_wait3A_259 = tpu.memref_slice %arg8[%run_scoped3A_211, %dma_wait3A_257, %dma_wait3A_258] : memref<4x80x128xf32, #tpu.memory_space<vmem>> -> memref<1x80x128xf32, #tpu.memory_space<vmem>>
      %dma_wait3A_260 = tpu.memref_squeeze %dma_wait3A_259 : memref<1x80x128xf32, #tpu.memory_space<vmem>> -> memref<80x128xf32, #tpu.memory_space<vmem>>
      tpu.wait_dma2 semaphore(%run_scoped3A_232 : memref<!tpu.dma_semaphore, #tpu.memory_space<semaphore_mem>>) src(%dma_wait3A_260 : memref<80x128xf32, #tpu.memory_space<vmem>>) dst(%dma_wait3A_256 : memref<80x128xf32, #tpu.memory_space<hbm>>)
      tpu.yield
    }) : () -> ()
    %mul3A_212 = arith.constant 320 : i32
    %mul3A_213 = arith.muli %arg1, %mul3A_212 : i32
    %add3A_214 = arith.constant 160 : i32
    %add3A_215 = arith.addi %mul3A_213, %add3A_214 : i32
    %run_scoped3A_216 = arith.constant 0 : i32
    "tpu.region"() ({
      %run_scoped3A_232 = tpu.sem_alloc : memref<!tpu.dma_semaphore, #tpu.memory_space<semaphore_mem>>
      %dma_start3A_233 = arith.constant 0 : i32
      %dma_start3A_234 = arith.constant 0 : i32
      %dma_start3A_235 = tpu.memref_slice %arg8[%run_scoped3A_216, %dma_start3A_233, %dma_start3A_234] : memref<4x80x128xf32, #tpu.memory_space<vmem>> -> memref<1x80x128xf32, #tpu.memory_space<vmem>>
      %dma_start3A_236 = tpu.memref_squeeze %dma_start3A_235 : memref<1x80x128xf32, #tpu.memory_space<vmem>> -> memref<80x128xf32, #tpu.memory_space<vmem>>
      %dma_start3A_237 = arith.constant 0 : i32
      %dma_start3A_238 = tpu.memref_slice %arg9[%add3A_215, %dma_start3A_237] : memref<5120x128xf32, #tpu.memory_space<vmem_shared>> -> memref<80x128xf32, #tpu.memory_space<vmem_shared>>
      %dma_start3A_239 = arith.constant 0 : i32
      %dma_start3A_240 = arith.constant 0 : i32
      %dma_start3A_241 = tpu.memref_slice %arg8[%run_scoped3A_216, %dma_start3A_239, %dma_start3A_240] : memref<4x80x128xf32, #tpu.memory_space<vmem>> -> memref<1x80x128xf32, #tpu.memory_space<vmem>>
      %dma_start3A_242 = tpu.memref_squeeze %dma_start3A_241 : memref<1x80x128xf32, #tpu.memory_space<vmem>> -> memref<80x128xf32, #tpu.memory_space<vmem>>
      %dma_start3A_243 = arith.constant 0 : i32
      %dma_start3A_244 = tpu.memref_slice %arg9[%add3A_215, %dma_start3A_243] : memref<5120x128xf32, #tpu.memory_space<vmem_shared>> -> memref<80x128xf32, #tpu.memory_space<vmem_shared>>
      tpu.enqueue_dma source(%dma_start3A_244 : memref<80x128xf32, #tpu.memory_space<vmem_shared>>) target(%dma_start3A_242 : memref<80x128xf32, #tpu.memory_space<vmem>>) target_semaphore(%run_scoped3A_232 : memref<!tpu.dma_semaphore, #tpu.memory_space<semaphore_mem>>)
      %dma_wait3A_245 = arith.constant 0 : i32
      %dma_wait3A_246 = arith.constant 0 : i32
      %dma_wait3A_247 = tpu.memref_slice %arg8[%run_scoped3A_216, %dma_wait3A_245, %dma_wait3A_246] : memref<4x80x128xf32, #tpu.memory_space<vmem>> -> memref<1x80x128xf32, #tpu.memory_space<vmem>>
      %dma_wait3A_248 = tpu.memref_squeeze %dma_wait3A_247 : memref<1x80x128xf32, #tpu.memory_space<vmem>> -> memref<80x128xf32, #tpu.memory_space<vmem>>
      %dma_wait3A_249 = arith.constant 0 : i32
      %dma_wait3A_250 = tpu.memref_slice %arg9[%add3A_215, %dma_wait3A_249] : memref<5120x128xf32, #tpu.memory_space<vmem_shared>> -> memref<80x128xf32, #tpu.memory_space<vmem_shared>>
      %dma_wait3A_251 = arith.constant 0 : i32
      %dma_wait3A_252 = arith.constant 0 : i32
      %dma_wait3A_253 = tpu.memref_slice %arg8[%run_scoped3A_216, %dma_wait3A_251, %dma_wait3A_252] : memref<4x80x128xf32, #tpu.memory_space<vmem>> -> memref<1x80x128xf32, #tpu.memory_space<vmem>>
      %dma_wait3A_254 = tpu.memref_squeeze %dma_wait3A_253 : memref<1x80x128xf32, #tpu.memory_space<vmem>> -> memref<80x128xf32, #tpu.memory_space<vmem>>
      %dma_wait3A_255 = arith.constant 0 : i32
      %dma_wait3A_256 = tpu.memref_slice %arg9[%add3A_215, %dma_wait3A_255] : memref<5120x128xf32, #tpu.memory_space<vmem_shared>> -> memref<80x128xf32, #tpu.memory_space<vmem_shared>>
      tpu.wait_dma2 semaphore(%run_scoped3A_232 : memref<!tpu.dma_semaphore, #tpu.memory_space<semaphore_mem>>) src(%dma_wait3A_256 : memref<80x128xf32, #tpu.memory_space<vmem_shared>>) dst(%dma_wait3A_254 : memref<80x128xf32, #tpu.memory_space<vmem>>)
      tpu.yield
    }) : () -> ()
    %mul3A_217 = arith.constant 320 : i32
    %mul3A_218 = arith.muli %arg1, %mul3A_217 : i32
    %add3A_219 = arith.constant 160 : i32
    %add3A_220 = arith.addi %mul3A_218, %add3A_219 : i32
    %run_scoped3A_221 = arith.constant 0 : i32
    "tpu.region"() ({
      %run_scoped3A_232 = tpu.sem_alloc : memref<!tpu.dma_semaphore, #tpu.memory_space<semaphore_mem>>
      %dma_start3A_233 = arith.constant 0 : i32
      %dma_start3A_234 = arith.constant 0 : i32
      %dma_start3A_235 = tpu.memref_slice %arg8[%run_scoped3A_221, %dma_start3A_233, %dma_start3A_234] : memref<4x80x128xf32, #tpu.memory_space<vmem>> -> memref<1x80x128xf32, #tpu.memory_space<vmem>>
      %dma_start3A_236 = tpu.memref_squeeze %dma_start3A_235 : memref<1x80x128xf32, #tpu.memory_space<vmem>> -> memref<80x128xf32, #tpu.memory_space<vmem>>
      %dma_start3A_237 = arith.constant 0 : i32
      %dma_start3A_238 = tpu.memref_slice %arg4[%arg0, %add3A_220, %dma_start3A_237] : memref<2x5120x128xf32, #tpu.memory_space<hbm>> -> memref<1x80x128xf32, #tpu.memory_space<hbm>>
      %dma_start3A_239 = tpu.memref_squeeze %dma_start3A_238 : memref<1x80x128xf32, #tpu.memory_space<hbm>> -> memref<80x128xf32, #tpu.memory_space<hbm>>
      %dma_start3A_240 = arith.constant 0 : i32
      %dma_start3A_241 = tpu.memref_slice %arg4[%arg0, %add3A_220, %dma_start3A_240] : memref<2x5120x128xf32, #tpu.memory_space<hbm>> -> memref<1x80x128xf32, #tpu.memory_space<hbm>>
      %dma_start3A_242 = tpu.memref_squeeze %dma_start3A_241 : memref<1x80x128xf32, #tpu.memory_space<hbm>> -> memref<80x128xf32, #tpu.memory_space<hbm>>
      %dma_start3A_243 = arith.constant 0 : i32
      %dma_start3A_244 = arith.constant 0 : i32
      %dma_start3A_245 = tpu.memref_slice %arg8[%run_scoped3A_221, %dma_start3A_243, %dma_start3A_244] : memref<4x80x128xf32, #tpu.memory_space<vmem>> -> memref<1x80x128xf32, #tpu.memory_space<vmem>>
      %dma_start3A_246 = tpu.memref_squeeze %dma_start3A_245 : memref<1x80x128xf32, #tpu.memory_space<vmem>> -> memref<80x128xf32, #tpu.memory_space<vmem>>
      tpu.enqueue_dma source(%dma_start3A_246 : memref<80x128xf32, #tpu.memory_space<vmem>>) target(%dma_start3A_242 : memref<80x128xf32, #tpu.memory_space<hbm>>) target_semaphore(%run_scoped3A_232 : memref<!tpu.dma_semaphore, #tpu.memory_space<semaphore_mem>>)
      %dma_wait3A_247 = arith.constant 0 : i32
      %dma_wait3A_248 = arith.constant 0 : i32
      %dma_wait3A_249 = tpu.memref_slice %arg8[%run_scoped3A_221, %dma_wait3A_247, %dma_wait3A_248] : memref<4x80x128xf32, #tpu.memory_space<vmem>> -> memref<1x80x128xf32, #tpu.memory_space<vmem>>
      %dma_wait3A_250 = tpu.memref_squeeze %dma_wait3A_249 : memref<1x80x128xf32, #tpu.memory_space<vmem>> -> memref<80x128xf32, #tpu.memory_space<vmem>>
      %dma_wait3A_251 = arith.constant 0 : i32
      %dma_wait3A_252 = tpu.memref_slice %arg4[%arg0, %add3A_220, %dma_wait3A_251] : memref<2x5120x128xf32, #tpu.memory_space<hbm>> -> memref<1x80x128xf32, #tpu.memory_space<hbm>>
      %dma_wait3A_253 = tpu.memref_squeeze %dma_wait3A_252 : memref<1x80x128xf32, #tpu.memory_space<hbm>> -> memref<80x128xf32, #tpu.memory_space<hbm>>
      %dma_wait3A_254 = arith.constant 0 : i32
      %dma_wait3A_255 = tpu.memref_slice %arg4[%arg0, %add3A_220, %dma_wait3A_254] : memref<2x5120x128xf32, #tpu.memory_space<hbm>> -> memref<1x80x128xf32, #tpu.memory_space<hbm>>
      %dma_wait3A_256 = tpu.memref_squeeze %dma_wait3A_255 : memref<1x80x128xf32, #tpu.memory_space<hbm>> -> memref<80x128xf32, #tpu.memory_space<hbm>>
      %dma_wait3A_257 = arith.constant 0 : i32
      %dma_wait3A_258 = arith.constant 0 : i32
      %dma_wait3A_259 = tpu.memref_slice %arg8[%run_scoped3A_221, %dma_wait3A_257, %dma_wait3A_258] : memref<4x80x128xf32, #tpu.memory_space<vmem>> -> memref<1x80x128xf32, #tpu.memory_space<vmem>>
      %dma_wait3A_260 = tpu.memref_squeeze %dma_wait3A_259 : memref<1x80x128xf32, #tpu.memory_space<vmem>> -> memref<80x128xf32, #tpu.memory_space<vmem>>
      tpu.wait_dma2 semaphore(%run_scoped3A_232 : memref<!tpu.dma_semaphore, #tpu.memory_space<semaphore_mem>>) src(%dma_wait3A_260 : memref<80x128xf32, #tpu.memory_space<vmem>>) dst(%dma_wait3A_256 : memref<80x128xf32, #tpu.memory_space<hbm>>)
      tpu.yield
    }) : () -> ()
    %mul3A_222 = arith.constant 320 : i32
    %mul3A_223 = arith.muli %arg1, %mul3A_222 : i32
    %add3A_224 = arith.constant 240 : i32
    %add3A_225 = arith.addi %mul3A_223, %add3A_224 : i32
    %run_scoped3A_226 = arith.constant 0 : i32
    "tpu.region"() ({
      %run_scoped3A_232 = tpu.sem_alloc : memref<!tpu.dma_semaphore, #tpu.memory_space<semaphore_mem>>
      %dma_start3A_233 = arith.constant 0 : i32
      %dma_start3A_234 = arith.constant 0 : i32
      %dma_start3A_235 = tpu.memref_slice %arg8[%run_scoped3A_226, %dma_start3A_233, %dma_start3A_234] : memref<4x80x128xf32, #tpu.memory_space<vmem>> -> memref<1x80x128xf32, #tpu.memory_space<vmem>>
      %dma_start3A_236 = tpu.memref_squeeze %dma_start3A_235 : memref<1x80x128xf32, #tpu.memory_space<vmem>> -> memref<80x128xf32, #tpu.memory_space<vmem>>
      %dma_start3A_237 = arith.constant 0 : i32
      %dma_start3A_238 = tpu.memref_slice %arg9[%add3A_225, %dma_start3A_237] : memref<5120x128xf32, #tpu.memory_space<vmem_shared>> -> memref<80x128xf32, #tpu.memory_space<vmem_shared>>
      %dma_start3A_239 = arith.constant 0 : i32
      %dma_start3A_240 = arith.constant 0 : i32
      %dma_start3A_241 = tpu.memref_slice %arg8[%run_scoped3A_226, %dma_start3A_239, %dma_start3A_240] : memref<4x80x128xf32, #tpu.memory_space<vmem>> -> memref<1x80x128xf32, #tpu.memory_space<vmem>>
      %dma_start3A_242 = tpu.memref_squeeze %dma_start3A_241 : memref<1x80x128xf32, #tpu.memory_space<vmem>> -> memref<80x128xf32, #tpu.memory_space<vmem>>
      %dma_start3A_243 = arith.constant 0 : i32
      %dma_start3A_244 = tpu.memref_slice %arg9[%add3A_225, %dma_start3A_243] : memref<5120x128xf32, #tpu.memory_space<vmem_shared>> -> memref<80x128xf32, #tpu.memory_space<vmem_shared>>
      tpu.enqueue_dma source(%dma_start3A_244 : memref<80x128xf32, #tpu.memory_space<vmem_shared>>) target(%dma_start3A_242 : memref<80x128xf32, #tpu.memory_space<vmem>>) target_semaphore(%run_scoped3A_232 : memref<!tpu.dma_semaphore, #tpu.memory_space<semaphore_mem>>)
      %dma_wait3A_245 = arith.constant 0 : i32
      %dma_wait3A_246 = arith.constant 0 : i32
      %dma_wait3A_247 = tpu.memref_slice %arg8[%run_scoped3A_226, %dma_wait3A_245, %dma_wait3A_246] : memref<4x80x128xf32, #tpu.memory_space<vmem>> -> memref<1x80x128xf32, #tpu.memory_space<vmem>>
      %dma_wait3A_248 = tpu.memref_squeeze %dma_wait3A_247 : memref<1x80x128xf32, #tpu.memory_space<vmem>> -> memref<80x128xf32, #tpu.memory_space<vmem>>
      %dma_wait3A_249 = arith.constant 0 : i32
      %dma_wait3A_250 = tpu.memref_slice %arg9[%add3A_225, %dma_wait3A_249] : memref<5120x128xf32, #tpu.memory_space<vmem_shared>> -> memref<80x128xf32, #tpu.memory_space<vmem_shared>>
      %dma_wait3A_251 = arith.constant 0 : i32
      %dma_wait3A_252 = arith.constant 0 : i32
      %dma_wait3A_253 = tpu.memref_slice %arg8[%run_scoped3A_226, %dma_wait3A_251, %dma_wait3A_252] : memref<4x80x128xf32, #tpu.memory_space<vmem>> -> memref<1x80x128xf32, #tpu.memory_space<vmem>>
      %dma_wait3A_254 = tpu.memref_squeeze %dma_wait3A_253 : memref<1x80x128xf32, #tpu.memory_space<vmem>> -> memref<80x128xf32, #tpu.memory_space<vmem>>
      %dma_wait3A_255 = arith.constant 0 : i32
      %dma_wait3A_256 = tpu.memref_slice %arg9[%add3A_225, %dma_wait3A_255] : memref<5120x128xf32, #tpu.memory_space<vmem_shared>> -> memref<80x128xf32, #tpu.memory_space<vmem_shared>>
      tpu.wait_dma2 semaphore(%run_scoped3A_232 : memref<!tpu.dma_semaphore, #tpu.memory_space<semaphore_mem>>) src(%dma_wait3A_256 : memref<80x128xf32, #tpu.memory_space<vmem_shared>>) dst(%dma_wait3A_254 : memref<80x128xf32, #tpu.memory_space<vmem>>)
      tpu.yield
    }) : () -> ()
    %mul3A_227 = arith.constant 320 : i32
    %mul3A_228 = arith.muli %arg1, %mul3A_227 : i32
    %add3A_229 = arith.constant 240 : i32
    %add3A_230 = arith.addi %mul3A_228, %add3A_229 : i32
    %run_scoped3A_231 = arith.constant 0 : i32
    "tpu.region"() ({
      %run_scoped3A_232 = tpu.sem_alloc : memref<!tpu.dma_semaphore, #tpu.memory_space<semaphore_mem>>
      %dma_start3A_233 = arith.constant 0 : i32
      %dma_start3A_234 = arith.constant 0 : i32
      %dma_start3A_235 = tpu.memref_slice %arg8[%run_scoped3A_231, %dma_start3A_233, %dma_start3A_234] : memref<4x80x128xf32, #tpu.memory_space<vmem>> -> memref<1x80x128xf32, #tpu.memory_space<vmem>>
      %dma_start3A_236 = tpu.memref_squeeze %dma_start3A_235 : memref<1x80x128xf32, #tpu.memory_space<vmem>> -> memref<80x128xf32, #tpu.memory_space<vmem>>
      %dma_start3A_237 = arith.constant 0 : i32
      %dma_start3A_238 = tpu.memref_slice %arg4[%arg0, %add3A_230, %dma_start3A_237] : memref<2x5120x128xf32, #tpu.memory_space<hbm>> -> memref<1x80x128xf32, #tpu.memory_space<hbm>>
      %dma_start3A_239 = tpu.memref_squeeze %dma_start3A_238 : memref<1x80x128xf32, #tpu.memory_space<hbm>> -> memref<80x128xf32, #tpu.memory_space<hbm>>
      %dma_start3A_240 = arith.constant 0 : i32
      %dma_start3A_241 = tpu.memref_slice %arg4[%arg0, %add3A_230, %dma_start3A_240] : memref<2x5120x128xf32, #tpu.memory_space<hbm>> -> memref<1x80x128xf32, #tpu.memory_space<hbm>>
      %dma_start3A_242 = tpu.memref_squeeze %dma_start3A_241 : memref<1x80x128xf32, #tpu.memory_space<hbm>> -> memref<80x128xf32, #tpu.memory_space<hbm>>
      %dma_start3A_243 = arith.constant 0 : i32
      %dma_start3A_244 = arith.constant 0 : i32
      %dma_start3A_245 = tpu.memref_slice %arg8[%run_scoped3A_231, %dma_start3A_243, %dma_start3A_244] : memref<4x80x128xf32, #tpu.memory_space<vmem>> -> memref<1x80x128xf32, #tpu.memory_space<vmem>>
      %dma_start3A_246 = tpu.memref_squeeze %dma_start3A_245 : memref<1x80x128xf32, #tpu.memory_space<vmem>> -> memref<80x128xf32, #tpu.memory_space<vmem>>
      tpu.enqueue_dma source(%dma_start3A_246 : memref<80x128xf32, #tpu.memory_space<vmem>>) target(%dma_start3A_242 : memref<80x128xf32, #tpu.memory_space<hbm>>) target_semaphore(%run_scoped3A_232 : memref<!tpu.dma_semaphore, #tpu.memory_space<semaphore_mem>>)
      %dma_wait3A_247 = arith.constant 0 : i32
      %dma_wait3A_248 = arith.constant 0 : i32
      %dma_wait3A_249 = tpu.memref_slice %arg8[%run_scoped3A_231, %dma_wait3A_247, %dma_wait3A_248] : memref<4x80x128xf32, #tpu.memory_space<vmem>> -> memref<1x80x128xf32, #tpu.memory_space<vmem>>
      %dma_wait3A_250 = tpu.memref_squeeze %dma_wait3A_249 : memref<1x80x128xf32, #tpu.memory_space<vmem>> -> memref<80x128xf32, #tpu.memory_space<vmem>>
      %dma_wait3A_251 = arith.constant 0 : i32
      %dma_wait3A_252 = tpu.memref_slice %arg4[%arg0, %add3A_230, %dma_wait3A_251] : memref<2x5120x128xf32, #tpu.memory_space<hbm>> -> memref<1x80x128xf32, #tpu.memory_space<hbm>>
      %dma_wait3A_253 = tpu.memref_squeeze %dma_wait3A_252 : memref<1x80x128xf32, #tpu.memory_space<hbm>> -> memref<80x128xf32, #tpu.memory_space<hbm>>
      %dma_wait3A_254 = arith.constant 0 : i32
      %dma_wait3A_255 = tpu.memref_slice %arg4[%arg0, %add3A_230, %dma_wait3A_254] : memref<2x5120x128xf32, #tpu.memory_space<hbm>> -> memref<1x80x128xf32, #tpu.memory_space<hbm>>
      %dma_wait3A_256 = tpu.memref_squeeze %dma_wait3A_255 : memref<1x80x128xf32, #tpu.memory_space<hbm>> -> memref<80x128xf32, #tpu.memory_space<hbm>>
      %dma_wait3A_257 = arith.constant 0 : i32
      %dma_wait3A_258 = arith.constant 0 : i32
      %dma_wait3A_259 = tpu.memref_slice %arg8[%run_scoped3A_231, %dma_wait3A_257, %dma_wait3A_258] : memref<4x80x128xf32, #tpu.memory_space<vmem>> -> memref<1x80x128xf32, #tpu.memory_space<vmem>>
      %dma_wait3A_260 = tpu.memref_squeeze %dma_wait3A_259 : memref<1x80x128xf32, #tpu.memory_space<vmem>> -> memref<80x128xf32, #tpu.memory_space<vmem>>
      tpu.wait_dma2 semaphore(%run_scoped3A_232 : memref<!tpu.dma_semaphore, #tpu.memory_space<semaphore_mem>>) src(%dma_wait3A_260 : memref<80x128xf32, #tpu.memory_space<vmem>>) dst(%dma_wait3A_256 : memref<80x128xf32, #tpu.memory_space<hbm>>)
      tpu.yield
    }) : () -> ()
    return
  }
}

module attributes {stable_mosaic.version = 14 : i64} {
  func.func @_tc_first_body(%arg0: i32, %arg1: memref<1000x1xf32, #tpu.memory_space<vmem>>, %arg2: memref<1000x128xf32, #tpu.memory_space<vmem>>, %arg3: memref<128x128xf32, #tpu.memory_space<vmem>>, %arg4: memref<1000x128xf32, #tpu.memory_space<vmem>>) attributes {dimension_semantics = [#tpu.dimension_semantics<arbitrary>], iteration_bounds = array<i64: 10>, scalar_prefetch = 0 : i64, scratch_operands = 0 : i64, tpu.core_type = #tpu.core_type<tc>, window_params = [{transform_indices = @transform_0, window_bounds = array<i64: 1000, 1>}, {transform_indices = @transform_1, window_bounds = array<i64: 1000, 128>}, {pipeline_mode = #tpu.pipeline_mode<synchronous>, transform_indices = @transform_2, window_bounds = array<i64: 128, 128>}, {transform_indices = @transform_3, window_bounds = array<i64: 1000, 128>}]} {
    %get3A = arith.constant 0 : index
    %get3A_0 = arith.constant 0 : index
    %get3A_1 = vector.load %arg2[%get3A, %get3A_0] : memref<1000x128xf32, #tpu.memory_space<vmem>>, vector<1000x128xf32>
    %get3A_2 = arith.constant 0 : index
    %get3A_3 = arith.constant 0 : index
    %get3A_4 = vector.load %arg3[%get3A_2, %get3A_3] : memref<128x128xf32, #tpu.memory_space<vmem>>, vector<128x128xf32>
    %dot_general3A = arith.constant dense<0.000000e+00> : vector<1000x128xf32>
    %dot_general3A_5 = tpu.matmul %get3A_1, %get3A_4, %dot_general3A {dimension_numbers = #tpu.dot_dimension_numbers<[1], [0], [0], [1], [0, 0, 1, 1], [], []>, transpose_lhs_hint = false} : vector<1000x128xf32>, vector<128x128xf32>, vector<1000x128xf32> -> vector<1000x128xf32>
    %get3A_6 = arith.constant 0 : index
    %get3A_7 = arith.constant 0 : index
    %get3A_8 = vector.load %arg1[%get3A_6, %get3A_7] : memref<1000x1xf32, #tpu.memory_space<vmem>>, vector<1000x1xf32>
    %mul3A = vector.broadcast %get3A_8 : vector<1000x1xf32> to vector<1000x128xf32>
    %mul3A_9 = arith.mulf %dot_general3A_5, %mul3A : vector<1000x128xf32>
    %swap3A = arith.constant 0 : index
    %swap3A_10 = arith.constant 0 : index
    %swap3A_11 = vector.load %arg4[%swap3A, %swap3A_10] : memref<1000x128xf32, #tpu.memory_space<vmem>>, vector<1000x128xf32>
    tpu.vector_store %arg4[%swap3A, %swap3A_10], %mul3A_9 {strides = array<i32>} : memref<1000x128xf32, #tpu.memory_space<vmem>>, vector<1000x128xf32>,
    return
  }
  func.func @transform_0(%arg0: i32) -> (i32, i32) {
    %c0_i32 = arith.constant 0 : i32
    %c0_i32_0 = arith.constant 0 : i32
    return %arg0, %c0_i32 : i32, i32
  }
  func.func @transform_1(%arg0: i32) -> (i32, i32) {
    %c0_i32 = arith.constant 0 : i32
    %c0_i32_0 = arith.constant 0 : i32
    return %arg0, %c0_i32 : i32, i32
  }
  func.func @transform_2(%arg0: i32) -> (i32, i32) {
    %c0_i32 = arith.constant 0 : i32
    %c0_i32_0 = arith.constant 0 : i32
    %c0_i32_1 = arith.constant 0 : i32
    return %c0_i32, %c0_i32_0 : i32, i32
  }
  func.func @transform_3(%arg0: i32) -> (i32, i32) {
    %c0_i32 = arith.constant 0 : i32
    %c0_i32_0 = arith.constant 0 : i32
    return %arg0, %c0_i32 : i32, i32
  }
}

module attributes {stable_mosaic.version = 14 : i64} {
  func.func @_tc_pack_body(%arg0: i32, %arg1: memref<2x320000xi32, #tpu.memory_space<vmem>>, %arg2: memref<320000xi32, #tpu.memory_space<vmem>>) attributes {dimension_semantics = [#tpu.dimension_semantics<arbitrary>], iteration_bounds = array<i64: 1>, scalar_prefetch = 0 : i64, scratch_operands = 0 : i64, tpu.core_type = #tpu.core_type<tc>, window_params = [{pipeline_mode = #tpu.pipeline_mode<synchronous>, transform_indices = @transform_0, window_bounds = array<i64: 2, 320000>}, {pipeline_mode = #tpu.pipeline_mode<synchronous>, transform_indices = @transform_1, window_bounds = array<i64: 320000>}]} {
    %get3A = arith.constant 1 : index
    %get3A_0 = arith.constant 0 : index
    %get3A_1 = vector.load %arg1[%get3A, %get3A_0] : memref<2x320000xi32, #tpu.memory_space<vmem>>, vector<1x320000xi32>
    %get3A_2 = vector.shape_cast %get3A_1 : vector<1x320000xi32> to vector<320000xi32>
    %shift_left3A = arith.constant 16 : i32
    %shift_left3A_3 = vector.broadcast %shift_left3A : i32 to vector<320000xi32>
    %shift_left3A_4 = arith.shli %get3A_2, %shift_left3A_3 : vector<320000xi32>
    %get3A_5 = arith.constant 0 : index
    %get3A_6 = arith.constant 0 : index
    %get3A_7 = vector.load %arg1[%get3A_5, %get3A_6] : memref<2x320000xi32, #tpu.memory_space<vmem>>, vector<1x320000xi32>
    %get3A_8 = vector.shape_cast %get3A_7 : vector<1x320000xi32> to vector<320000xi32>
    %or3A = arith.ori %shift_left3A_4, %get3A_8 : vector<320000xi32>
    %swap3A = arith.constant 0 : index
    %swap3A_9 = vector.load %arg2[%swap3A] : memref<320000xi32, #tpu.memory_space<vmem>>, vector<320000xi32>
    tpu.vector_store %arg2[%swap3A], %or3A {strides = array<i32>} : memref<320000xi32, #tpu.memory_space<vmem>>, vector<320000xi32>,
    return
  }
  func.func @transform_0(%arg0: i32) -> (i32, i32) {
    %c0_i32 = arith.constant 0 : i32
    %c0_i32_0 = arith.constant 0 : i32
    %c0_i32_1 = arith.constant 0 : i32
    return %c0_i32, %c0_i32_0 : i32, i32
  }
  func.func @transform_1(%arg0: i32) -> i32 {
    %c0_i32 = arith.constant 0 : i32
    %c0_i32_0 = arith.constant 0 : i32
    return %c0_i32 : i32
  }
}

module attributes {stable_mosaic.version = 14 : i64} {
  func.func @_tc_mid_body(%arg0: i32, %arg1: memref<1x1000x128xf32, #tpu.memory_space<vmem>>, %arg2: memref<1000x1xf32, #tpu.memory_space<vmem>>, %arg3: memref<128xf32, #tpu.memory_space<vmem>>, %arg4: memref<128x128xf32, #tpu.memory_space<vmem>>, %arg5: memref<1000x128xf32, #tpu.memory_space<vmem>>) attributes {dimension_semantics = [#tpu.dimension_semantics<arbitrary>], iteration_bounds = array<i64: 10>, scalar_prefetch = 0 : i64, scratch_operands = 0 : i64, tpu.core_type = #tpu.core_type<tc>, window_params = [{transform_indices = @transform_0, window_bounds = array<i64: 1, 1000, 128>}, {transform_indices = @transform_1, window_bounds = array<i64: 1000, 1>}, {pipeline_mode = #tpu.pipeline_mode<synchronous>, transform_indices = @transform_2, window_bounds = array<i64: 128>}, {pipeline_mode = #tpu.pipeline_mode<synchronous>, transform_indices = @transform_3, window_bounds = array<i64: 128, 128>}, {transform_indices = @transform_4, window_bounds = array<i64: 1000, 128>}]} {
    %get3A = arith.constant 0 : index
    %get3A_0 = arith.constant 0 : index
    %get3A_1 = vector.load %arg2[%get3A, %get3A_0] : memref<1000x1xf32, #tpu.memory_space<vmem>>, vector<1000x1xf32>
    %get3A_2 = arith.constant 0 : index
    %get3A_3 = arith.constant 0 : index
    %get3A_4 = arith.constant 0 : index
    %get3A_5 = vector.load %arg1[%get3A_2, %get3A_3, %get3A_4] : memref<1x1000x128xf32, #tpu.memory_space<vmem>>, vector<1x1000x128xf32>
    %get3A_6 = vector.shape_cast %get3A_5 : vector<1x1000x128xf32> to vector<1000x128xf32>
    %mul3A = vector.broadcast %get3A_1 : vector<1000x1xf32> to vector<1000x128xf32>
    %mul3A_7 = arith.mulf %get3A_6, %mul3A : vector<1000x128xf32>
    %get3A_8 = arith.constant 0 : index
    %get3A_9 = vector.load %arg3[%get3A_8] : memref<128xf32, #tpu.memory_space<vmem>>, vector<128xf32>
    %broadcast_in_dim3A = vector.shape_cast %get3A_9 : vector<128xf32> to vector<1x128xf32>
    %add3A = vector.broadcast %broadcast_in_dim3A : vector<1x128xf32> to vector<1000x128xf32>
    %add3A_10 = arith.addf %mul3A_7, %add3A : vector<1000x128xf32>
    %max3A = arith.constant 0.000000e+00 : f32
    %max3A_11 = vector.broadcast %max3A : f32 to vector<1000x128xf32>
    %max3A_12 = arith.maximumf %add3A_10, %max3A_11 : vector<1000x128xf32>
    %get3A_13 = arith.constant 0 : index
    %get3A_14 = arith.constant 0 : index
    %get3A_15 = vector.load %arg4[%get3A_13, %get3A_14] : memref<128x128xf32, #tpu.memory_space<vmem>>, vector<128x128xf32>
    %dot_general3A = arith.constant dense<0.000000e+00> : vector<1000x128xf32>
    %dot_general3A_16 = tpu.matmul %max3A_12, %get3A_15, %dot_general3A {dimension_numbers = #tpu.dot_dimension_numbers<[1], [0], [0], [1], [0, 0, 1, 1], [], []>, transpose_lhs_hint = false} : vector<1000x128xf32>, vector<128x128xf32>, vector<1000x128xf32> -> vector<1000x128xf32>
    %mul3A_17 = vector.broadcast %get3A_1 : vector<1000x1xf32> to vector<1000x128xf32>
    %mul3A_18 = arith.mulf %dot_general3A_16, %mul3A_17 : vector<1000x128xf32>
    %swap3A = arith.constant 0 : index
    %swap3A_19 = arith.constant 0 : index
    %swap3A_20 = vector.load %arg5[%swap3A, %swap3A_19] : memref<1000x128xf32, #tpu.memory_space<vmem>>, vector<1000x128xf32>
    tpu.vector_store %arg5[%swap3A, %swap3A_19], %mul3A_18 {strides = array<i32>} : memref<1000x128xf32, #tpu.memory_space<vmem>>, vector<1000x128xf32>,
    return
  }
  func.func @transform_0(%arg0: i32) -> (i32, i32, i32) {
    %jit3A = arith.constant 5 : i32
    %div3A = arith.divsi %arg0, %jit3A : i32
    %sign3A = arith.constant 0 : i32
    %sign3A_0 = arith.cmpi sgt, %arg0, %sign3A : i32
    %sign3A_1 = arith.extui %sign3A_0 : i1 to i32
    %sign3A_2 = arith.constant 0 : i32
    %sign3A_3 = arith.cmpi slt, %arg0, %sign3A_2 : i32
    %sign3A_4 = arith.extui %sign3A_3 : i1 to i32
    %sign3A_5 = arith.subi %sign3A_1, %sign3A_4 : i32
    %sign3A_6 = arith.constant 0 : i32
    %sign3A_7 = arith.cmpi sgt, %jit3A, %sign3A_6 : i32
    %sign3A_8 = arith.extui %sign3A_7 : i1 to i32
    %sign3A_9 = arith.constant 0 : i32
    %sign3A_10 = arith.cmpi slt, %jit3A, %sign3A_9 : i32
    %sign3A_11 = arith.extui %sign3A_10 : i1 to i32
    %sign3A_12 = arith.subi %sign3A_8, %sign3A_11 : i32
    %ne3A = arith.cmpi ne, %sign3A_5, %sign3A_12 : i32
    %rem3A = arith.remsi %arg0, %jit3A : i32
    %ne3A_13 = arith.constant 0 : i32
    %ne3A_14 = arith.cmpi ne, %rem3A, %ne3A_13 : i32
    %and3A = arith.andi %ne3A, %ne3A_14 : i1
    %sub3A = arith.constant 1 : i32
    %sub3A_15 = arith.subi %div3A, %sub3A : i32
    %select_n3A = arith.select %and3A, %sub3A_15, %div3A : i32
    %jit3A_16 = arith.constant 5 : i32
    %eq3A = arith.constant 0 : i32
    %eq3A_17 = arith.cmpi eq, %jit3A_16, %eq3A : i32
    %jit3A_18 = arith.constant 1 : i32
    %select_n3A_19 = arith.select %eq3A_17, %jit3A_18, %jit3A_16 : i32
    %rem3A_20 = arith.remsi %arg0, %select_n3A_19 : i32
    %ne3A_21 = arith.constant 0 : i32
    %ne3A_22 = arith.cmpi ne, %rem3A_20, %ne3A_21 : i32
    %lt3A = arith.constant 0 : i32
    %lt3A_23 = arith.cmpi slt, %rem3A_20, %lt3A : i32
    %lt3A_24 = arith.constant 0 : i32
    %lt3A_25 = arith.cmpi slt, %select_n3A_19, %lt3A_24 : i32
    %ne3A_26 = arith.xori %lt3A_23, %lt3A_25 : i1
    %and3A_27 = arith.andi %ne3A_26, %ne3A_22 : i1
    %add3A = arith.addi %rem3A_20, %select_n3A_19 : i32
    %select_n3A_28 = arith.select %and3A_27, %add3A, %rem3A_20 : i32
    %c0_i32 = arith.constant 0 : i32
    %c0_i32_29 = arith.constant 0 : i32
    return %select_n3A, %select_n3A_28, %c0_i32 : i32, i32, i32
  }
  func.func @transform_1(%arg0: i32) -> (i32, i32) {
    %c0_i32 = arith.constant 0 : i32
    %c0_i32_0 = arith.constant 0 : i32
    return %arg0, %c0_i32 : i32, i32
  }
  func.func @transform_2(%arg0: i32) -> i32 {
    %c0_i32 = arith.constant 0 : i32
    %c0_i32_0 = arith.constant 0 : i32
    return %c0_i32 : i32
  }
  func.func @transform_3(%arg0: i32) -> (i32, i32) {
    %c0_i32 = arith.constant 0 : i32
    %c0_i32_0 = arith.constant 0 : i32
    %c0_i32_1 = arith.constant 0 : i32
    return %c0_i32, %c0_i32_0 : i32, i32
  }
  func.func @transform_4(%arg0: i32) -> (i32, i32) {
    %c0_i32 = arith.constant 0 : i32
    %c0_i32_0 = arith.constant 0 : i32
    return %arg0, %c0_i32 : i32, i32
  }
}

module attributes {stable_mosaic.version = 14 : i64} {
  func.func @_tc_r_body(%arg0: i32, %arg1: memref<32x10240xf32, #tpu.memory_space<vmem>>, %arg2: memref<10240x1xf32, #tpu.memory_space<vmem>>) attributes {dimension_semantics = [#tpu.dimension_semantics<arbitrary>], iteration_bounds = array<i64: 1>, scalar_prefetch = 0 : i64, scratch_operands = 0 : i64, tpu.core_type = #tpu.core_type<tc>, window_params = [{pipeline_mode = #tpu.pipeline_mode<synchronous>, transform_indices = @transform_0, window_bounds = array<i64: 32, 10240>}, {pipeline_mode = #tpu.pipeline_mode<synchronous>, transform_indices = @transform_1, window_bounds = array<i64: 10240, 1>}]} {
    %broadcast_in_dim3A = arith.constant 1.000000e+00 : f32
    %broadcast_in_dim3A_0 = vector.broadcast %broadcast_in_dim3A : f32 to vector<32x1xf32>
    %get3A = arith.constant 0 : index
    %get3A_1 = arith.constant 0 : index
    %get3A_2 = vector.load %arg1[%get3A, %get3A_1] : memref<32x10240xf32, #tpu.memory_space<vmem>>, vector<32x10240xf32>
    %dot_general3A = arith.constant dense<0.000000e+00> : vector<10240x1xf32>
    %dot_general3A_3 = tpu.matmul %get3A_2, %broadcast_in_dim3A_0, %dot_general3A {dimension_numbers = #tpu.dot_dimension_numbers<[0], [0], [1], [1], [0, 1, 1, 1], [], []>, precision = #tpu.contract_precision<fp32>, transpose_lhs_hint = false} : vector<32x10240xf32>, vector<32x1xf32>, vector<10240x1xf32> -> vector<10240x1xf32>
    %max3A = arith.constant 1.000000e+00 : f32
    %max3A_4 = vector.broadcast %max3A : f32 to vector<10240x1xf32>
    %max3A_5 = arith.maximumf %dot_general3A_3, %max3A_4 : vector<10240x1xf32>
    %rsqrt3A = math.rsqrt %max3A_5 : vector<10240x1xf32>
    %swap3A = arith.constant 0 : index
    %swap3A_6 = arith.constant 0 : index
    %swap3A_7 = vector.load %arg2[%swap3A, %swap3A_6] : memref<10240x1xf32, #tpu.memory_space<vmem>>, vector<10240x1xf32>
    tpu.vector_store %arg2[%swap3A, %swap3A_6], %rsqrt3A {strides = array<i32>} : memref<10240x1xf32, #tpu.memory_space<vmem>>, vector<10240x1xf32>,
    return
  }
  func.func @transform_0(%arg0: i32) -> (i32, i32) {
    %c0_i32 = arith.constant 0 : i32
    %c0_i32_0 = arith.constant 0 : i32
    %c0_i32_1 = arith.constant 0 : i32
    return %c0_i32, %c0_i32_0 : i32, i32
  }
  func.func @transform_1(%arg0: i32) -> (i32, i32) {
    %c0_i32 = arith.constant 0 : i32
    %c0_i32_0 = arith.constant 0 : i32
    %c0_i32_1 = arith.constant 0 : i32
    return %c0_i32, %c0_i32_0 : i32, i32
  }
}

module attributes {stable_mosaic.version = 14 : i64} {
  func.func @_tc_last_body(%arg0: i32, %arg1: memref<1x1000x128xf32, #tpu.memory_space<vmem>>, %arg2: memref<1000x1xf32, #tpu.memory_space<vmem>>, %arg3: memref<128xf32, #tpu.memory_space<vmem>>, %arg4: memref<128x64xf32, #tpu.memory_space<vmem>>, %arg5: memref<64xf32, #tpu.memory_space<vmem>>, %arg6: memref<1000x64xf32, #tpu.memory_space<vmem>>) attributes {dimension_semantics = [#tpu.dimension_semantics<arbitrary>], iteration_bounds = array<i64: 10>, scalar_prefetch = 0 : i64, scratch_operands = 0 : i64, tpu.core_type = #tpu.core_type<tc>, window_params = [{transform_indices = @transform_0, window_bounds = array<i64: 1, 1000, 128>}, {transform_indices = @transform_1, window_bounds = array<i64: 1000, 1>}, {pipeline_mode = #tpu.pipeline_mode<synchronous>, transform_indices = @transform_2, window_bounds = array<i64: 128>}, {pipeline_mode = #tpu.pipeline_mode<synchronous>, transform_indices = @transform_3, window_bounds = array<i64: 128, 64>}, {pipeline_mode = #tpu.pipeline_mode<synchronous>, transform_indices = @transform_4, window_bounds = array<i64: 64>}, {transform_indices = @transform_5, window_bounds = array<i64: 1000, 64>}]} {
    %get3A = arith.constant 0 : index
    %get3A_0 = arith.constant 0 : index
    %get3A_1 = vector.load %arg2[%get3A, %get3A_0] : memref<1000x1xf32, #tpu.memory_space<vmem>>, vector<1000x1xf32>
    %get3A_2 = arith.constant 0 : index
    %get3A_3 = arith.constant 0 : index
    %get3A_4 = arith.constant 0 : index
    %get3A_5 = vector.load %arg1[%get3A_2, %get3A_3, %get3A_4] : memref<1x1000x128xf32, #tpu.memory_space<vmem>>, vector<1x1000x128xf32>
    %get3A_6 = vector.shape_cast %get3A_5 : vector<1x1000x128xf32> to vector<1000x128xf32>
    %mul3A = vector.broadcast %get3A_1 : vector<1000x1xf32> to vector<1000x128xf32>
    %mul3A_7 = arith.mulf %get3A_6, %mul3A : vector<1000x128xf32>
    %get3A_8 = arith.constant 0 : index
    %get3A_9 = vector.load %arg3[%get3A_8] : memref<128xf32, #tpu.memory_space<vmem>>, vector<128xf32>
    %broadcast_in_dim3A = vector.shape_cast %get3A_9 : vector<128xf32> to vector<1x128xf32>
    %add3A = vector.broadcast %broadcast_in_dim3A : vector<1x128xf32> to vector<1000x128xf32>
    %add3A_10 = arith.addf %mul3A_7, %add3A : vector<1000x128xf32>
    %max3A = arith.constant 0.000000e+00 : f32
    %max3A_11 = vector.broadcast %max3A : f32 to vector<1000x128xf32>
    %max3A_12 = arith.maximumf %add3A_10, %max3A_11 : vector<1000x128xf32>
    %mul3A_13 = arith.mulf %max3A_12, %max3A_12 : vector<1000x128xf32>
    %reduce_sum3A = arith.constant dense<0.000000e+00> : vector<1000xf32>
    %reduce_sum3A_14 = vector.multi_reduction <add>, %mul3A_13, %reduce_sum3A [1] : vector<1000x128xf32> to vector<1000xf32>
    %broadcast_in_dim3A_15 = vector.shape_cast %reduce_sum3A_14 : vector<1000xf32> to vector<1000x1xf32>
    %sqrt3A = math.sqrt %broadcast_in_dim3A_15 : vector<1000x1xf32>
    %max3A_16 = arith.constant 9.99999996E-13 : f32
    %max3A_17 = vector.broadcast %max3A_16 : f32 to vector<1000x1xf32>
    %max3A_18 = arith.maximumf %sqrt3A, %max3A_17 : vector<1000x1xf32>
    %div3A = vector.broadcast %max3A_18 : vector<1000x1xf32> to vector<1000x128xf32>
    %div3A_19 = arith.divf %max3A_12, %div3A : vector<1000x128xf32>
    %get3A_20 = arith.constant 0 : index
    %get3A_21 = arith.constant 0 : index
    %get3A_22 = vector.load %arg4[%get3A_20, %get3A_21] : memref<128x64xf32, #tpu.memory_space<vmem>>, vector<128x64xf32>
    %dot_general3A = arith.constant dense<0.000000e+00> : vector<1000x64xf32>
    %dot_general3A_23 = tpu.matmul %div3A_19, %get3A_22, %dot_general3A {dimension_numbers = #tpu.dot_dimension_numbers<[1], [0], [0], [1], [0, 0, 1, 1], [], []>, transpose_lhs_hint = false} : vector<1000x128xf32>, vector<128x64xf32>, vector<1000x64xf32> -> vector<1000x64xf32>
    %get3A_24 = arith.constant 0 : index
    %get3A_25 = vector.load %arg5[%get3A_24] : memref<64xf32, #tpu.memory_space<vmem>>, vector<64xf32>
    %broadcast_in_dim3A_26 = vector.shape_cast %get3A_25 : vector<64xf32> to vector<1x64xf32>
    %add3A_27 = vector.broadcast %broadcast_in_dim3A_26 : vector<1x64xf32> to vector<1000x64xf32>
    %add3A_28 = arith.addf %dot_general3A_23, %add3A_27 : vector<1000x64xf32>
    %swap3A = arith.constant 0 : index
    %swap3A_29 = arith.constant 0 : index
    %swap3A_30 = vector.load %arg6[%swap3A, %swap3A_29] : memref<1000x64xf32, #tpu.memory_space<vmem>>, vector<1000x64xf32>
    tpu.vector_store %arg6[%swap3A, %swap3A_29], %add3A_28 {strides = array<i32>} : memref<1000x64xf32, #tpu.memory_space<vmem>>, vector<1000x64xf32>,
    return
  }
  func.func @transform_0(%arg0: i32) -> (i32, i32, i32) {
    %jit3A = arith.constant 5 : i32
    %div3A = arith.divsi %arg0, %jit3A : i32
    %sign3A = arith.constant 0 : i32
    %sign3A_0 = arith.cmpi sgt, %arg0, %sign3A : i32
    %sign3A_1 = arith.extui %sign3A_0 : i1 to i32
    %sign3A_2 = arith.constant 0 : i32
    %sign3A_3 = arith.cmpi slt, %arg0, %sign3A_2 : i32
    %sign3A_4 = arith.extui %sign3A_3 : i1 to i32
    %sign3A_5 = arith.subi %sign3A_1, %sign3A_4 : i32
    %sign3A_6 = arith.constant 0 : i32
    %sign3A_7 = arith.cmpi sgt, %jit3A, %sign3A_6 : i32
    %sign3A_8 = arith.extui %sign3A_7 : i1 to i32
    %sign3A_9 = arith.constant 0 : i32
    %sign3A_10 = arith.cmpi slt, %jit3A, %sign3A_9 : i32
    %sign3A_11 = arith.extui %sign3A_10 : i1 to i32
    %sign3A_12 = arith.subi %sign3A_8, %sign3A_11 : i32
    %ne3A = arith.cmpi ne, %sign3A_5, %sign3A_12 : i32
    %rem3A = arith.remsi %arg0, %jit3A : i32
    %ne3A_13 = arith.constant 0 : i32
    %ne3A_14 = arith.cmpi ne, %rem3A, %ne3A_13 : i32
    %and3A = arith.andi %ne3A, %ne3A_14 : i1
    %sub3A = arith.constant 1 : i32
    %sub3A_15 = arith.subi %div3A, %sub3A : i32
    %select_n3A = arith.select %and3A, %sub3A_15, %div3A : i32
    %jit3A_16 = arith.constant 5 : i32
    %eq3A = arith.constant 0 : i32
    %eq3A_17 = arith.cmpi eq, %jit3A_16, %eq3A : i32
    %jit3A_18 = arith.constant 1 : i32
    %select_n3A_19 = arith.select %eq3A_17, %jit3A_18, %jit3A_16 : i32
    %rem3A_20 = arith.remsi %arg0, %select_n3A_19 : i32
    %ne3A_21 = arith.constant 0 : i32
    %ne3A_22 = arith.cmpi ne, %rem3A_20, %ne3A_21 : i32
    %lt3A = arith.constant 0 : i32
    %lt3A_23 = arith.cmpi slt, %rem3A_20, %lt3A : i32
    %lt3A_24 = arith.constant 0 : i32
    %lt3A_25 = arith.cmpi slt, %select_n3A_19, %lt3A_24 : i32
    %ne3A_26 = arith.xori %lt3A_23, %lt3A_25 : i1
    %and3A_27 = arith.andi %ne3A_26, %ne3A_22 : i1
    %add3A = arith.addi %rem3A_20, %select_n3A_19 : i32
    %select_n3A_28 = arith.select %and3A_27, %add3A, %rem3A_20 : i32
    %c0_i32 = arith.constant 0 : i32
    %c0_i32_29 = arith.constant 0 : i32
    return %select_n3A, %select_n3A_28, %c0_i32 : i32, i32, i32
  }
  func.func @transform_1(%arg0: i32) -> (i32, i32) {
    %c0_i32 = arith.constant 0 : i32
    %c0_i32_0 = arith.constant 0 : i32
    return %arg0, %c0_i32 : i32, i32
  }
  func.func @transform_2(%arg0: i32) -> i32 {
    %c0_i32 = arith.constant 0 : i32
    %c0_i32_0 = arith.constant 0 : i32
    return %c0_i32 : i32
  }
  func.func @transform_3(%arg0: i32) -> (i32, i32) {
    %c0_i32 = arith.constant 0 : i32
    %c0_i32_0 = arith.constant 0 : i32
    %c0_i32_1 = arith.constant 0 : i32
    return %c0_i32, %c0_i32_0 : i32, i32
  }
  func.func @transform_4(%arg0: i32) -> i32 {
    %c0_i32 = arith.constant 0 : i32
    %c0_i32_0 = arith.constant 0 : i32
    return %c0_i32 : i32
  }
  func.func @transform_5(%arg0: i32) -> (i32, i32) {
    %c0_i32 = arith.constant 0 : i32
    %c0_i32_0 = arith.constant 0 : i32
    return %arg0, %c0_i32 : i32, i32
  }
}

</mosaic_0001>

<sc_bundles>
// kernel: kernel.10.cloned.1.call-start
scs
__scs_entry_jumppad:
0x0: {  	(pc) =	sbr.rel $0x88, $3  }
0x1: {  	(tag) =	ssettag $0x0;
	lr =	simm.s32 $0x1  }
0x2: {  	[smem:$0x3F99] =	sst lr;
	_ =	strace $0xD0000000  }
0x3: {  	_ = 	snop  }
0x4: {  	_ = 	snop  }
0x5: {  	_ = 	snop  }
0x6: {  	_ = 	snop  }
0x7: {  	_ = 	snop  }
__scs_overlays_trampoline_lowered:
0x8: {  	[smem:$0x3FA8] =	sst s0  }
0x9: {  	[smem:$0x3FA9] =	sst s1  }
0xa: {  	[smem:$0x3FAA] =	sst s2  }
0xb: {  	[smem:$0x3FAB] =	sst s3  }
0xc: {  	[smem:$0x3FAC] =	sst s4  }
0xd: {  	[smem:$0x3FAD] =	sst s5  }
0xe: {  	[smem:$0x3FAE] =	sst s6  }
0xf: {  	[smem:$0x3FAF] =	sst s7  }
0x10: {  	[smem:$0x3FB0] =	sst s8  }
0x11: {  	[smem:$0x3FB1] =	sst s9;
	s0 =	simm.s32 @!p0 $0x0  }
0x12: {  	s1 =	sld [smem:$0x3F97];
	s0 =	simm.s32 @p0 $0x1  }
0x13: {  	[smem:$0x3FB2] =	sst s0;
	s0 =	simm.s32 @!p1 $0x0  }
0x14: {  	s2 =	sld [smem:$0x3F96];
	s0 =	simm.s32 @p1 $0x1  }
0x15: {  	[smem:$0x3FB3] =	sst s0;
	s0 =	simm.s32 @!p2 $0x0  }
0x16: {  	s3 =	sld [smem:$0x3FDB];
	s0 =	simm.s32 @p2 $0x1  }
0x17: {  	s4 =	simm.s32 $0x1BF5;
	[smem:$0x3FB5] =	sst s0  }
0x18: {  	s0 =	sld [smem:$0x3F98];
	_ =	swait.ge [sflag:s4], $0x0  }
0x19: {  	s7 =	sld [smem:$0x3F99]  }
0x1a: {  	s8 =	sadd.s32 $0xFFFFE003, lr  }
0x1b: {  	s9 =	sadd.s32 $0xFFFFFEF7, lr;
	s5 =	simm.s32 $0xFFFFFFFF;
	p2 =	slt.u32 s8, $0xFFFFF086  }
0x1c: {  	p1 =	slt.u32 s9, $0xF7A;
	s5 =	simm.s32 @!p2 $0x0  }
0x1d: {  	s5 =	simm.s32 @p1 $0x1;
	p0 =	seq.s32 s7, s2  }
0x1e: {  	s7 =	smul.u32 @!p0 $0xF7A, s2;
	p2 =	seq.s32 @!p0 s5, $0x0  }
0x1f: {  	s9 =	smul.u32 $0xF7A, s1;
	s8 =	simm.s32 @!p0 $0x1BF5;
	p2 =	por !p2, p0  }
0x20: {  	[sflag:s8] =	ssyncset.s32 @!p0 $0xFFFFF086;
	s6 =	sadd.s32 @!p0 s3, s7;
	s7 =	simm.s32 @!p0 $0x108  }
0x21: {  	s3 =	sadd.s32 s3, s9;
	s6 =	sadd.s32 @!p0 $0x88, s6;
	s7 =	simm.s32 @p2 $0x1082  }
0x22: {  	[simem:s7], [sflag:s8] =	dma.local @!p0 [hbm:s6], $0xF7A  }
0x23: {  	s9 =	sor.u32 $0xD0000000, s2;
	s6 =	simm.s32 $0x108;
	_ =	swait.ge @!p0 [sflag:s8], $0x0  }
0x24: {  	s3 =	sadd.s32 $0x88, s3;
	s6 =	simm.s32 @!p1 $0x1082;
	[sflag:s4] =	ssyncset.s32 $0xFFFFF086  }
0x25: {  	[simem:s6], [sflag:s4] =	dma.local [hbm:s3], $0xF7A  }
0x26: {  	[smem:$0x3F99] =	sst s1;
	(tag) =	ssettag s2;
	_ =	strace s9  }
0x27: {  	s1 =	sld [smem:$0x3FA9]  }
0x28: {  	s2 =	sld [smem:$0x3FAA]  }
0x29: {  	s4 =	sld [smem:$0x3FAC]  }
0x2a: {  	p0 =	seq.s32 s5, $0x0;
	s5 =	sld [smem:$0x3FAD]  }
0x2b: {  	s6 =	sld [smem:$0x3FAE]  }
0x2c: {  	s7 =	sld [smem:$0x3FAF]  }
0x2d: {  	s3 =	simm.s32 $0x108;
	s8 =	sld [smem:$0x3FB0]  }
0x2e: {  	s3 =	simm.s32 @!p0 $0x1082;
	s9 =	sld [smem:$0x3FB1]  }
0x2f: {  	lr =	sadd.s32 s0, s3;
	s0 =	sld [smem:$0x3FA8]  }
0x30: {  	s3 =	sld [smem:$0x3FAB]  }
0x31: {  	[smem:$0x3FB4] =	sst s10  }
0x32: {  	s10 =	sld [smem:$0x3FB2];
	_ =	sdelay $0x3  }
0x33: {  	p0 =	seq.s32 s10, $0x1;
	s10 =	sld [smem:$0x3FB4];
	_ =	sdelay $0x3  }
0x34: {  	[smem:$0x3FB4] =	sst s10  }
0x35: {  	s10 =	sld [smem:$0x3FB3];
	_ =	sdelay $0x3  }
0x36: {  	p1 =	seq.s32 s10, $0x1;
	s10 =	sld [smem:$0x3FB4];
	_ =	sdelay $0x3  }
0x37: {  	[smem:$0x3FB4] =	sst s10  }
0x38: {  	s10 =	sld [smem:$0x3FB5]  }
0x39: {  	_ = 	snop;
	(pc) =	sbr.ind lr, $3  }
0x3a: {  	_ = 	snop  }
0x3b: {  	_ = 	snop  }
0x3c: {  	p2 =	seq.s32 s10, $0x1;
	s10 =	sld [smem:$0x3FB4]  }
0x3d: {  	_ =	shalt  }
0x3e: {  	_ =	shalt  }
0x3f: {  	_ =	shalt  }
0x40: {  	_ =	shalt  }
0x41: {  	_ =	shalt  }
0x42: {  	_ =	shalt  }
0x43: {  	_ =	shalt  }
0x44: {  	_ =	shalt  }
0x45: {  	_ =	shalt  }
0x46: {  	_ =	shalt  }
0x47: {  	_ =	shalt  }
0x48: {  	_ =	shalt  }
0x49: {  	_ =	shalt  }
0x4a: {  	_ =	shalt  }
0x4b: {  	_ =	shalt  }
0x4c: {  	_ =	shalt  }
0x4d: {  	_ =	shalt  }
0x4e: {  	_ =	shalt  }
0x4f: {  	_ =	shalt  }
0x50: {  	_ =	shalt  }
0x51: {  	_ =	shalt  }
0x52: {  	_ =	shalt  }
0x53: {  	_ =	shalt  }
0x54: {  	_ =	shalt  }
0x55: {  	_ =	shalt  }
0x56: {  	_ =	shalt  }
0x57: {  	_ =	shalt  }
0x58: {  	_ =	shalt  }
0x59: {  	_ =	shalt  }
0x5a: {  	_ =	shalt  }
0x5b: {  	_ =	shalt  }
0x5c: {  	_ =	shalt  }
0x5d: {  	_ =	shalt  }
0x5e: {  	_ =	shalt  }
0x5f: {  	_ =	shalt  }
0x60: {  	_ =	shalt  }
0x61: {  	_ =	shalt  }
0x62: {  	_ =	shalt  }
0x63: {  	_ =	shalt  }
0x64: {  	_ =	shalt  }
0x65: {  	_ =	shalt  }
0x66: {  	_ =	shalt  }
0x67: {  	_ =	shalt  }
0x68: {  	_ =	shalt  }
0x69: {  	_ =	shalt  }
0x6a: {  	_ =	shalt  }
0x6b: {  	_ =	shalt  }
0x6c: {  	_ =	shalt  }
0x6d: {  	_ =	shalt  }
0x6e: {  	_ =	shalt  }
0x6f: {  	_ =	shalt  }
0x70: {  	_ =	shalt  }
0x71: {  	_ =	shalt  }
0x72: {  	_ =	shalt  }
0x73: {  	_ =	shalt  }
0x74: {  	_ =	shalt  }
0x75: {  	_ =	shalt  }
0x76: {  	_ =	shalt  }
0x77: {  	_ =	shalt  }
0x78: {  	_ =	shalt  }
0x79: {  	_ =	shalt  }
0x7a: {  	_ =	shalt  }
0x7b: {  	_ =	shalt  }
0x7c: {  	_ =	shalt  }
0x7d: {  	_ =	shalt  }
0x7e: {  	_ =	shalt  }
0x7f: {  	_ =	shalt  }
0x80: {  	_ =	shalt  }
0x81: {  	_ =	shalt  }
0x82: {  	_ =	shalt  }
0x83: {  	_ =	shalt  }
0x84: {  	_ =	shalt  }
0x85: {  	_ =	shalt  }
0x86: {  	_ =	shalt  }
0x87: {  	_ =	shalt  }
.Lfunc_end0:
.L_simem_size_0:
called_computation_lowered:
.L_overlay_start_0:
0x88: {  	s2 =	sld [smem:$0x3FD9]  }
0x89: {  	s3 =	sld [smem:$0x3FFE];
	_ =	sdelay $0x1  }
0x8a: {  	s1 =	srdreg.scid  }
0x8b: {  	s0 =	sand.u32 $0x1, s1  }
0x8c: {  	s17 =	sshll.u32 s0, $0xA;
	s2 =	sadd.s32 s3, s2  }
0x8d: {  	s2 =	sadd.s32 s2, s17  }
0x8e: {  	[smem:$0x3FC0] =	sst s2  }
0x8f: {  	_ = 	snop  }
0x90: {  	s2 =	sld [smem:$0x3FD0];
	(tm) =	ssettm $0x1  }
0x91: {  	s18 =	sld [smem:$0x3FFB];
	_ =	sdelay $0x3  }
0x92: {  	_ =	strace s18  }
0x93: {  	s3 =	sld [smem:$0x3FFC];
	_ =	sdelay $0x3  }
0x94: {  	_ =	strace s3  }
0x95: {  	s3 =	sld [smem:$0x3FFD];
	_ =	sdelay $0x3  }
0x96: {  	_ =	strace s3  }
0x97: {  	_ =	strace $0x8FFFFFFF  }
0x98: {  	s19 =	sld [smem:$0x3FDB];
	_ =	sdelay $0x1  }
0x99: {  	s4 =	simm.s32 $_scs_section_size  }
0x9a: {  	s5 =	simm.s32 $_size__tile_overlayer_lowered;
	s6 =	simm.s32 $_tile_overlayer_lowered  }
0x9b: {  	s22 =	simm.s32 $0x1BFF;
	s21 =	sshll.u32 s6, $0x1;
	s3 =	sadd.s32 s4, s19  }
0x9c: {  	s7 =	simm.s32 $0x0;
	s20 =	sshll.u32 s5, $0x1;
	s5 =	sadd.s32 s21, s3  }
0x9d: {  	[timem:s7], [sflag:s22] =	dma.local [hbm:s5], s20  }
0x9e: {  	_ =	swait.ge [sflag:s22], s20  }
0x9f: {  	s4 =	ssub.s32 $0x0, s20;
	[sflag:s22] =	ssyncset.done $0x0  }
0xa0: {  	[sflag:s22] =	ssyncadd.s32 s4;
	_ =	sdelay $0x1  }
0xa1: {  	s23 =	simm.s32 $0x1B8B  }
0xa2: {  	_ =	swait.ge [sflag:s23], $0x1  }
0xa3: {  	[sflag:s23] =	ssyncset.done $0x0  }
0xa4: {  	s25 =	simm.s32 $0x1B8E;
	s24 =	sld [smem:$0x3FFE];
	[sflag:s23] =	ssyncadd.s32 $0xFFFFFFFF  }
0xa5: {  	s26 =	simm.s32 $execute0_lowered;
	[smem:$0x3FD2] =	sst s25  }
0xa6: {  	s5 =	sshll.u32 s26, $0x1;
	_ =	strace $0x80000046;
	[dreg:$0x1] =	wrdreg $0xFFFFFFFF  }
0xa7: {  	s28 =	simm.s32 $_size_execute0_lowered;
	s3 =	sadd.s32 s3, s5;
	[dreg:$0x0] =	wrdreg $0x0  }
0xa8: {  	s5 =	sshll.u32 s28, $0x1;
	[dreg:$0x2] =	wrdreg s3  }
0xa9: {  	[dreg:$0x3] =	wrdreg s5  }
0xaa: {  	[dreg:$0x4] =	wrdreg $0xC0  }
0xab: {  	_ =	task [dreg:s7], $0x5FFFF  }
0xac: {  	[dreg:$0x1] =	wrdreg $0xFFFFFFFF  }
0xad: {  	[dreg:$0x0] =	wrdreg $0x60  }
0xae: {  	[dreg:$0x2] =	wrdreg s24  }
0xaf: {  	[dreg:$0x3] =	wrdreg s2  }
0xb0: {  	[dreg:$0x4] =	wrdreg $0x9  }
0xb1: {  	_ =	task.clear_ibuf [dreg:s7], $0x5FFFF;
	_ =	strace $0x90000046  }
0xb2: {  	s29 =	simm.s32 $0x9;
	_ =	strace $0x80000048  }
0xb3: {  	_ =	swait.ge [sflag:s29], $0x1  }
0xb4: {  	[sflag:s29] =	ssyncadd.s32 $0xFFFFFFFF  }
0xb5: {  	_ =	strace $0x90000048  }
0xb6: {  	_ =	sfence  }
0xb7: {  	s30 =	sld [smem:$0x0];
	_ =	sdelay $0x2  }
0xb8: {  	s31 =	sshll.u32 s1, $0xD;
	s1 =	sshrl.u32 s1, $0x2  }
0xb9: {  	s3 =	sand.u32 $0x4000, s31;
	s1 =	sadd.s32 s1, s30  }
0xba: {  	s0 =	sor.u32 s3, s0;
	s1 =	sshll.u32 s1, $0x11  }
0xbb: {  	s0 =	sor.u32 s1, s0  }
0xbc: {  	s0 =	sadd.s32 $0x8F2B, s0  }
0xbd: {  	[sflag:s0] =	ssyncadd.remote.s32 $0x1  }
0xbe: {  	_ =	sfence.sel $0xFFFF  }
0xbf: {  	[dreg:$0x0] =	wrdreg $0xFFFFFFFF;
	(pc) =	sbr.abs _section_cstart, $3  }
0xc0: {  	[dreg:$0x1] =	wrdreg $0xFFFFFFFF  }
0xc1: {  	_ =	task.clear_ibuf [dreg:s7], $0x2FFFF;
	_ =	strace $0x9FFFFFFF  }
0xc2: {  	(tm) =	ssettm $0x7FFFFFFF  }
0xc3: {  	_ =	shalt  }
tec
execute0_lowered:
.L_overlay_start_1:
0x0: {  	(tag) =	ssettag $0x1  }
0x1: {  	s3 =	rddreg [dreg:$0x0]  }
0x2: {  	s1 =	srdreg.scid;
	s0 =	stileid.u32  }
0x3: {  	s4 =	rddreg [dreg:$0x1];
	s9 =	simm.s32 $0x400;
	s10 =	simm.s32 $0x0  }
0x4: {  	s5 =	sand.u32 $0x1, s1;
	s2 =	sshll.u32 s0, $0x1;
	s1 =	rddreg [dreg:$0x2]  }
0x5: {  	s7 =	sshrl.u32 s0, $0x2;
	s6 =	sor.u32 s5, s2;
	s2 =	simm.s32 $0x0  }
0x6: {  	s7 =	smul.u32 $0x14000, s7;
	s5 =	ssub.s32 $0x2, s5;
	s8 =	sshll.u32 s6, $0x7  }
0x7: {  	[smem:$0x7FF] =	sst s2;
	s6 =	smul.u32 $0x4E2, s6;
	s31 =	sshrl.u32 s5, $0x1  }
0x8: {  	s8 =	sand.u32 $0x380, s8;
	_ =	strace $0x80000047;
	s5 =	ssub.s32 s5, s31  }
0x9: {  	s7 =	sor.u32 s7, s8;
	s3 =	sadd.s32 s6, s3;
	s5 =	smax.u32 s5, $0x1  }
0xa: {  	s6 =	simm.s32 $0x1;
	s8 =	simm.s32 $0x80;
	s7 =	sshrl.u32 s7, $0x3  }
0xb: {  	v0 =	vimm.f32 $0.0e+00;
	v1 =	vimm.f32 $1.000000000e+00;
	s3 =	sadd.s32 $0x2E00, s3;
	s4 =	sadd.s32 s4, s7;
	s7 =	simm.s32 $0x2780  }
.LBB2_1:
0xc: {  	[tilespmem:s2], [sflag:$0x1] =	stream.linear.gather [hbm4b:s3+s2], $0x2710, $0x38;
	[tilespmem:$0x4F80] =	vst v63  }
0xd: {  	_ =	swait.ge [sflag:s6], $0x2710  }
0xe: {  	[sflag:s6] =	ssyncset.done $0x0  }
0xf: {  	s11 =	simm.s32 $0x0;
	[sflag:s6] =	ssyncadd.s32 $0xFFFFD8F0  }
.LBB2_2:
0x10: {  	p0 =	sne.s32 s11, $0x9FC0  }
.Ltmp0:
0x11: {  	_ = 	snop;
	(pc) =	sbr.rel @p0 .LBB2_2-.Ltmp0, $3  }
0x12: {  	_ =	sdelay $0x1  }
0x13: {  	s12 =	sshra.s32 s11, $0x2  }
0x14: {  	s11 =	sadd.s32 $0x40, s11;
	[tilespmem:s12+$0x2780] =	vst v0  }
0x15: {  	s12 =	simm.s32 $0x0;
	s11 =	simm.s32 $0x40  }
.LBB2_4:
0x16: {  	p0 =	sne.s32 s11, $0x9C00;
	v2 =	vld [tilespmem:s12+$0x0];
	_ =	sdelay $0x4  }
0x17: {  	v2 =	vshrl.u32 v2, $0x10  }
.Ltmp1:
0x18: {  	(pc) =	sbr.rel @p0 .LBB2_4-.Ltmp1, $2  }
0x19: {  	_ =	sdelay $0x2  }
0x1a: {  	s12 =	sshra.s32 s11, $0x2;
	s11 =	sadd.s32 $0x40, s11;
	[tilespmem:v2+s7+$0x0] =	vst.idx.add.f32.msk $0xffff, v1  }
0x1b: {  	v2 =	vld [tilespmem:s12+$0x0];
	_ =	sdelay $0x4  }
0x1c: {  	v2 =	vshrl.u32 v2, $0x10;
	_ =	sdelay $0x2  }
0x1d: {  	s10 =	sadd.s32 $0x1, s10  }
0x1e: {  	p0 =	sne.s32 s10, s5  }
.Ltmp2:
0x1f: {  	[tilespmem:v2+s7+$0x0] =	vst.idx.add.f32.msk $0xffff, v1;
	(pc) =	sbr.rel @p0 .LBB2_1-.Ltmp2, $4  }
0x20: {  	[hbm4b:s4+s8] =	stream.strided.scatter [tilespmem:s7], [sflag:$0x1], $0x2800, s9, s8, $0x38;
	[tilespmem:$0x4F80] =	vst v63  }
0x21: {  	_ =	swait.ge [sflag:s6], $0x2800  }
0x22: {  	[sflag:s6] =	ssyncset.done $0x0  }
0x23: {  	[sflag:s6] =	ssyncadd.s32 $0xFFFFD800  }
0x24: {  	_ =	sfence.sel $0x180000  }
0x25: {  	[bflag:$0x0] =	sbarrier.arrive $0xFFFF  }
0x26: {  	p0 =	sne.s32 s0, $0x0;
	_ =	strace $0x90000047  }
0x27: {  	s0 =	sadd.s32 @!p0 $0x100000, s1;
	[bflag:$0x2] =	sbarrier.arrive $0xFFFF  }
0x28: {  	[sflag:s0] =	ssyncadd.tile.s32 @!p0 $0x1;
	_ =	shalt  }
.Lfunc_end2:
_tile_overlayer_lowered:
.L_overlay_start_2:
0x29: {  	(tag) =	ssettag $0x2  }
0x2a: {  	s0 =	rddreg [dreg:$0x0];
	s2 =	stileid.u32  }
0x2b: {  	s1 =	rddreg [dreg:$0x1];
	p0 =	sne.s32 s2, $0x0  }
0x2c: {  	s3 =	rddreg [dreg:$0x2];
	[bflag:$0x3] =	sbarrier.arrive $0xFFFF;
	s2 =	simm.s32 @!p0 $0x1C01  }
0x2d: {  	[timem:s3], [sflag:s2] =	dma.local @!p0 [hbm:s0], s1  }
0x2e: {  	s0 =	simm.s32 @!p0 $0x1  }
0x2f: {  	_ =	swait.ge @!p0 [sflag:s0], s1  }
0x30: {  	s1 =	ssub.s32 @!p0 $0x0, s1;
	[sflag:s0] =	ssyncset.done @!p0 $0x0  }
0x31: {  	[sflag:s0] =	ssyncadd.s32 @!p0 s1  }
0x32: {  	[bflag:$0x3] =	sbarrier.arrive $0xFFFF  }
0x33: {  	_ =	shalt  }

// kernel: kernel.13.cloned.1.call-start
scs
__scs_entry_jumppad:
0x0: {  	(pc) =	sbr.rel $0x88, $3  }
0x1: {  	(tag) =	ssettag $0x0;
	lr =	simm.s32 $0x1  }
0x2: {  	[smem:$0x3F99] =	sst lr;
	_ =	strace $0xD0000000  }
0x3: {  	_ = 	snop  }
0x4: {  	_ = 	snop  }
0x5: {  	_ = 	snop  }
0x6: {  	_ = 	snop  }
0x7: {  	_ = 	snop  }
__scs_overlays_trampoline_lowered:
0x8: {  	[smem:$0x3FA8] =	sst s0  }
0x9: {  	[smem:$0x3FA9] =	sst s1  }
0xa: {  	[smem:$0x3FAA] =	sst s2  }
0xb: {  	[smem:$0x3FAB] =	sst s3  }
0xc: {  	[smem:$0x3FAC] =	sst s4  }
0xd: {  	[smem:$0x3FAD] =	sst s5  }
0xe: {  	[smem:$0x3FAE] =	sst s6  }
0xf: {  	[smem:$0x3FAF] =	sst s7  }
0x10: {  	[smem:$0x3FB0] =	sst s8  }
0x11: {  	[smem:$0x3FB1] =	sst s9;
	s0 =	simm.s32 @!p0 $0x0  }
0x12: {  	s1 =	sld [smem:$0x3F97];
	s0 =	simm.s32 @p0 $0x1  }
0x13: {  	[smem:$0x3FB2] =	sst s0;
	s0 =	simm.s32 @!p1 $0x0  }
0x14: {  	s2 =	sld [smem:$0x3F96];
	s0 =	simm.s32 @p1 $0x1  }
0x15: {  	[smem:$0x3FB3] =	sst s0;
	s0 =	simm.s32 @!p2 $0x0  }
0x16: {  	s3 =	sld [smem:$0x3FDB];
	s0 =	simm.s32 @p2 $0x1  }
0x17: {  	s4 =	simm.s32 $0x1BF5;
	[smem:$0x3FB5] =	sst s0  }
0x18: {  	s0 =	sld [smem:$0x3F98];
	_ =	swait.ge [sflag:s4], $0x0  }
0x19: {  	s7 =	sld [smem:$0x3F99]  }
0x1a: {  	s8 =	sadd.s32 $0xFFFFE003, lr  }
0x1b: {  	s9 =	sadd.s32 $0xFFFFFEF7, lr;
	s5 =	simm.s32 $0xFFFFFFFF;
	p2 =	slt.u32 s8, $0xFFFFF086  }
0x1c: {  	p1 =	slt.u32 s9, $0xF7A;
	s5 =	simm.s32 @!p2 $0x0  }
0x1d: {  	s5 =	simm.s32 @p1 $0x1;
	p0 =	seq.s32 s7, s2  }
0x1e: {  	s7 =	smul.u32 @!p0 $0xF7A, s2;
	p2 =	seq.s32 @!p0 s5, $0x0  }
0x1f: {  	s9 =	smul.u32 $0xF7A, s1;
	s8 =	simm.s32 @!p0 $0x1BF5;
	p2 =	por !p2, p0  }
0x20: {  	[sflag:s8] =	ssyncset.s32 @!p0 $0xFFFFF086;
	s6 =	sadd.s32 @!p0 s3, s7;
	s7 =	simm.s32 @!p0 $0x108  }
0x21: {  	s3 =	sadd.s32 s3, s9;
	s6 =	sadd.s32 @!p0 $0x88, s6;
	s7 =	simm.s32 @p2 $0x1082  }
0x22: {  	[simem:s7], [sflag:s8] =	dma.local @!p0 [hbm:s6], $0xF7A  }
0x23: {  	s9 =	sor.u32 $0xD0000000, s2;
	s6 =	simm.s32 $0x108;
	_ =	swait.ge @!p0 [sflag:s8], $0x0  }
0x24: {  	s3 =	sadd.s32 $0x88, s3;
	s6 =	simm.s32 @!p1 $0x1082;
	[sflag:s4] =	ssyncset.s32 $0xFFFFF086  }
0x25: {  	[simem:s6], [sflag:s4] =	dma.local [hbm:s3], $0xF7A  }
0x26: {  	[smem:$0x3F99] =	sst s1;
	(tag) =	ssettag s2;
	_ =	strace s9  }
0x27: {  	s1 =	sld [smem:$0x3FA9]  }
0x28: {  	s2 =	sld [smem:$0x3FAA]  }
0x29: {  	s4 =	sld [smem:$0x3FAC]  }
0x2a: {  	p0 =	seq.s32 s5, $0x0;
	s5 =	sld [smem:$0x3FAD]  }
0x2b: {  	s6 =	sld [smem:$0x3FAE]  }
0x2c: {  	s7 =	sld [smem:$0x3FAF]  }
0x2d: {  	s3 =	simm.s32 $0x108;
	s8 =	sld [smem:$0x3FB0]  }
0x2e: {  	s3 =	simm.s32 @!p0 $0x1082;
	s9 =	sld [smem:$0x3FB1]  }
0x2f: {  	lr =	sadd.s32 s0, s3;
	s0 =	sld [smem:$0x3FA8]  }
0x30: {  	s3 =	sld [smem:$0x3FAB]  }
0x31: {  	[smem:$0x3FB4] =	sst s10  }
0x32: {  	s10 =	sld [smem:$0x3FB2];
	_ =	sdelay $0x3  }
0x33: {  	p0 =	seq.s32 s10, $0x1;
	s10 =	sld [smem:$0x3FB4];
	_ =	sdelay $0x3  }
0x34: {  	[smem:$0x3FB4] =	sst s10  }
0x35: {  	s10 =	sld [smem:$0x3FB3];
	_ =	sdelay $0x3  }
0x36: {  	p1 =	seq.s32 s10, $0x1;
	s10 =	sld [smem:$0x3FB4];
	_ =	sdelay $0x3  }
0x37: {  	[smem:$0x3FB4] =	sst s10  }
0x38: {  	s10 =	sld [smem:$0x3FB5]  }
0x39: {  	_ = 	snop;
	(pc) =	sbr.ind lr, $3  }
0x3a: {  	_ = 	snop  }
0x3b: {  	_ = 	snop  }
0x3c: {  	p2 =	seq.s32 s10, $0x1;
	s10 =	sld [smem:$0x3FB4]  }
0x3d: {  	_ =	shalt  }
0x3e: {  	_ =	shalt  }
0x3f: {  	_ =	shalt  }
0x40: {  	_ =	shalt  }
0x41: {  	_ =	shalt  }
0x42: {  	_ =	shalt  }
0x43: {  	_ =	shalt  }
0x44: {  	_ =	shalt  }
0x45: {  	_ =	shalt  }
0x46: {  	_ =	shalt  }
0x47: {  	_ =	shalt  }
0x48: {  	_ =	shalt  }
0x49: {  	_ =	shalt  }
0x4a: {  	_ =	shalt  }
0x4b: {  	_ =	shalt  }
0x4c: {  	_ =	shalt  }
0x4d: {  	_ =	shalt  }
0x4e: {  	_ =	shalt  }
0x4f: {  	_ =	shalt  }
0x50: {  	_ =	shalt  }
0x51: {  	_ =	shalt  }
0x52: {  	_ =	shalt  }
0x53: {  	_ =	shalt  }
0x54: {  	_ =	shalt  }
0x55: {  	_ =	shalt  }
0x56: {  	_ =	shalt  }
0x57: {  	_ =	shalt  }
0x58: {  	_ =	shalt  }
0x59: {  	_ =	shalt  }
0x5a: {  	_ =	shalt  }
0x5b: {  	_ =	shalt  }
0x5c: {  	_ =	shalt  }
0x5d: {  	_ =	shalt  }
0x5e: {  	_ =	shalt  }
0x5f: {  	_ =	shalt  }
0x60: {  	_ =	shalt  }
0x61: {  	_ =	shalt  }
0x62: {  	_ =	shalt  }
0x63: {  	_ =	shalt  }
0x64: {  	_ =	shalt  }
0x65: {  	_ =	shalt  }
0x66: {  	_ =	shalt  }
0x67: {  	_ =	shalt  }
0x68: {  	_ =	shalt  }
0x69: {  	_ =	shalt  }
0x6a: {  	_ =	shalt  }
0x6b: {  	_ =	shalt  }
0x6c: {  	_ =	shalt  }
0x6d: {  	_ =	shalt  }
0x6e: {  	_ =	shalt  }
0x6f: {  	_ =	shalt  }
0x70: {  	_ =	shalt  }
0x71: {  	_ =	shalt  }
0x72: {  	_ =	shalt  }
0x73: {  	_ =	shalt  }
0x74: {  	_ =	shalt  }
0x75: {  	_ =	shalt  }
0x76: {  	_ =	shalt  }
0x77: {  	_ =	shalt  }
0x78: {  	_ =	shalt  }
0x79: {  	_ =	shalt  }
0x7a: {  	_ =	shalt  }
0x7b: {  	_ =	shalt  }
0x7c: {  	_ =	shalt  }
0x7d: {  	_ =	shalt  }
0x7e: {  	_ =	shalt  }
0x7f: {  	_ =	shalt  }
0x80: {  	_ =	shalt  }
0x81: {  	_ =	shalt  }
0x82: {  	_ =	shalt  }
0x83: {  	_ =	shalt  }
0x84: {  	_ =	shalt  }
0x85: {  	_ =	shalt  }
0x86: {  	_ =	shalt  }
0x87: {  	_ =	shalt  }
.Lfunc_end0:
.L_simem_size_0:
called_computation.1_lowered:
.L_overlay_start_0:
0x88: {  	s2 =	sld [smem:$0x3FD9]  }
0x89: {  	s3 =	sld [smem:$0x3FFE];
	_ =	sdelay $0x1  }
0x8a: {  	s1 =	srdreg.scid  }
0x8b: {  	s0 =	sand.u32 $0x1, s1  }
0x8c: {  	s16 =	sshll.u32 s0, $0xA;
	s2 =	sadd.s32 s3, s2  }
0x8d: {  	s2 =	sadd.s32 s2, s16  }
0x8e: {  	[smem:$0x3FC0] =	sst s2  }
0x8f: {  	_ = 	snop  }
0x90: {  	(tm) =	ssettm $0x1  }
0x91: {  	s17 =	sld [smem:$0x3FFB];
	_ =	sdelay $0x3  }
0x92: {  	_ =	strace s17  }
0x93: {  	s2 =	sld [smem:$0x3FFC];
	_ =	sdelay $0x3  }
0x94: {  	_ =	strace s2  }
0x95: {  	s2 =	sld [smem:$0x3FFD];
	_ =	sdelay $0x3  }
0x96: {  	_ =	strace s2  }
0x97: {  	_ =	strace $0x8FFFFFFF  }
0x98: {  	s18 =	sld [smem:$0x3FDB];
	_ =	sdelay $0x1  }
0x99: {  	s19 =	simm.s32 $_scs_section_size  }
0x9a: {  	s4 =	simm.s32 $_size__tile_overlayer_lowered;
	s5 =	simm.s32 $_tile_overlayer_lowered  }
0x9b: {  	s22 =	simm.s32 $0x1BFF;
	s21 =	sshll.u32 s5, $0x1;
	s2 =	sadd.s32 s19, s18  }
0x9c: {  	s6 =	simm.s32 $0x0;
	s20 =	sshll.u32 s4, $0x1;
	s4 =	sadd.s32 s21, s2  }
0x9d: {  	[timem:s6], [sflag:s22] =	dma.local [hbm:s4], s20  }
0x9e: {  	_ =	swait.ge [sflag:s22], s20  }
0x9f: {  	s3 =	ssub.s32 $0x0, s20;
	[sflag:s22] =	ssyncset.done $0x0  }
0xa0: {  	[sflag:s22] =	ssyncadd.s32 s3;
	_ =	sdelay $0x1  }
0xa1: {  	s23 =	simm.s32 $0x1B8B  }
0xa2: {  	_ =	swait.ge [sflag:s23], $0x1  }
0xa3: {  	[sflag:s23] =	ssyncset.done $0x0  }
0xa4: {  	s25 =	simm.s32 $0x1B8E;
	s24 =	sld [smem:$0x3FFE];
	[sflag:s23] =	ssyncadd.s32 $0xFFFFFFFF  }
0xa5: {  	s26 =	simm.s32 $execute0_lowered;
	[smem:$0x3FD2] =	sst s25  }
0xa6: {  	s4 =	sshll.u32 s26, $0x1;
	_ =	strace $0x80000049;
	[dreg:$0x1] =	wrdreg $0xFFFFFFFF  }
0xa7: {  	s28 =	simm.s32 $_size_execute0_lowered;
	s2 =	sadd.s32 s2, s4;
	[dreg:$0x0] =	wrdreg $0x0  }
0xa8: {  	s4 =	sshll.u32 s28, $0x1;
	[dreg:$0x2] =	wrdreg s2  }
0xa9: {  	[dreg:$0x3] =	wrdreg s4  }
0xaa: {  	[dreg:$0x4] =	wrdreg $0xC0  }
0xab: {  	_ =	task [dreg:s6], $0x5FFFF  }
0xac: {  	[dreg:$0x1] =	wrdreg $0xFFFFFFFF  }
0xad: {  	[dreg:$0x0] =	wrdreg $0x60  }
0xae: {  	[dreg:$0x2] =	wrdreg s24  }
0xaf: {  	[dreg:$0x3] =	wrdreg $0x128000  }
0xb0: {  	[dreg:$0x4] =	wrdreg $0x9  }
0xb1: {  	_ =	task.clear_ibuf [dreg:s6], $0x5FFFF;
	_ =	strace $0x90000049  }
0xb2: {  	s29 =	simm.s32 $0x9;
	_ =	strace $0x8000004B  }
0xb3: {  	_ =	swait.ge [sflag:s29], $0x1  }
0xb4: {  	[sflag:s29] =	ssyncadd.s32 $0xFFFFFFFF  }
0xb5: {  	_ =	strace $0x9000004B  }
0xb6: {  	_ =	sfence  }
0xb7: {  	s30 =	sld [smem:$0x0];
	_ =	sdelay $0x2  }
0xb8: {  	s31 =	sshll.u32 s1, $0xD;
	s1 =	sshrl.u32 s1, $0x2  }
0xb9: {  	s3 =	sand.u32 $0x4000, s31;
	s1 =	sadd.s32 s1, s30  }
0xba: {  	s0 =	sor.u32 s3, s0;
	s1 =	sshll.u32 s1, $0x11  }
0xbb: {  	s0 =	sor.u32 s1, s0  }
0xbc: {  	s0 =	sadd.s32 $0x8F2B, s0  }
0xbd: {  	[sflag:s0] =	ssyncadd.remote.s32 $0x1  }
0xbe: {  	_ =	sfence.sel $0xFFFF  }
0xbf: {  	[dreg:$0x0] =	wrdreg $0xFFFFFFFF;
	(pc) =	sbr.abs _section_cstart, $3  }
0xc0: {  	[dreg:$0x1] =	wrdreg $0xFFFFFFFF  }
0xc1: {  	_ =	task.clear_ibuf [dreg:s6], $0x2FFFF;
	_ =	strace $0x9FFFFFFF  }
0xc2: {  	(tm) =	ssettm $0x7FFFFFFF  }
0xc3: {  	_ =	shalt  }
tec
execute0_lowered:
.L_overlay_start_1:
0x0: {  	(tag) =	ssettag $0x1  }
0x1: {  	s0 =	rddreg [dreg:$0x0]  }
0x2: {  	s1 =	rddreg [dreg:$0x1];
	s2 =	simm.s32 $0x0  }
0x3: {  	s3 =	srdreg.scid;
	s9 =	stileid.u32;
	s18 =	simm.s32 $0x3  }
0x4: {  	s19 =	simm.s32 $0x8000;
	s20 =	simm.s32 $0x50;
	s22 =	simm.s32 $0xB000  }
0x5: {  	s23 =	simm.s32 $0x1;
	s24 =	simm.s32 $0xD800;
	s25 =	simm.s32 $0x10000  }
0x6: {  	s26 =	simm.s32 $0x2;
	s21 =	simm.s32 $0x7E00;
	[smem:$0x7FF] =	sst s2  }
0x7: {  	s4 =	sadd.s32 $0xCC00, s0;
	s3 =	sand.u32 $0x1, s3;
	s7 =	smul.u32 $0x28000, s9  }
0x8: {  	s5 =	sadd.s32 $0x2E00, s0;
	s0 =	sadd.s32 $0x5CC00, s0;
	s10 =	smul.u32 $0xA000, s9  }
0x9: {  	_ =	strace $0x8000004A;
	s6 =	ssub.s32 $0x2, s3;
	s13 =	smul.u32 $0x1388, s3  }
0xa: {  	s3 =	smul.u32 $0xA0000, s3;
	s8 =	sshrl.u32 s6, $0x1;
	s29 =	sshrl.u32 s7, $0x2  }
0xb: {  	s14 =	sadd.s32 $0x2800, s10;
	s15 =	sadd.s32 $0x5000, s10;
	s16 =	sadd.s32 $0x7800, s10  }
0xc: {  	s12 =	ssub.s32 s6, s8;
	s6 =	sadd.s32 s29, s1;
	s7 =	sadd.s32 s14, s1  }
0xd: {  	s8 =	smul.u32 $0x4E20, s9;
	s9 =	sadd.s32 s15, s1;
	s17 =	sadd.s32 s10, s3  }
0xe: {  	s10 =	sadd.s32 s16, s1;
	s14 =	sadd.s32 s3, s14;
	s15 =	sadd.s32 s3, s15  }
0xf: {  	s3 =	sadd.s32 s3, s16;
	v0 =	vmov s13;
	s13 =	simm.s32 $0x0;
	s17 =	sshrl.u32 s17, $0x3  }
0x10: {  	s14 =	sshrl.u32 s14, $0x3;
	s15 =	sshrl.u32 s15, $0x3;
	s31 =	smax.u32 s12, $0x1  }
0x11: {  	s3 =	sshrl.u32 s3, $0x3;
	s17 =	sadd.s32 s0, s17;
	[dreg:$0x7] =	wrdreg s31  }
0x12: {  	s12 =	simm.s32 $0x3E00;
	s14 =	sadd.s32 s0, s14;
	[dreg:$0x3] =	wrdreg s17  }
0x13: {  	s11 =	sadd.s32 $0x2710, s8;
	s30 =	sadd.s32 s0, s15;
	[dreg:$0x4] =	wrdreg s14  }
0x14: {  	s0 =	sadd.s32 s0, s3;
	s3 =	simm.s32 $0x7D80;
	[dreg:$0x5] =	wrdreg s30  }
0x15: {  	v1 =	vimm.f32 $0.0e+00;
	[dreg:$0x6] =	wrdreg s0;
	s17 =	simm.s32 $0x8800;
	s0 =	simm.s32 $0x7D00  }
.LBB2_1:
0x16: {  	s14 =	sand.u32 $0xFE00, s2  }
0x17: {  	s15 =	sand.u32 $0x70, s2;
	s16 =	sshrl.u32 s14, $0x2  }
0x18: {  	s14 =	simm.s32 $0x40;
	s16 =	sor.u32 s15, s16;
	s15 =	simm.s32 $0x0  }
.LBB2_2:
0x19: {  	p0 =	sne.s32 s14, $0x9FC0  }
0x1a: {  	[tilespmem:s16+$0x8800] =	vst v1;
	s15 =	sadd.s32 $0x10, s15;
	s16 =	smov.u32 s14;
	s14 =	sadd.s32 $0x40, s14  }
.Ltmp0:
0x1b: {  	(pc) =	sbr.rel @p0 .LBB2_2-.Ltmp0, $4  }
0x1c: {  	_ = 	snop  }
0x1d: {  	s16 =	sand.u32 $0xFE00, s16  }
0x1e: {  	s28 =	sand.u32 $0x70, s15;
	s16 =	sshrl.u32 s16, $0x2  }
0x1f: {  	s16 =	sor.u32 s28, s16  }
0x20: {  	[tilespmem:s16+$0x8800] =	vst v1  }
0x21: {  	[spmem:s6] =	stream.linear.scatter [tilespmem:s17], [sflag:$0x3], $0x2800, $0x38;
	[tilespmem:$0x1C800] =	vst v63  }
0x22: {  	_ =	swait.ge [sflag:s18], $0x2800  }
0x23: {  	[sflag:s18] =	ssyncset.done $0x0  }
0x24: {  	[sflag:s18] =	ssyncadd.s32 $0xFFFFD800  }
0x25: {  	[spmem:s7] =	stream.linear.scatter [tilespmem:s17], [sflag:$0x3], $0x2800, $0x38;
	[tilespmem:$0x1C800] =	vst v63  }
0x26: {  	_ =	swait.ge [sflag:s18], $0x2800  }
0x27: {  	[sflag:s18] =	ssyncset.done $0x0  }
0x28: {  	[sflag:s18] =	ssyncadd.s32 $0xFFFFD800  }
0x29: {  	[spmem:s9] =	stream.linear.scatter [tilespmem:s17], [sflag:$0x3], $0x2800, $0x38;
	[tilespmem:$0x1C800] =	vst v63  }
0x2a: {  	_ =	swait.ge [sflag:s18], $0x2800  }
0x2b: {  	[sflag:s18] =	ssyncset.done $0x0  }
0x2c: {  	[sflag:s18] =	ssyncadd.s32 $0xFFFFD800  }
0x2d: {  	[spmem:s10] =	stream.linear.scatter [tilespmem:s17], [sflag:$0x3], $0x2800, $0x38;
	[tilespmem:$0x1C800] =	vst v63  }
0x2e: {  	_ =	swait.ge [sflag:s18], $0x2800  }
0x2f: {  	[sflag:s18] =	ssyncset.done $0x0  }
0x30: {  	s14 =	simm.s32 $0x0;
	s28 =	simm.s32 $0x4020;
	[sflag:s18] =	ssyncadd.s32 $0xFFFFD800  }
0x31: {  	s15 =	simm.s32 $0x20;
	s29 =	simm.s32 $0x0;
	[bflag:$0x0] =	sbarrier.arrive $0xFFFF  }
.LBB2_4:
0x32: {  	s16 =	smul.u32 $0x7D0, s29;
	_ =	sdelay $0x1  }
0x33: {  	s16 =	sadd.s32 s8, s16  }
0x34: {  	s16 =	sshrl.u32 s16, $0x3  }
0x35: {  	s16 =	sadd.s32 s5, s16  }
0x36: {  	[tilespmem:s19], [sflag:$0x3] =	stream.linear.gather [hbm4b:s16+s14], $0x7D0, $0x38;
	[tilespmem:$0x1C800] =	vst v63  }
0x37: {  	_ =	swait.ge [sflag:s18], $0x7D0  }
0x38: {  	[sflag:s18] =	ssyncset.done $0x0  }
0x39: {  	s16 =	simm.s32 $0x8020;
	[sflag:s18] =	ssyncadd.s32 $0xFFFFF830  }
0x3a: {  	v4 =	vld [tilespmem:s16+$0xFFFFFFE0];
	_ =	sdelay $0x2  }
0x3b: {  	v3 =	vmov s15  }
0x3c: {  	v2 =	vmov s28  }
0x3d: {  	v5 =	vshrl.u32 v4, $0x10  }
0x3e: {  	v6 =	vsub.s32 v5, v0;
	v5 =	vand.u32 $0x3F, v5  }
0x3f: {  	s30 =	simm.s32 $0x0;
	v4 =	vand.u32 $0xFFFF, v4;
	vm0 =	vlt.u32 v6, $0x1388;
	v5 =	vadd.s32 $0x1388, v5  }
0x40: {  	[tilespmem:v3+s30+$0xFFFFFFE0 ss:$0x1] =	vst.idx.msk $0xffff, v4;
	v4 =	vsel vm0, v6, v5  }
0x41: {  	[tilespmem:v2+s30+$0xFFFFFFE0 ss:$0x1] =	vst.idx.msk $0xffff, v4  }
0x42: {  	v4 =	vld [tilespmem:s16+$0xFFFFFFF0];
	_ =	sdelay $0x4  }
0x43: {  	v5 =	vshrl.u32 v4, $0x10  }
0x44: {  	v6 =	vsub.s32 v5, v0;
	v5 =	vand.u32 $0x3F, v5  }
0x45: {  	v4 =	vand.u32 $0xFFFF, v4;
	vm12 =	vlt.u32 v6, $0x1388;
	v5 =	vadd.s32 $0x1388, v5  }
0x46: {  	[tilespmem:v3+s30+$0xFFFFFFF0 ss:$0x1] =	vst.idx.msk $0xffff, v4;
	v4 =	vsel vm12, v6, v5  }
0x47: {  	[tilespmem:v2+s30+$0xFFFFFFF0 ss:$0x1] =	vst.idx.msk $0xffff, v4  }
0x48: {  	v4 =	vld [tilespmem:s16+$0x0];
	_ =	sdelay $0x4  }
0x49: {  	v5 =	vshrl.u32 v4, $0x10  }
0x4a: {  	v6 =	vsub.s32 v5, v0;
	v5 =	vand.u32 $0x3F, v5  }
0x4b: {  	v4 =	vand.u32 $0xFFFF, v4;
	vm13 =	vlt.u32 v6, $0x1388;
	v5 =	vadd.s32 $0x1388, v5  }
0x4c: {  	[tilespmem:v3+s30+$0x0 ss:$0x1] =	vst.idx.msk $0xffff, v4;
	v4 =	vsel vm13, v6, v5  }
0x4d: {  	[tilespmem:v2+s30+$0x0 ss:$0x1] =	vst.idx.msk $0xffff, v4  }
0x4e: {  	v4 =	vld [tilespmem:s16+$0x10];
	_ =	sdelay $0x4  }
0x4f: {  	v5 =	vshrl.u32 v4, $0x10  }
0x50: {  	v6 =	vsub.s32 v5, v0;
	v5 =	vand.u32 $0x3F, v5  }
0x51: {  	v4 =	vand.u32 $0xFFFF, v4;
	vm14 =	vlt.u32 v6, $0x1388;
	v5 =	vadd.s32 $0x1388, v5  }
0x52: {  	[tilespmem:v3+s30+$0x10 ss:$0x1] =	vst.idx.msk $0xffff, v4;
	v4 =	vsel vm14, v6, v5  }
0x53: {  	[tilespmem:v2+s30+$0x10 ss:$0x1] =	vst.idx.msk $0xffff, v4  }
0x54: {  	v4 =	vld [tilespmem:s16+$0x20];
	_ =	sdelay $0x4  }
0x55: {  	v5 =	vshrl.u32 v4, $0x10  }
0x56: {  	v6 =	vsub.s32 v5, v0;
	v5 =	vand.u32 $0x3F, v5  }
0x57: {  	v4 =	vand.u32 $0xFFFF, v4;
	vm15 =	vlt.u32 v6, $0x1388;
	v5 =	vadd.s32 $0x1388, v5  }
0x58: {  	s31 =	simm.s32 $0x200;
	[tilespmem:v3+s30+$0x20 ss:$0x1] =	vst.idx.msk $0xffff, v4;
	v4 =	vsel vm15, v6, v5  }
.LBB2_5:
0x59: {  	p0 =	sne.s32 s31, $0x3000  }
0x5a: {  	[tilespmem:v2+s30+$0x20 ss:$0x1] =	vst.idx.msk $0xffff, v4;
	s16 =	sadd.s32 $0x50, s16;
	s30 =	smov.u32 s31;
	s31 =	sadd.s32 $0x200, s31  }
0x5b: {  	v4 =	vld [tilespmem:s16+$0xFFFFFFE0];
	_ =	sdelay $0x4  }
0x5c: {  	v5 =	vshrl.u32 v4, $0x10;
	v4 =	vand.u32 $0xFFFF, v4  }
0x5d: {  	v6 =	vsub.s32 v5, v0;
	v5 =	vand.u32 $0x3F, v5  }
0x5e: {  	s30 =	sshra.s32 s30, $0x2;
	vm0 =	vlt.u32 v6, $0x1388;
	v5 =	vadd.s32 $0x1388, v5  }
0x5f: {  	[tilespmem:v3+s30+$0xFFFFFFE0 ss:$0x1] =	vst.idx.msk $0xffff, v4;
	v4 =	vsel vm0, v6, v5  }
0x60: {  	[tilespmem:v2+s30+$0xFFFFFFE0 ss:$0x1] =	vst.idx.msk $0xffff, v4  }
0x61: {  	v4 =	vld [tilespmem:s16+$0xFFFFFFF0];
	_ =	sdelay $0x4  }
0x62: {  	v5 =	vshrl.u32 v4, $0x10;
	v4 =	vand.u32 $0xFFFF, v4  }
0x63: {  	v6 =	vsub.s32 v5, v0;
	v5 =	vand.u32 $0x3F, v5  }
0x64: {  	vm0 =	vlt.u32 v6, $0x1388;
	v5 =	vadd.s32 $0x1388, v5  }
0x65: {  	[tilespmem:v3+s30+$0xFFFFFFF0 ss:$0x1] =	vst.idx.msk $0xffff, v4;
	v4 =	vsel vm0, v6, v5  }
0x66: {  	[tilespmem:v2+s30+$0xFFFFFFF0 ss:$0x1] =	vst.idx.msk $0xffff, v4  }
0x67: {  	v4 =	vld [tilespmem:s16+$0x0];
	_ =	sdelay $0x4  }
0x68: {  	v5 =	vshrl.u32 v4, $0x10;
	v4 =	vand.u32 $0xFFFF, v4  }
0x69: {  	v6 =	vsub.s32 v5, v0;
	[tilespmem:v3+s30+$0x0 ss:$0x1] =	vst.idx.msk $0xffff, v4;
	v4 =	vand.u32 $0x3F, v5  }
0x6a: {  	vm0 =	vlt.u32 v6, $0x1388;
	v4 =	vadd.s32 $0x1388, v4  }
0x6b: {  	v4 =	vsel vm0, v6, v4  }
0x6c: {  	[tilespmem:v2+s30+$0x0 ss:$0x1] =	vst.idx.msk $0xffff, v4  }
0x6d: {  	v4 =	vld [tilespmem:s16+$0x10];
	_ =	sdelay $0x4  }
0x6e: {  	v5 =	vshrl.u32 v4, $0x10;
	v4 =	vand.u32 $0xFFFF, v4  }
0x6f: {  	v6 =	vsub.s32 v5, v0;
	[tilespmem:v3+s30+$0x10 ss:$0x1] =	vst.idx.msk $0xffff, v4;
	v4 =	vand.u32 $0x3F, v5  }
0x70: {  	vm0 =	vlt.u32 v6, $0x1388;
	v4 =	vadd.s32 $0x1388, v4  }
0x71: {  	v4 =	vsel vm0, v6, v4  }
0x72: {  	[tilespmem:v2+s30+$0x10 ss:$0x1] =	vst.idx.msk $0xffff, v4  }
0x73: {  	v4 =	vld [tilespmem:s16+$0x20];
	_ =	sdelay $0x3  }
.Ltmp1:
0x74: {  	(pc) =	sbr.rel @p0 .LBB2_5-.Ltmp1, $4  }
0x75: {  	v5 =	vshrl.u32 v4, $0x10;
	v4 =	vand.u32 $0xFFFF, v4  }
0x76: {  	v6 =	vsub.s32 v5, v0;
	[tilespmem:v3+s30+$0x20 ss:$0x1] =	vst.idx.msk $0xffff, v4;
	v4 =	vand.u32 $0x3F, v5  }
0x77: {  	vm0 =	vlt.u32 v6, $0x1388;
	v4 =	vadd.s32 $0x1388, v4  }
0x78: {  	v4 =	vsel vm0, v6, v4  }
0x79: {  	s29 =	sadd.s32 $0x1, s29  }
0x7a: {  	p0 =	sne.s32 s29, $0x5  }
.Ltmp2:
0x7b: {  	_ = 	snop;
	(pc) =	sbr.rel @p0 .LBB2_4-.Ltmp2, $2  }
0x7c: {  	_ =	sdelay $0x2  }
0x7d: {  	[tilespmem:v2+s30+$0x20 ss:$0x1] =	vst.idx.msk $0xffff, v4;
	s28 =	sadd.s32 $0xC80, s28;
	s15 =	sadd.s32 $0xC80, s15  }
0x7e: {  	s14 =	simm.s32 $0x0  }
0x7f: {  	[tilespmem:s17], [sflag:$0x1] =	stream.indirect.gather [hbm4b:s4+s20], $0x80, s14, s20, $0xb8;
	[tilespmem:$0x1C800] =	vst v63  }
0x80: {  	s29 =	simm.s32 $0x80  }
0x81: {  	[tilespmem:s22], [sflag:$0x1] =	stream.indirect.gather [hbm4b:s4+s20], $0x80, s29, s20, $0xb8;
	[tilespmem:$0x1C800] =	vst v63  }
0x82: {  	_ =	swait.ge [sflag:s23], $0x2800  }
0x83: {  	[sflag:s23] =	ssyncset.done $0x0  }
0x84: {  	[sflag:s23] =	ssyncadd.s32 $0xFFFFD800  }
0x85: {  	_ =	swait.ge [sflag:s23], $0x2800  }
0x86: {  	[sflag:s23] =	ssyncset.done $0x0  }
0x87: {  	s30 =	simm.s32 $0x100;
	[sflag:s23] =	ssyncadd.s32 $0xFFFFD800  }
0x88: {  	[tilespmem:s24], [sflag:$0x1] =	stream.indirect.gather [hbm4b:s4+s20], $0x80, s30, s20, $0xb8;
	[tilespmem:$0x1C800] =	vst v63  }
0x89: {  	s31 =	simm.s32 $0x180  }
0x8a: {  	[tilespmem:s25], [sflag:$0x1] =	stream.indirect.gather [hbm4b:s4+s20], $0x80, s31, s20, $0xb8;
	[tilespmem:$0x1C800] =	vst v63  }
0x8b: {  	s15 =	simm.s32 $0x4000  }
0x8c: {  	[spmem:s1] =	stream.indirect.scatter.add.f32 [tilespmem:s17], [sflag:$0x2], $0x80, s15, s20, $0xb8;
	[tilespmem:$0x1C800] =	vst v63  }
0x8d: {  	s16 =	simm.s32 $0x4080  }
0x8e: {  	[spmem:s1] =	stream.indirect.scatter.add.f32 [tilespmem:s22], [sflag:$0x2], $0x80, s16, s20, $0xb8;
	[tilespmem:$0x1C800] =	vst v63  }
0x8f: {  	_ =	swait.ge [sflag:s26], $0x2800  }
0x90: {  	[sflag:s26] =	ssyncset.done $0x0  }
0x91: {  	[sflag:s26] =	ssyncadd.s32 $0xFFFFD800  }
0x92: {  	_ =	swait.ge [sflag:s26], $0x2800  }
0x93: {  	[sflag:s26] =	ssyncset.done $0x0  }
0x94: {  	[sflag:s26] =	ssyncadd.s32 $0xFFFFD800  }
0x95: {  	_ =	swait.ge [sflag:s23], $0x2800  }
0x96: {  	[sflag:s23] =	ssyncset.done $0x0  }
0x97: {  	[sflag:s23] =	ssyncadd.s32 $0xFFFFD800  }
0x98: {  	_ =	swait.ge [sflag:s23], $0x2800  }
0x99: {  	[sflag:s23] =	ssyncset.done $0x0  }
0x9a: {  	s28 =	simm.s32 $0x200;
	[sflag:s23] =	ssyncadd.s32 $0xFFFFD800  }
0x9b: {  	[tilespmem:s17], [sflag:$0x1] =	stream.indirect.gather [hbm4b:s4+s20], $0x80, s28, s20, $0xb8;
	[tilespmem:$0x1C800] =	vst v63  }
0x9c: {  	s29 =	simm.s32 $0x280  }
0x9d: {  	[tilespmem:s22], [sflag:$0x1] =	stream.indirect.gather [hbm4b:s4+s20], $0x80, s29, s20, $0xb8;
	[tilespmem:$0x1C800] =	vst v63  }
0x9e: {  	s30 =	simm.s32 $0x4100  }
0x9f: {  	[spmem:s1] =	stream.indirect.scatter.add.f32 [tilespmem:s24], [sflag:$0x2], $0x80, s30, s20, $0xb8;
	[tilespmem:$0x1C800] =	vst v63  }
0xa0: {  	s31 =	simm.s32 $0x4180  }
0xa1: {  	[spmem:s1] =	stream.indirect.scatter.add.f32 [tilespmem:s25], [sflag:$0x2], $0x80, s31, s20, $0xb8;
	[tilespmem:$0x1C800] =	vst v63  }
0xa2: {  	_ =	swait.ge [sflag:s26], $0x2800  }
0xa3: {  	[sflag:s26] =	ssyncset.done $0x0  }
0xa4: {  	[sflag:s26] =	ssyncadd.s32 $0xFFFFD800  }
0xa5: {  	_ =	swait.ge [sflag:s26], $0x2800  }
0xa6: {  	s14 =	simm.s32 $0x800;
	[sflag:s26] =	ssyncset.done $0x0  }
.LBB2_8:
0xa7: {  	p0 =	sne.s32 s14, $0xE800  }
0xa8: {  	[sflag:s26] =	ssyncadd.s32 $0xFFFFD800;
	s15 =	smov.u32 s14;
	s14 =	sadd.s32 $0x800, s14  }
0xa9: {  	_ =	swait.ge [sflag:s23], $0x2800  }
0xaa: {  	[sflag:s23] =	ssyncset.done $0x0  }
0xab: {  	[sflag:s23] =	ssyncadd.s32 $0xFFFFD800  }
0xac: {  	_ =	swait.ge [sflag:s23], $0x2800  }
0xad: {  	s15 =	sshra.s32 s15, $0x2;
	[sflag:s23] =	ssyncset.done $0x0  }
0xae: {  	s16 =	sadd.s32 $0x100, s15;
	[sflag:s23] =	ssyncadd.s32 $0xFFFFD800  }
0xaf: {  	[tilespmem:s24], [sflag:$0x1] =	stream.indirect.gather [hbm4b:s4+s20], $0x80, s16, s20, $0xb8;
	[tilespmem:$0x1C800] =	vst v63  }
0xb0: {  	s16 =	sadd.s32 $0x180, s15  }
0xb1: {  	[tilespmem:s25], [sflag:$0x1] =	stream.indirect.gather [hbm4b:s4+s20], $0x80, s16, s20, $0xb8;
	[tilespmem:$0x1C800] =	vst v63  }
0xb2: {  	s16 =	sadd.s32 $0x4000, s15  }
0xb3: {  	[spmem:s1] =	stream.indirect.scatter.add.f32 [tilespmem:s17], [sflag:$0x2], $0x80, s16, s20, $0xb8;
	[tilespmem:$0x1C800] =	vst v63  }
0xb4: {  	s16 =	sadd.s32 $0x4080, s15  }
0xb5: {  	[spmem:s1] =	stream.indirect.scatter.add.f32 [tilespmem:s22], [sflag:$0x2], $0x80, s16, s20, $0xb8;
	[tilespmem:$0x1C800] =	vst v63  }
0xb6: {  	_ =	swait.ge [sflag:s26], $0x2800  }
0xb7: {  	[sflag:s26] =	ssyncset.done $0x0  }
0xb8: {  	[sflag:s26] =	ssyncadd.s32 $0xFFFFD800  }
0xb9: {  	_ =	swait.ge [sflag:s26], $0x2800  }
0xba: {  	[sflag:s26] =	ssyncset.done $0x0  }
0xbb: {  	[sflag:s26] =	ssyncadd.s32 $0xFFFFD800  }
0xbc: {  	_ =	swait.ge [sflag:s23], $0x2800  }
0xbd: {  	[sflag:s23] =	ssyncset.done $0x0  }
0xbe: {  	[sflag:s23] =	ssyncadd.s32 $0xFFFFD800  }
0xbf: {  	_ =	swait.ge [sflag:s23], $0x2800  }
0xc0: {  	[sflag:s23] =	ssyncset.done $0x0  }
0xc1: {  	s16 =	sadd.s32 $0x200, s15;
	[sflag:s23] =	ssyncadd.s32 $0xFFFFD800  }
0xc2: {  	[tilespmem:s17], [sflag:$0x1] =	stream.indirect.gather [hbm4b:s4+s20], $0x80, s16, s20, $0xb8;
	[tilespmem:$0x1C800] =	vst v63  }
0xc3: {  	s16 =	sadd.s32 $0x280, s15  }
0xc4: {  	[tilespmem:s22], [sflag:$0x1] =	stream.indirect.gather [hbm4b:s4+s20], $0x80, s16, s20, $0xb8;
	[tilespmem:$0x1C800] =	vst v63  }
0xc5: {  	s16 =	sadd.s32 $0x4100, s15  }
0xc6: {  	[spmem:s1] =	stream.indirect.scatter.add.f32 [tilespmem:s24], [sflag:$0x2], $0x80, s16, s20, $0xb8;
	[tilespmem:$0x1C800] =	vst v63  }
0xc7: {  	s15 =	sadd.s32 $0x4180, s15  }
0xc8: {  	[spmem:s1] =	stream.indirect.scatter.add.f32 [tilespmem:s25], [sflag:$0x2], $0x80, s15, s20, $0xb8;
	[tilespmem:$0x1C800] =	vst v63  }
.Ltmp3:
0xc9: {  	_ =	swait.ge [sflag:s26], $0x2800;
	(pc) =	sbr.rel @p0 .LBB2_8-.Ltmp3, $4  }
0xca: {  	[sflag:s26] =	ssyncset.done $0x0  }
0xcb: {  	[sflag:s26] =	ssyncadd.s32 $0xFFFFD800  }
0xcc: {  	_ =	swait.ge [sflag:s26], $0x2800  }
0xcd: {  	[sflag:s26] =	ssyncset.done $0x0  }
0xce: {  	[sflag:s26] =	ssyncadd.s32 $0xFFFFD800  }
0xcf: {  	_ =	swait.ge [sflag:s23], $0x2800  }
0xd0: {  	[sflag:s23] =	ssyncset.done $0x0  }
0xd1: {  	[sflag:s23] =	ssyncadd.s32 $0xFFFFD800  }
0xd2: {  	_ =	swait.ge [sflag:s23], $0x2800  }
0xd3: {  	[sflag:s23] =	ssyncset.done $0x0  }
0xd4: {  	s14 =	simm.s32 $0x3D00;
	[sflag:s23] =	ssyncadd.s32 $0xFFFFD800  }
0xd5: {  	[tilespmem:s24], [sflag:$0x1] =	stream.indirect.gather [hbm4b:s4+s20], $0x80, s14, s20, $0xb8;
	[tilespmem:$0x1C800] =	vst v63  }
0xd6: {  	s16 =	simm.s32 $0x3D80  }
0xd7: {  	[tilespmem:s25], [sflag:$0x1] =	stream.indirect.gather [hbm4b:s4+s20], $0x80, s16, s20, $0xb8;
	[tilespmem:$0x1C800] =	vst v63  }
0xd8: {  	s30 =	simm.s32 $0x7C00  }
0xd9: {  	[spmem:s1] =	stream.indirect.scatter.add.f32 [tilespmem:s17], [sflag:$0x2], $0x80, s30, s20, $0xb8;
	[tilespmem:$0x1C800] =	vst v63  }
0xda: {  	s31 =	simm.s32 $0x7C80  }
0xdb: {  	[spmem:s1] =	stream.indirect.scatter.add.f32 [tilespmem:s22], [sflag:$0x2], $0x80, s31, s20, $0xb8;
	[tilespmem:$0x1C800] =	vst v63  }
0xdc: {  	_ =	swait.ge [sflag:s26], $0x2800  }
0xdd: {  	[sflag:s26] =	ssyncset.done $0x0  }
0xde: {  	[sflag:s26] =	ssyncadd.s32 $0xFFFFD800  }
0xdf: {  	_ =	swait.ge [sflag:s26], $0x2800  }
0xe0: {  	[sflag:s26] =	ssyncset.done $0x0  }
0xe1: {  	[sflag:s26] =	ssyncadd.s32 $0xFFFFD800  }
0xe2: {  	_ =	swait.ge [sflag:s23], $0x2800  }
0xe3: {  	[sflag:s23] =	ssyncset.done $0x0  }
0xe4: {  	[sflag:s23] =	ssyncadd.s32 $0xFFFFD800  }
0xe5: {  	_ =	swait.ge [sflag:s23], $0x2800  }
0xe6: {  	[sflag:s23] =	ssyncset.done $0x0  }
0xe7: {  	[sflag:s23] =	ssyncadd.s32 $0xFFFFD800  }
0xe8: {  	[spmem:s1] =	stream.indirect.scatter.add.f32 [tilespmem:s24], [sflag:$0x2], $0x80, s0, s20, $0xb8;
	[tilespmem:$0x1C800] =	vst v63  }
0xe9: {  	_ = 	snop  }
0xea: {  	[spmem:s1] =	stream.indirect.scatter.add.f32 [tilespmem:s25], [sflag:$0x2], $0x80, s3, s20, $0xb8;
	[tilespmem:$0x1C800] =	vst v63  }
0xeb: {  	_ =	swait.ge [sflag:s26], $0x2800  }
0xec: {  	[sflag:s26] =	ssyncset.done $0x0  }
0xed: {  	[sflag:s26] =	ssyncadd.s32 $0xFFFFD800  }
0xee: {  	_ =	swait.ge [sflag:s26], $0x2800  }
0xef: {  	[sflag:s26] =	ssyncset.done $0x0  }
0xf0: {  	[sflag:s26] =	ssyncadd.s32 $0xFFFFD800  }
0xf1: {  	[tilespmem:s17], [sflag:$0x1] =	stream.indirect.gather [hbm4b:s4+s20], $0x80, s12, s20, $0xb8;
	[tilespmem:$0x1C800] =	vst v63  }
0xf2: {  	_ =	swait.ge [sflag:s23], $0x2800  }
0xf3: {  	[sflag:s23] =	ssyncset.done $0x0  }
0xf4: {  	[sflag:s23] =	ssyncadd.s32 $0xFFFFD800  }
0xf5: {  	[spmem:s1] =	stream.indirect.scatter.add.f32 [tilespmem:s17], [sflag:$0x2], $0x80, s21, s20, $0xb8;
	[tilespmem:$0x1C800] =	vst v63  }
0xf6: {  	_ =	swait.ge [sflag:s26], $0x2800  }
0xf7: {  	s28 =	simm.s32 $0x4020;
	s15 =	simm.s32 $0x20;
	[sflag:s26] =	ssyncset.done $0x0  }
0xf8: {  	s29 =	simm.s32 $0x0;
	s14 =	simm.s32 $0x0;
	[sflag:s26] =	ssyncadd.s32 $0xFFFFD800  }
.LBB2_10:
0xf9: {  	s16 =	smul.u32 $0x7D0, s29;
	_ =	sdelay $0x1  }
0xfa: {  	s16 =	sadd.s32 s16, s11  }
0xfb: {  	s16 =	sshrl.u32 s16, $0x3  }
0xfc: {  	s16 =	sadd.s32 s5, s16  }
0xfd: {  	[tilespmem:s19], [sflag:$0x3] =	stream.linear.gather [hbm4b:s16+s14], $0x7D0, $0x38;
	[tilespmem:$0x1C800] =	vst v63  }
0xfe: {  	_ =	swait.ge [sflag:s18], $0x7D0  }
0xff: {  	[sflag:s18] =	ssyncset.done $0x0  }
0x100: {  	s16 =	simm.s32 $0x8020;
	[sflag:s18] =	ssyncadd.s32 $0xFFFFF830  }
0x101: {  	v4 =	vld [tilespmem:s16+$0xFFFFFFE0];
	_ =	sdelay $0x2  }
0x102: {  	v3 =	vmov s15  }
0x103: {  	v2 =	vmov s28  }
0x104: {  	v5 =	vshrl.u32 v4, $0x10  }
0x105: {  	v6 =	vsub.s32 v5, v0;
	v5 =	vand.u32 $0x3F, v5  }
0x106: {  	s30 =	simm.s32 $0x0;
	v4 =	vand.u32 $0xFFFF, v4;
	vm0 =	vlt.u32 v6, $0x1388;
	v5 =	vadd.s32 $0x1388, v5  }
0x107: {  	[tilespmem:v3+s30+$0xFFFFFFE0 ss:$0x1] =	vst.idx.msk $0xffff, v4;
	v4 =	vsel vm0, v6, v5  }
0x108: {  	[tilespmem:v2+s30+$0xFFFFFFE0 ss:$0x1] =	vst.idx.msk $0xffff, v4  }
0x109: {  	v4 =	vld [tilespmem:s16+$0xFFFFFFF0];
	_ =	sdelay $0x4  }
0x10a: {  	v5 =	vshrl.u32 v4, $0x10  }
0x10b: {  	v6 =	vsub.s32 v5, v0;
	v5 =	vand.u32 $0x3F, v5  }
0x10c: {  	v4 =	vand.u32 $0xFFFF, v4;
	vm12 =	vlt.u32 v6, $0x1388;
	v5 =	vadd.s32 $0x1388, v5  }
0x10d: {  	[tilespmem:v3+s30+$0xFFFFFFF0 ss:$0x1] =	vst.idx.msk $0xffff, v4;
	v4 =	vsel vm12, v6, v5  }
0x10e: {  	[tilespmem:v2+s30+$0xFFFFFFF0 ss:$0x1] =	vst.idx.msk $0xffff, v4  }
0x10f: {  	v4 =	vld [tilespmem:s16+$0x0];
	_ =	sdelay $0x4  }
0x110: {  	v5 =	vshrl.u32 v4, $0x10  }
0x111: {  	v6 =	vsub.s32 v5, v0;
	v5 =	vand.u32 $0x3F, v5  }
0x112: {  	v4 =	vand.u32 $0xFFFF, v4;
	vm13 =	vlt.u32 v6, $0x1388;
	v5 =	vadd.s32 $0x1388, v5  }
0x113: {  	[tilespmem:v3+s30+$0x0 ss:$0x1] =	vst.idx.msk $0xffff, v4;
	v4 =	vsel vm13, v6, v5  }
0x114: {  	[tilespmem:v2+s30+$0x0 ss:$0x1] =	vst.idx.msk $0xffff, v4  }
0x115: {  	v4 =	vld [tilespmem:s16+$0x10];
	_ =	sdelay $0x4  }
0x116: {  	v5 =	vshrl.u32 v4, $0x10  }
0x117: {  	v6 =	vsub.s32 v5, v0;
	v5 =	vand.u32 $0x3F, v5  }
0x118: {  	v4 =	vand.u32 $0xFFFF, v4;
	vm14 =	vlt.u32 v6, $0x1388;
	v5 =	vadd.s32 $0x1388, v5  }
0x119: {  	[tilespmem:v3+s30+$0x10 ss:$0x1] =	vst.idx.msk $0xffff, v4;
	v4 =	vsel vm14, v6, v5  }
0x11a: {  	[tilespmem:v2+s30+$0x10 ss:$0x1] =	vst.idx.msk $0xffff, v4  }
0x11b: {  	v4 =	vld [tilespmem:s16+$0x20];
	_ =	sdelay $0x4  }
0x11c: {  	v5 =	vshrl.u32 v4, $0x10  }
0x11d: {  	v6 =	vsub.s32 v5, v0;
	v5 =	vand.u32 $0x3F, v5  }
0x11e: {  	v4 =	vand.u32 $0xFFFF, v4;
	vm15 =	vlt.u32 v6, $0x1388;
	v5 =	vadd.s32 $0x1388, v5  }
0x11f: {  	s31 =	simm.s32 $0x200;
	[tilespmem:v3+s30+$0x20 ss:$0x1] =	vst.idx.msk $0xffff, v4;
	v4 =	vsel vm15, v6, v5  }
.LBB2_11:
0x120: {  	p0 =	sne.s32 s31, $0x3000  }
0x121: {  	[tilespmem:v2+s30+$0x20 ss:$0x1] =	vst.idx.msk $0xffff, v4;
	s16 =	sadd.s32 $0x50, s16;
	s30 =	smov.u32 s31;
	s31 =	sadd.s32 $0x200, s31  }
0x122: {  	v4 =	vld [tilespmem:s16+$0xFFFFFFE0];
	_ =	sdelay $0x4  }
0x123: {  	v5 =	vshrl.u32 v4, $0x10;
	v4 =	vand.u32 $0xFFFF, v4  }
0x124: {  	v6 =	vsub.s32 v5, v0;
	v5 =	vand.u32 $0x3F, v5  }
0x125: {  	s30 =	sshra.s32 s30, $0x2;
	vm0 =	vlt.u32 v6, $0x1388;
	v5 =	vadd.s32 $0x1388, v5  }
0x126: {  	[tilespmem:v3+s30+$0xFFFFFFE0 ss:$0x1] =	vst.idx.msk $0xffff, v4;
	v4 =	vsel vm0, v6, v5  }
0x127: {  	[tilespmem:v2+s30+$0xFFFFFFE0 ss:$0x1] =	vst.idx.msk $0xffff, v4  }
0x128: {  	v4 =	vld [tilespmem:s16+$0xFFFFFFF0];
	_ =	sdelay $0x4  }
0x129: {  	v5 =	vshrl.u32 v4, $0x10;
	v4 =	vand.u32 $0xFFFF, v4  }
0x12a: {  	v6 =	vsub.s32 v5, v0;
	v5 =	vand.u32 $0x3F, v5  }
0x12b: {  	vm0 =	vlt.u32 v6, $0x1388;
	v5 =	vadd.s32 $0x1388, v5  }
0x12c: {  	[tilespmem:v3+s30+$0xFFFFFFF0 ss:$0x1] =	vst.idx.msk $0xffff, v4;
	v4 =	vsel vm0, v6, v5  }
0x12d: {  	[tilespmem:v2+s30+$0xFFFFFFF0 ss:$0x1] =	vst.idx.msk $0xffff, v4  }
0x12e: {  	v4 =	vld [tilespmem:s16+$0x0];
	_ =	sdelay $0x4  }
0x12f: {  	v5 =	vshrl.u32 v4, $0x10;
	v4 =	vand.u32 $0xFFFF, v4  }
0x130: {  	v6 =	vsub.s32 v5, v0;
	[tilespmem:v3+s30+$0x0 ss:$0x1] =	vst.idx.msk $0xffff, v4;
	v4 =	vand.u32 $0x3F, v5  }
0x131: {  	vm0 =	vlt.u32 v6, $0x1388;
	v4 =	vadd.s32 $0x1388, v4  }
0x132: {  	v4 =	vsel vm0, v6, v4  }
0x133: {  	[tilespmem:v2+s30+$0x0 ss:$0x1] =	vst.idx.msk $0xffff, v4  }
0x134: {  	v4 =	vld [tilespmem:s16+$0x10];
	_ =	sdelay $0x4  }
0x135: {  	v5 =	vshrl.u32 v4, $0x10;
	v4 =	vand.u32 $0xFFFF, v4  }
0x136: {  	v6 =	vsub.s32 v5, v0;
	[tilespmem:v3+s30+$0x10 ss:$0x1] =	vst.idx.msk $0xffff, v4;
	v4 =	vand.u32 $0x3F, v5  }
0x137: {  	vm0 =	vlt.u32 v6, $0x1388;
	v4 =	vadd.s32 $0x1388, v4  }
0x138: {  	v4 =	vsel vm0, v6, v4  }
0x139: {  	[tilespmem:v2+s30+$0x10 ss:$0x1] =	vst.idx.msk $0xffff, v4  }
0x13a: {  	v4 =	vld [tilespmem:s16+$0x20];
	_ =	sdelay $0x3  }
.Ltmp4:
0x13b: {  	(pc) =	sbr.rel @p0 .LBB2_11-.Ltmp4, $4  }
0x13c: {  	v5 =	vshrl.u32 v4, $0x10;
	v4 =	vand.u32 $0xFFFF, v4  }
0x13d: {  	v6 =	vsub.s32 v5, v0;
	[tilespmem:v3+s30+$0x20 ss:$0x1] =	vst.idx.msk $0xffff, v4;
	v4 =	vand.u32 $0x3F, v5  }
0x13e: {  	vm0 =	vlt.u32 v6, $0x1388;
	v4 =	vadd.s32 $0x1388, v4  }
0x13f: {  	v4 =	vsel vm0, v6, v4  }
0x140: {  	s29 =	sadd.s32 $0x1, s29  }
0x141: {  	p0 =	sne.s32 s29, $0x5  }
.Ltmp5:
0x142: {  	_ = 	snop;
	(pc) =	sbr.rel @p0 .LBB2_10-.Ltmp5, $2  }
0x143: {  	_ =	sdelay $0x2  }
0x144: {  	[tilespmem:v2+s30+$0x20 ss:$0x1] =	vst.idx.msk $0xffff, v4;
	s28 =	sadd.s32 $0xC80, s28;
	s15 =	sadd.s32 $0xC80, s15  }
0x145: {  	s14 =	simm.s32 $0x0  }
0x146: {  	[tilespmem:s17], [sflag:$0x1] =	stream.indirect.gather [hbm4b:s4+s20], $0x80, s14, s20, $0xb8;
	[tilespmem:$0x1C800] =	vst v63  }
0x147: {  	s29 =	simm.s32 $0x80  }
0x148: {  	[tilespmem:s22], [sflag:$0x1] =	stream.indirect.gather [hbm4b:s4+s20], $0x80, s29, s20, $0xb8;
	[tilespmem:$0x1C800] =	vst v63  }
0x149: {  	_ =	swait.ge [sflag:s23], $0x2800  }
0x14a: {  	[sflag:s23] =	ssyncset.done $0x0  }
0x14b: {  	[sflag:s23] =	ssyncadd.s32 $0xFFFFD800  }
0x14c: {  	_ =	swait.ge [sflag:s23], $0x2800  }
0x14d: {  	[sflag:s23] =	ssyncset.done $0x0  }
0x14e: {  	s30 =	simm.s32 $0x100;
	[sflag:s23] =	ssyncadd.s32 $0xFFFFD800  }
0x14f: {  	[tilespmem:s24], [sflag:$0x1] =	stream.indirect.gather [hbm4b:s4+s20], $0x80, s30, s20, $0xb8;
	[tilespmem:$0x1C800] =	vst v63  }
0x150: {  	s31 =	simm.s32 $0x180  }
0x151: {  	[tilespmem:s25], [sflag:$0x1] =	stream.indirect.gather [hbm4b:s4+s20], $0x80, s31, s20, $0xb8;
	[tilespmem:$0x1C800] =	vst v63  }
0x152: {  	s15 =	simm.s32 $0x4000  }
0x153: {  	[spmem:s1] =	stream.indirect.scatter.add.f32 [tilespmem:s17], [sflag:$0x2], $0x80, s15, s20, $0xb8;
	[tilespmem:$0x1C800] =	vst v63  }
0x154: {  	s16 =	simm.s32 $0x4080  }
0x155: {  	[spmem:s1] =	stream.indirect.scatter.add.f32 [tilespmem:s22], [sflag:$0x2], $0x80, s16, s20, $0xb8;
	[tilespmem:$0x1C800] =	vst v63  }
0x156: {  	_ =	swait.ge [sflag:s26], $0x2800  }
0x157: {  	[sflag:s26] =	ssyncset.done $0x0  }
0x158: {  	[sflag:s26] =	ssyncadd.s32 $0xFFFFD800  }
0x159: {  	_ =	swait.ge [sflag:s26], $0x2800  }
0x15a: {  	[sflag:s26] =	ssyncset.done $0x0  }
0x15b: {  	[sflag:s26] =	ssyncadd.s32 $0xFFFFD800  }
0x15c: {  	_ =	swait.ge [sflag:s23], $0x2800  }
0x15d: {  	[sflag:s23] =	ssyncset.done $0x0  }
0x15e: {  	[sflag:s23] =	ssyncadd.s32 $0xFFFFD800  }
0x15f: {  	_ =	swait.ge [sflag:s23], $0x2800  }
0x160: {  	[sflag:s23] =	ssyncset.done $0x0  }
0x161: {  	s28 =	simm.s32 $0x200;
	[sflag:s23] =	ssyncadd.s32 $0xFFFFD800  }
0x162: {  	[tilespmem:s17], [sflag:$0x1] =	stream.indirect.gather [hbm4b:s4+s20], $0x80, s28, s20, $0xb8;
	[tilespmem:$0x1C800] =	vst v63  }
0x163: {  	s29 =	simm.s32 $0x280  }
0x164: {  	[tilespmem:s22], [sflag:$0x1] =	stream.indirect.gather [hbm4b:s4+s20], $0x80, s29, s20, $0xb8;
	[tilespmem:$0x1C800] =	vst v63  }
0x165: {  	s30 =	simm.s32 $0x4100  }
0x166: {  	[spmem:s1] =	stream.indirect.scatter.add.f32 [tilespmem:s24], [sflag:$0x2], $0x80, s30, s20, $0xb8;
	[tilespmem:$0x1C800] =	vst v63  }
0x167: {  	s31 =	simm.s32 $0x4180  }
0x168: {  	[spmem:s1] =	stream.indirect.scatter.add.f32 [tilespmem:s25], [sflag:$0x2], $0x80, s31, s20, $0xb8;
	[tilespmem:$0x1C800] =	vst v63  }
0x169: {  	_ =	swait.ge [sflag:s26], $0x2800  }
0x16a: {  	[sflag:s26] =	ssyncset.done $0x0  }
0x16b: {  	[sflag:s26] =	ssyncadd.s32 $0xFFFFD800  }
0x16c: {  	_ =	swait.ge [sflag:s26], $0x2800  }
0x16d: {  	s14 =	simm.s32 $0x800;
	[sflag:s26] =	ssyncset.done $0x0  }
.LBB2_14:
0x16e: {  	p0 =	sne.s32 s14, $0xE800  }
0x16f: {  	[sflag:s26] =	ssyncadd.s32 $0xFFFFD800;
	s15 =	smov.u32 s14;
	s14 =	sadd.s32 $0x800, s14  }
0x170: {  	_ =	swait.ge [sflag:s23], $0x2800  }
0x171: {  	[sflag:s23] =	ssyncset.done $0x0  }
0x172: {  	[sflag:s23] =	ssyncadd.s32 $0xFFFFD800  }
0x173: {  	_ =	swait.ge [sflag:s23], $0x2800  }
0x174: {  	s15 =	sshra.s32 s15, $0x2;
	[sflag:s23] =	ssyncset.done $0x0  }
0x175: {  	s16 =	sadd.s32 $0x100, s15;
	[sflag:s23] =	ssyncadd.s32 $0xFFFFD800  }
0x176: {  	[tilespmem:s24], [sflag:$0x1] =	stream.indirect.gather [hbm4b:s4+s20], $0x80, s16, s20, $0xb8;
	[tilespmem:$0x1C800] =	vst v63  }
0x177: {  	s16 =	sadd.s32 $0x180, s15  }
0x178: {  	[tilespmem:s25], [sflag:$0x1] =	stream.indirect.gather [hbm4b:s4+s20], $0x80, s16, s20, $0xb8;
	[tilespmem:$0x1C800] =	vst v63  }
0x179: {  	s16 =	sadd.s32 $0x4000, s15  }
0x17a: {  	[spmem:s1] =	stream.indirect.scatter.add.f32 [tilespmem:s17], [sflag:$0x2], $0x80, s16, s20, $0xb8;
	[tilespmem:$0x1C800] =	vst v63  }
0x17b: {  	s16 =	sadd.s32 $0x4080, s15  }
0x17c: {  	[spmem:s1] =	stream.indirect.scatter.add.f32 [tilespmem:s22], [sflag:$0x2], $0x80, s16, s20, $0xb8;
	[tilespmem:$0x1C800] =	vst v63  }
0x17d: {  	_ =	swait.ge [sflag:s26], $0x2800  }
0x17e: {  	[sflag:s26] =	ssyncset.done $0x0  }
0x17f: {  	[sflag:s26] =	ssyncadd.s32 $0xFFFFD800  }
0x180: {  	_ =	swait.ge [sflag:s26], $0x2800  }
0x181: {  	[sflag:s26] =	ssyncset.done $0x0  }
0x182: {  	[sflag:s26] =	ssyncadd.s32 $0xFFFFD800  }
0x183: {  	_ =	swait.ge [sflag:s23], $0x2800  }
0x184: {  	[sflag:s23] =	ssyncset.done $0x0  }
0x185: {  	[sflag:s23] =	ssyncadd.s32 $0xFFFFD800  }
0x186: {  	_ =	swait.ge [sflag:s23], $0x2800  }
0x187: {  	[sflag:s23] =	ssyncset.done $0x0  }
0x188: {  	s16 =	sadd.s32 $0x200, s15;
	[sflag:s23] =	ssyncadd.s32 $0xFFFFD800  }
0x189: {  	[tilespmem:s17], [sflag:$0x1] =	stream.indirect.gather [hbm4b:s4+s20], $0x80, s16, s20, $0xb8;
	[tilespmem:$0x1C800] =	vst v63  }
0x18a: {  	s16 =	sadd.s32 $0x280, s15  }
0x18b: {  	[tilespmem:s22], [sflag:$0x1] =	stream.indirect.gather [hbm4b:s4+s20], $0x80, s16, s20, $0xb8;
	[tilespmem:$0x1C800] =	vst v63  }
0x18c: {  	s16 =	sadd.s32 $0x4100, s15  }
0x18d: {  	[spmem:s1] =	stream.indirect.scatter.add.f32 [tilespmem:s24], [sflag:$0x2], $0x80, s16, s20, $0xb8;
	[tilespmem:$0x1C800] =	vst v63  }
0x18e: {  	s15 =	sadd.s32 $0x4180, s15  }
0x18f: {  	[spmem:s1] =	stream.indirect.scatter.add.f32 [tilespmem:s25], [sflag:$0x2], $0x80, s15, s20, $0xb8;
	[tilespmem:$0x1C800] =	vst v63  }
.Ltmp6:
0x190: {  	_ =	swait.ge [sflag:s26], $0x2800;
	(pc) =	sbr.rel @p0 .LBB2_14-.Ltmp6, $4  }
0x191: {  	[sflag:s26] =	ssyncset.done $0x0  }
0x192: {  	[sflag:s26] =	ssyncadd.s32 $0xFFFFD800  }
0x193: {  	_ =	swait.ge [sflag:s26], $0x2800  }
0x194: {  	[sflag:s26] =	ssyncset.done $0x0  }
0x195: {  	[sflag:s26] =	ssyncadd.s32 $0xFFFFD800  }
0x196: {  	_ =	swait.ge [sflag:s23], $0x2800  }
0x197: {  	[sflag:s23] =	ssyncset.done $0x0  }
0x198: {  	[sflag:s23] =	ssyncadd.s32 $0xFFFFD800  }
0x199: {  	_ =	swait.ge [sflag:s23], $0x2800  }
0x19a: {  	[sflag:s23] =	ssyncset.done $0x0  }
0x19b: {  	s14 =	simm.s32 $0x3D00;
	[sflag:s23] =	ssyncadd.s32 $0xFFFFD800  }
0x19c: {  	[tilespmem:s24], [sflag:$0x1] =	stream.indirect.gather [hbm4b:s4+s20], $0x80, s14, s20, $0xb8;
	[tilespmem:$0x1C800] =	vst v63  }
0x19d: {  	s30 =	simm.s32 $0x3D80  }
0x19e: {  	[tilespmem:s25], [sflag:$0x1] =	stream.indirect.gather [hbm4b:s4+s20], $0x80, s30, s20, $0xb8;
	[tilespmem:$0x1C800] =	vst v63  }
0x19f: {  	s31 =	simm.s32 $0x7C00  }
0x1a0: {  	[spmem:s1] =	stream.indirect.scatter.add.f32 [tilespmem:s17], [sflag:$0x2], $0x80, s31, s20, $0xb8;
	[tilespmem:$0x1C800] =	vst v63  }
0x1a1: {  	s15 =	simm.s32 $0x7C80  }
0x1a2: {  	[spmem:s1] =	stream.indirect.scatter.add.f32 [tilespmem:s22], [sflag:$0x2], $0x80, s15, s20, $0xb8;
	[tilespmem:$0x1C800] =	vst v63  }
0x1a3: {  	_ =	swait.ge [sflag:s26], $0x2800  }
0x1a4: {  	[sflag:s26] =	ssyncset.done $0x0  }
0x1a5: {  	[sflag:s26] =	ssyncadd.s32 $0xFFFFD800  }
0x1a6: {  	_ =	swait.ge [sflag:s26], $0x2800  }
0x1a7: {  	[sflag:s26] =	ssyncset.done $0x0  }
0x1a8: {  	[sflag:s26] =	ssyncadd.s32 $0xFFFFD800  }
0x1a9: {  	_ =	swait.ge [sflag:s23], $0x2800  }
0x1aa: {  	[sflag:s23] =	ssyncset.done $0x0  }
0x1ab: {  	[sflag:s23] =	ssyncadd.s32 $0xFFFFD800  }
0x1ac: {  	_ =	swait.ge [sflag:s23], $0x2800  }
0x1ad: {  	[sflag:s23] =	ssyncset.done $0x0  }
0x1ae: {  	[sflag:s23] =	ssyncadd.s32 $0xFFFFD800  }
0x1af: {  	[spmem:s1] =	stream.indirect.scatter.add.f32 [tilespmem:s24], [sflag:$0x2], $0x80, s0, s20, $0xb8;
	[tilespmem:$0x1C800] =	vst v63  }
0x1b0: {  	_ = 	snop  }
0x1b1: {  	[spmem:s1] =	stream.indirect.scatter.add.f32 [tilespmem:s25], [sflag:$0x2], $0x80, s3, s20, $0xb8;
	[tilespmem:$0x1C800] =	vst v63  }
0x1b2: {  	_ =	swait.ge [sflag:s26], $0x2800  }
0x1b3: {  	[sflag:s26] =	ssyncset.done $0x0  }
0x1b4: {  	[sflag:s26] =	ssyncadd.s32 $0xFFFFD800  }
0x1b5: {  	_ =	swait.ge [sflag:s26], $0x2800  }
0x1b6: {  	[sflag:s26] =	ssyncset.done $0x0  }
0x1b7: {  	[sflag:s26] =	ssyncadd.s32 $0xFFFFD800  }
0x1b8: {  	[tilespmem:s17], [sflag:$0x1] =	stream.indirect.gather [hbm4b:s4+s20], $0x80, s12, s20, $0xb8;
	[tilespmem:$0x1C800] =	vst v63  }
0x1b9: {  	_ =	swait.ge [sflag:s23], $0x2800  }
0x1ba: {  	[sflag:s23] =	ssyncset.done $0x0  }
0x1bb: {  	[sflag:s23] =	ssyncadd.s32 $0xFFFFD800  }
0x1bc: {  	[spmem:s1] =	stream.indirect.scatter.add.f32 [tilespmem:s17], [sflag:$0x2], $0x80, s21, s20, $0xb8;
	[tilespmem:$0x1C800] =	vst v63  }
0x1bd: {  	_ =	swait.ge [sflag:s26], $0x2800  }
0x1be: {  	[sflag:s26] =	ssyncset.done $0x0  }
0x1bf: {  	[sflag:s26] =	ssyncadd.s32 $0xFFFFD800  }
0x1c0: {  	[bflag:$0x0] =	sbarrier.arrive $0xFFFF  }
0x1c1: {  	[tilespmem:s17], [sflag:$0x3] =	stream.linear.gather [spmem:s6], $0x2800, $0x38;
	[tilespmem:$0x1C800] =	vst v63  }
0x1c2: {  	_ =	swait.ge [sflag:s18], $0x2800  }
0x1c3: {  	[sflag:s18] =	ssyncset.done $0x0  }
0x1c4: {  	s16 =	rddreg [dreg:$0x3];
	[sflag:s18] =	ssyncadd.s32 $0xFFFFD800  }
0x1c5: {  	[hbm4b:s16+s2] =	stream.linear.scatter [tilespmem:s17], [sflag:$0x3], $0x2800, $0x38;
	[tilespmem:$0x1C800] =	vst v63  }
0x1c6: {  	_ =	swait.ge [sflag:s18], $0x2800  }
0x1c7: {  	[sflag:s18] =	ssyncset.done $0x0  }
0x1c8: {  	[sflag:s18] =	ssyncadd.s32 $0xFFFFD800  }
0x1c9: {  	[tilespmem:s17], [sflag:$0x3] =	stream.linear.gather [spmem:s7], $0x2800, $0x38;
	[tilespmem:$0x1C800] =	vst v63  }
0x1ca: {  	_ =	swait.ge [sflag:s18], $0x2800  }
0x1cb: {  	[sflag:s18] =	ssyncset.done $0x0  }
0x1cc: {  	s28 =	rddreg [dreg:$0x4];
	[sflag:s18] =	ssyncadd.s32 $0xFFFFD800  }
0x1cd: {  	[hbm4b:s28+s2] =	stream.linear.scatter [tilespmem:s17], [sflag:$0x3], $0x2800, $0x38;
	[tilespmem:$0x1C800] =	vst v63  }
0x1ce: {  	_ =	swait.ge [sflag:s18], $0x2800  }
0x1cf: {  	[sflag:s18] =	ssyncset.done $0x0  }
0x1d0: {  	[sflag:s18] =	ssyncadd.s32 $0xFFFFD800  }
0x1d1: {  	[tilespmem:s17], [sflag:$0x3] =	stream.linear.gather [spmem:s9], $0x2800, $0x38;
	[tilespmem:$0x1C800] =	vst v63  }
0x1d2: {  	_ =	swait.ge [sflag:s18], $0x2800  }
0x1d3: {  	[sflag:s18] =	ssyncset.done $0x0  }
0x1d4: {  	s29 =	rddreg [dreg:$0x5];
	[sflag:s18] =	ssyncadd.s32 $0xFFFFD800  }
0x1d5: {  	[hbm4b:s29+s2] =	stream.linear.scatter [tilespmem:s17], [sflag:$0x3], $0x2800, $0x38;
	[tilespmem:$0x1C800] =	vst v63  }
0x1d6: {  	_ =	swait.ge [sflag:s18], $0x2800  }
0x1d7: {  	[sflag:s18] =	ssyncset.done $0x0  }
0x1d8: {  	[sflag:s18] =	ssyncadd.s32 $0xFFFFD800  }
0x1d9: {  	[tilespmem:s17], [sflag:$0x3] =	stream.linear.gather [spmem:s10], $0x2800, $0x38;
	[tilespmem:$0x1C800] =	vst v63  }
0x1da: {  	_ =	swait.ge [sflag:s18], $0x2800  }
0x1db: {  	[sflag:s18] =	ssyncset.done $0x0  }
0x1dc: {  	s30 =	rddreg [dreg:$0x6];
	[sflag:s18] =	ssyncadd.s32 $0xFFFFD800  }
0x1dd: {  	[hbm4b:s30+s2] =	stream.linear.scatter [tilespmem:s17], [sflag:$0x3], $0x2800, $0x38;
	[tilespmem:$0x1C800] =	vst v63  }
0x1de: {  	_ =	swait.ge [sflag:s18], $0x2800  }
0x1df: {  	s13 =	sadd.s32 $0x1, s13;
	s31 =	rddreg [dreg:$0x7]  }
0x1e0: {  	p0 =	sne.s32 s13, s31  }
.Ltmp7:
0x1e1: {  	_ = 	snop;
	(pc) =	sbr.rel @p0 .LBB2_1-.Ltmp7, $3  }
0x1e2: {  	_ =	sdelay $0x1  }
0x1e3: {  	[sflag:s18] =	ssyncset.done $0x0  }
0x1e4: {  	[sflag:s18] =	ssyncadd.s32 $0xFFFFD800  }
0x1e5: {  	_ =	sfence.sel $0x180000  }
0x1e6: {  	[bflag:$0x0] =	sbarrier.arrive $0xFFFF  }
0x1e7: {  	_ =	strace $0x9000004A  }
0x1e8: {  	s0 =	stileid.u32;
	[bflag:$0x2] =	sbarrier.arrive $0xFFFF  }
0x1e9: {  	p0 =	sne.s32 s0, $0x0;
	s0 =	rddreg [dreg:$0x2]  }
0x1ea: {  	s0 =	sadd.s32 @!p0 $0x100000, s0  }
0x1eb: {  	[sflag:s0] =	ssyncadd.tile.s32 @!p0 $0x1;
	_ =	shalt  }
.Lfunc_end2:
_tile_overlayer_lowered:
.L_overlay_start_2:
0x1ec: {  	(tag) =	ssettag $0x2  }
0x1ed: {  	s0 =	rddreg [dreg:$0x0];
	s2 =	stileid.u32  }
0x1ee: {  	s1 =	rddreg [dreg:$0x1];
	p0 =	sne.s32 s2, $0x0  }
0x1ef: {  	s3 =	rddreg [dreg:$0x2];
	[bflag:$0x3] =	sbarrier.arrive $0xFFFF;
	s2 =	simm.s32 @!p0 $0x1C03  }
0x1f0: {  	[timem:s3], [sflag:s2] =	dma.local @!p0 [hbm:s0], s1  }
0x1f1: {  	s0 =	simm.s32 @!p0 $0x3  }
0x1f2: {  	_ =	swait.ge @!p0 [sflag:s0], s1  }
0x1f3: {  	s1 =	ssub.s32 @!p0 $0x0, s1;
	[sflag:s0] =	ssyncset.done @!p0 $0x0  }
0x1f4: {  	[sflag:s0] =	ssyncadd.s32 @!p0 s1  }
0x1f5: {  	[bflag:$0x3] =	sbarrier.arrive $0xFFFF  }
0x1f6: {  	_ =	shalt  }

// kernel: kernel.16.cloned.1.call-start
scs
__scs_entry_jumppad:
0x0: {  	(pc) =	sbr.rel $0x88, $3  }
0x1: {  	(tag) =	ssettag $0x0;
	lr =	simm.s32 $0x1  }
0x2: {  	[smem:$0x3F99] =	sst lr;
	_ =	strace $0xD0000000  }
0x3: {  	_ = 	snop  }
0x4: {  	_ = 	snop  }
0x5: {  	_ = 	snop  }
0x6: {  	_ = 	snop  }
0x7: {  	_ = 	snop  }
__scs_overlays_trampoline_lowered:
0x8: {  	[smem:$0x3FA8] =	sst s0  }
0x9: {  	[smem:$0x3FA9] =	sst s1  }
0xa: {  	[smem:$0x3FAA] =	sst s2  }
0xb: {  	[smem:$0x3FAB] =	sst s3  }
0xc: {  	[smem:$0x3FAC] =	sst s4  }
0xd: {  	[smem:$0x3FAD] =	sst s5  }
0xe: {  	[smem:$0x3FAE] =	sst s6  }
0xf: {  	[smem:$0x3FAF] =	sst s7  }
0x10: {  	[smem:$0x3FB0] =	sst s8  }
0x11: {  	[smem:$0x3FB1] =	sst s9;
	s0 =	simm.s32 @!p0 $0x0  }
0x12: {  	s1 =	sld [smem:$0x3F97];
	s0 =	simm.s32 @p0 $0x1  }
0x13: {  	[smem:$0x3FB2] =	sst s0;
	s0 =	simm.s32 @!p1 $0x0  }
0x14: {  	s2 =	sld [smem:$0x3F96];
	s0 =	simm.s32 @p1 $0x1  }
0x15: {  	[smem:$0x3FB3] =	sst s0;
	s0 =	simm.s32 @!p2 $0x0  }
0x16: {  	s3 =	sld [smem:$0x3FDB];
	s0 =	simm.s32 @p2 $0x1  }
0x17: {  	s4 =	simm.s32 $0x1BF5;
	[smem:$0x3FB5] =	sst s0  }
0x18: {  	s0 =	sld [smem:$0x3F98];
	_ =	swait.ge [sflag:s4], $0x0  }
0x19: {  	s7 =	sld [smem:$0x3F99]  }
0x1a: {  	s8 =	sadd.s32 $0xFFFFE003, lr  }
0x1b: {  	s9 =	sadd.s32 $0xFFFFFEF7, lr;
	s5 =	simm.s32 $0xFFFFFFFF;
	p2 =	slt.u32 s8, $0xFFFFF086  }
0x1c: {  	p1 =	slt.u32 s9, $0xF7A;
	s5 =	simm.s32 @!p2 $0x0  }
0x1d: {  	s5 =	simm.s32 @p1 $0x1;
	p0 =	seq.s32 s7, s2  }
0x1e: {  	s7 =	smul.u32 @!p0 $0xF7A, s2;
	p2 =	seq.s32 @!p0 s5, $0x0  }
0x1f: {  	s9 =	smul.u32 $0xF7A, s1;
	s8 =	simm.s32 @!p0 $0x1BF5;
	p2 =	por !p2, p0  }
0x20: {  	[sflag:s8] =	ssyncset.s32 @!p0 $0xFFFFF086;
	s6 =	sadd.s32 @!p0 s3, s7;
	s7 =	simm.s32 @!p0 $0x108  }
0x21: {  	s3 =	sadd.s32 s3, s9;
	s6 =	sadd.s32 @!p0 $0x88, s6;
	s7 =	simm.s32 @p2 $0x1082  }
0x22: {  	[simem:s7], [sflag:s8] =	dma.local @!p0 [hbm:s6], $0xF7A  }
0x23: {  	s9 =	sor.u32 $0xD0000000, s2;
	s6 =	simm.s32 $0x108;
	_ =	swait.ge @!p0 [sflag:s8], $0x0  }
0x24: {  	s3 =	sadd.s32 $0x88, s3;
	s6 =	simm.s32 @!p1 $0x1082;
	[sflag:s4] =	ssyncset.s32 $0xFFFFF086  }
0x25: {  	[simem:s6], [sflag:s4] =	dma.local [hbm:s3], $0xF7A  }
0x26: {  	[smem:$0x3F99] =	sst s1;
	(tag) =	ssettag s2;
	_ =	strace s9  }
0x27: {  	s1 =	sld [smem:$0x3FA9]  }
0x28: {  	s2 =	sld [smem:$0x3FAA]  }
0x29: {  	s4 =	sld [smem:$0x3FAC]  }
0x2a: {  	p0 =	seq.s32 s5, $0x0;
	s5 =	sld [smem:$0x3FAD]  }
0x2b: {  	s6 =	sld [smem:$0x3FAE]  }
0x2c: {  	s7 =	sld [smem:$0x3FAF]  }
0x2d: {  	s3 =	simm.s32 $0x108;
	s8 =	sld [smem:$0x3FB0]  }
0x2e: {  	s3 =	simm.s32 @!p0 $0x1082;
	s9 =	sld [smem:$0x3FB1]  }
0x2f: {  	lr =	sadd.s32 s0, s3;
	s0 =	sld [smem:$0x3FA8]  }
0x30: {  	s3 =	sld [smem:$0x3FAB]  }
0x31: {  	[smem:$0x3FB4] =	sst s10  }
0x32: {  	s10 =	sld [smem:$0x3FB2];
	_ =	sdelay $0x3  }
0x33: {  	p0 =	seq.s32 s10, $0x1;
	s10 =	sld [smem:$0x3FB4];
	_ =	sdelay $0x3  }
0x34: {  	[smem:$0x3FB4] =	sst s10  }
0x35: {  	s10 =	sld [smem:$0x3FB3];
	_ =	sdelay $0x3  }
0x36: {  	p1 =	seq.s32 s10, $0x1;
	s10 =	sld [smem:$0x3FB4];
	_ =	sdelay $0x3  }
0x37: {  	[smem:$0x3FB4] =	sst s10  }
0x38: {  	s10 =	sld [smem:$0x3FB5]  }
0x39: {  	_ = 	snop;
	(pc) =	sbr.ind lr, $3  }
0x3a: {  	_ = 	snop  }
0x3b: {  	_ = 	snop  }
0x3c: {  	p2 =	seq.s32 s10, $0x1;
	s10 =	sld [smem:$0x3FB4]  }
0x3d: {  	_ =	shalt  }
0x3e: {  	_ =	shalt  }
0x3f: {  	_ =	shalt  }
0x40: {  	_ =	shalt  }
0x41: {  	_ =	shalt  }
0x42: {  	_ =	shalt  }
0x43: {  	_ =	shalt  }
0x44: {  	_ =	shalt  }
0x45: {  	_ =	shalt  }
0x46: {  	_ =	shalt  }
0x47: {  	_ =	shalt  }
0x48: {  	_ =	shalt  }
0x49: {  	_ =	shalt  }
0x4a: {  	_ =	shalt  }
0x4b: {  	_ =	shalt  }
0x4c: {  	_ =	shalt  }
0x4d: {  	_ =	shalt  }
0x4e: {  	_ =	shalt  }
0x4f: {  	_ =	shalt  }
0x50: {  	_ =	shalt  }
0x51: {  	_ =	shalt  }
0x52: {  	_ =	shalt  }
0x53: {  	_ =	shalt  }
0x54: {  	_ =	shalt  }
0x55: {  	_ =	shalt  }
0x56: {  	_ =	shalt  }
0x57: {  	_ =	shalt  }
0x58: {  	_ =	shalt  }
0x59: {  	_ =	shalt  }
0x5a: {  	_ =	shalt  }
0x5b: {  	_ =	shalt  }
0x5c: {  	_ =	shalt  }
0x5d: {  	_ =	shalt  }
0x5e: {  	_ =	shalt  }
0x5f: {  	_ =	shalt  }
0x60: {  	_ =	shalt  }
0x61: {  	_ =	shalt  }
0x62: {  	_ =	shalt  }
0x63: {  	_ =	shalt  }
0x64: {  	_ =	shalt  }
0x65: {  	_ =	shalt  }
0x66: {  	_ =	shalt  }
0x67: {  	_ =	shalt  }
0x68: {  	_ =	shalt  }
0x69: {  	_ =	shalt  }
0x6a: {  	_ =	shalt  }
0x6b: {  	_ =	shalt  }
0x6c: {  	_ =	shalt  }
0x6d: {  	_ =	shalt  }
0x6e: {  	_ =	shalt  }
0x6f: {  	_ =	shalt  }
0x70: {  	_ =	shalt  }
0x71: {  	_ =	shalt  }
0x72: {  	_ =	shalt  }
0x73: {  	_ =	shalt  }
0x74: {  	_ =	shalt  }
0x75: {  	_ =	shalt  }
0x76: {  	_ =	shalt  }
0x77: {  	_ =	shalt  }
0x78: {  	_ =	shalt  }
0x79: {  	_ =	shalt  }
0x7a: {  	_ =	shalt  }
0x7b: {  	_ =	shalt  }
0x7c: {  	_ =	shalt  }
0x7d: {  	_ =	shalt  }
0x7e: {  	_ =	shalt  }
0x7f: {  	_ =	shalt  }
0x80: {  	_ =	shalt  }
0x81: {  	_ =	shalt  }
0x82: {  	_ =	shalt  }
0x83: {  	_ =	shalt  }
0x84: {  	_ =	shalt  }
0x85: {  	_ =	shalt  }
0x86: {  	_ =	shalt  }
0x87: {  	_ =	shalt  }
.Lfunc_end0:
.L_simem_size_0:
called_computation.2_lowered:
.L_overlay_start_0:
0x88: {  	s2 =	sld [smem:$0x3FD9]  }
0x89: {  	s3 =	sld [smem:$0x3FFE];
	_ =	sdelay $0x1  }
0x8a: {  	s1 =	srdreg.scid  }
0x8b: {  	s0 =	sand.u32 $0x1, s1  }
0x8c: {  	s16 =	sshll.u32 s0, $0xA;
	s2 =	sadd.s32 s3, s2  }
0x8d: {  	s2 =	sadd.s32 s2, s16  }
0x8e: {  	[smem:$0x3FC0] =	sst s2  }
0x8f: {  	_ = 	snop  }
0x90: {  	(tm) =	ssettm $0x1  }
0x91: {  	s17 =	sld [smem:$0x3FFB];
	_ =	sdelay $0x3  }
0x92: {  	_ =	strace s17  }
0x93: {  	s2 =	sld [smem:$0x3FFC];
	_ =	sdelay $0x3  }
0x94: {  	_ =	strace s2  }
0x95: {  	s2 =	sld [smem:$0x3FFD];
	_ =	sdelay $0x3  }
0x96: {  	_ =	strace s2  }
0x97: {  	_ =	strace $0x8FFFFFFF  }
0x98: {  	s18 =	sld [smem:$0x3FDB];
	_ =	sdelay $0x1  }
0x99: {  	s19 =	simm.s32 $_scs_section_size  }
0x9a: {  	s4 =	simm.s32 $_size__tile_overlayer_lowered;
	s5 =	simm.s32 $_tile_overlayer_lowered  }
0x9b: {  	s22 =	simm.s32 $0x1BFF;
	s21 =	sshll.u32 s5, $0x1;
	s2 =	sadd.s32 s19, s18  }
0x9c: {  	s6 =	simm.s32 $0x0;
	s20 =	sshll.u32 s4, $0x1;
	s4 =	sadd.s32 s21, s2  }
0x9d: {  	[timem:s6], [sflag:s22] =	dma.local [hbm:s4], s20  }
0x9e: {  	_ =	swait.ge [sflag:s22], s20  }
0x9f: {  	s3 =	ssub.s32 $0x0, s20;
	[sflag:s22] =	ssyncset.done $0x0  }
0xa0: {  	[sflag:s22] =	ssyncadd.s32 s3;
	_ =	sdelay $0x1  }
0xa1: {  	s23 =	simm.s32 $0x1B8B  }
0xa2: {  	_ =	swait.ge [sflag:s23], $0x1  }
0xa3: {  	[sflag:s23] =	ssyncset.done $0x0  }
0xa4: {  	s25 =	simm.s32 $0x1B8E;
	s24 =	sld [smem:$0x3FFE];
	[sflag:s23] =	ssyncadd.s32 $0xFFFFFFFF  }
0xa5: {  	s26 =	simm.s32 $execute0_lowered;
	[smem:$0x3FD2] =	sst s25  }
0xa6: {  	s4 =	sshll.u32 s26, $0x1;
	_ =	strace $0x8000004C;
	[dreg:$0x1] =	wrdreg $0xFFFFFFFF  }
0xa7: {  	s28 =	simm.s32 $_size_execute0_lowered;
	s2 =	sadd.s32 s2, s4;
	[dreg:$0x0] =	wrdreg $0x0  }
0xa8: {  	s4 =	sshll.u32 s28, $0x1;
	[dreg:$0x2] =	wrdreg s2  }
0xa9: {  	[dreg:$0x3] =	wrdreg s4  }
0xaa: {  	[dreg:$0x4] =	wrdreg $0xC0  }
0xab: {  	_ =	task [dreg:s6], $0x5FFFF  }
0xac: {  	[dreg:$0x1] =	wrdreg $0xFFFFFFFF  }
0xad: {  	[dreg:$0x0] =	wrdreg $0x60  }
0xae: {  	[dreg:$0x2] =	wrdreg s24  }
0xaf: {  	[dreg:$0x3] =	wrdreg $0x128000  }
0xb0: {  	[dreg:$0x4] =	wrdreg $0x9  }
0xb1: {  	_ =	task.clear_ibuf [dreg:s6], $0x5FFFF;
	_ =	strace $0x9000004C  }
0xb2: {  	s29 =	simm.s32 $0x9;
	_ =	strace $0x8000004E  }
0xb3: {  	_ =	swait.ge [sflag:s29], $0x1  }
0xb4: {  	[sflag:s29] =	ssyncadd.s32 $0xFFFFFFFF  }
0xb5: {  	_ =	strace $0x9000004E  }
0xb6: {  	_ =	sfence  }
0xb7: {  	s30 =	sld [smem:$0x0];
	_ =	sdelay $0x2  }
0xb8: {  	s31 =	sshll.u32 s1, $0xD;
	s1 =	sshrl.u32 s1, $0x2  }
0xb9: {  	s3 =	sand.u32 $0x4000, s31;
	s1 =	sadd.s32 s1, s30  }
0xba: {  	s0 =	sor.u32 s3, s0;
	s1 =	sshll.u32 s1, $0x11  }
0xbb: {  	s0 =	sor.u32 s1, s0  }
0xbc: {  	s0 =	sadd.s32 $0x8F2B, s0  }
0xbd: {  	[sflag:s0] =	ssyncadd.remote.s32 $0x1  }
0xbe: {  	_ =	sfence.sel $0xFFFF  }
0xbf: {  	[dreg:$0x0] =	wrdreg $0xFFFFFFFF;
	(pc) =	sbr.abs _section_cstart, $3  }
0xc0: {  	[dreg:$0x1] =	wrdreg $0xFFFFFFFF  }
0xc1: {  	_ =	task.clear_ibuf [dreg:s6], $0x2FFFF;
	_ =	strace $0x9FFFFFFF  }
0xc2: {  	(tm) =	ssettm $0x7FFFFFFF  }
0xc3: {  	_ =	shalt  }
tec
execute0_lowered:
.L_overlay_start_1:
0x0: {  	(tag) =	ssettag $0x1  }
0x1: {  	s0 =	rddreg [dreg:$0x0]  }
0x2: {  	s1 =	rddreg [dreg:$0x1];
	s2 =	simm.s32 $0x0  }
0x3: {  	s3 =	srdreg.scid;
	s9 =	stileid.u32;
	s18 =	simm.s32 $0x3  }
0x4: {  	s19 =	simm.s32 $0x8000;
	s20 =	simm.s32 $0x50;
	s22 =	simm.s32 $0xB000  }
0x5: {  	s23 =	simm.s32 $0x1;
	s24 =	simm.s32 $0xD800;
	s25 =	simm.s32 $0x10000  }
0x6: {  	s26 =	simm.s32 $0x2;
	s21 =	simm.s32 $0x7E00;
	[smem:$0x7FF] =	sst s2  }
0x7: {  	s4 =	sadd.s32 $0xCC00, s0;
	s3 =	sand.u32 $0x1, s3;
	s7 =	smul.u32 $0x28000, s9  }
0x8: {  	s5 =	sadd.s32 $0x2E00, s0;
	s0 =	sadd.s32 $0x5CC00, s0;
	s10 =	smul.u32 $0xA000, s9  }
0x9: {  	_ =	strace $0x8000004D;
	s6 =	ssub.s32 $0x2, s3;
	s13 =	smul.u32 $0x1388, s3  }
0xa: {  	s3 =	smul.u32 $0xA0000, s3;
	s8 =	sshrl.u32 s6, $0x1;
	s29 =	sshrl.u32 s7, $0x2  }
0xb: {  	s14 =	sadd.s32 $0x2800, s10;
	s15 =	sadd.s32 $0x5000, s10;
	s16 =	sadd.s32 $0x7800, s10  }
0xc: {  	s12 =	ssub.s32 s6, s8;
	s6 =	sadd.s32 s29, s1;
	s7 =	sadd.s32 s14, s1  }
0xd: {  	s8 =	smul.u32 $0x4E20, s9;
	s9 =	sadd.s32 s15, s1;
	s17 =	sadd.s32 s10, s3  }
0xe: {  	s10 =	sadd.s32 s16, s1;
	s14 =	sadd.s32 s3, s14;
	s15 =	sadd.s32 s3, s15  }
0xf: {  	s3 =	sadd.s32 s3, s16;
	v0 =	vmov s13;
	s13 =	simm.s32 $0x0;
	s17 =	sshrl.u32 s17, $0x3  }
0x10: {  	s14 =	sshrl.u32 s14, $0x3;
	s15 =	sshrl.u32 s15, $0x3;
	s31 =	smax.u32 s12, $0x1  }
0x11: {  	s3 =	sshrl.u32 s3, $0x3;
	s17 =	sadd.s32 s0, s17;
	[dreg:$0x7] =	wrdreg s31  }
0x12: {  	s12 =	simm.s32 $0x3E00;
	s14 =	sadd.s32 s0, s14;
	[dreg:$0x3] =	wrdreg s17  }
0x13: {  	s11 =	sadd.s32 $0x2710, s8;
	s30 =	sadd.s32 s0, s15;
	[dreg:$0x4] =	wrdreg s14  }
0x14: {  	s0 =	sadd.s32 s0, s3;
	s3 =	simm.s32 $0x7D80;
	[dreg:$0x5] =	wrdreg s30  }
0x15: {  	v1 =	vimm.f32 $0.0e+00;
	[dreg:$0x6] =	wrdreg s0;
	s17 =	simm.s32 $0x8800;
	s0 =	simm.s32 $0x7D00  }
.LBB2_1:
0x16: {  	s14 =	sand.u32 $0xFE00, s2  }
0x17: {  	s15 =	sand.u32 $0x70, s2;
	s16 =	sshrl.u32 s14, $0x2  }
0x18: {  	s14 =	simm.s32 $0x40;
	s16 =	sor.u32 s15, s16;
	s15 =	simm.s32 $0x0  }
.LBB2_2:
0x19: {  	p0 =	sne.s32 s14, $0x9FC0  }
0x1a: {  	[tilespmem:s16+$0x8800] =	vst v1;
	s15 =	sadd.s32 $0x10, s15;
	s16 =	smov.u32 s14;
	s14 =	sadd.s32 $0x40, s14  }
.Ltmp0:
0x1b: {  	(pc) =	sbr.rel @p0 .LBB2_2-.Ltmp0, $4  }
0x1c: {  	_ = 	snop  }
0x1d: {  	s16 =	sand.u32 $0xFE00, s16  }
0x1e: {  	s28 =	sand.u32 $0x70, s15;
	s16 =	sshrl.u32 s16, $0x2  }
0x1f: {  	s16 =	sor.u32 s28, s16  }
0x20: {  	[tilespmem:s16+$0x8800] =	vst v1  }
0x21: {  	[spmem:s6] =	stream.linear.scatter [tilespmem:s17], [sflag:$0x3], $0x2800, $0x38;
	[tilespmem:$0x1C800] =	vst v63  }
0x22: {  	_ =	swait.ge [sflag:s18], $0x2800  }
0x23: {  	[sflag:s18] =	ssyncset.done $0x0  }
0x24: {  	[sflag:s18] =	ssyncadd.s32 $0xFFFFD800  }
0x25: {  	[spmem:s7] =	stream.linear.scatter [tilespmem:s17], [sflag:$0x3], $0x2800, $0x38;
	[tilespmem:$0x1C800] =	vst v63  }
0x26: {  	_ =	swait.ge [sflag:s18], $0x2800  }
0x27: {  	[sflag:s18] =	ssyncset.done $0x0  }
0x28: {  	[sflag:s18] =	ssyncadd.s32 $0xFFFFD800  }
0x29: {  	[spmem:s9] =	stream.linear.scatter [tilespmem:s17], [sflag:$0x3], $0x2800, $0x38;
	[tilespmem:$0x1C800] =	vst v63  }
0x2a: {  	_ =	swait.ge [sflag:s18], $0x2800  }
0x2b: {  	[sflag:s18] =	ssyncset.done $0x0  }
0x2c: {  	[sflag:s18] =	ssyncadd.s32 $0xFFFFD800  }
0x2d: {  	[spmem:s10] =	stream.linear.scatter [tilespmem:s17], [sflag:$0x3], $0x2800, $0x38;
	[tilespmem:$0x1C800] =	vst v63  }
0x2e: {  	_ =	swait.ge [sflag:s18], $0x2800  }
0x2f: {  	[sflag:s18] =	ssyncset.done $0x0  }
0x30: {  	s14 =	simm.s32 $0x0;
	s28 =	simm.s32 $0x4020;
	[sflag:s18] =	ssyncadd.s32 $0xFFFFD800  }
0x31: {  	s15 =	simm.s32 $0x20;
	s29 =	simm.s32 $0x0;
	[bflag:$0x0] =	sbarrier.arrive $0xFFFF  }
.LBB2_4:
0x32: {  	s16 =	smul.u32 $0x7D0, s29;
	_ =	sdelay $0x1  }
0x33: {  	s16 =	sadd.s32 s8, s16  }
0x34: {  	s16 =	sshrl.u32 s16, $0x3  }
0x35: {  	s16 =	sadd.s32 s5, s16  }
0x36: {  	[tilespmem:s19], [sflag:$0x3] =	stream.linear.gather [hbm4b:s16+s14], $0x7D0, $0x38;
	[tilespmem:$0x1C800] =	vst v63  }
0x37: {  	_ =	swait.ge [sflag:s18], $0x7D0  }
0x38: {  	[sflag:s18] =	ssyncset.done $0x0  }
0x39: {  	s16 =	simm.s32 $0x8020;
	[sflag:s18] =	ssyncadd.s32 $0xFFFFF830  }
0x3a: {  	v4 =	vld [tilespmem:s16+$0xFFFFFFE0];
	_ =	sdelay $0x2  }
0x3b: {  	v3 =	vmov s15  }
0x3c: {  	v2 =	vmov s28  }
0x3d: {  	v5 =	vshrl.u32 v4, $0x10  }
0x3e: {  	v6 =	vsub.s32 v5, v0;
	v5 =	vand.u32 $0x3F, v5  }
0x3f: {  	s30 =	simm.s32 $0x0;
	v4 =	vand.u32 $0xFFFF, v4;
	vm0 =	vlt.u32 v6, $0x1388;
	v5 =	vadd.s32 $0x1388, v5  }
0x40: {  	[tilespmem:v3+s30+$0xFFFFFFE0 ss:$0x1] =	vst.idx.msk $0xffff, v4;
	v4 =	vsel vm0, v6, v5  }
0x41: {  	[tilespmem:v2+s30+$0xFFFFFFE0 ss:$0x1] =	vst.idx.msk $0xffff, v4  }
0x42: {  	v4 =	vld [tilespmem:s16+$0xFFFFFFF0];
	_ =	sdelay $0x4  }
0x43: {  	v5 =	vshrl.u32 v4, $0x10  }
0x44: {  	v6 =	vsub.s32 v5, v0;
	v5 =	vand.u32 $0x3F, v5  }
0x45: {  	v4 =	vand.u32 $0xFFFF, v4;
	vm12 =	vlt.u32 v6, $0x1388;
	v5 =	vadd.s32 $0x1388, v5  }
0x46: {  	[tilespmem:v3+s30+$0xFFFFFFF0 ss:$0x1] =	vst.idx.msk $0xffff, v4;
	v4 =	vsel vm12, v6, v5  }
0x47: {  	[tilespmem:v2+s30+$0xFFFFFFF0 ss:$0x1] =	vst.idx.msk $0xffff, v4  }
0x48: {  	v4 =	vld [tilespmem:s16+$0x0];
	_ =	sdelay $0x4  }
0x49: {  	v5 =	vshrl.u32 v4, $0x10  }
0x4a: {  	v6 =	vsub.s32 v5, v0;
	v5 =	vand.u32 $0x3F, v5  }
0x4b: {  	v4 =	vand.u32 $0xFFFF, v4;
	vm13 =	vlt.u32 v6, $0x1388;
	v5 =	vadd.s32 $0x1388, v5  }
0x4c: {  	[tilespmem:v3+s30+$0x0 ss:$0x1] =	vst.idx.msk $0xffff, v4;
	v4 =	vsel vm13, v6, v5  }
0x4d: {  	[tilespmem:v2+s30+$0x0 ss:$0x1] =	vst.idx.msk $0xffff, v4  }
0x4e: {  	v4 =	vld [tilespmem:s16+$0x10];
	_ =	sdelay $0x4  }
0x4f: {  	v5 =	vshrl.u32 v4, $0x10  }
0x50: {  	v6 =	vsub.s32 v5, v0;
	v5 =	vand.u32 $0x3F, v5  }
0x51: {  	v4 =	vand.u32 $0xFFFF, v4;
	vm14 =	vlt.u32 v6, $0x1388;
	v5 =	vadd.s32 $0x1388, v5  }
0x52: {  	[tilespmem:v3+s30+$0x10 ss:$0x1] =	vst.idx.msk $0xffff, v4;
	v4 =	vsel vm14, v6, v5  }
0x53: {  	[tilespmem:v2+s30+$0x10 ss:$0x1] =	vst.idx.msk $0xffff, v4  }
0x54: {  	v4 =	vld [tilespmem:s16+$0x20];
	_ =	sdelay $0x4  }
0x55: {  	v5 =	vshrl.u32 v4, $0x10  }
0x56: {  	v6 =	vsub.s32 v5, v0;
	v5 =	vand.u32 $0x3F, v5  }
0x57: {  	v4 =	vand.u32 $0xFFFF, v4;
	vm15 =	vlt.u32 v6, $0x1388;
	v5 =	vadd.s32 $0x1388, v5  }
0x58: {  	s31 =	simm.s32 $0x200;
	[tilespmem:v3+s30+$0x20 ss:$0x1] =	vst.idx.msk $0xffff, v4;
	v4 =	vsel vm15, v6, v5  }
.LBB2_5:
0x59: {  	p0 =	sne.s32 s31, $0x3000  }
0x5a: {  	[tilespmem:v2+s30+$0x20 ss:$0x1] =	vst.idx.msk $0xffff, v4;
	s16 =	sadd.s32 $0x50, s16;
	s30 =	smov.u32 s31;
	s31 =	sadd.s32 $0x200, s31  }
0x5b: {  	v4 =	vld [tilespmem:s16+$0xFFFFFFE0];
	_ =	sdelay $0x4  }
0x5c: {  	v5 =	vshrl.u32 v4, $0x10;
	v4 =	vand.u32 $0xFFFF, v4  }
0x5d: {  	v6 =	vsub.s32 v5, v0;
	v5 =	vand.u32 $0x3F, v5  }
0x5e: {  	s30 =	sshra.s32 s30, $0x2;
	vm0 =	vlt.u32 v6, $0x1388;
	v5 =	vadd.s32 $0x1388, v5  }
0x5f: {  	[tilespmem:v3+s30+$0xFFFFFFE0 ss:$0x1] =	vst.idx.msk $0xffff, v4;
	v4 =	vsel vm0, v6, v5  }
0x60: {  	[tilespmem:v2+s30+$0xFFFFFFE0 ss:$0x1] =	vst.idx.msk $0xffff, v4  }
0x61: {  	v4 =	vld [tilespmem:s16+$0xFFFFFFF0];
	_ =	sdelay $0x4  }
0x62: {  	v5 =	vshrl.u32 v4, $0x10;
	v4 =	vand.u32 $0xFFFF, v4  }
0x63: {  	v6 =	vsub.s32 v5, v0;
	v5 =	vand.u32 $0x3F, v5  }
0x64: {  	vm0 =	vlt.u32 v6, $0x1388;
	v5 =	vadd.s32 $0x1388, v5  }
0x65: {  	[tilespmem:v3+s30+$0xFFFFFFF0 ss:$0x1] =	vst.idx.msk $0xffff, v4;
	v4 =	vsel vm0, v6, v5  }
0x66: {  	[tilespmem:v2+s30+$0xFFFFFFF0 ss:$0x1] =	vst.idx.msk $0xffff, v4  }
0x67: {  	v4 =	vld [tilespmem:s16+$0x0];
	_ =	sdelay $0x4  }
0x68: {  	v5 =	vshrl.u32 v4, $0x10;
	v4 =	vand.u32 $0xFFFF, v4  }
0x69: {  	v6 =	vsub.s32 v5, v0;
	[tilespmem:v3+s30+$0x0 ss:$0x1] =	vst.idx.msk $0xffff, v4;
	v4 =	vand.u32 $0x3F, v5  }
0x6a: {  	vm0 =	vlt.u32 v6, $0x1388;
	v4 =	vadd.s32 $0x1388, v4  }
0x6b: {  	v4 =	vsel vm0, v6, v4  }
0x6c: {  	[tilespmem:v2+s30+$0x0 ss:$0x1] =	vst.idx.msk $0xffff, v4  }
0x6d: {  	v4 =	vld [tilespmem:s16+$0x10];
	_ =	sdelay $0x4  }
0x6e: {  	v5 =	vshrl.u32 v4, $0x10;
	v4 =	vand.u32 $0xFFFF, v4  }
0x6f: {  	v6 =	vsub.s32 v5, v0;
	[tilespmem:v3+s30+$0x10 ss:$0x1] =	vst.idx.msk $0xffff, v4;
	v4 =	vand.u32 $0x3F, v5  }
0x70: {  	vm0 =	vlt.u32 v6, $0x1388;
	v4 =	vadd.s32 $0x1388, v4  }
0x71: {  	v4 =	vsel vm0, v6, v4  }
0x72: {  	[tilespmem:v2+s30+$0x10 ss:$0x1] =	vst.idx.msk $0xffff, v4  }
0x73: {  	v4 =	vld [tilespmem:s16+$0x20];
	_ =	sdelay $0x3  }
.Ltmp1:
0x74: {  	(pc) =	sbr.rel @p0 .LBB2_5-.Ltmp1, $4  }
0x75: {  	v5 =	vshrl.u32 v4, $0x10;
	v4 =	vand.u32 $0xFFFF, v4  }
0x76: {  	v6 =	vsub.s32 v5, v0;
	[tilespmem:v3+s30+$0x20 ss:$0x1] =	vst.idx.msk $0xffff, v4;
	v4 =	vand.u32 $0x3F, v5  }
0x77: {  	vm0 =	vlt.u32 v6, $0x1388;
	v4 =	vadd.s32 $0x1388, v4  }
0x78: {  	v4 =	vsel vm0, v6, v4  }
0x79: {  	s29 =	sadd.s32 $0x1, s29  }
0x7a: {  	p0 =	sne.s32 s29, $0x5  }
.Ltmp2:
0x7b: {  	_ = 	snop;
	(pc) =	sbr.rel @p0 .LBB2_4-.Ltmp2, $2  }
0x7c: {  	_ =	sdelay $0x2  }
0x7d: {  	[tilespmem:v2+s30+$0x20 ss:$0x1] =	vst.idx.msk $0xffff, v4;
	s28 =	sadd.s32 $0xC80, s28;
	s15 =	sadd.s32 $0xC80, s15  }
0x7e: {  	s14 =	simm.s32 $0x0  }
0x7f: {  	[tilespmem:s17], [sflag:$0x1] =	stream.indirect.gather [hbm4b:s4+s20], $0x80, s14, s20, $0xb8;
	[tilespmem:$0x1C800] =	vst v63  }
0x80: {  	s29 =	simm.s32 $0x80  }
0x81: {  	[tilespmem:s22], [sflag:$0x1] =	stream.indirect.gather [hbm4b:s4+s20], $0x80, s29, s20, $0xb8;
	[tilespmem:$0x1C800] =	vst v63  }
0x82: {  	_ =	swait.ge [sflag:s23], $0x2800  }
0x83: {  	[sflag:s23] =	ssyncset.done $0x0  }
0x84: {  	[sflag:s23] =	ssyncadd.s32 $0xFFFFD800  }
0x85: {  	_ =	swait.ge [sflag:s23], $0x2800  }
0x86: {  	[sflag:s23] =	ssyncset.done $0x0  }
0x87: {  	s30 =	simm.s32 $0x100;
	[sflag:s23] =	ssyncadd.s32 $0xFFFFD800  }
0x88: {  	[tilespmem:s24], [sflag:$0x1] =	stream.indirect.gather [hbm4b:s4+s20], $0x80, s30, s20, $0xb8;
	[tilespmem:$0x1C800] =	vst v63  }
0x89: {  	s31 =	simm.s32 $0x180  }
0x8a: {  	[tilespmem:s25], [sflag:$0x1] =	stream.indirect.gather [hbm4b:s4+s20], $0x80, s31, s20, $0xb8;
	[tilespmem:$0x1C800] =	vst v63  }
0x8b: {  	s15 =	simm.s32 $0x4000  }
0x8c: {  	[spmem:s1] =	stream.indirect.scatter.add.f32 [tilespmem:s17], [sflag:$0x2], $0x80, s15, s20, $0xb8;
	[tilespmem:$0x1C800] =	vst v63  }
0x8d: {  	s16 =	simm.s32 $0x4080  }
0x8e: {  	[spmem:s1] =	stream.indirect.scatter.add.f32 [tilespmem:s22], [sflag:$0x2], $0x80, s16, s20, $0xb8;
	[tilespmem:$0x1C800] =	vst v63  }
0x8f: {  	_ =	swait.ge [sflag:s26], $0x2800  }
0x90: {  	[sflag:s26] =	ssyncset.done $0x0  }
0x91: {  	[sflag:s26] =	ssyncadd.s32 $0xFFFFD800  }
0x92: {  	_ =	swait.ge [sflag:s26], $0x2800  }
0x93: {  	[sflag:s26] =	ssyncset.done $0x0  }
0x94: {  	[sflag:s26] =	ssyncadd.s32 $0xFFFFD800  }
0x95: {  	_ =	swait.ge [sflag:s23], $0x2800  }
0x96: {  	[sflag:s23] =	ssyncset.done $0x0  }
0x97: {  	[sflag:s23] =	ssyncadd.s32 $0xFFFFD800  }
0x98: {  	_ =	swait.ge [sflag:s23], $0x2800  }
0x99: {  	[sflag:s23] =	ssyncset.done $0x0  }
0x9a: {  	s28 =	simm.s32 $0x200;
	[sflag:s23] =	ssyncadd.s32 $0xFFFFD800  }
0x9b: {  	[tilespmem:s17], [sflag:$0x1] =	stream.indirect.gather [hbm4b:s4+s20], $0x80, s28, s20, $0xb8;
	[tilespmem:$0x1C800] =	vst v63  }
0x9c: {  	s29 =	simm.s32 $0x280  }
0x9d: {  	[tilespmem:s22], [sflag:$0x1] =	stream.indirect.gather [hbm4b:s4+s20], $0x80, s29, s20, $0xb8;
	[tilespmem:$0x1C800] =	vst v63  }
0x9e: {  	s30 =	simm.s32 $0x4100  }
0x9f: {  	[spmem:s1] =	stream.indirect.scatter.add.f32 [tilespmem:s24], [sflag:$0x2], $0x80, s30, s20, $0xb8;
	[tilespmem:$0x1C800] =	vst v63  }
0xa0: {  	s31 =	simm.s32 $0x4180  }
0xa1: {  	[spmem:s1] =	stream.indirect.scatter.add.f32 [tilespmem:s25], [sflag:$0x2], $0x80, s31, s20, $0xb8;
	[tilespmem:$0x1C800] =	vst v63  }
0xa2: {  	_ =	swait.ge [sflag:s26], $0x2800  }
0xa3: {  	[sflag:s26] =	ssyncset.done $0x0  }
0xa4: {  	[sflag:s26] =	ssyncadd.s32 $0xFFFFD800  }
0xa5: {  	_ =	swait.ge [sflag:s26], $0x2800  }
0xa6: {  	s14 =	simm.s32 $0x800;
	[sflag:s26] =	ssyncset.done $0x0  }
.LBB2_8:
0xa7: {  	p0 =	sne.s32 s14, $0xE800  }
0xa8: {  	[sflag:s26] =	ssyncadd.s32 $0xFFFFD800;
	s15 =	smov.u32 s14;
	s14 =	sadd.s32 $0x800, s14  }
0xa9: {  	_ =	swait.ge [sflag:s23], $0x2800  }
0xaa: {  	[sflag:s23] =	ssyncset.done $0x0  }
0xab: {  	[sflag:s23] =	ssyncadd.s32 $0xFFFFD800  }
0xac: {  	_ =	swait.ge [sflag:s23], $0x2800  }
0xad: {  	s15 =	sshra.s32 s15, $0x2;
	[sflag:s23] =	ssyncset.done $0x0  }
0xae: {  	s16 =	sadd.s32 $0x100, s15;
	[sflag:s23] =	ssyncadd.s32 $0xFFFFD800  }
0xaf: {  	[tilespmem:s24], [sflag:$0x1] =	stream.indirect.gather [hbm4b:s4+s20], $0x80, s16, s20, $0xb8;
	[tilespmem:$0x1C800] =	vst v63  }
0xb0: {  	s16 =	sadd.s32 $0x180, s15  }
0xb1: {  	[tilespmem:s25], [sflag:$0x1] =	stream.indirect.gather [hbm4b:s4+s20], $0x80, s16, s20, $0xb8;
	[tilespmem:$0x1C800] =	vst v63  }
0xb2: {  	s16 =	sadd.s32 $0x4000, s15  }
0xb3: {  	[spmem:s1] =	stream.indirect.scatter.add.f32 [tilespmem:s17], [sflag:$0x2], $0x80, s16, s20, $0xb8;
	[tilespmem:$0x1C800] =	vst v63  }
0xb4: {  	s16 =	sadd.s32 $0x4080, s15  }
0xb5: {  	[spmem:s1] =	stream.indirect.scatter.add.f32 [tilespmem:s22], [sflag:$0x2], $0x80, s16, s20, $0xb8;
	[tilespmem:$0x1C800] =	vst v63  }
0xb6: {  	_ =	swait.ge [sflag:s26], $0x2800  }
0xb7: {  	[sflag:s26] =	ssyncset.done $0x0  }
0xb8: {  	[sflag:s26] =	ssyncadd.s32 $0xFFFFD800  }
0xb9: {  	_ =	swait.ge [sflag:s26], $0x2800  }
0xba: {  	[sflag:s26] =	ssyncset.done $0x0  }
0xbb: {  	[sflag:s26] =	ssyncadd.s32 $0xFFFFD800  }
0xbc: {  	_ =	swait.ge [sflag:s23], $0x2800  }
0xbd: {  	[sflag:s23] =	ssyncset.done $0x0  }
0xbe: {  	[sflag:s23] =	ssyncadd.s32 $0xFFFFD800  }
0xbf: {  	_ =	swait.ge [sflag:s23], $0x2800  }
0xc0: {  	[sflag:s23] =	ssyncset.done $0x0  }
0xc1: {  	s16 =	sadd.s32 $0x200, s15;
	[sflag:s23] =	ssyncadd.s32 $0xFFFFD800  }
0xc2: {  	[tilespmem:s17], [sflag:$0x1] =	stream.indirect.gather [hbm4b:s4+s20], $0x80, s16, s20, $0xb8;
	[tilespmem:$0x1C800] =	vst v63  }
0xc3: {  	s16 =	sadd.s32 $0x280, s15  }
0xc4: {  	[tilespmem:s22], [sflag:$0x1] =	stream.indirect.gather [hbm4b:s4+s20], $0x80, s16, s20, $0xb8;
	[tilespmem:$0x1C800] =	vst v63  }
0xc5: {  	s16 =	sadd.s32 $0x4100, s15  }
0xc6: {  	[spmem:s1] =	stream.indirect.scatter.add.f32 [tilespmem:s24], [sflag:$0x2], $0x80, s16, s20, $0xb8;
	[tilespmem:$0x1C800] =	vst v63  }
0xc7: {  	s15 =	sadd.s32 $0x4180, s15  }
0xc8: {  	[spmem:s1] =	stream.indirect.scatter.add.f32 [tilespmem:s25], [sflag:$0x2], $0x80, s15, s20, $0xb8;
	[tilespmem:$0x1C800] =	vst v63  }
.Ltmp3:
0xc9: {  	_ =	swait.ge [sflag:s26], $0x2800;
	(pc) =	sbr.rel @p0 .LBB2_8-.Ltmp3, $4  }
0xca: {  	[sflag:s26] =	ssyncset.done $0x0  }
0xcb: {  	[sflag:s26] =	ssyncadd.s32 $0xFFFFD800  }
0xcc: {  	_ =	swait.ge [sflag:s26], $0x2800  }
0xcd: {  	[sflag:s26] =	ssyncset.done $0x0  }
0xce: {  	[sflag:s26] =	ssyncadd.s32 $0xFFFFD800  }
0xcf: {  	_ =	swait.ge [sflag:s23], $0x2800  }
0xd0: {  	[sflag:s23] =	ssyncset.done $0x0  }
0xd1: {  	[sflag:s23] =	ssyncadd.s32 $0xFFFFD800  }
0xd2: {  	_ =	swait.ge [sflag:s23], $0x2800  }
0xd3: {  	[sflag:s23] =	ssyncset.done $0x0  }
0xd4: {  	s14 =	simm.s32 $0x3D00;
	[sflag:s23] =	ssyncadd.s32 $0xFFFFD800  }
0xd5: {  	[tilespmem:s24], [sflag:$0x1] =	stream.indirect.gather [hbm4b:s4+s20], $0x80, s14, s20, $0xb8;
	[tilespmem:$0x1C800] =	vst v63  }
0xd6: {  	s16 =	simm.s32 $0x3D80  }
0xd7: {  	[tilespmem:s25], [sflag:$0x1] =	stream.indirect.gather [hbm4b:s4+s20], $0x80, s16, s20, $0xb8;
	[tilespmem:$0x1C800] =	vst v63  }
0xd8: {  	s30 =	simm.s32 $0x7C00  }
0xd9: {  	[spmem:s1] =	stream.indirect.scatter.add.f32 [tilespmem:s17], [sflag:$0x2], $0x80, s30, s20, $0xb8;
	[tilespmem:$0x1C800] =	vst v63  }
0xda: {  	s31 =	simm.s32 $0x7C80  }
0xdb: {  	[spmem:s1] =	stream.indirect.scatter.add.f32 [tilespmem:s22], [sflag:$0x2], $0x80, s31, s20, $0xb8;
	[tilespmem:$0x1C800] =	vst v63  }
0xdc: {  	_ =	swait.ge [sflag:s26], $0x2800  }
0xdd: {  	[sflag:s26] =	ssyncset.done $0x0  }
0xde: {  	[sflag:s26] =	ssyncadd.s32 $0xFFFFD800  }
0xdf: {  	_ =	swait.ge [sflag:s26], $0x2800  }
0xe0: {  	[sflag:s26] =	ssyncset.done $0x0  }
0xe1: {  	[sflag:s26] =	ssyncadd.s32 $0xFFFFD800  }
0xe2: {  	_ =	swait.ge [sflag:s23], $0x2800  }
0xe3: {  	[sflag:s23] =	ssyncset.done $0x0  }
0xe4: {  	[sflag:s23] =	ssyncadd.s32 $0xFFFFD800  }
0xe5: {  	_ =	swait.ge [sflag:s23], $0x2800  }
0xe6: {  	[sflag:s23] =	ssyncset.done $0x0  }
0xe7: {  	[sflag:s23] =	ssyncadd.s32 $0xFFFFD800  }
0xe8: {  	[spmem:s1] =	stream.indirect.scatter.add.f32 [tilespmem:s24], [sflag:$0x2], $0x80, s0, s20, $0xb8;
	[tilespmem:$0x1C800] =	vst v63  }
0xe9: {  	_ = 	snop  }
0xea: {  	[spmem:s1] =	stream.indirect.scatter.add.f32 [tilespmem:s25], [sflag:$0x2], $0x80, s3, s20, $0xb8;
	[tilespmem:$0x1C800] =	vst v63  }
0xeb: {  	_ =	swait.ge [sflag:s26], $0x2800  }
0xec: {  	[sflag:s26] =	ssyncset.done $0x0  }
0xed: {  	[sflag:s26] =	ssyncadd.s32 $0xFFFFD800  }
0xee: {  	_ =	swait.ge [sflag:s26], $0x2800  }
0xef: {  	[sflag:s26] =	ssyncset.done $0x0  }
0xf0: {  	[sflag:s26] =	ssyncadd.s32 $0xFFFFD800  }
0xf1: {  	[tilespmem:s17], [sflag:$0x1] =	stream.indirect.gather [hbm4b:s4+s20], $0x80, s12, s20, $0xb8;
	[tilespmem:$0x1C800] =	vst v63  }
0xf2: {  	_ =	swait.ge [sflag:s23], $0x2800  }
0xf3: {  	[sflag:s23] =	ssyncset.done $0x0  }
0xf4: {  	[sflag:s23] =	ssyncadd.s32 $0xFFFFD800  }
0xf5: {  	[spmem:s1] =	stream.indirect.scatter.add.f32 [tilespmem:s17], [sflag:$0x2], $0x80, s21, s20, $0xb8;
	[tilespmem:$0x1C800] =	vst v63  }
0xf6: {  	_ =	swait.ge [sflag:s26], $0x2800  }
0xf7: {  	s28 =	simm.s32 $0x4020;
	s15 =	simm.s32 $0x20;
	[sflag:s26] =	ssyncset.done $0x0  }
0xf8: {  	s29 =	simm.s32 $0x0;
	s14 =	simm.s32 $0x0;
	[sflag:s26] =	ssyncadd.s32 $0xFFFFD800  }
.LBB2_10:
0xf9: {  	s16 =	smul.u32 $0x7D0, s29;
	_ =	sdelay $0x1  }
0xfa: {  	s16 =	sadd.s32 s16, s11  }
0xfb: {  	s16 =	sshrl.u32 s16, $0x3  }
0xfc: {  	s16 =	sadd.s32 s5, s16  }
0xfd: {  	[tilespmem:s19], [sflag:$0x3] =	stream.linear.gather [hbm4b:s16+s14], $0x7D0, $0x38;
	[tilespmem:$0x1C800] =	vst v63  }
0xfe: {  	_ =	swait.ge [sflag:s18], $0x7D0  }
0xff: {  	[sflag:s18] =	ssyncset.done $0x0  }
0x100: {  	s16 =	simm.s32 $0x8020;
	[sflag:s18] =	ssyncadd.s32 $0xFFFFF830  }
0x101: {  	v4 =	vld [tilespmem:s16+$0xFFFFFFE0];
	_ =	sdelay $0x2  }
0x102: {  	v3 =	vmov s15  }
0x103: {  	v2 =	vmov s28  }
0x104: {  	v5 =	vshrl.u32 v4, $0x10  }
0x105: {  	v6 =	vsub.s32 v5, v0;
	v5 =	vand.u32 $0x3F, v5  }
0x106: {  	s30 =	simm.s32 $0x0;
	v4 =	vand.u32 $0xFFFF, v4;
	vm0 =	vlt.u32 v6, $0x1388;
	v5 =	vadd.s32 $0x1388, v5  }
0x107: {  	[tilespmem:v3+s30+$0xFFFFFFE0 ss:$0x1] =	vst.idx.msk $0xffff, v4;
	v4 =	vsel vm0, v6, v5  }
0x108: {  	[tilespmem:v2+s30+$0xFFFFFFE0 ss:$0x1] =	vst.idx.msk $0xffff, v4  }
0x109: {  	v4 =	vld [tilespmem:s16+$0xFFFFFFF0];
	_ =	sdelay $0x4  }
0x10a: {  	v5 =	vshrl.u32 v4, $0x10  }
0x10b: {  	v6 =	vsub.s32 v5, v0;
	v5 =	vand.u32 $0x3F, v5  }
0x10c: {  	v4 =	vand.u32 $0xFFFF, v4;
	vm12 =	vlt.u32 v6, $0x1388;
	v5 =	vadd.s32 $0x1388, v5  }
0x10d: {  	[tilespmem:v3+s30+$0xFFFFFFF0 ss:$0x1] =	vst.idx.msk $0xffff, v4;
	v4 =	vsel vm12, v6, v5  }
0x10e: {  	[tilespmem:v2+s30+$0xFFFFFFF0 ss:$0x1] =	vst.idx.msk $0xffff, v4  }
0x10f: {  	v4 =	vld [tilespmem:s16+$0x0];
	_ =	sdelay $0x4  }
0x110: {  	v5 =	vshrl.u32 v4, $0x10  }
0x111: {  	v6 =	vsub.s32 v5, v0;
	v5 =	vand.u32 $0x3F, v5  }
0x112: {  	v4 =	vand.u32 $0xFFFF, v4;
	vm13 =	vlt.u32 v6, $0x1388;
	v5 =	vadd.s32 $0x1388, v5  }
0x113: {  	[tilespmem:v3+s30+$0x0 ss:$0x1] =	vst.idx.msk $0xffff, v4;
	v4 =	vsel vm13, v6, v5  }
0x114: {  	[tilespmem:v2+s30+$0x0 ss:$0x1] =	vst.idx.msk $0xffff, v4  }
0x115: {  	v4 =	vld [tilespmem:s16+$0x10];
	_ =	sdelay $0x4  }
0x116: {  	v5 =	vshrl.u32 v4, $0x10  }
0x117: {  	v6 =	vsub.s32 v5, v0;
	v5 =	vand.u32 $0x3F, v5  }
0x118: {  	v4 =	vand.u32 $0xFFFF, v4;
	vm14 =	vlt.u32 v6, $0x1388;
	v5 =	vadd.s32 $0x1388, v5  }
0x119: {  	[tilespmem:v3+s30+$0x10 ss:$0x1] =	vst.idx.msk $0xffff, v4;
	v4 =	vsel vm14, v6, v5  }
0x11a: {  	[tilespmem:v2+s30+$0x10 ss:$0x1] =	vst.idx.msk $0xffff, v4  }
0x11b: {  	v4 =	vld [tilespmem:s16+$0x20];
	_ =	sdelay $0x4  }
0x11c: {  	v5 =	vshrl.u32 v4, $0x10  }
0x11d: {  	v6 =	vsub.s32 v5, v0;
	v5 =	vand.u32 $0x3F, v5  }
0x11e: {  	v4 =	vand.u32 $0xFFFF, v4;
	vm15 =	vlt.u32 v6, $0x1388;
	v5 =	vadd.s32 $0x1388, v5  }
0x11f: {  	s31 =	simm.s32 $0x200;
	[tilespmem:v3+s30+$0x20 ss:$0x1] =	vst.idx.msk $0xffff, v4;
	v4 =	vsel vm15, v6, v5  }
.LBB2_11:
0x120: {  	p0 =	sne.s32 s31, $0x3000  }
0x121: {  	[tilespmem:v2+s30+$0x20 ss:$0x1] =	vst.idx.msk $0xffff, v4;
	s16 =	sadd.s32 $0x50, s16;
	s30 =	smov.u32 s31;
	s31 =	sadd.s32 $0x200, s31  }
0x122: {  	v4 =	vld [tilespmem:s16+$0xFFFFFFE0];
	_ =	sdelay $0x4  }
0x123: {  	v5 =	vshrl.u32 v4, $0x10;
	v4 =	vand.u32 $0xFFFF, v4  }
0x124: {  	v6 =	vsub.s32 v5, v0;
	v5 =	vand.u32 $0x3F, v5  }
0x125: {  	s30 =	sshra.s32 s30, $0x2;
	vm0 =	vlt.u32 v6, $0x1388;
	v5 =	vadd.s32 $0x1388, v5  }
0x126: {  	[tilespmem:v3+s30+$0xFFFFFFE0 ss:$0x1] =	vst.idx.msk $0xffff, v4;
	v4 =	vsel vm0, v6, v5  }
0x127: {  	[tilespmem:v2+s30+$0xFFFFFFE0 ss:$0x1] =	vst.idx.msk $0xffff, v4  }
0x128: {  	v4 =	vld [tilespmem:s16+$0xFFFFFFF0];
	_ =	sdelay $0x4  }
0x129: {  	v5 =	vshrl.u32 v4, $0x10;
	v4 =	vand.u32 $0xFFFF, v4  }
0x12a: {  	v6 =	vsub.s32 v5, v0;
	v5 =	vand.u32 $0x3F, v5  }
0x12b: {  	vm0 =	vlt.u32 v6, $0x1388;
	v5 =	vadd.s32 $0x1388, v5  }
0x12c: {  	[tilespmem:v3+s30+$0xFFFFFFF0 ss:$0x1] =	vst.idx.msk $0xffff, v4;
	v4 =	vsel vm0, v6, v5  }
0x12d: {  	[tilespmem:v2+s30+$0xFFFFFFF0 ss:$0x1] =	vst.idx.msk $0xffff, v4  }
0x12e: {  	v4 =	vld [tilespmem:s16+$0x0];
	_ =	sdelay $0x4  }
0x12f: {  	v5 =	vshrl.u32 v4, $0x10;
	v4 =	vand.u32 $0xFFFF, v4  }
0x130: {  	v6 =	vsub.s32 v5, v0;
	[tilespmem:v3+s30+$0x0 ss:$0x1] =	vst.idx.msk $0xffff, v4;
	v4 =	vand.u32 $0x3F, v5  }
0x131: {  	vm0 =	vlt.u32 v6, $0x1388;
	v4 =	vadd.s32 $0x1388, v4  }
0x132: {  	v4 =	vsel vm0, v6, v4  }
0x133: {  	[tilespmem:v2+s30+$0x0 ss:$0x1] =	vst.idx.msk $0xffff, v4  }
0x134: {  	v4 =	vld [tilespmem:s16+$0x10];
	_ =	sdelay $0x4  }
0x135: {  	v5 =	vshrl.u32 v4, $0x10;
	v4 =	vand.u32 $0xFFFF, v4  }
0x136: {  	v6 =	vsub.s32 v5, v0;
	[tilespmem:v3+s30+$0x10 ss:$0x1] =	vst.idx.msk $0xffff, v4;
	v4 =	vand.u32 $0x3F, v5  }
0x137: {  	vm0 =	vlt.u32 v6, $0x1388;
	v4 =	vadd.s32 $0x1388, v4  }
0x138: {  	v4 =	vsel vm0, v6, v4  }
0x139: {  	[tilespmem:v2+s30+$0x10 ss:$0x1] =	vst.idx.msk $0xffff, v4  }
0x13a: {  	v4 =	vld [tilespmem:s16+$0x20];
	_ =	sdelay $0x3  }
.Ltmp4:
0x13b: {  	(pc) =	sbr.rel @p0 .LBB2_11-.Ltmp4, $4  }
0x13c: {  	v5 =	vshrl.u32 v4, $0x10;
	v4 =	vand.u32 $0xFFFF, v4  }
0x13d: {  	v6 =	vsub.s32 v5, v0;
	[tilespmem:v3+s30+$0x20 ss:$0x1] =	vst.idx.msk $0xffff, v4;
	v4 =	vand.u32 $0x3F, v5  }
0x13e: {  	vm0 =	vlt.u32 v6, $0x1388;
	v4 =	vadd.s32 $0x1388, v4  }
0x13f: {  	v4 =	vsel vm0, v6, v4  }
0x140: {  	s29 =	sadd.s32 $0x1, s29  }
0x141: {  	p0 =	sne.s32 s29, $0x5  }
.Ltmp5:
0x142: {  	_ = 	snop;
	(pc) =	sbr.rel @p0 .LBB2_10-.Ltmp5, $2  }
0x143: {  	_ =	sdelay $0x2  }
0x144: {  	[tilespmem:v2+s30+$0x20 ss:$0x1] =	vst.idx.msk $0xffff, v4;
	s28 =	sadd.s32 $0xC80, s28;
	s15 =	sadd.s32 $0xC80, s15  }
0x145: {  	s14 =	simm.s32 $0x0  }
0x146: {  	[tilespmem:s17], [sflag:$0x1] =	stream.indirect.gather [hbm4b:s4+s20], $0x80, s14, s20, $0xb8;
	[tilespmem:$0x1C800] =	vst v63  }
0x147: {  	s29 =	simm.s32 $0x80  }
0x148: {  	[tilespmem:s22], [sflag:$0x1] =	stream.indirect.gather [hbm4b:s4+s20], $0x80, s29, s20, $0xb8;
	[tilespmem:$0x1C800] =	vst v63  }
0x149: {  	_ =	swait.ge [sflag:s23], $0x2800  }
0x14a: {  	[sflag:s23] =	ssyncset.done $0x0  }
0x14b: {  	[sflag:s23] =	ssyncadd.s32 $0xFFFFD800  }
0x14c: {  	_ =	swait.ge [sflag:s23], $0x2800  }
0x14d: {  	[sflag:s23] =	ssyncset.done $0x0  }
0x14e: {  	s30 =	simm.s32 $0x100;
	[sflag:s23] =	ssyncadd.s32 $0xFFFFD800  }
0x14f: {  	[tilespmem:s24], [sflag:$0x1] =	stream.indirect.gather [hbm4b:s4+s20], $0x80, s30, s20, $0xb8;
	[tilespmem:$0x1C800] =	vst v63  }
0x150: {  	s31 =	simm.s32 $0x180  }
0x151: {  	[tilespmem:s25], [sflag:$0x1] =	stream.indirect.gather [hbm4b:s4+s20], $0x80, s31, s20, $0xb8;
	[tilespmem:$0x1C800] =	vst v63  }
0x152: {  	s15 =	simm.s32 $0x4000  }
0x153: {  	[spmem:s1] =	stream.indirect.scatter.add.f32 [tilespmem:s17], [sflag:$0x2], $0x80, s15, s20, $0xb8;
	[tilespmem:$0x1C800] =	vst v63  }
0x154: {  	s16 =	simm.s32 $0x4080  }
0x155: {  	[spmem:s1] =	stream.indirect.scatter.add.f32 [tilespmem:s22], [sflag:$0x2], $0x80, s16, s20, $0xb8;
	[tilespmem:$0x1C800] =	vst v63  }
0x156: {  	_ =	swait.ge [sflag:s26], $0x2800  }
0x157: {  	[sflag:s26] =	ssyncset.done $0x0  }
0x158: {  	[sflag:s26] =	ssyncadd.s32 $0xFFFFD800  }
0x159: {  	_ =	swait.ge [sflag:s26], $0x2800  }
0x15a: {  	[sflag:s26] =	ssyncset.done $0x0  }
0x15b: {  	[sflag:s26] =	ssyncadd.s32 $0xFFFFD800  }
0x15c: {  	_ =	swait.ge [sflag:s23], $0x2800  }
0x15d: {  	[sflag:s23] =	ssyncset.done $0x0  }
0x15e: {  	[sflag:s23] =	ssyncadd.s32 $0xFFFFD800  }
0x15f: {  	_ =	swait.ge [sflag:s23], $0x2800  }
0x160: {  	[sflag:s23] =	ssyncset.done $0x0  }
0x161: {  	s28 =	simm.s32 $0x200;
	[sflag:s23] =	ssyncadd.s32 $0xFFFFD800  }
0x162: {  	[tilespmem:s17], [sflag:$0x1] =	stream.indirect.gather [hbm4b:s4+s20], $0x80, s28, s20, $0xb8;
	[tilespmem:$0x1C800] =	vst v63  }
0x163: {  	s29 =	simm.s32 $0x280  }
0x164: {  	[tilespmem:s22], [sflag:$0x1] =	stream.indirect.gather [hbm4b:s4+s20], $0x80, s29, s20, $0xb8;
	[tilespmem:$0x1C800] =	vst v63  }
0x165: {  	s30 =	simm.s32 $0x4100  }
0x166: {  	[spmem:s1] =	stream.indirect.scatter.add.f32 [tilespmem:s24], [sflag:$0x2], $0x80, s30, s20, $0xb8;
	[tilespmem:$0x1C800] =	vst v63  }
0x167: {  	s31 =	simm.s32 $0x4180  }
0x168: {  	[spmem:s1] =	stream.indirect.scatter.add.f32 [tilespmem:s25], [sflag:$0x2], $0x80, s31, s20, $0xb8;
	[tilespmem:$0x1C800] =	vst v63  }
0x169: {  	_ =	swait.ge [sflag:s26], $0x2800  }
0x16a: {  	[sflag:s26] =	ssyncset.done $0x0  }
0x16b: {  	[sflag:s26] =	ssyncadd.s32 $0xFFFFD800  }
0x16c: {  	_ =	swait.ge [sflag:s26], $0x2800  }
0x16d: {  	s14 =	simm.s32 $0x800;
	[sflag:s26] =	ssyncset.done $0x0  }
.LBB2_14:
0x16e: {  	p0 =	sne.s32 s14, $0xE800  }
0x16f: {  	[sflag:s26] =	ssyncadd.s32 $0xFFFFD800;
	s15 =	smov.u32 s14;
	s14 =	sadd.s32 $0x800, s14  }
0x170: {  	_ =	swait.ge [sflag:s23], $0x2800  }
0x171: {  	[sflag:s23] =	ssyncset.done $0x0  }
0x172: {  	[sflag:s23] =	ssyncadd.s32 $0xFFFFD800  }
0x173: {  	_ =	swait.ge [sflag:s23], $0x2800  }
0x174: {  	s15 =	sshra.s32 s15, $0x2;
	[sflag:s23] =	ssyncset.done $0x0  }
0x175: {  	s16 =	sadd.s32 $0x100, s15;
	[sflag:s23] =	ssyncadd.s32 $0xFFFFD800  }
0x176: {  	[tilespmem:s24], [sflag:$0x1] =	stream.indirect.gather [hbm4b:s4+s20], $0x80, s16, s20, $0xb8;
	[tilespmem:$0x1C800] =	vst v63  }
0x177: {  	s16 =	sadd.s32 $0x180, s15  }
0x178: {  	[tilespmem:s25], [sflag:$0x1] =	stream.indirect.gather [hbm4b:s4+s20], $0x80, s16, s20, $0xb8;
	[tilespmem:$0x1C800] =	vst v63  }
0x179: {  	s16 =	sadd.s32 $0x4000, s15  }
0x17a: {  	[spmem:s1] =	stream.indirect.scatter.add.f32 [tilespmem:s17], [sflag:$0x2], $0x80, s16, s20, $0xb8;
	[tilespmem:$0x1C800] =	vst v63  }
0x17b: {  	s16 =	sadd.s32 $0x4080, s15  }
0x17c: {  	[spmem:s1] =	stream.indirect.scatter.add.f32 [tilespmem:s22], [sflag:$0x2], $0x80, s16, s20, $0xb8;
	[tilespmem:$0x1C800] =	vst v63  }
0x17d: {  	_ =	swait.ge [sflag:s26], $0x2800  }
0x17e: {  	[sflag:s26] =	ssyncset.done $0x0  }
0x17f: {  	[sflag:s26] =	ssyncadd.s32 $0xFFFFD800  }
0x180: {  	_ =	swait.ge [sflag:s26], $0x2800  }
0x181: {  	[sflag:s26] =	ssyncset.done $0x0  }
0x182: {  	[sflag:s26] =	ssyncadd.s32 $0xFFFFD800  }
0x183: {  	_ =	swait.ge [sflag:s23], $0x2800  }
0x184: {  	[sflag:s23] =	ssyncset.done $0x0  }
0x185: {  	[sflag:s23] =	ssyncadd.s32 $0xFFFFD800  }
0x186: {  	_ =	swait.ge [sflag:s23], $0x2800  }
0x187: {  	[sflag:s23] =	ssyncset.done $0x0  }
0x188: {  	s16 =	sadd.s32 $0x200, s15;
	[sflag:s23] =	ssyncadd.s32 $0xFFFFD800  }
0x189: {  	[tilespmem:s17], [sflag:$0x1] =	stream.indirect.gather [hbm4b:s4+s20], $0x80, s16, s20, $0xb8;
	[tilespmem:$0x1C800] =	vst v63  }
0x18a: {  	s16 =	sadd.s32 $0x280, s15  }
0x18b: {  	[tilespmem:s22], [sflag:$0x1] =	stream.indirect.gather [hbm4b:s4+s20], $0x80, s16, s20, $0xb8;
	[tilespmem:$0x1C800] =	vst v63  }
0x18c: {  	s16 =	sadd.s32 $0x4100, s15  }
0x18d: {  	[spmem:s1] =	stream.indirect.scatter.add.f32 [tilespmem:s24], [sflag:$0x2], $0x80, s16, s20, $0xb8;
	[tilespmem:$0x1C800] =	vst v63  }
0x18e: {  	s15 =	sadd.s32 $0x4180, s15  }
0x18f: {  	[spmem:s1] =	stream.indirect.scatter.add.f32 [tilespmem:s25], [sflag:$0x2], $0x80, s15, s20, $0xb8;
	[tilespmem:$0x1C800] =	vst v63  }
.Ltmp6:
0x190: {  	_ =	swait.ge [sflag:s26], $0x2800;
	(pc) =	sbr.rel @p0 .LBB2_14-.Ltmp6, $4  }
0x191: {  	[sflag:s26] =	ssyncset.done $0x0  }
0x192: {  	[sflag:s26] =	ssyncadd.s32 $0xFFFFD800  }
0x193: {  	_ =	swait.ge [sflag:s26], $0x2800  }
0x194: {  	[sflag:s26] =	ssyncset.done $0x0  }
0x195: {  	[sflag:s26] =	ssyncadd.s32 $0xFFFFD800  }
0x196: {  	_ =	swait.ge [sflag:s23], $0x2800  }
0x197: {  	[sflag:s23] =	ssyncset.done $0x0  }
0x198: {  	[sflag:s23] =	ssyncadd.s32 $0xFFFFD800  }
0x199: {  	_ =	swait.ge [sflag:s23], $0x2800  }
0x19a: {  	[sflag:s23] =	ssyncset.done $0x0  }
0x19b: {  	s14 =	simm.s32 $0x3D00;
	[sflag:s23] =	ssyncadd.s32 $0xFFFFD800  }
0x19c: {  	[tilespmem:s24], [sflag:$0x1] =	stream.indirect.gather [hbm4b:s4+s20], $0x80, s14, s20, $0xb8;
	[tilespmem:$0x1C800] =	vst v63  }
0x19d: {  	s30 =	simm.s32 $0x3D80  }
0x19e: {  	[tilespmem:s25], [sflag:$0x1] =	stream.indirect.gather [hbm4b:s4+s20], $0x80, s30, s20, $0xb8;
	[tilespmem:$0x1C800] =	vst v63  }
0x19f: {  	s31 =	simm.s32 $0x7C00  }
0x1a0: {  	[spmem:s1] =	stream.indirect.scatter.add.f32 [tilespmem:s17], [sflag:$0x2], $0x80, s31, s20, $0xb8;
	[tilespmem:$0x1C800] =	vst v63  }
0x1a1: {  	s15 =	simm.s32 $0x7C80  }
0x1a2: {  	[spmem:s1] =	stream.indirect.scatter.add.f32 [tilespmem:s22], [sflag:$0x2], $0x80, s15, s20, $0xb8;
	[tilespmem:$0x1C800] =	vst v63  }
0x1a3: {  	_ =	swait.ge [sflag:s26], $0x2800  }
0x1a4: {  	[sflag:s26] =	ssyncset.done $0x0  }
0x1a5: {  	[sflag:s26] =	ssyncadd.s32 $0xFFFFD800  }
0x1a6: {  	_ =	swait.ge [sflag:s26], $0x2800  }
0x1a7: {  	[sflag:s26] =	ssyncset.done $0x0  }
0x1a8: {  	[sflag:s26] =	ssyncadd.s32 $0xFFFFD800  }
0x1a9: {  	_ =	swait.ge [sflag:s23], $0x2800  }
0x1aa: {  	[sflag:s23] =	ssyncset.done $0x0  }
0x1ab: {  	[sflag:s23] =	ssyncadd.s32 $0xFFFFD800  }
0x1ac: {  	_ =	swait.ge [sflag:s23], $0x2800  }
0x1ad: {  	[sflag:s23] =	ssyncset.done $0x0  }
0x1ae: {  	[sflag:s23] =	ssyncadd.s32 $0xFFFFD800  }
0x1af: {  	[spmem:s1] =	stream.indirect.scatter.add.f32 [tilespmem:s24], [sflag:$0x2], $0x80, s0, s20, $0xb8;
	[tilespmem:$0x1C800] =	vst v63  }
0x1b0: {  	_ = 	snop  }
0x1b1: {  	[spmem:s1] =	stream.indirect.scatter.add.f32 [tilespmem:s25], [sflag:$0x2], $0x80, s3, s20, $0xb8;
	[tilespmem:$0x1C800] =	vst v63  }
0x1b2: {  	_ =	swait.ge [sflag:s26], $0x2800  }
0x1b3: {  	[sflag:s26] =	ssyncset.done $0x0  }
0x1b4: {  	[sflag:s26] =	ssyncadd.s32 $0xFFFFD800  }
0x1b5: {  	_ =	swait.ge [sflag:s26], $0x2800  }
0x1b6: {  	[sflag:s26] =	ssyncset.done $0x0  }
0x1b7: {  	[sflag:s26] =	ssyncadd.s32 $0xFFFFD800  }
0x1b8: {  	[tilespmem:s17], [sflag:$0x1] =	stream.indirect.gather [hbm4b:s4+s20], $0x80, s12, s20, $0xb8;
	[tilespmem:$0x1C800] =	vst v63  }
0x1b9: {  	_ =	swait.ge [sflag:s23], $0x2800  }
0x1ba: {  	[sflag:s23] =	ssyncset.done $0x0  }
0x1bb: {  	[sflag:s23] =	ssyncadd.s32 $0xFFFFD800  }
0x1bc: {  	[spmem:s1] =	stream.indirect.scatter.add.f32 [tilespmem:s17], [sflag:$0x2], $0x80, s21, s20, $0xb8;
	[tilespmem:$0x1C800] =	vst v63  }
0x1bd: {  	_ =	swait.ge [sflag:s26], $0x2800  }
0x1be: {  	[sflag:s26] =	ssyncset.done $0x0  }
0x1bf: {  	[sflag:s26] =	ssyncadd.s32 $0xFFFFD800  }
0x1c0: {  	[bflag:$0x0] =	sbarrier.arrive $0xFFFF  }
0x1c1: {  	[tilespmem:s17], [sflag:$0x3] =	stream.linear.gather [spmem:s6], $0x2800, $0x38;
	[tilespmem:$0x1C800] =	vst v63  }
0x1c2: {  	_ =	swait.ge [sflag:s18], $0x2800  }
0x1c3: {  	[sflag:s18] =	ssyncset.done $0x0  }
0x1c4: {  	s16 =	rddreg [dreg:$0x3];
	[sflag:s18] =	ssyncadd.s32 $0xFFFFD800  }
0x1c5: {  	[hbm4b:s16+s2] =	stream.linear.scatter [tilespmem:s17], [sflag:$0x3], $0x2800, $0x38;
	[tilespmem:$0x1C800] =	vst v63  }
0x1c6: {  	_ =	swait.ge [sflag:s18], $0x2800  }
0x1c7: {  	[sflag:s18] =	ssyncset.done $0x0  }
0x1c8: {  	[sflag:s18] =	ssyncadd.s32 $0xFFFFD800  }
0x1c9: {  	[tilespmem:s17], [sflag:$0x3] =	stream.linear.gather [spmem:s7], $0x2800, $0x38;
	[tilespmem:$0x1C800] =	vst v63  }
0x1ca: {  	_ =	swait.ge [sflag:s18], $0x2800  }
0x1cb: {  	[sflag:s18] =	ssyncset.done $0x0  }
0x1cc: {  	s28 =	rddreg [dreg:$0x4];
	[sflag:s18] =	ssyncadd.s32 $0xFFFFD800  }
0x1cd: {  	[hbm4b:s28+s2] =	stream.linear.scatter [tilespmem:s17], [sflag:$0x3], $0x2800, $0x38;
	[tilespmem:$0x1C800] =	vst v63  }
0x1ce: {  	_ =	swait.ge [sflag:s18], $0x2800  }
0x1cf: {  	[sflag:s18] =	ssyncset.done $0x0  }
0x1d0: {  	[sflag:s18] =	ssyncadd.s32 $0xFFFFD800  }
0x1d1: {  	[tilespmem:s17], [sflag:$0x3] =	stream.linear.gather [spmem:s9], $0x2800, $0x38;
	[tilespmem:$0x1C800] =	vst v63  }
0x1d2: {  	_ =	swait.ge [sflag:s18], $0x2800  }
0x1d3: {  	[sflag:s18] =	ssyncset.done $0x0  }
0x1d4: {  	s29 =	rddreg [dreg:$0x5];
	[sflag:s18] =	ssyncadd.s32 $0xFFFFD800  }
0x1d5: {  	[hbm4b:s29+s2] =	stream.linear.scatter [tilespmem:s17], [sflag:$0x3], $0x2800, $0x38;
	[tilespmem:$0x1C800] =	vst v63  }
0x1d6: {  	_ =	swait.ge [sflag:s18], $0x2800  }
0x1d7: {  	[sflag:s18] =	ssyncset.done $0x0  }
0x1d8: {  	[sflag:s18] =	ssyncadd.s32 $0xFFFFD800  }
0x1d9: {  	[tilespmem:s17], [sflag:$0x3] =	stream.linear.gather [spmem:s10], $0x2800, $0x38;
	[tilespmem:$0x1C800] =	vst v63  }
0x1da: {  	_ =	swait.ge [sflag:s18], $0x2800  }
0x1db: {  	[sflag:s18] =	ssyncset.done $0x0  }
0x1dc: {  	s30 =	rddreg [dreg:$0x6];
	[sflag:s18] =	ssyncadd.s32 $0xFFFFD800  }
0x1dd: {  	[hbm4b:s30+s2] =	stream.linear.scatter [tilespmem:s17], [sflag:$0x3], $0x2800, $0x38;
	[tilespmem:$0x1C800] =	vst v63  }
0x1de: {  	_ =	swait.ge [sflag:s18], $0x2800  }
0x1df: {  	s13 =	sadd.s32 $0x1, s13;
	s31 =	rddreg [dreg:$0x7]  }
0x1e0: {  	p0 =	sne.s32 s13, s31  }
.Ltmp7:
0x1e1: {  	_ = 	snop;
	(pc) =	sbr.rel @p0 .LBB2_1-.Ltmp7, $3  }
0x1e2: {  	_ =	sdelay $0x1  }
0x1e3: {  	[sflag:s18] =	ssyncset.done $0x0  }
0x1e4: {  	[sflag:s18] =	ssyncadd.s32 $0xFFFFD800  }
0x1e5: {  	_ =	sfence.sel $0x180000  }
0x1e6: {  	[bflag:$0x0] =	sbarrier.arrive $0xFFFF  }
0x1e7: {  	_ =	strace $0x9000004D  }
0x1e8: {  	s0 =	stileid.u32;
	[bflag:$0x2] =	sbarrier.arrive $0xFFFF  }
0x1e9: {  	p0 =	sne.s32 s0, $0x0;
	s0 =	rddreg [dreg:$0x2]  }
0x1ea: {  	s0 =	sadd.s32 @!p0 $0x100000, s0  }
0x1eb: {  	[sflag:s0] =	ssyncadd.tile.s32 @!p0 $0x1;
	_ =	shalt  }
.Lfunc_end2:
_tile_overlayer_lowered:
.L_overlay_start_2:
0x1ec: {  	(tag) =	ssettag $0x2  }
0x1ed: {  	s0 =	rddreg [dreg:$0x0];
	s2 =	stileid.u32  }
0x1ee: {  	s1 =	rddreg [dreg:$0x1];
	p0 =	sne.s32 s2, $0x0  }
0x1ef: {  	s3 =	rddreg [dreg:$0x2];
	[bflag:$0x3] =	sbarrier.arrive $0xFFFF;
	s2 =	simm.s32 @!p0 $0x1C03  }
0x1f0: {  	[timem:s3], [sflag:s2] =	dma.local @!p0 [hbm:s0], s1  }
0x1f1: {  	s0 =	simm.s32 @!p0 $0x3  }
0x1f2: {  	_ =	swait.ge @!p0 [sflag:s0], s1  }
0x1f3: {  	s1 =	ssub.s32 @!p0 $0x0, s1;
	[sflag:s0] =	ssyncset.done @!p0 $0x0  }
0x1f4: {  	[sflag:s0] =	ssyncadd.s32 @!p0 s1  }
0x1f5: {  	[bflag:$0x3] =	sbarrier.arrive $0xFFFF  }
0x1f6: {  	_ =	shalt  }

</sc_bundles>
